<compile_context>
chip_gen: v7x
topology: tpu7x:2x2x1
jax: 0.10.2.dev20260603
libtpu: 0.0.44.dev20260713+nightly
codegen_flags: <defaults>
</compile_context>

<pallas_src>
import functools

import jax
import jax.numpy as jnp
from jax import lax
from jax.experimental import pallas as pl
from jax.experimental.pallas import tpu as pltpu, tpu_sc as plsc

N = 10000
E = 320000
D = 128
NPAD = 10240
NTILES = 16
EPT = E // NTILES
CE = 2000
NEC = EPT // CE
CW = 80
LANES = 16
ROWS_PER_TILE = NPAD // NTILES


def _vperm(x, idx):
  dnums = lax.GatherDimensionNumbers(
      offset_dims=(), collapsed_slice_dims=(0,), start_index_map=(0,))
  return lax.gather(x, idx[:, None], dnums, slice_sizes=(1,),
                    mode=lax.GatherScatterMode.PROMISE_IN_BOUNDS)


def _leaky02(z):
  return jnp.where(z >= 0, z, 0.2 * z)


def _seg_scan_last(dst16, val16, combine):
  dS, xS = plsc.sort_key_val(dst16, val16)
  idx = lax.iota(jnp.int32, 16)
  for k in (1, 2, 4, 8):
    pidx = jnp.maximum(idx - k, 0)
    pd = _vperm(dS, pidx)
    px = _vperm(xS, pidx)
    cond = (idx >= k) & (pd == dS)
    xS = jnp.where(cond, combine(xS, px), xS)
  nd = _vperm(dS, jnp.minimum(idx + 1, 15))
  last = (nd != dS) | (idx == 15)
  return dS, xS, last



def _proj_body(xsrc_ref, xdst_ref, w_ref, al_ref, ar_ref,
               hs_ref, el_ref, er_ref):
  xs = xsrc_ref[0]
  xd = xdst_ref[0]
  w = w_ref[0]
  hs = lax.dot_general(xs, w, (((1,), (0,)), ((), ())),
                       precision=lax.Precision.HIGHEST,
                       preferred_element_type=jnp.float32)
  hd = lax.dot_general(xd, w, (((1,), (0,)), ((), ())),
                       precision=lax.Precision.HIGHEST,
                       preferred_element_type=jnp.float32)
  hs_ref[0] = hs
  el_ref[0] = jnp.sum(hs * al_ref[0, 0], axis=-1, keepdims=True)
  er_ref[0] = jnp.sum(hd * ar_ref[0, 0], axis=-1, keepdims=True)


def _projections(xs, w_all, al_all, ar_all):
  blk = 400
  grid = (4, N // blk)
  return pl.pallas_call(
      _proj_body,
      grid=grid,
      in_specs=[
          pl.BlockSpec((1, blk, D), lambda r, i: (r // 2, i, 0)),
          pl.BlockSpec((1, blk, D), lambda r, i: (1 - r // 2, i, 0)),
          pl.BlockSpec((1, D, D), lambda r, i: (r, 0, 0)),
          pl.BlockSpec((1, 1, D), lambda r, i: (r, 0, 0)),
          pl.BlockSpec((1, 1, D), lambda r, i: (r, 0, 0)),
      ],
      out_specs=[
          pl.BlockSpec((1, blk, D), lambda r, i: (r, i, 0)),
          pl.BlockSpec((1, blk, 1), lambda r, i: (r, i, 0)),
          pl.BlockSpec((1, blk, 1), lambda r, i: (r, i, 0)),
      ],
      out_shape=[
          jax.ShapeDtypeStruct((4, N, D), jnp.float32),
          jax.ShapeDtypeStruct((4, N, 1), jnp.float32),
          jax.ShapeDtypeStruct((4, N, 1), jnp.float32),
      ],
  )(xs, xs, w_all, al_all, ar_all)



def _sc_body(hs_hbm, el_hbm, er_hbm, src_hbm, dst_hbm, ew_hbm, out_hbm,
             el_v, er_v, priv_v, src_ch, dst_ch, ew_ch, rows_v,
             idx_c, dst_c, a_c, idx80, denm_sh, out_sh):
  c = lax.axis_index("c")
  s = lax.axis_index("s")


  for r in range(2):
    rel = c * 2 + r
    ebase = rel * E + s * EPT

    pltpu.sync_copy(el_hbm.at[pl.ds(rel * NPAD, NPAD)], el_v)
    pltpu.sync_copy(er_hbm.at[pl.ds(rel * NPAD, NPAD)], er_v)

    def _zero_priv(j, _):
      for k in range(128 // LANES):
        priv_v[j, pl.ds(k * LANES, LANES)] = jnp.zeros((16,), jnp.float32)
      return _
    lax.fori_loop(0, NPAD // 128, _zero_priv, None)

    @pl.when(s == 0)
    def _():
      pltpu.sync_copy(priv_v, denm_sh)

    def _zero_rows(j, _):
      for k in range(D // LANES):
        rows_v[j, pl.ds(k * LANES, LANES)] = jnp.zeros((16,), jnp.float32)
      return _
    lax.fori_loop(0, CW, _zero_rows, None)
    for q in range(ROWS_PER_TILE // CW):
      pltpu.sync_copy(rows_v, out_sh.at[pl.ds(s * ROWS_PER_TILE + q * CW, CW)])
    plsc.subcore_barrier()

    def _p1c(ch, _):
      pltpu.sync_copy(src_hbm.at[pl.ds(ebase + ch * CE, CE)], src_ch)
      pltpu.sync_copy(dst_hbm.at[pl.ds(ebase + ch * CE, CE)], dst_ch)
      def _p1(i, _):
        src16 = src_ch[pl.ds(i * 16, 16)]
        dst16 = dst_ch[pl.ds(i * 16, 16)]
        ex = jnp.exp(_leaky02(plsc.load_gather(el_v, [src16])
                              + plsc.load_gather(er_v, [dst16])))
        dS, xS, last = _seg_scan_last(dst16, ex, lambda a, b: a + b)
        rowS = lax.shift_right_logical(dS, 7)
        colS = lax.bitwise_and(dS, 127)
        cur = plsc.load_gather(priv_v, [rowS, colS])
        plsc.store_scatter(priv_v, [rowS, colS], cur + xS, mask=last)
        return _
      lax.fori_loop(0, CE // 16, _p1, None)
      return _
    lax.fori_loop(0, NEC, _p1c, None)

    for g in range(NPAD // 128 // 16):
      idx80[pl.ds(g * 16, 16)] = lax.iota(jnp.int32, 16) + g * 16
    pltpu.sync_copy(priv_v, denm_sh.at[idx80], add=True)
    plsc.subcore_barrier()
    pltpu.sync_copy(denm_sh, priv_v)

    def _p2c(ch, _):
      pltpu.sync_copy(src_hbm.at[pl.ds(ebase + ch * CE, CE)], src_ch)
      pltpu.sync_copy(dst_hbm.at[pl.ds(ebase + ch * CE, CE)], dst_ch)
      pltpu.sync_copy(ew_hbm.at[pl.ds(ebase + ch * CE, CE)], ew_ch)
      def _sub(q, _):
        for m in range(CW // 16):
          sl = pl.ds(q * CW + m * 16, 16)
          idx_c[pl.ds(m * 16, 16)] = src_ch[sl] + rel * N
          dst_c[pl.ds(m * 16, 16)] = dst_ch[sl]
        pltpu.sync_copy(hs_hbm.at[idx_c], rows_v)
        for m in range(CW // 16):
          sl = pl.ds(q * CW + m * 16, 16)
          src16 = src_ch[sl]
          dst16 = dst_ch[sl]
          ex = jnp.exp(_leaky02(plsc.load_gather(el_v, [src16])
                                + plsc.load_gather(er_v, [dst16])))
          den = plsc.load_gather(
              priv_v, [lax.shift_right_logical(dst16, 7),
                       lax.bitwise_and(dst16, 127)])
          ew16 = ew_ch[sl]
          a_c[pl.ds(m * 16, 16)] = ex / jnp.maximum(den, 1e-30) * ew16
        def _scale(g, _):
          a16 = a_c[pl.ds(g * 16, 16)]
          for jj in range(16):
            av = _vperm(a16, jnp.full((16,), jj, jnp.int32))
            row = g * 16 + jj
            for k in range(D // LANES):
              cs = pl.ds(k * LANES, LANES)
              rows_v[row, cs] = rows_v[row, cs] * av
          return _
        lax.fori_loop(0, CW // 16, _scale, None)
        pltpu.sync_copy(rows_v, out_sh.at[dst_c], add=True)
        return _
      lax.fori_loop(0, CE // CW, _sub, None)
      return _
    lax.fori_loop(0, NEC, _p2c, None)

    plsc.subcore_barrier()
    pltpu.sync_copy(
        out_sh.at[pl.ds(s * ROWS_PER_TILE, ROWS_PER_TILE)],
        out_hbm.at[pl.ds(rel * NPAD + s * ROWS_PER_TILE, ROWS_PER_TILE)])
    plsc.subcore_barrier()


def _sc_messages(hs_flat, el_pad, er_pad, src_all, dst_all, ew_all):
  mesh = plsc.VectorSubcoreMesh(
      core_axis_name="c", subcore_axis_name="s", num_cores=2,
      num_subcores=NTILES)
  f32 = jnp.float32
  run = pl.kernel(
      _sc_body,
      out_type=jax.ShapeDtypeStruct((4 * NPAD, D), f32),
      mesh=mesh,
      compiler_params=pltpu.CompilerParams(needs_layout_passes=False),
      scratch_types=[
          pltpu.VMEM((NPAD,), f32),
          pltpu.VMEM((NPAD,), f32),
          pltpu.VMEM((NPAD // 128, 128), f32),
          pltpu.VMEM((CE,), jnp.int32),
          pltpu.VMEM((CE,), jnp.int32),
          pltpu.VMEM((CE,), f32),
          pltpu.VMEM((CW, D), f32),
          pltpu.VMEM((CW,), jnp.int32),
          pltpu.VMEM((CW,), jnp.int32),
          pltpu.VMEM((CW,), f32),
          pltpu.VMEM((NPAD // 128,), jnp.int32),
          pltpu.VMEM_SHARED((NPAD // 128, 128), f32),
          pltpu.VMEM_SHARED((NPAD, D), f32),
      ],
  )
  return run(hs_flat, el_pad, er_pad, src_all, dst_all, ew_all)



def _fuse_body(m1_ref, m2_ref, b1_ref, b2_ref, x_ref, wbi_ref, bbi_ref,
               wsi_ref, bsi_ref, resw_ref, g_ref, beta_ref, out_ref):
  m1 = m1_ref[0] + b1_ref[0, 0]
  m2 = m2_ref[0] + b2_ref[0, 0]
  ssum = m1 + m2
  fm = m1 * m2
  z1 = lax.dot_general(fm, wbi_ref[0], (((1,), (0,)), ((), ())),
                       precision=lax.Precision.HIGHEST,
                       preferred_element_type=jnp.float32) + bbi_ref[0, 0]
  z2 = lax.dot_general(ssum, wsi_ref[0], (((1,), (0,)), ((), ())),
                       precision=lax.Precision.HIGHEST,
                       preferred_element_type=jnp.float32) + bsi_ref[0, 0]
  nfm = jnp.where(z1 >= 0, z1, 0.01 * z1) + jnp.where(z2 >= 0, z2, 0.01 * z2)
  alpha = 1.0 / (1.0 + jnp.exp(-resw_ref[0, 0, 0]))
  h = nfm + x_ref[0] * alpha
  mu = jnp.mean(h, axis=-1, keepdims=True)
  var = jnp.mean((h - mu) ** 2, axis=-1, keepdims=True)
  hn = (h - mu) * lax.rsqrt(var + 1e-5)
  out_ref[0] = hn * g_ref[0, 0] + beta_ref[0, 0]


def _fusion(msg, b_all, xs, wbi, bbi, wsi, bsi, resw, g, beta):
  blk = 400
  grid = (2, N // blk)
  specs3 = lambda f: pl.BlockSpec((1, blk, D), f)
  row = lambda f: pl.BlockSpec((1, 1, D), f)
  return pl.pallas_call(
      _fuse_body,
      grid=grid,
      in_specs=[
          specs3(lambda t, i: (2 - 2 * t, i, 0)),
          specs3(lambda t, i: (3 - 2 * t, i, 0)),
          row(lambda t, i: (2 - 2 * t, 0, 0)),
          row(lambda t, i: (3 - 2 * t, 0, 0)),
          specs3(lambda t, i: (t, i, 0)),
          pl.BlockSpec((1, D, D), lambda t, i: (t, 0, 0)),
          row(lambda t, i: (t, 0, 0)),
          pl.BlockSpec((1, D, D), lambda t, i: (t, 0, 0)),
          row(lambda t, i: (t, 0, 0)),
          pl.BlockSpec((1, 1, 1), lambda t, i: (t, 0, 0)),
          row(lambda t, i: (t, 0, 0)),
          row(lambda t, i: (t, 0, 0)),
      ],
      out_specs=pl.BlockSpec((1, blk, D), lambda t, i: (t, i, 0)),
      out_shape=jax.ShapeDtypeStruct((2, N, D), jnp.float32),
  )(msg, msg, b_all, b_all, xs, wbi, bbi, wsi, bsi, resw, g, beta)


def kernel(x_user, x_item, edge_rates, w_rates, W_rates, al_rates, ar_rates, b_rates, edge_clicks, w_clicks, W_clicks, al_clicks, ar_clicks, b_clicks, edge_rated_by, w_rated_by, W_rated_by, al_rated_by, ar_rated_by, b_rated_by, edge_clicked_by, w_clicked_by, W_clicked_by, al_clicked_by, ar_clicked_by, b_clicked_by, Wbi_user, bbi_user, Wsi_user, bsi_user, resw_user, g_user, beta_user, Wbi_item, bbi_item, Wsi_item, bsi_item, resw_item, g_item, beta_item):
  xs = jnp.stack([x_user, x_item])
  w_all = jnp.stack([W_rates, W_clicks, W_rated_by, W_clicked_by])
  al_all = jnp.stack([al_rates, al_clicks, al_rated_by, al_clicked_by])[:, None, :]
  ar_all = jnp.stack([ar_rates, ar_clicks, ar_rated_by, ar_clicked_by])[:, None, :]
  b_all = jnp.stack([b_rates, b_clicks, b_rated_by, b_clicked_by])[:, None, :]

  hs, el, er = _projections(xs, w_all, al_all, ar_all)

  src_all = jnp.stack([edge_rates[0], edge_clicks[0],
                       edge_rated_by[0], edge_clicked_by[0]])
  dst_all = jnp.stack([edge_rates[1], edge_clicks[1],
                       edge_rated_by[1], edge_clicked_by[1]])
  ew_all = jnp.stack([w_rates, w_clicks, w_rated_by, w_clicked_by])

  pad = ((0, 0), (0, NPAD - N))
  el_pad = jnp.pad(el.reshape(4, N), pad).reshape(-1)
  er_pad = jnp.pad(er.reshape(4, N), pad).reshape(-1)
  hs_flat = hs.reshape(4 * N, D)

  msg = _sc_messages(hs_flat, el_pad, er_pad, src_all.reshape(-1),
                     dst_all.reshape(-1), ew_all.reshape(-1))
  msg = msg.reshape(4, NPAD, D)[:, :N]

  wbi = jnp.stack([Wbi_user, Wbi_item])
  bbi = jnp.stack([bbi_user, bbi_item])[:, None, :]
  wsi = jnp.stack([Wsi_user, Wsi_item])
  bsi = jnp.stack([bsi_user, bsi_item])[:, None, :]
  resw = jnp.stack([resw_user, resw_item])[:, :, None]
  g = jnp.stack([g_user, g_item])[:, None, :]
  beta = jnp.stack([beta_user, beta_item])[:, None, :]

  return _fusion(msg, b_all, xs, wbi, bbi, wsi, bsi, resw, g, beta)

# --- scband reference (transcript-rebuilt; emitter-appended) ---
"""Pipeline reference for scband-hgnnlayer-7997229105162 (READ-ONLY COPY).

The authoritative reference and input builder live on the scoring server;
editing this copy changes nothing except your own understanding.
"""

import jax, jax.numpy as jnp
import numpy as np

N = 10000
E = 320000
D = 128
ETYPES = [("user", "rates", "item"), ("user", "clicks", "item"), ("item", "rated_by", "user"), ("item", "clicked_by", "user")]
NTYPES = ("user", "item")
FLOAT_NAMES = (["x_user", "x_item"]
               + [f"{p}_{e}" for (_, e, _) in ETYPES for p in ("w", "W", "al", "ar", "b")]
               + [f"{p}_{nt}" for nt in NTYPES for p in ("Wbi", "bbi", "Wsi", "bsi", "resw", "g", "beta")])


def setup_inputs(seed: int = 0):
    key = jax.random.key(seed)
    k = [0]
    def nk():
        k[0] += 1
        return jax.random.fold_in(key, k[0])
    inp = {}
    inp["x_user"] = jax.random.normal(nk(), (N, D), dtype=jnp.float32)
    inp["x_item"] = jax.random.normal(nk(), (N, D), dtype=jnp.float32)
    for (_, e, _) in ETYPES:
        inp[f"edge_{e}"] = jax.random.randint(nk(), (2, E), 0, N, dtype=jnp.int32)
        inp[f"w_{e}"] = jax.random.uniform(nk(), (E,), dtype=jnp.float32)
        inp[f"W_{e}"] = jax.random.normal(nk(), (D, D), dtype=jnp.float32) * (1.0 / np.sqrt(D))
        inp[f"al_{e}"] = jax.random.normal(nk(), (D,), dtype=jnp.float32) * 0.1
        inp[f"ar_{e}"] = jax.random.normal(nk(), (D,), dtype=jnp.float32) * 0.1
        inp[f"b_{e}"] = jnp.zeros((D,), dtype=jnp.float32)
    for nt in NTYPES:
        inp[f"Wbi_{nt}"] = jax.random.normal(nk(), (D, D), dtype=jnp.float32) * (1.0 / np.sqrt(D))
        inp[f"bbi_{nt}"] = jnp.zeros((D,), dtype=jnp.float32)
        inp[f"Wsi_{nt}"] = jax.random.normal(nk(), (D, D), dtype=jnp.float32) * (1.0 / np.sqrt(D))
        inp[f"bsi_{nt}"] = jnp.zeros((D,), dtype=jnp.float32)
        inp[f"resw_{nt}"] = jax.random.normal(nk(), (1,), dtype=jnp.float32)
        inp[f"g_{nt}"] = jnp.ones((D,), dtype=jnp.float32)
        inp[f"beta_{nt}"] = jnp.zeros((D,), dtype=jnp.float32)
    return inp


def _gat(x_src, x_dst, src, dst, ew, W, al, ar, b, n_dst):
    # DGL GATConv, single head, eval mode (no dropout), allow_zero_in_degree=True
    hs = x_src @ W
    hd = x_dst @ W
    el = (hs * al).sum(-1)
    er = (hd * ar).sum(-1)
    e = jax.nn.leaky_relu(el[src] + er[dst], negative_slope=0.2)
    emax = jax.ops.segment_max(e, dst, num_segments=n_dst)
    emax = jax.lax.stop_gradient(jnp.where(jnp.isfinite(emax), emax, 0.0))
    ex = jnp.exp(e - emax[dst])
    den = jax.ops.segment_sum(ex, dst, num_segments=n_dst)
    a = ex / jnp.maximum(den[dst], 1e-9)
    a = a * ew  # edge weight applied to softmaxed attention
    out = jax.ops.segment_sum(a[:, None] * hs[src], dst, num_segments=n_dst)
    return out + b


def _forward(p, edges):
    x = {"user": p["x_user"], "item": p["x_item"]}
    intra = {}
    for (s, e, d) in ETYPES:
        ei = edges[e]
        intra[(s, e, d)] = _gat(x[s], x[d], ei[0], ei[1], p[f"w_{e}"], p[f"W_{e}"], p[f"al_{e}"], p[f"ar_{e}"], p[f"b_{e}"], N)
    outs = []
    for nt in NTYPES:
        feats = jnp.stack([intra[k3] for k3 in intra if k3[2] == nt], axis=1)  # [N, n_rel, D]
        ssum = feats.sum(axis=1)
        deep_fm = 0.5 * (ssum ** 2 - (feats ** 2).sum(axis=1))
        nfm = (jax.nn.leaky_relu(deep_fm @ p[f"Wbi_{nt}"] + p[f"bbi_{nt}"], negative_slope=0.01)
               + jax.nn.leaky_relu(ssum @ p[f"Wsi_{nt}"] + p[f"bsi_{nt}"], negative_slope=0.01))
        alpha = jax.nn.sigmoid(p[f"resw_{nt}"])[0]
        h = nfm + x[nt] * alpha
        mu = h.mean(axis=-1, keepdims=True)
        var = ((h - mu) ** 2).mean(axis=-1, keepdims=True)
        h = (h - mu) / jnp.sqrt(var + 1e-5) * p[f"g_{nt}"] + p[f"beta_{nt}"]
        outs.append(h)
    return jnp.stack(outs, axis=0)  # [2, N, D]: (user, item)


def reference(x_user, x_item,
              edge_rates, w_rates, W_rates, al_rates, ar_rates, b_rates,
              edge_clicks, w_clicks, W_clicks, al_clicks, ar_clicks, b_clicks,
              edge_rated_by, w_rated_by, W_rated_by, al_rated_by, ar_rated_by, b_rated_by,
              edge_clicked_by, w_clicked_by, W_clicked_by, al_clicked_by, ar_clicked_by, b_clicked_by,
              Wbi_user, bbi_user, Wsi_user, bsi_user, resw_user, g_user, beta_user,
              Wbi_item, bbi_item, Wsi_item, bsi_item, resw_item, g_item, beta_item):
    kw = dict(locals())
    edges = {e: kw[f"edge_{e}"] for (_, e, _) in ETYPES}
    return _forward(kw, edges)

if __name__ == "__main__":
    import jax
    _d = setup_inputs()
    print(jax.jit(kernel)(*tuple(_d.values())))

</pallas_src>

<mosaic_0001>
#map = affine_map<(d0, d1) -> (0, 0)>
#map1 = affine_map<(d0, d1) -> (0)>
module attributes {stable_mosaic.version = 14 : i64} {
  func.func @_sc_body(%arg0: i32, %arg1: i32, %arg2: memref<40000x128xf32, #tpu.memory_space<hbm>>, %arg3: memref<40960xf32, #tpu.memory_space<hbm>>, %arg4: memref<40960xf32, #tpu.memory_space<hbm>>, %arg5: memref<1280000xi32, #tpu.memory_space<hbm>>, %arg6: memref<1280000xi32, #tpu.memory_space<hbm>>, %arg7: memref<1280000xf32, #tpu.memory_space<hbm>>, %arg8: memref<40960x128xf32, #tpu.memory_space<hbm>>, %arg9: memref<10240xf32, #tpu.memory_space<vmem>>, %arg10: memref<10240xf32, #tpu.memory_space<vmem>>, %arg11: memref<80x128xf32, #tpu.memory_space<vmem>>, %arg12: memref<2000xi32, #tpu.memory_space<vmem>>, %arg13: memref<2000xi32, #tpu.memory_space<vmem>>, %arg14: memref<2000xf32, #tpu.memory_space<vmem>>, %arg15: memref<80x128xf32, #tpu.memory_space<vmem>>, %arg16: memref<80xi32, #tpu.memory_space<vmem>>, %arg17: memref<80xi32, #tpu.memory_space<vmem>>, %arg18: memref<80xf32, #tpu.memory_space<vmem>>, %arg19: memref<80xi32, #tpu.memory_space<vmem>>, %arg20: memref<80x128xf32, #tpu.memory_space<vmem_shared>>, %arg21: memref<10240x128xf32, #tpu.memory_space<vmem_shared>>) attributes {dimension_semantics = [#tpu.dimension_semantics<core_parallel>, #tpu.dimension_semantics<subcore_parallel>], iteration_bounds = array<i64: 2, 16>, scalar_prefetch = 0 : i64, scratch_operands = 13 : i64, tpu.core_type = #tpu.core_type<sc_vector_subcore>, window_params = [{transform_indices = #map}, {transform_indices = #map1}, {transform_indices = #map1}, {transform_indices = #map1}, {transform_indices = #map1}, {transform_indices = #map1}, {transform_indices = #map}]} {
    %mul3A = arith.constant 2 : i32
    %mul3A_0 = arith.muli %arg0, %mul3A : i32
    %add3A = arith.constant 0 : i32
    %add3A_1 = arith.addi %mul3A_0, %add3A : i32
    %mul3A_2 = arith.constant 320000 : i32
    %mul3A_3 = arith.muli %add3A_1, %mul3A_2 : i32
    %mul3A_4 = arith.constant 20000 : i32
    %mul3A_5 = arith.muli %arg1, %mul3A_4 : i32
    %add3A_6 = arith.addi %mul3A_3, %mul3A_5 : i32
    %mul3A_7 = arith.constant 10240 : i32
    %mul3A_8 = arith.muli %add3A_1, %mul3A_7 : i32
    "tpu.region"() ({
      %run_scoped3A = tpu.sem_alloc : memref<!tpu.dma_semaphore, #tpu.memory_space<semaphore_mem>>
      %dma_start3A = tpu.memref_slice %arg3[%mul3A_8] : memref<40960xf32, #tpu.memory_space<hbm>> -> memref<10240xf32, #tpu.memory_space<hbm>>
      %dma_start3A_213 = tpu.memref_slice %arg3[%mul3A_8] : memref<40960xf32, #tpu.memory_space<hbm>> -> memref<10240xf32, #tpu.memory_space<hbm>>
      tpu.enqueue_dma source(%dma_start3A_213 : memref<10240xf32, #tpu.memory_space<hbm>>) target(%arg9 : memref<10240xf32, #tpu.memory_space<vmem>>) target_semaphore(%run_scoped3A : memref<!tpu.dma_semaphore, #tpu.memory_space<semaphore_mem>>)
      %dma_wait3A = tpu.memref_slice %arg3[%mul3A_8] : memref<40960xf32, #tpu.memory_space<hbm>> -> memref<10240xf32, #tpu.memory_space<hbm>>
      %dma_wait3A_214 = tpu.memref_slice %arg3[%mul3A_8] : memref<40960xf32, #tpu.memory_space<hbm>> -> memref<10240xf32, #tpu.memory_space<hbm>>
      tpu.wait_dma2 semaphore(%run_scoped3A : memref<!tpu.dma_semaphore, #tpu.memory_space<semaphore_mem>>) src(%dma_wait3A_214 : memref<10240xf32, #tpu.memory_space<hbm>>) dst(%arg9 : memref<10240xf32, #tpu.memory_space<vmem>>)
      tpu.yield
    }) : () -> ()
    %mul3A_9 = arith.constant 10240 : i32
    %mul3A_10 = arith.muli %add3A_1, %mul3A_9 : i32
    "tpu.region"() ({
      %run_scoped3A = tpu.sem_alloc : memref<!tpu.dma_semaphore, #tpu.memory_space<semaphore_mem>>
      %dma_start3A = tpu.memref_slice %arg4[%mul3A_10] : memref<40960xf32, #tpu.memory_space<hbm>> -> memref<10240xf32, #tpu.memory_space<hbm>>
      %dma_start3A_213 = tpu.memref_slice %arg4[%mul3A_10] : memref<40960xf32, #tpu.memory_space<hbm>> -> memref<10240xf32, #tpu.memory_space<hbm>>
      tpu.enqueue_dma source(%dma_start3A_213 : memref<10240xf32, #tpu.memory_space<hbm>>) target(%arg10 : memref<10240xf32, #tpu.memory_space<vmem>>) target_semaphore(%run_scoped3A : memref<!tpu.dma_semaphore, #tpu.memory_space<semaphore_mem>>)
      %dma_wait3A = tpu.memref_slice %arg4[%mul3A_10] : memref<40960xf32, #tpu.memory_space<hbm>> -> memref<10240xf32, #tpu.memory_space<hbm>>
      %dma_wait3A_214 = tpu.memref_slice %arg4[%mul3A_10] : memref<40960xf32, #tpu.memory_space<hbm>> -> memref<10240xf32, #tpu.memory_space<hbm>>
      tpu.wait_dma2 semaphore(%run_scoped3A : memref<!tpu.dma_semaphore, #tpu.memory_space<semaphore_mem>>) src(%dma_wait3A_214 : memref<10240xf32, #tpu.memory_space<hbm>>) dst(%arg10 : memref<10240xf32, #tpu.memory_space<vmem>>)
      tpu.yield
    }) : () -> ()
    %scan3A = arith.constant 0 : i32
    %scan3A_11 = arith.constant 80 : i32
    %scan3A_12 = arith.addi %scan3A, %scan3A_11 : i32
    %scan3A_13 = arith.constant 1 : i32
    scf.for %scan3A_213 = %scan3A to %scan3A_12 step %scan3A_13  : i32 {
      %broadcast_in_dim3A = arith.constant 0.000000e+00 : f32
      %broadcast_in_dim3A_214 = vector.broadcast %broadcast_in_dim3A : f32 to vector<16xf32>
      %swap3A_215 = arith.index_cast %scan3A_213 : i32 to index
      %swap3A_216 = arith.constant 0 : index
      %swap3A_217 = tpu.vector_load %arg11[%swap3A_215, %swap3A_216] {strides = array<i32>} : memref<80x128xf32, #tpu.memory_space<vmem>>, vector<16xf32>,
      tpu.vector_store %arg11[%swap3A_215, %swap3A_216], %broadcast_in_dim3A_214 {strides = array<i32>} : memref<80x128xf32, #tpu.memory_space<vmem>>, vector<16xf32>,
      %broadcast_in_dim3A_218 = arith.constant 0.000000e+00 : f32
      %broadcast_in_dim3A_219 = vector.broadcast %broadcast_in_dim3A_218 : f32 to vector<16xf32>
      %swap3A_220 = arith.index_cast %scan3A_213 : i32 to index
      %swap3A_221 = arith.constant 16 : index
      %swap3A_222 = tpu.vector_load %arg11[%swap3A_220, %swap3A_221] {strides = array<i32>} : memref<80x128xf32, #tpu.memory_space<vmem>>, vector<16xf32>,
      tpu.vector_store %arg11[%swap3A_220, %swap3A_221], %broadcast_in_dim3A_219 {strides = array<i32>} : memref<80x128xf32, #tpu.memory_space<vmem>>, vector<16xf32>,
      %broadcast_in_dim3A_223 = arith.constant 0.000000e+00 : f32
      %broadcast_in_dim3A_224 = vector.broadcast %broadcast_in_dim3A_223 : f32 to vector<16xf32>
      %swap3A_225 = arith.index_cast %scan3A_213 : i32 to index
      %swap3A_226 = arith.constant 32 : index
      %swap3A_227 = tpu.vector_load %arg11[%swap3A_225, %swap3A_226] {strides = array<i32>} : memref<80x128xf32, #tpu.memory_space<vmem>>, vector<16xf32>,
      tpu.vector_store %arg11[%swap3A_225, %swap3A_226], %broadcast_in_dim3A_224 {strides = array<i32>} : memref<80x128xf32, #tpu.memory_space<vmem>>, vector<16xf32>,
      %broadcast_in_dim3A_228 = arith.constant 0.000000e+00 : f32
      %broadcast_in_dim3A_229 = vector.broadcast %broadcast_in_dim3A_228 : f32 to vector<16xf32>
      %swap3A_230 = arith.index_cast %scan3A_213 : i32 to index
      %swap3A_231 = arith.constant 48 : index
      %swap3A_232 = tpu.vector_load %arg11[%swap3A_230, %swap3A_231] {strides = array<i32>} : memref<80x128xf32, #tpu.memory_space<vmem>>, vector<16xf32>,
      tpu.vector_store %arg11[%swap3A_230, %swap3A_231], %broadcast_in_dim3A_229 {strides = array<i32>} : memref<80x128xf32, #tpu.memory_space<vmem>>, vector<16xf32>,
      %broadcast_in_dim3A_233 = arith.constant 0.000000e+00 : f32
      %broadcast_in_dim3A_234 = vector.broadcast %broadcast_in_dim3A_233 : f32 to vector<16xf32>
      %swap3A_235 = arith.index_cast %scan3A_213 : i32 to index
      %swap3A_236 = arith.constant 64 : index
      %swap3A_237 = tpu.vector_load %arg11[%swap3A_235, %swap3A_236] {strides = array<i32>} : memref<80x128xf32, #tpu.memory_space<vmem>>, vector<16xf32>,
      tpu.vector_store %arg11[%swap3A_235, %swap3A_236], %broadcast_in_dim3A_234 {strides = array<i32>} : memref<80x128xf32, #tpu.memory_space<vmem>>, vector<16xf32>,
      %broadcast_in_dim3A_238 = arith.constant 0.000000e+00 : f32
      %broadcast_in_dim3A_239 = vector.broadcast %broadcast_in_dim3A_238 : f32 to vector<16xf32>
      %swap3A_240 = arith.index_cast %scan3A_213 : i32 to index
      %swap3A_241 = arith.constant 80 : index
      %swap3A_242 = tpu.vector_load %arg11[%swap3A_240, %swap3A_241] {strides = array<i32>} : memref<80x128xf32, #tpu.memory_space<vmem>>, vector<16xf32>,
      tpu.vector_store %arg11[%swap3A_240, %swap3A_241], %broadcast_in_dim3A_239 {strides = array<i32>} : memref<80x128xf32, #tpu.memory_space<vmem>>, vector<16xf32>,
      %broadcast_in_dim3A_243 = arith.constant 0.000000e+00 : f32
      %broadcast_in_dim3A_244 = vector.broadcast %broadcast_in_dim3A_243 : f32 to vector<16xf32>
      %swap3A_245 = arith.index_cast %scan3A_213 : i32 to index
      %swap3A_246 = arith.constant 96 : index
      %swap3A_247 = tpu.vector_load %arg11[%swap3A_245, %swap3A_246] {strides = array<i32>} : memref<80x128xf32, #tpu.memory_space<vmem>>, vector<16xf32>,
      tpu.vector_store %arg11[%swap3A_245, %swap3A_246], %broadcast_in_dim3A_244 {strides = array<i32>} : memref<80x128xf32, #tpu.memory_space<vmem>>, vector<16xf32>,
      %broadcast_in_dim3A_248 = arith.constant 0.000000e+00 : f32
      %broadcast_in_dim3A_249 = vector.broadcast %broadcast_in_dim3A_248 : f32 to vector<16xf32>
      %swap3A_250 = arith.index_cast %scan3A_213 : i32 to index
      %swap3A_251 = arith.constant 112 : index
      %swap3A_252 = tpu.vector_load %arg11[%swap3A_250, %swap3A_251] {strides = array<i32>} : memref<80x128xf32, #tpu.memory_space<vmem>>, vector<16xf32>,
      tpu.vector_store %arg11[%swap3A_250, %swap3A_251], %broadcast_in_dim3A_249 {strides = array<i32>} : memref<80x128xf32, #tpu.memory_space<vmem>>, vector<16xf32>,
    }
    %scan3A_14 = arith.constant 80 : i32
    %eq3A = arith.constant 0 : i32
    %eq3A_15 = arith.cmpi eq, %arg1, %eq3A : i32
    %convert_element_type3A = arith.extui %eq3A_15 : i1 to i32
    %cond3A = arith.constant 0 : i32
    %cond3A_16 = arith.cmpi ne, %convert_element_type3A, %cond3A : i32
    scf.if %cond3A_16 {
      "tpu.region"() ({
        %run_scoped3A = tpu.sem_alloc : memref<!tpu.dma_semaphore, #tpu.memory_space<semaphore_mem>>
        tpu.enqueue_dma source(%arg11 : memref<80x128xf32, #tpu.memory_space<vmem>>) target(%arg20 : memref<80x128xf32, #tpu.memory_space<vmem_shared>>) target_semaphore(%run_scoped3A : memref<!tpu.dma_semaphore, #tpu.memory_space<semaphore_mem>>)
        tpu.wait_dma2 semaphore(%run_scoped3A : memref<!tpu.dma_semaphore, #tpu.memory_space<semaphore_mem>>) src(%arg11 : memref<80x128xf32, #tpu.memory_space<vmem>>) dst(%arg20 : memref<80x128xf32, #tpu.memory_space<vmem_shared>>)
        tpu.yield
      }) : () -> ()
    } else {
    }
    %scan3A_17 = arith.constant 0 : i32
    %scan3A_18 = arith.constant 80 : i32
    %scan3A_19 = arith.addi %scan3A_17, %scan3A_18 : i32
    %scan3A_20 = arith.constant 1 : i32
    scf.for %scan3A_213 = %scan3A_17 to %scan3A_19 step %scan3A_20  : i32 {
      %broadcast_in_dim3A = arith.constant 0.000000e+00 : f32
      %broadcast_in_dim3A_214 = vector.broadcast %broadcast_in_dim3A : f32 to vector<16xf32>
      %swap3A_215 = arith.index_cast %scan3A_213 : i32 to index
      %swap3A_216 = arith.constant 0 : index
      %swap3A_217 = tpu.vector_load %arg15[%swap3A_215, %swap3A_216] {strides = array<i32>} : memref<80x128xf32, #tpu.memory_space<vmem>>, vector<16xf32>,
      tpu.vector_store %arg15[%swap3A_215, %swap3A_216], %broadcast_in_dim3A_214 {strides = array<i32>} : memref<80x128xf32, #tpu.memory_space<vmem>>, vector<16xf32>,
      %broadcast_in_dim3A_218 = arith.constant 0.000000e+00 : f32
      %broadcast_in_dim3A_219 = vector.broadcast %broadcast_in_dim3A_218 : f32 to vector<16xf32>
      %swap3A_220 = arith.index_cast %scan3A_213 : i32 to index
      %swap3A_221 = arith.constant 16 : index
      %swap3A_222 = tpu.vector_load %arg15[%swap3A_220, %swap3A_221] {strides = array<i32>} : memref<80x128xf32, #tpu.memory_space<vmem>>, vector<16xf32>,
      tpu.vector_store %arg15[%swap3A_220, %swap3A_221], %broadcast_in_dim3A_219 {strides = array<i32>} : memref<80x128xf32, #tpu.memory_space<vmem>>, vector<16xf32>,
      %broadcast_in_dim3A_223 = arith.constant 0.000000e+00 : f32
      %broadcast_in_dim3A_224 = vector.broadcast %broadcast_in_dim3A_223 : f32 to vector<16xf32>
      %swap3A_225 = arith.index_cast %scan3A_213 : i32 to index
      %swap3A_226 = arith.constant 32 : index
      %swap3A_227 = tpu.vector_load %arg15[%swap3A_225, %swap3A_226] {strides = array<i32>} : memref<80x128xf32, #tpu.memory_space<vmem>>, vector<16xf32>,
      tpu.vector_store %arg15[%swap3A_225, %swap3A_226], %broadcast_in_dim3A_224 {strides = array<i32>} : memref<80x128xf32, #tpu.memory_space<vmem>>, vector<16xf32>,
      %broadcast_in_dim3A_228 = arith.constant 0.000000e+00 : f32
      %broadcast_in_dim3A_229 = vector.broadcast %broadcast_in_dim3A_228 : f32 to vector<16xf32>
      %swap3A_230 = arith.index_cast %scan3A_213 : i32 to index
      %swap3A_231 = arith.constant 48 : index
      %swap3A_232 = tpu.vector_load %arg15[%swap3A_230, %swap3A_231] {strides = array<i32>} : memref<80x128xf32, #tpu.memory_space<vmem>>, vector<16xf32>,
      tpu.vector_store %arg15[%swap3A_230, %swap3A_231], %broadcast_in_dim3A_229 {strides = array<i32>} : memref<80x128xf32, #tpu.memory_space<vmem>>, vector<16xf32>,
      %broadcast_in_dim3A_233 = arith.constant 0.000000e+00 : f32
      %broadcast_in_dim3A_234 = vector.broadcast %broadcast_in_dim3A_233 : f32 to vector<16xf32>
      %swap3A_235 = arith.index_cast %scan3A_213 : i32 to index
      %swap3A_236 = arith.constant 64 : index
      %swap3A_237 = tpu.vector_load %arg15[%swap3A_235, %swap3A_236] {strides = array<i32>} : memref<80x128xf32, #tpu.memory_space<vmem>>, vector<16xf32>,
      tpu.vector_store %arg15[%swap3A_235, %swap3A_236], %broadcast_in_dim3A_234 {strides = array<i32>} : memref<80x128xf32, #tpu.memory_space<vmem>>, vector<16xf32>,
      %broadcast_in_dim3A_238 = arith.constant 0.000000e+00 : f32
      %broadcast_in_dim3A_239 = vector.broadcast %broadcast_in_dim3A_238 : f32 to vector<16xf32>
      %swap3A_240 = arith.index_cast %scan3A_213 : i32 to index
      %swap3A_241 = arith.constant 80 : index
      %swap3A_242 = tpu.vector_load %arg15[%swap3A_240, %swap3A_241] {strides = array<i32>} : memref<80x128xf32, #tpu.memory_space<vmem>>, vector<16xf32>,
      tpu.vector_store %arg15[%swap3A_240, %swap3A_241], %broadcast_in_dim3A_239 {strides = array<i32>} : memref<80x128xf32, #tpu.memory_space<vmem>>, vector<16xf32>,
      %broadcast_in_dim3A_243 = arith.constant 0.000000e+00 : f32
      %broadcast_in_dim3A_244 = vector.broadcast %broadcast_in_dim3A_243 : f32 to vector<16xf32>
      %swap3A_245 = arith.index_cast %scan3A_213 : i32 to index
      %swap3A_246 = arith.constant 96 : index
      %swap3A_247 = tpu.vector_load %arg15[%swap3A_245, %swap3A_246] {strides = array<i32>} : memref<80x128xf32, #tpu.memory_space<vmem>>, vector<16xf32>,
      tpu.vector_store %arg15[%swap3A_245, %swap3A_246], %broadcast_in_dim3A_244 {strides = array<i32>} : memref<80x128xf32, #tpu.memory_space<vmem>>, vector<16xf32>,
      %broadcast_in_dim3A_248 = arith.constant 0.000000e+00 : f32
      %broadcast_in_dim3A_249 = vector.broadcast %broadcast_in_dim3A_248 : f32 to vector<16xf32>
      %swap3A_250 = arith.index_cast %scan3A_213 : i32 to index
      %swap3A_251 = arith.constant 112 : index
      %swap3A_252 = tpu.vector_load %arg15[%swap3A_250, %swap3A_251] {strides = array<i32>} : memref<80x128xf32, #tpu.memory_space<vmem>>, vector<16xf32>,
      tpu.vector_store %arg15[%swap3A_250, %swap3A_251], %broadcast_in_dim3A_249 {strides = array<i32>} : memref<80x128xf32, #tpu.memory_space<vmem>>, vector<16xf32>,
    }
    %scan3A_21 = arith.constant 80 : i32
    %mul3A_22 = arith.constant 640 : i32
    %mul3A_23 = arith.muli %arg1, %mul3A_22 : i32
    %add3A_24 = arith.constant 0 : i32
    %add3A_25 = arith.addi %mul3A_23, %add3A_24 : i32
    "tpu.region"() ({
      %run_scoped3A = tpu.sem_alloc : memref<!tpu.dma_semaphore, #tpu.memory_space<semaphore_mem>>
      %dma_start3A = arith.constant 0 : i32
      %dma_start3A_213 = tpu.memref_slice %arg21[%add3A_25, %dma_start3A] : memref<10240x128xf32, #tpu.memory_space<vmem_shared>> -> memref<80x128xf32, #tpu.memory_space<vmem_shared>>
      %dma_start3A_214 = arith.constant 0 : i32
      %dma_start3A_215 = tpu.memref_slice %arg21[%add3A_25, %dma_start3A_214] : memref<10240x128xf32, #tpu.memory_space<vmem_shared>> -> memref<80x128xf32, #tpu.memory_space<vmem_shared>>
      tpu.enqueue_dma source(%arg15 : memref<80x128xf32, #tpu.memory_space<vmem>>) target(%dma_start3A_215 : memref<80x128xf32, #tpu.memory_space<vmem_shared>>) target_semaphore(%run_scoped3A : memref<!tpu.dma_semaphore, #tpu.memory_space<semaphore_mem>>)
      %dma_wait3A = arith.constant 0 : i32
      %dma_wait3A_216 = tpu.memref_slice %arg21[%add3A_25, %dma_wait3A] : memref<10240x128xf32, #tpu.memory_space<vmem_shared>> -> memref<80x128xf32, #tpu.memory_space<vmem_shared>>
      %dma_wait3A_217 = arith.constant 0 : i32
      %dma_wait3A_218 = tpu.memref_slice %arg21[%add3A_25, %dma_wait3A_217] : memref<10240x128xf32, #tpu.memory_space<vmem_shared>> -> memref<80x128xf32, #tpu.memory_space<vmem_shared>>
      tpu.wait_dma2 semaphore(%run_scoped3A : memref<!tpu.dma_semaphore, #tpu.memory_space<semaphore_mem>>) src(%arg15 : memref<80x128xf32, #tpu.memory_space<vmem>>) dst(%dma_wait3A_218 : memref<80x128xf32, #tpu.memory_space<vmem_shared>>)
      tpu.yield
    }) : () -> ()
    %mul3A_26 = arith.constant 640 : i32
    %mul3A_27 = arith.muli %arg1, %mul3A_26 : i32
    %add3A_28 = arith.constant 80 : i32
    %add3A_29 = arith.addi %mul3A_27, %add3A_28 : i32
    "tpu.region"() ({
      %run_scoped3A = tpu.sem_alloc : memref<!tpu.dma_semaphore, #tpu.memory_space<semaphore_mem>>
      %dma_start3A = arith.constant 0 : i32
      %dma_start3A_213 = tpu.memref_slice %arg21[%add3A_29, %dma_start3A] : memref<10240x128xf32, #tpu.memory_space<vmem_shared>> -> memref<80x128xf32, #tpu.memory_space<vmem_shared>>
      %dma_start3A_214 = arith.constant 0 : i32
      %dma_start3A_215 = tpu.memref_slice %arg21[%add3A_29, %dma_start3A_214] : memref<10240x128xf32, #tpu.memory_space<vmem_shared>> -> memref<80x128xf32, #tpu.memory_space<vmem_shared>>
      tpu.enqueue_dma source(%arg15 : memref<80x128xf32, #tpu.memory_space<vmem>>) target(%dma_start3A_215 : memref<80x128xf32, #tpu.memory_space<vmem_shared>>) target_semaphore(%run_scoped3A : memref<!tpu.dma_semaphore, #tpu.memory_space<semaphore_mem>>)
      %dma_wait3A = arith.constant 0 : i32
      %dma_wait3A_216 = tpu.memref_slice %arg21[%add3A_29, %dma_wait3A] : memref<10240x128xf32, #tpu.memory_space<vmem_shared>> -> memref<80x128xf32, #tpu.memory_space<vmem_shared>>
      %dma_wait3A_217 = arith.constant 0 : i32
      %dma_wait3A_218 = tpu.memref_slice %arg21[%add3A_29, %dma_wait3A_217] : memref<10240x128xf32, #tpu.memory_space<vmem_shared>> -> memref<80x128xf32, #tpu.memory_space<vmem_shared>>
      tpu.wait_dma2 semaphore(%run_scoped3A : memref<!tpu.dma_semaphore, #tpu.memory_space<semaphore_mem>>) src(%arg15 : memref<80x128xf32, #tpu.memory_space<vmem>>) dst(%dma_wait3A_218 : memref<80x128xf32, #tpu.memory_space<vmem_shared>>)
      tpu.yield
    }) : () -> ()
    %mul3A_30 = arith.constant 640 : i32
    %mul3A_31 = arith.muli %arg1, %mul3A_30 : i32
    %add3A_32 = arith.constant 160 : i32
    %add3A_33 = arith.addi %mul3A_31, %add3A_32 : i32
    "tpu.region"() ({
      %run_scoped3A = tpu.sem_alloc : memref<!tpu.dma_semaphore, #tpu.memory_space<semaphore_mem>>
      %dma_start3A = arith.constant 0 : i32
      %dma_start3A_213 = tpu.memref_slice %arg21[%add3A_33, %dma_start3A] : memref<10240x128xf32, #tpu.memory_space<vmem_shared>> -> memref<80x128xf32, #tpu.memory_space<vmem_shared>>
      %dma_start3A_214 = arith.constant 0 : i32
      %dma_start3A_215 = tpu.memref_slice %arg21[%add3A_33, %dma_start3A_214] : memref<10240x128xf32, #tpu.memory_space<vmem_shared>> -> memref<80x128xf32, #tpu.memory_space<vmem_shared>>
      tpu.enqueue_dma source(%arg15 : memref<80x128xf32, #tpu.memory_space<vmem>>) target(%dma_start3A_215 : memref<80x128xf32, #tpu.memory_space<vmem_shared>>) target_semaphore(%run_scoped3A : memref<!tpu.dma_semaphore, #tpu.memory_space<semaphore_mem>>)
      %dma_wait3A = arith.constant 0 : i32
      %dma_wait3A_216 = tpu.memref_slice %arg21[%add3A_33, %dma_wait3A] : memref<10240x128xf32, #tpu.memory_space<vmem_shared>> -> memref<80x128xf32, #tpu.memory_space<vmem_shared>>
      %dma_wait3A_217 = arith.constant 0 : i32
      %dma_wait3A_218 = tpu.memref_slice %arg21[%add3A_33, %dma_wait3A_217] : memref<10240x128xf32, #tpu.memory_space<vmem_shared>> -> memref<80x128xf32, #tpu.memory_space<vmem_shared>>
      tpu.wait_dma2 semaphore(%run_scoped3A : memref<!tpu.dma_semaphore, #tpu.memory_space<semaphore_mem>>) src(%arg15 : memref<80x128xf32, #tpu.memory_space<vmem>>) dst(%dma_wait3A_218 : memref<80x128xf32, #tpu.memory_space<vmem_shared>>)
      tpu.yield
    }) : () -> ()
    %mul3A_34 = arith.constant 640 : i32
    %mul3A_35 = arith.muli %arg1, %mul3A_34 : i32
    %add3A_36 = arith.constant 240 : i32
    %add3A_37 = arith.addi %mul3A_35, %add3A_36 : i32
    "tpu.region"() ({
      %run_scoped3A = tpu.sem_alloc : memref<!tpu.dma_semaphore, #tpu.memory_space<semaphore_mem>>
      %dma_start3A = arith.constant 0 : i32
      %dma_start3A_213 = tpu.memref_slice %arg21[%add3A_37, %dma_start3A] : memref<10240x128xf32, #tpu.memory_space<vmem_shared>> -> memref<80x128xf32, #tpu.memory_space<vmem_shared>>
      %dma_start3A_214 = arith.constant 0 : i32
      %dma_start3A_215 = tpu.memref_slice %arg21[%add3A_37, %dma_start3A_214] : memref<10240x128xf32, #tpu.memory_space<vmem_shared>> -> memref<80x128xf32, #tpu.memory_space<vmem_shared>>
      tpu.enqueue_dma source(%arg15 : memref<80x128xf32, #tpu.memory_space<vmem>>) target(%dma_start3A_215 : memref<80x128xf32, #tpu.memory_space<vmem_shared>>) target_semaphore(%run_scoped3A : memref<!tpu.dma_semaphore, #tpu.memory_space<semaphore_mem>>)
      %dma_wait3A = arith.constant 0 : i32
      %dma_wait3A_216 = tpu.memref_slice %arg21[%add3A_37, %dma_wait3A] : memref<10240x128xf32, #tpu.memory_space<vmem_shared>> -> memref<80x128xf32, #tpu.memory_space<vmem_shared>>
      %dma_wait3A_217 = arith.constant 0 : i32
      %dma_wait3A_218 = tpu.memref_slice %arg21[%add3A_37, %dma_wait3A_217] : memref<10240x128xf32, #tpu.memory_space<vmem_shared>> -> memref<80x128xf32, #tpu.memory_space<vmem_shared>>
      tpu.wait_dma2 semaphore(%run_scoped3A : memref<!tpu.dma_semaphore, #tpu.memory_space<semaphore_mem>>) src(%arg15 : memref<80x128xf32, #tpu.memory_space<vmem>>) dst(%dma_wait3A_218 : memref<80x128xf32, #tpu.memory_space<vmem_shared>>)
      tpu.yield
    }) : () -> ()
    %mul3A_38 = arith.constant 640 : i32
    %mul3A_39 = arith.muli %arg1, %mul3A_38 : i32
    %add3A_40 = arith.constant 320 : i32
    %add3A_41 = arith.addi %mul3A_39, %add3A_40 : i32
    "tpu.region"() ({
      %run_scoped3A = tpu.sem_alloc : memref<!tpu.dma_semaphore, #tpu.memory_space<semaphore_mem>>
      %dma_start3A = arith.constant 0 : i32
      %dma_start3A_213 = tpu.memref_slice %arg21[%add3A_41, %dma_start3A] : memref<10240x128xf32, #tpu.memory_space<vmem_shared>> -> memref<80x128xf32, #tpu.memory_space<vmem_shared>>
      %dma_start3A_214 = arith.constant 0 : i32
      %dma_start3A_215 = tpu.memref_slice %arg21[%add3A_41, %dma_start3A_214] : memref<10240x128xf32, #tpu.memory_space<vmem_shared>> -> memref<80x128xf32, #tpu.memory_space<vmem_shared>>
      tpu.enqueue_dma source(%arg15 : memref<80x128xf32, #tpu.memory_space<vmem>>) target(%dma_start3A_215 : memref<80x128xf32, #tpu.memory_space<vmem_shared>>) target_semaphore(%run_scoped3A : memref<!tpu.dma_semaphore, #tpu.memory_space<semaphore_mem>>)
      %dma_wait3A = arith.constant 0 : i32
      %dma_wait3A_216 = tpu.memref_slice %arg21[%add3A_41, %dma_wait3A] : memref<10240x128xf32, #tpu.memory_space<vmem_shared>> -> memref<80x128xf32, #tpu.memory_space<vmem_shared>>
      %dma_wait3A_217 = arith.constant 0 : i32
      %dma_wait3A_218 = tpu.memref_slice %arg21[%add3A_41, %dma_wait3A_217] : memref<10240x128xf32, #tpu.memory_space<vmem_shared>> -> memref<80x128xf32, #tpu.memory_space<vmem_shared>>
      tpu.wait_dma2 semaphore(%run_scoped3A : memref<!tpu.dma_semaphore, #tpu.memory_space<semaphore_mem>>) src(%arg15 : memref<80x128xf32, #tpu.memory_space<vmem>>) dst(%dma_wait3A_218 : memref<80x128xf32, #tpu.memory_space<vmem_shared>>)
      tpu.yield
    }) : () -> ()
    %mul3A_42 = arith.constant 640 : i32
    %mul3A_43 = arith.muli %arg1, %mul3A_42 : i32
    %add3A_44 = arith.constant 400 : i32
    %add3A_45 = arith.addi %mul3A_43, %add3A_44 : i32
    "tpu.region"() ({
      %run_scoped3A = tpu.sem_alloc : memref<!tpu.dma_semaphore, #tpu.memory_space<semaphore_mem>>
      %dma_start3A = arith.constant 0 : i32
      %dma_start3A_213 = tpu.memref_slice %arg21[%add3A_45, %dma_start3A] : memref<10240x128xf32, #tpu.memory_space<vmem_shared>> -> memref<80x128xf32, #tpu.memory_space<vmem_shared>>
      %dma_start3A_214 = arith.constant 0 : i32
      %dma_start3A_215 = tpu.memref_slice %arg21[%add3A_45, %dma_start3A_214] : memref<10240x128xf32, #tpu.memory_space<vmem_shared>> -> memref<80x128xf32, #tpu.memory_space<vmem_shared>>
      tpu.enqueue_dma source(%arg15 : memref<80x128xf32, #tpu.memory_space<vmem>>) target(%dma_start3A_215 : memref<80x128xf32, #tpu.memory_space<vmem_shared>>) target_semaphore(%run_scoped3A : memref<!tpu.dma_semaphore, #tpu.memory_space<semaphore_mem>>)
      %dma_wait3A = arith.constant 0 : i32
      %dma_wait3A_216 = tpu.memref_slice %arg21[%add3A_45, %dma_wait3A] : memref<10240x128xf32, #tpu.memory_space<vmem_shared>> -> memref<80x128xf32, #tpu.memory_space<vmem_shared>>
      %dma_wait3A_217 = arith.constant 0 : i32
      %dma_wait3A_218 = tpu.memref_slice %arg21[%add3A_45, %dma_wait3A_217] : memref<10240x128xf32, #tpu.memory_space<vmem_shared>> -> memref<80x128xf32, #tpu.memory_space<vmem_shared>>
      tpu.wait_dma2 semaphore(%run_scoped3A : memref<!tpu.dma_semaphore, #tpu.memory_space<semaphore_mem>>) src(%arg15 : memref<80x128xf32, #tpu.memory_space<vmem>>) dst(%dma_wait3A_218 : memref<80x128xf32, #tpu.memory_space<vmem_shared>>)
      tpu.yield
    }) : () -> ()
    %mul3A_46 = arith.constant 640 : i32
    %mul3A_47 = arith.muli %arg1, %mul3A_46 : i32
    %add3A_48 = arith.constant 480 : i32
    %add3A_49 = arith.addi %mul3A_47, %add3A_48 : i32
    "tpu.region"() ({
      %run_scoped3A = tpu.sem_alloc : memref<!tpu.dma_semaphore, #tpu.memory_space<semaphore_mem>>
      %dma_start3A = arith.constant 0 : i32
      %dma_start3A_213 = tpu.memref_slice %arg21[%add3A_49, %dma_start3A] : memref<10240x128xf32, #tpu.memory_space<vmem_shared>> -> memref<80x128xf32, #tpu.memory_space<vmem_shared>>
      %dma_start3A_214 = arith.constant 0 : i32
      %dma_start3A_215 = tpu.memref_slice %arg21[%add3A_49, %dma_start3A_214] : memref<10240x128xf32, #tpu.memory_space<vmem_shared>> -> memref<80x128xf32, #tpu.memory_space<vmem_shared>>
      tpu.enqueue_dma source(%arg15 : memref<80x128xf32, #tpu.memory_space<vmem>>) target(%dma_start3A_215 : memref<80x128xf32, #tpu.memory_space<vmem_shared>>) target_semaphore(%run_scoped3A : memref<!tpu.dma_semaphore, #tpu.memory_space<semaphore_mem>>)
      %dma_wait3A = arith.constant 0 : i32
      %dma_wait3A_216 = tpu.memref_slice %arg21[%add3A_49, %dma_wait3A] : memref<10240x128xf32, #tpu.memory_space<vmem_shared>> -> memref<80x128xf32, #tpu.memory_space<vmem_shared>>
      %dma_wait3A_217 = arith.constant 0 : i32
      %dma_wait3A_218 = tpu.memref_slice %arg21[%add3A_49, %dma_wait3A_217] : memref<10240x128xf32, #tpu.memory_space<vmem_shared>> -> memref<80x128xf32, #tpu.memory_space<vmem_shared>>
      tpu.wait_dma2 semaphore(%run_scoped3A : memref<!tpu.dma_semaphore, #tpu.memory_space<semaphore_mem>>) src(%arg15 : memref<80x128xf32, #tpu.memory_space<vmem>>) dst(%dma_wait3A_218 : memref<80x128xf32, #tpu.memory_space<vmem_shared>>)
      tpu.yield
    }) : () -> ()
    %mul3A_50 = arith.constant 640 : i32
    %mul3A_51 = arith.muli %arg1, %mul3A_50 : i32
    %add3A_52 = arith.constant 560 : i32
    %add3A_53 = arith.addi %mul3A_51, %add3A_52 : i32
    "tpu.region"() ({
      %run_scoped3A = tpu.sem_alloc : memref<!tpu.dma_semaphore, #tpu.memory_space<semaphore_mem>>
      %dma_start3A = arith.constant 0 : i32
      %dma_start3A_213 = tpu.memref_slice %arg21[%add3A_53, %dma_start3A] : memref<10240x128xf32, #tpu.memory_space<vmem_shared>> -> memref<80x128xf32, #tpu.memory_space<vmem_shared>>
      %dma_start3A_214 = arith.constant 0 : i32
      %dma_start3A_215 = tpu.memref_slice %arg21[%add3A_53, %dma_start3A_214] : memref<10240x128xf32, #tpu.memory_space<vmem_shared>> -> memref<80x128xf32, #tpu.memory_space<vmem_shared>>
      tpu.enqueue_dma source(%arg15 : memref<80x128xf32, #tpu.memory_space<vmem>>) target(%dma_start3A_215 : memref<80x128xf32, #tpu.memory_space<vmem_shared>>) target_semaphore(%run_scoped3A : memref<!tpu.dma_semaphore, #tpu.memory_space<semaphore_mem>>)
      %dma_wait3A = arith.constant 0 : i32
      %dma_wait3A_216 = tpu.memref_slice %arg21[%add3A_53, %dma_wait3A] : memref<10240x128xf32, #tpu.memory_space<vmem_shared>> -> memref<80x128xf32, #tpu.memory_space<vmem_shared>>
      %dma_wait3A_217 = arith.constant 0 : i32
      %dma_wait3A_218 = tpu.memref_slice %arg21[%add3A_53, %dma_wait3A_217] : memref<10240x128xf32, #tpu.memory_space<vmem_shared>> -> memref<80x128xf32, #tpu.memory_space<vmem_shared>>
      tpu.wait_dma2 semaphore(%run_scoped3A : memref<!tpu.dma_semaphore, #tpu.memory_space<semaphore_mem>>) src(%arg15 : memref<80x128xf32, #tpu.memory_space<vmem>>) dst(%dma_wait3A_218 : memref<80x128xf32, #tpu.memory_space<vmem_shared>>)
      tpu.yield
    }) : () -> ()
    %barrier3A = arith.constant 0 : index
    tpu.barrier barrier_id(%barrier3A)
    %scan3A_54 = arith.constant 0 : i32
    %scan3A_55 = arith.constant 10 : i32
    %scan3A_56 = arith.addi %scan3A_54, %scan3A_55 : i32
    %scan3A_57 = arith.constant 1 : i32
    scf.for %scan3A_213 = %scan3A_54 to %scan3A_56 step %scan3A_57  : i32 {
      %mul3A_214 = arith.constant 2000 : i32
      %mul3A_215 = arith.muli %scan3A_213, %mul3A_214 : i32
      %add3A_216 = arith.addi %add3A_6, %mul3A_215 : i32
      "tpu.region"() ({
        %run_scoped3A = tpu.sem_alloc : memref<!tpu.dma_semaphore, #tpu.memory_space<semaphore_mem>>
        %dma_start3A = tpu.memref_slice %arg5[%add3A_216] : memref<1280000xi32, #tpu.memory_space<hbm>> -> memref<2000xi32, #tpu.memory_space<hbm>>
        %dma_start3A_225 = tpu.memref_slice %arg5[%add3A_216] : memref<1280000xi32, #tpu.memory_space<hbm>> -> memref<2000xi32, #tpu.memory_space<hbm>>
        tpu.enqueue_dma source(%dma_start3A_225 : memref<2000xi32, #tpu.memory_space<hbm>>) target(%arg12 : memref<2000xi32, #tpu.memory_space<vmem>>) target_semaphore(%run_scoped3A : memref<!tpu.dma_semaphore, #tpu.memory_space<semaphore_mem>>)
        %dma_wait3A = tpu.memref_slice %arg5[%add3A_216] : memref<1280000xi32, #tpu.memory_space<hbm>> -> memref<2000xi32, #tpu.memory_space<hbm>>
        %dma_wait3A_226 = tpu.memref_slice %arg5[%add3A_216] : memref<1280000xi32, #tpu.memory_space<hbm>> -> memref<2000xi32, #tpu.memory_space<hbm>>
        tpu.wait_dma2 semaphore(%run_scoped3A : memref<!tpu.dma_semaphore, #tpu.memory_space<semaphore_mem>>) src(%dma_wait3A_226 : memref<2000xi32, #tpu.memory_space<hbm>>) dst(%arg12 : memref<2000xi32, #tpu.memory_space<vmem>>)
        tpu.yield
      }) : () -> ()
      %mul3A_217 = arith.constant 2000 : i32
      %mul3A_218 = arith.muli %scan3A_213, %mul3A_217 : i32
      %add3A_219 = arith.addi %add3A_6, %mul3A_218 : i32
      "tpu.region"() ({
        %run_scoped3A = tpu.sem_alloc : memref<!tpu.dma_semaphore, #tpu.memory_space<semaphore_mem>>
        %dma_start3A = tpu.memref_slice %arg6[%add3A_219] : memref<1280000xi32, #tpu.memory_space<hbm>> -> memref<2000xi32, #tpu.memory_space<hbm>>
        %dma_start3A_225 = tpu.memref_slice %arg6[%add3A_219] : memref<1280000xi32, #tpu.memory_space<hbm>> -> memref<2000xi32, #tpu.memory_space<hbm>>
        tpu.enqueue_dma source(%dma_start3A_225 : memref<2000xi32, #tpu.memory_space<hbm>>) target(%arg13 : memref<2000xi32, #tpu.memory_space<vmem>>) target_semaphore(%run_scoped3A : memref<!tpu.dma_semaphore, #tpu.memory_space<semaphore_mem>>)
        %dma_wait3A = tpu.memref_slice %arg6[%add3A_219] : memref<1280000xi32, #tpu.memory_space<hbm>> -> memref<2000xi32, #tpu.memory_space<hbm>>
        %dma_wait3A_226 = tpu.memref_slice %arg6[%add3A_219] : memref<1280000xi32, #tpu.memory_space<hbm>> -> memref<2000xi32, #tpu.memory_space<hbm>>
        tpu.wait_dma2 semaphore(%run_scoped3A : memref<!tpu.dma_semaphore, #tpu.memory_space<semaphore_mem>>) src(%dma_wait3A_226 : memref<2000xi32, #tpu.memory_space<hbm>>) dst(%arg13 : memref<2000xi32, #tpu.memory_space<vmem>>)
        tpu.yield
      }) : () -> ()
      %scan3A_220 = arith.constant 0 : i32
      %scan3A_221 = arith.constant 125 : i32
      %scan3A_222 = arith.addi %scan3A_220, %scan3A_221 : i32
      %scan3A_223 = arith.constant 1 : i32
      scf.for %scan3A_225 = %scan3A_220 to %scan3A_222 step %scan3A_223  : i32 {
        %mul3A_226 = arith.constant 16 : i32
        %mul3A_227 = arith.muli %scan3A_225, %mul3A_226 : i32
        %get3A = arith.index_cast %mul3A_227 : i32 to index
        %get3A_228 = tpu.vector_load %arg12[%get3A] {strides = array<i32>} : memref<2000xi32, #tpu.memory_space<vmem>>, vector<16xi32>,
        %mul3A_229 = arith.constant 16 : i32
        %mul3A_230 = arith.muli %scan3A_225, %mul3A_229 : i32
        %get3A_231 = arith.index_cast %mul3A_230 : i32 to index
        %get3A_232 = tpu.vector_load %arg13[%get3A_231] {strides = array<i32>} : memref<2000xi32, #tpu.memory_space<vmem>>, vector<16xi32>,
        %gather3A = tpu.vector_load_idx %arg9[%get3A_228] : memref<10240xf32, #tpu.memory_space<vmem>>[vector<16xi32>], vector<16xf32>,
        %gather3A_233 = tpu.vector_load_idx %arg10[%get3A_232] : memref<10240xf32, #tpu.memory_space<vmem>>[vector<16xi32>], vector<16xf32>,
        %add3A_234 = arith.addf %gather3A, %gather3A_233 : vector<16xf32>
        %ge3A = arith.constant 0.000000e+00 : f32
        %ge3A_235 = vector.broadcast %ge3A : f32 to vector<16xf32>
        %ge3A_236 = arith.cmpf oge, %add3A_234, %ge3A_235 : vector<16xf32>
        %mul3A_237 = arith.constant 2.000000e-01 : f32
        %mul3A_238 = vector.broadcast %mul3A_237 : f32 to vector<16xf32>
        %mul3A_239 = arith.mulf %mul3A_238, %add3A_234 : vector<16xf32>
        %select_n3A = arith.select %ge3A_236, %add3A_234, %mul3A_239 : vector<16xi1>, vector<16xf32>
        %exp3A = math.exp %select_n3A : vector<16xf32>
        %masked_sort3A = arith.constant dense<true> : vector<16xi1>
        %masked_sort3A_240 = arith.constant -2147483648 : i32
        %masked_sort3A_241 = vector.broadcast %masked_sort3A_240 : i32 to vector<16xi32>
        %masked_sort3A_242 = arith.xori %get3A_232, %masked_sort3A_241 : vector<16xi32>
        %masked_sort3A_243, %masked_sort3A_244, %masked_sort3A_245 = tpu.sort %masked_sort3A_242, %exp3A masked %masked_sort3A : (vector<16xi32>, vector<16xf32>, vector<16xi1>) -> (vector<16xi1>, vector<16xi32>, vector<16xf32>)
        %masked_sort3A_246 = arith.xori %masked_sort3A_244, %masked_sort3A_241 : vector<16xi32>
        %iota3A_247 = tpu.iota {dimensions = array<i32: 0>} : vector<16xi32>
        %sub3A = arith.constant 1 : i32
        %sub3A_248 = vector.broadcast %sub3A : i32 to vector<16xi32>
        %sub3A_249 = arith.subi %iota3A_247, %sub3A_248 : vector<16xi32>
        %max3A = arith.constant 0 : i32
        %max3A_250 = vector.broadcast %max3A : i32 to vector<16xi32>
        %max3A_251 = arith.maxsi %sub3A_249, %max3A_250 : vector<16xi32>
        %broadcast_in_dim3A = vector.shape_cast %max3A_251 : vector<16xi32> to vector<16x1xi32>
        %gather3A_252 = vector.shape_cast %broadcast_in_dim3A : vector<16x1xi32> to vector<16xi32>
        %gather3A_253 = tpu.dynamic_gather %masked_sort3A_246[%gather3A_252] in [0] : vector<16xi32>, vector<16xi32> -> vector<16xi32>
        %broadcast_in_dim3A_254 = vector.shape_cast %max3A_251 : vector<16xi32> to vector<16x1xi32>
        %gather3A_255 = vector.shape_cast %broadcast_in_dim3A_254 : vector<16x1xi32> to vector<16xi32>
        %gather3A_256 = tpu.dynamic_gather %masked_sort3A_245[%gather3A_255] in [0] : vector<16xf32>, vector<16xi32> -> vector<16xf32>
        %ge3A_257 = arith.constant 1 : i32
        %ge3A_258 = vector.broadcast %ge3A_257 : i32 to vector<16xi32>
        %ge3A_259 = arith.cmpi sge, %iota3A_247, %ge3A_258 : vector<16xi32>
        %eq3A_260 = arith.cmpi eq, %gather3A_253, %masked_sort3A_246 : vector<16xi32>
        %and3A = arith.andi %ge3A_259, %eq3A_260 : vector<16xi1>
        %add3A_261 = arith.addf %masked_sort3A_245, %gather3A_256 : vector<16xf32>
        %select_n3A_262 = arith.select %and3A, %add3A_261, %masked_sort3A_245 : vector<16xi1>, vector<16xf32>
        %sub3A_263 = arith.constant 2 : i32
        %sub3A_264 = vector.broadcast %sub3A_263 : i32 to vector<16xi32>
        %sub3A_265 = arith.subi %iota3A_247, %sub3A_264 : vector<16xi32>
        %max3A_266 = arith.constant 0 : i32
        %max3A_267 = vector.broadcast %max3A_266 : i32 to vector<16xi32>
        %max3A_268 = arith.maxsi %sub3A_265, %max3A_267 : vector<16xi32>
        %broadcast_in_dim3A_269 = vector.shape_cast %max3A_268 : vector<16xi32> to vector<16x1xi32>
        %gather3A_270 = vector.shape_cast %broadcast_in_dim3A_269 : vector<16x1xi32> to vector<16xi32>
        %gather3A_271 = tpu.dynamic_gather %masked_sort3A_246[%gather3A_270] in [0] : vector<16xi32>, vector<16xi32> -> vector<16xi32>
        %broadcast_in_dim3A_272 = vector.shape_cast %max3A_268 : vector<16xi32> to vector<16x1xi32>
        %gather3A_273 = vector.shape_cast %broadcast_in_dim3A_272 : vector<16x1xi32> to vector<16xi32>
        %gather3A_274 = tpu.dynamic_gather %select_n3A_262[%gather3A_273] in [0] : vector<16xf32>, vector<16xi32> -> vector<16xf32>
        %ge3A_275 = arith.constant 2 : i32
        %ge3A_276 = vector.broadcast %ge3A_275 : i32 to vector<16xi32>
        %ge3A_277 = arith.cmpi sge, %iota3A_247, %ge3A_276 : vector<16xi32>
        %eq3A_278 = arith.cmpi eq, %gather3A_271, %masked_sort3A_246 : vector<16xi32>
        %and3A_279 = arith.andi %ge3A_277, %eq3A_278 : vector<16xi1>
        %add3A_280 = arith.addf %select_n3A_262, %gather3A_274 : vector<16xf32>
        %select_n3A_281 = arith.select %and3A_279, %add3A_280, %select_n3A_262 : vector<16xi1>, vector<16xf32>
        %sub3A_282 = arith.constant 4 : i32
        %sub3A_283 = vector.broadcast %sub3A_282 : i32 to vector<16xi32>
        %sub3A_284 = arith.subi %iota3A_247, %sub3A_283 : vector<16xi32>
        %max3A_285 = arith.constant 0 : i32
        %max3A_286 = vector.broadcast %max3A_285 : i32 to vector<16xi32>
        %max3A_287 = arith.maxsi %sub3A_284, %max3A_286 : vector<16xi32>
        %broadcast_in_dim3A_288 = vector.shape_cast %max3A_287 : vector<16xi32> to vector<16x1xi32>
        %gather3A_289 = vector.shape_cast %broadcast_in_dim3A_288 : vector<16x1xi32> to vector<16xi32>
        %gather3A_290 = tpu.dynamic_gather %masked_sort3A_246[%gather3A_289] in [0] : vector<16xi32>, vector<16xi32> -> vector<16xi32>
        %broadcast_in_dim3A_291 = vector.shape_cast %max3A_287 : vector<16xi32> to vector<16x1xi32>
        %gather3A_292 = vector.shape_cast %broadcast_in_dim3A_291 : vector<16x1xi32> to vector<16xi32>
        %gather3A_293 = tpu.dynamic_gather %select_n3A_281[%gather3A_292] in [0] : vector<16xf32>, vector<16xi32> -> vector<16xf32>
        %ge3A_294 = arith.constant 4 : i32
        %ge3A_295 = vector.broadcast %ge3A_294 : i32 to vector<16xi32>
        %ge3A_296 = arith.cmpi sge, %iota3A_247, %ge3A_295 : vector<16xi32>
        %eq3A_297 = arith.cmpi eq, %gather3A_290, %masked_sort3A_246 : vector<16xi32>
        %and3A_298 = arith.andi %ge3A_296, %eq3A_297 : vector<16xi1>
        %add3A_299 = arith.addf %select_n3A_281, %gather3A_293 : vector<16xf32>
        %select_n3A_300 = arith.select %and3A_298, %add3A_299, %select_n3A_281 : vector<16xi1>, vector<16xf32>
        %sub3A_301 = arith.constant 8 : i32
        %sub3A_302 = vector.broadcast %sub3A_301 : i32 to vector<16xi32>
        %sub3A_303 = arith.subi %iota3A_247, %sub3A_302 : vector<16xi32>
        %max3A_304 = arith.constant 0 : i32
        %max3A_305 = vector.broadcast %max3A_304 : i32 to vector<16xi32>
        %max3A_306 = arith.maxsi %sub3A_303, %max3A_305 : vector<16xi32>
        %broadcast_in_dim3A_307 = vector.shape_cast %max3A_306 : vector<16xi32> to vector<16x1xi32>
        %gather3A_308 = vector.shape_cast %broadcast_in_dim3A_307 : vector<16x1xi32> to vector<16xi32>
        %gather3A_309 = tpu.dynamic_gather %masked_sort3A_246[%gather3A_308] in [0] : vector<16xi32>, vector<16xi32> -> vector<16xi32>
        %broadcast_in_dim3A_310 = vector.shape_cast %max3A_306 : vector<16xi32> to vector<16x1xi32>
        %gather3A_311 = vector.shape_cast %broadcast_in_dim3A_310 : vector<16x1xi32> to vector<16xi32>
        %gather3A_312 = tpu.dynamic_gather %select_n3A_300[%gather3A_311] in [0] : vector<16xf32>, vector<16xi32> -> vector<16xf32>
        %ge3A_313 = arith.constant 8 : i32
        %ge3A_314 = vector.broadcast %ge3A_313 : i32 to vector<16xi32>
        %ge3A_315 = arith.cmpi sge, %iota3A_247, %ge3A_314 : vector<16xi32>
        %eq3A_316 = arith.cmpi eq, %gather3A_309, %masked_sort3A_246 : vector<16xi32>
        %and3A_317 = arith.andi %ge3A_315, %eq3A_316 : vector<16xi1>
        %add3A_318 = arith.addf %select_n3A_300, %gather3A_312 : vector<16xf32>
        %select_n3A_319 = arith.select %and3A_317, %add3A_318, %select_n3A_300 : vector<16xi1>, vector<16xf32>
        %add3A_320 = arith.constant 1 : i32
        %add3A_321 = vector.broadcast %add3A_320 : i32 to vector<16xi32>
        %add3A_322 = arith.addi %iota3A_247, %add3A_321 : vector<16xi32>
        %min3A = arith.constant 15 : i32
        %min3A_323 = vector.broadcast %min3A : i32 to vector<16xi32>
        %min3A_324 = arith.minsi %add3A_322, %min3A_323 : vector<16xi32>
        %broadcast_in_dim3A_325 = vector.shape_cast %min3A_324 : vector<16xi32> to vector<16x1xi32>
        %gather3A_326 = vector.shape_cast %broadcast_in_dim3A_325 : vector<16x1xi32> to vector<16xi32>
        %gather3A_327 = tpu.dynamic_gather %masked_sort3A_246[%gather3A_326] in [0] : vector<16xi32>, vector<16xi32> -> vector<16xi32>
        %ne3A = arith.cmpi ne, %gather3A_327, %masked_sort3A_246 : vector<16xi32>
        %eq3A_328 = arith.constant 15 : i32
        %eq3A_329 = vector.broadcast %eq3A_328 : i32 to vector<16xi32>
        %eq3A_330 = arith.cmpi eq, %iota3A_247, %eq3A_329 : vector<16xi32>
        %or3A = arith.ori %ne3A, %eq3A_330 : vector<16xi1>
        %shift_right_logical3A = arith.constant 7 : i32
        %shift_right_logical3A_331 = vector.broadcast %shift_right_logical3A : i32 to vector<16xi32>
        %shift_right_logical3A_332 = arith.shrui %masked_sort3A_246, %shift_right_logical3A_331 : vector<16xi32>
        %and3A_333 = arith.constant 127 : i32
        %and3A_334 = vector.broadcast %and3A_333 : i32 to vector<16xi32>
        %and3A_335 = arith.andi %masked_sort3A_246, %and3A_334 : vector<16xi32>
        %gather3A_336 = tpu.vector_load_idx %arg11[%shift_right_logical3A_332, %and3A_335] : memref<80x128xf32, #tpu.memory_space<vmem>>[vector<16xi32>, vector<16xi32>], vector<16xf32>,
        %add3A_337 = arith.addf %gather3A_336, %select_n3A_319 : vector<16xf32>
        tpu.vector_store_idx %arg11[%shift_right_logical3A_332, %and3A_335], %add3A_337 masked %or3A : memref<80x128xf32, #tpu.memory_space<vmem>>[vector<16xi32>, vector<16xi32>], vector<16xf32>, vector<16xi1>
      }
      %scan3A_224 = arith.constant 125 : i32
    }
    %scan3A_58 = arith.constant 10 : i32
    %iota3A = tpu.iota {dimensions = array<i32: 0>} : vector<16xi32>
    %add3A_59 = arith.constant 0 : i32
    %add3A_60 = vector.broadcast %add3A_59 : i32 to vector<16xi32>
    %add3A_61 = arith.addi %iota3A, %add3A_60 : vector<16xi32>
    %swap3A = arith.constant 0 : index
    %swap3A_62 = tpu.vector_load %arg19[%swap3A] {strides = array<i32>} : memref<80xi32, #tpu.memory_space<vmem>>, vector<16xi32>,
    tpu.vector_store %arg19[%swap3A], %add3A_61 {strides = array<i32>} : memref<80xi32, #tpu.memory_space<vmem>>, vector<16xi32>,
    %iota3A_63 = tpu.iota {dimensions = array<i32: 0>} : vector<16xi32>
    %add3A_64 = arith.constant 16 : i32
    %add3A_65 = vector.broadcast %add3A_64 : i32 to vector<16xi32>
    %add3A_66 = arith.addi %iota3A_63, %add3A_65 : vector<16xi32>
    %swap3A_67 = arith.constant 16 : index
    %swap3A_68 = tpu.vector_load %arg19[%swap3A_67] {strides = array<i32>} : memref<80xi32, #tpu.memory_space<vmem>>, vector<16xi32>,
    tpu.vector_store %arg19[%swap3A_67], %add3A_66 {strides = array<i32>} : memref<80xi32, #tpu.memory_space<vmem>>, vector<16xi32>,
    %iota3A_69 = tpu.iota {dimensions = array<i32: 0>} : vector<16xi32>
    %add3A_70 = arith.constant 32 : i32
    %add3A_71 = vector.broadcast %add3A_70 : i32 to vector<16xi32>
    %add3A_72 = arith.addi %iota3A_69, %add3A_71 : vector<16xi32>
    %swap3A_73 = arith.constant 32 : index
    %swap3A_74 = tpu.vector_load %arg19[%swap3A_73] {strides = array<i32>} : memref<80xi32, #tpu.memory_space<vmem>>, vector<16xi32>,
    tpu.vector_store %arg19[%swap3A_73], %add3A_72 {strides = array<i32>} : memref<80xi32, #tpu.memory_space<vmem>>, vector<16xi32>,
    %iota3A_75 = tpu.iota {dimensions = array<i32: 0>} : vector<16xi32>
    %add3A_76 = arith.constant 48 : i32
    %add3A_77 = vector.broadcast %add3A_76 : i32 to vector<16xi32>
    %add3A_78 = arith.addi %iota3A_75, %add3A_77 : vector<16xi32>
    %swap3A_79 = arith.constant 48 : index
    %swap3A_80 = tpu.vector_load %arg19[%swap3A_79] {strides = array<i32>} : memref<80xi32, #tpu.memory_space<vmem>>, vector<16xi32>,
    tpu.vector_store %arg19[%swap3A_79], %add3A_78 {strides = array<i32>} : memref<80xi32, #tpu.memory_space<vmem>>, vector<16xi32>,
    %iota3A_81 = tpu.iota {dimensions = array<i32: 0>} : vector<16xi32>
    %add3A_82 = arith.constant 64 : i32
    %add3A_83 = vector.broadcast %add3A_82 : i32 to vector<16xi32>
    %add3A_84 = arith.addi %iota3A_81, %add3A_83 : vector<16xi32>
    %swap3A_85 = arith.constant 64 : index
    %swap3A_86 = tpu.vector_load %arg19[%swap3A_85] {strides = array<i32>} : memref<80xi32, #tpu.memory_space<vmem>>, vector<16xi32>,
    tpu.vector_store %arg19[%swap3A_85], %add3A_84 {strides = array<i32>} : memref<80xi32, #tpu.memory_space<vmem>>, vector<16xi32>,
    "tpu.region"() ({
      %run_scoped3A = tpu.sem_alloc : memref<!tpu.dma_semaphore, #tpu.memory_space<semaphore_mem>>
      %dma_start3A = arith.constant 0 : i32
      %dma_start3A_213 = arith.constant 0 : i32
      %dma_start3A_214 = tpu.memref_slice %arg20[%dma_start3A, %dma_start3A_213] : memref<80x128xf32, #tpu.memory_space<vmem_shared>> -> memref<80x128xf32, #tpu.memory_space<vmem_shared>>
      tpu.enqueue_indirect_dma source(%arg11 : memref<80x128xf32, #tpu.memory_space<vmem>>) target(%dma_start3A_214 : memref<80x128xf32, #tpu.memory_space<vmem_shared>>) offsets(%arg19 : memref<80xi32, #tpu.memory_space<vmem>>) semaphore(%run_scoped3A : memref<!tpu.dma_semaphore, #tpu.memory_space<semaphore_mem>>) {add = true}
      %dma_wait3A = arith.constant 0 : i32
      %dma_wait3A_215 = arith.constant 0 : i32
      %dma_wait3A_216 = tpu.memref_slice %arg20[%dma_wait3A, %dma_wait3A_215] : memref<80x128xf32, #tpu.memory_space<vmem_shared>> -> memref<80x128xf32, #tpu.memory_space<vmem_shared>>
      tpu.wait_indirect_dma semaphore(%run_scoped3A : memref<!tpu.dma_semaphore, #tpu.memory_space<semaphore_mem>>) src(%arg11 : memref<80x128xf32, #tpu.memory_space<vmem>>) dst(%dma_wait3A_216 : memref<80x128xf32, #tpu.memory_space<vmem_shared>>)
      tpu.yield
    }) : () -> ()
    %barrier3A_87 = arith.constant 0 : index
    tpu.barrier barrier_id(%barrier3A_87)
    "tpu.region"() ({
      %run_scoped3A = tpu.sem_alloc : memref<!tpu.dma_semaphore, #tpu.memory_space<semaphore_mem>>
      tpu.enqueue_dma source(%arg20 : memref<80x128xf32, #tpu.memory_space<vmem_shared>>) target(%arg11 : memref<80x128xf32, #tpu.memory_space<vmem>>) target_semaphore(%run_scoped3A : memref<!tpu.dma_semaphore, #tpu.memory_space<semaphore_mem>>)
      tpu.wait_dma2 semaphore(%run_scoped3A : memref<!tpu.dma_semaphore, #tpu.memory_space<semaphore_mem>>) src(%arg20 : memref<80x128xf32, #tpu.memory_space<vmem_shared>>) dst(%arg11 : memref<80x128xf32, #tpu.memory_space<vmem>>)
      tpu.yield
    }) : () -> ()
    %scan3A_88 = arith.constant 0 : i32
    %scan3A_89 = arith.constant 10 : i32
    %scan3A_90 = arith.addi %scan3A_88, %scan3A_89 : i32
    %scan3A_91 = arith.constant 1 : i32
    scf.for %scan3A_213 = %scan3A_88 to %scan3A_90 step %scan3A_91  : i32 {
      %mul3A_214 = arith.constant 2000 : i32
      %mul3A_215 = arith.muli %scan3A_213, %mul3A_214 : i32
      %add3A_216 = arith.addi %add3A_6, %mul3A_215 : i32
      "tpu.region"() ({
        %run_scoped3A = tpu.sem_alloc : memref<!tpu.dma_semaphore, #tpu.memory_space<semaphore_mem>>
        %dma_start3A = tpu.memref_slice %arg5[%add3A_216] : memref<1280000xi32, #tpu.memory_space<hbm>> -> memref<2000xi32, #tpu.memory_space<hbm>>
        %dma_start3A_228 = tpu.memref_slice %arg5[%add3A_216] : memref<1280000xi32, #tpu.memory_space<hbm>> -> memref<2000xi32, #tpu.memory_space<hbm>>
        tpu.enqueue_dma source(%dma_start3A_228 : memref<2000xi32, #tpu.memory_space<hbm>>) target(%arg12 : memref<2000xi32, #tpu.memory_space<vmem>>) target_semaphore(%run_scoped3A : memref<!tpu.dma_semaphore, #tpu.memory_space<semaphore_mem>>)
        %dma_wait3A = tpu.memref_slice %arg5[%add3A_216] : memref<1280000xi32, #tpu.memory_space<hbm>> -> memref<2000xi32, #tpu.memory_space<hbm>>
        %dma_wait3A_229 = tpu.memref_slice %arg5[%add3A_216] : memref<1280000xi32, #tpu.memory_space<hbm>> -> memref<2000xi32, #tpu.memory_space<hbm>>
        tpu.wait_dma2 semaphore(%run_scoped3A : memref<!tpu.dma_semaphore, #tpu.memory_space<semaphore_mem>>) src(%dma_wait3A_229 : memref<2000xi32, #tpu.memory_space<hbm>>) dst(%arg12 : memref<2000xi32, #tpu.memory_space<vmem>>)
        tpu.yield
      }) : () -> ()
      %mul3A_217 = arith.constant 2000 : i32
      %mul3A_218 = arith.muli %scan3A_213, %mul3A_217 : i32
      %add3A_219 = arith.addi %add3A_6, %mul3A_218 : i32
      "tpu.region"() ({
        %run_scoped3A = tpu.sem_alloc : memref<!tpu.dma_semaphore, #tpu.memory_space<semaphore_mem>>
        %dma_start3A = tpu.memref_slice %arg6[%add3A_219] : memref<1280000xi32, #tpu.memory_space<hbm>> -> memref<2000xi32, #tpu.memory_space<hbm>>
        %dma_start3A_228 = tpu.memref_slice %arg6[%add3A_219] : memref<1280000xi32, #tpu.memory_space<hbm>> -> memref<2000xi32, #tpu.memory_space<hbm>>
        tpu.enqueue_dma source(%dma_start3A_228 : memref<2000xi32, #tpu.memory_space<hbm>>) target(%arg13 : memref<2000xi32, #tpu.memory_space<vmem>>) target_semaphore(%run_scoped3A : memref<!tpu.dma_semaphore, #tpu.memory_space<semaphore_mem>>)
        %dma_wait3A = tpu.memref_slice %arg6[%add3A_219] : memref<1280000xi32, #tpu.memory_space<hbm>> -> memref<2000xi32, #tpu.memory_space<hbm>>
        %dma_wait3A_229 = tpu.memref_slice %arg6[%add3A_219] : memref<1280000xi32, #tpu.memory_space<hbm>> -> memref<2000xi32, #tpu.memory_space<hbm>>
        tpu.wait_dma2 semaphore(%run_scoped3A : memref<!tpu.dma_semaphore, #tpu.memory_space<semaphore_mem>>) src(%dma_wait3A_229 : memref<2000xi32, #tpu.memory_space<hbm>>) dst(%arg13 : memref<2000xi32, #tpu.memory_space<vmem>>)
        tpu.yield
      }) : () -> ()
      %mul3A_220 = arith.constant 2000 : i32
      %mul3A_221 = arith.muli %scan3A_213, %mul3A_220 : i32
      %add3A_222 = arith.addi %add3A_6, %mul3A_221 : i32
      "tpu.region"() ({
        %run_scoped3A = tpu.sem_alloc : memref<!tpu.dma_semaphore, #tpu.memory_space<semaphore_mem>>
        %dma_start3A = tpu.memref_slice %arg7[%add3A_222] : memref<1280000xf32, #tpu.memory_space<hbm>> -> memref<2000xf32, #tpu.memory_space<hbm>>
        %dma_start3A_228 = tpu.memref_slice %arg7[%add3A_222] : memref<1280000xf32, #tpu.memory_space<hbm>> -> memref<2000xf32, #tpu.memory_space<hbm>>
        tpu.enqueue_dma source(%dma_start3A_228 : memref<2000xf32, #tpu.memory_space<hbm>>) target(%arg14 : memref<2000xf32, #tpu.memory_space<vmem>>) target_semaphore(%run_scoped3A : memref<!tpu.dma_semaphore, #tpu.memory_space<semaphore_mem>>)
        %dma_wait3A = tpu.memref_slice %arg7[%add3A_222] : memref<1280000xf32, #tpu.memory_space<hbm>> -> memref<2000xf32, #tpu.memory_space<hbm>>
        %dma_wait3A_229 = tpu.memref_slice %arg7[%add3A_222] : memref<1280000xf32, #tpu.memory_space<hbm>> -> memref<2000xf32, #tpu.memory_space<hbm>>
        tpu.wait_dma2 semaphore(%run_scoped3A : memref<!tpu.dma_semaphore, #tpu.memory_space<semaphore_mem>>) src(%dma_wait3A_229 : memref<2000xf32, #tpu.memory_space<hbm>>) dst(%arg14 : memref<2000xf32, #tpu.memory_space<vmem>>)
        tpu.yield
      }) : () -> ()
      %scan3A_223 = arith.constant 0 : i32
      %scan3A_224 = arith.constant 25 : i32
      %scan3A_225 = arith.addi %scan3A_223, %scan3A_224 : i32
      %scan3A_226 = arith.constant 1 : i32
      scf.for %scan3A_228 = %scan3A_223 to %scan3A_225 step %scan3A_226  : i32 {
        %mul3A_229 = arith.constant 80 : i32
        %mul3A_230 = arith.muli %scan3A_228, %mul3A_229 : i32
        %add3A_231 = arith.constant 0 : i32
        %add3A_232 = arith.addi %mul3A_230, %add3A_231 : i32
        %get3A = arith.index_cast %add3A_232 : i32 to index
        %get3A_233 = tpu.vector_load %arg12[%get3A] {strides = array<i32>} : memref<2000xi32, #tpu.memory_space<vmem>>, vector<16xi32>,
        %mul3A_234 = arith.constant 10000 : i32
        %mul3A_235 = arith.muli %add3A_1, %mul3A_234 : i32
        %add3A_236 = vector.broadcast %mul3A_235 : i32 to vector<16xi32>
        %add3A_237 = arith.addi %get3A_233, %add3A_236 : vector<16xi32>
        %swap3A_238 = arith.constant 0 : index
        %swap3A_239 = tpu.vector_load %arg16[%swap3A_238] {strides = array<i32>} : memref<80xi32, #tpu.memory_space<vmem>>, vector<16xi32>,
        tpu.vector_store %arg16[%swap3A_238], %add3A_237 {strides = array<i32>} : memref<80xi32, #tpu.memory_space<vmem>>, vector<16xi32>,
        %get3A_240 = arith.index_cast %add3A_232 : i32 to index
        %get3A_241 = tpu.vector_load %arg13[%get3A_240] {strides = array<i32>} : memref<2000xi32, #tpu.memory_space<vmem>>, vector<16xi32>,
        %swap3A_242 = arith.constant 0 : index
        %swap3A_243 = tpu.vector_load %arg17[%swap3A_242] {strides = array<i32>} : memref<80xi32, #tpu.memory_space<vmem>>, vector<16xi32>,
        tpu.vector_store %arg17[%swap3A_242], %get3A_241 {strides = array<i32>} : memref<80xi32, #tpu.memory_space<vmem>>, vector<16xi32>,
        %mul3A_244 = arith.constant 80 : i32
        %mul3A_245 = arith.muli %scan3A_228, %mul3A_244 : i32
        %add3A_246 = arith.constant 16 : i32
        %add3A_247 = arith.addi %mul3A_245, %add3A_246 : i32
        %get3A_248 = arith.index_cast %add3A_247 : i32 to index
        %get3A_249 = tpu.vector_load %arg12[%get3A_248] {strides = array<i32>} : memref<2000xi32, #tpu.memory_space<vmem>>, vector<16xi32>,
        %mul3A_250 = arith.constant 10000 : i32
        %mul3A_251 = arith.muli %add3A_1, %mul3A_250 : i32
        %add3A_252 = vector.broadcast %mul3A_251 : i32 to vector<16xi32>
        %add3A_253 = arith.addi %get3A_249, %add3A_252 : vector<16xi32>
        %swap3A_254 = arith.constant 16 : index
        %swap3A_255 = tpu.vector_load %arg16[%swap3A_254] {strides = array<i32>} : memref<80xi32, #tpu.memory_space<vmem>>, vector<16xi32>,
        tpu.vector_store %arg16[%swap3A_254], %add3A_253 {strides = array<i32>} : memref<80xi32, #tpu.memory_space<vmem>>, vector<16xi32>,
        %get3A_256 = arith.index_cast %add3A_247 : i32 to index
        %get3A_257 = tpu.vector_load %arg13[%get3A_256] {strides = array<i32>} : memref<2000xi32, #tpu.memory_space<vmem>>, vector<16xi32>,
        %swap3A_258 = arith.constant 16 : index
        %swap3A_259 = tpu.vector_load %arg17[%swap3A_258] {strides = array<i32>} : memref<80xi32, #tpu.memory_space<vmem>>, vector<16xi32>,
        tpu.vector_store %arg17[%swap3A_258], %get3A_257 {strides = array<i32>} : memref<80xi32, #tpu.memory_space<vmem>>, vector<16xi32>,
        %mul3A_260 = arith.constant 80 : i32
        %mul3A_261 = arith.muli %scan3A_228, %mul3A_260 : i32
        %add3A_262 = arith.constant 32 : i32
        %add3A_263 = arith.addi %mul3A_261, %add3A_262 : i32
        %get3A_264 = arith.index_cast %add3A_263 : i32 to index
        %get3A_265 = tpu.vector_load %arg12[%get3A_264] {strides = array<i32>} : memref<2000xi32, #tpu.memory_space<vmem>>, vector<16xi32>,
        %mul3A_266 = arith.constant 10000 : i32
        %mul3A_267 = arith.muli %add3A_1, %mul3A_266 : i32
        %add3A_268 = vector.broadcast %mul3A_267 : i32 to vector<16xi32>
        %add3A_269 = arith.addi %get3A_265, %add3A_268 : vector<16xi32>
        %swap3A_270 = arith.constant 32 : index
        %swap3A_271 = tpu.vector_load %arg16[%swap3A_270] {strides = array<i32>} : memref<80xi32, #tpu.memory_space<vmem>>, vector<16xi32>,
        tpu.vector_store %arg16[%swap3A_270], %add3A_269 {strides = array<i32>} : memref<80xi32, #tpu.memory_space<vmem>>, vector<16xi32>,
        %get3A_272 = arith.index_cast %add3A_263 : i32 to index
        %get3A_273 = tpu.vector_load %arg13[%get3A_272] {strides = array<i32>} : memref<2000xi32, #tpu.memory_space<vmem>>, vector<16xi32>,
        %swap3A_274 = arith.constant 32 : index
        %swap3A_275 = tpu.vector_load %arg17[%swap3A_274] {strides = array<i32>} : memref<80xi32, #tpu.memory_space<vmem>>, vector<16xi32>,
        tpu.vector_store %arg17[%swap3A_274], %get3A_273 {strides = array<i32>} : memref<80xi32, #tpu.memory_space<vmem>>, vector<16xi32>,
        %mul3A_276 = arith.constant 80 : i32
        %mul3A_277 = arith.muli %scan3A_228, %mul3A_276 : i32
        %add3A_278 = arith.constant 48 : i32
        %add3A_279 = arith.addi %mul3A_277, %add3A_278 : i32
        %get3A_280 = arith.index_cast %add3A_279 : i32 to index
        %get3A_281 = tpu.vector_load %arg12[%get3A_280] {strides = array<i32>} : memref<2000xi32, #tpu.memory_space<vmem>>, vector<16xi32>,
        %mul3A_282 = arith.constant 10000 : i32
        %mul3A_283 = arith.muli %add3A_1, %mul3A_282 : i32
        %add3A_284 = vector.broadcast %mul3A_283 : i32 to vector<16xi32>
        %add3A_285 = arith.addi %get3A_281, %add3A_284 : vector<16xi32>
        %swap3A_286 = arith.constant 48 : index
        %swap3A_287 = tpu.vector_load %arg16[%swap3A_286] {strides = array<i32>} : memref<80xi32, #tpu.memory_space<vmem>>, vector<16xi32>,
        tpu.vector_store %arg16[%swap3A_286], %add3A_285 {strides = array<i32>} : memref<80xi32, #tpu.memory_space<vmem>>, vector<16xi32>,
        %get3A_288 = arith.index_cast %add3A_279 : i32 to index
        %get3A_289 = tpu.vector_load %arg13[%get3A_288] {strides = array<i32>} : memref<2000xi32, #tpu.memory_space<vmem>>, vector<16xi32>,
        %swap3A_290 = arith.constant 48 : index
        %swap3A_291 = tpu.vector_load %arg17[%swap3A_290] {strides = array<i32>} : memref<80xi32, #tpu.memory_space<vmem>>, vector<16xi32>,
        tpu.vector_store %arg17[%swap3A_290], %get3A_289 {strides = array<i32>} : memref<80xi32, #tpu.memory_space<vmem>>, vector<16xi32>,
        %mul3A_292 = arith.constant 80 : i32
        %mul3A_293 = arith.muli %scan3A_228, %mul3A_292 : i32
        %add3A_294 = arith.constant 64 : i32
        %add3A_295 = arith.addi %mul3A_293, %add3A_294 : i32
        %get3A_296 = arith.index_cast %add3A_295 : i32 to index
        %get3A_297 = tpu.vector_load %arg12[%get3A_296] {strides = array<i32>} : memref<2000xi32, #tpu.memory_space<vmem>>, vector<16xi32>,
        %mul3A_298 = arith.constant 10000 : i32
        %mul3A_299 = arith.muli %add3A_1, %mul3A_298 : i32
        %add3A_300 = vector.broadcast %mul3A_299 : i32 to vector<16xi32>
        %add3A_301 = arith.addi %get3A_297, %add3A_300 : vector<16xi32>
        %swap3A_302 = arith.constant 64 : index
        %swap3A_303 = tpu.vector_load %arg16[%swap3A_302] {strides = array<i32>} : memref<80xi32, #tpu.memory_space<vmem>>, vector<16xi32>,
        tpu.vector_store %arg16[%swap3A_302], %add3A_301 {strides = array<i32>} : memref<80xi32, #tpu.memory_space<vmem>>, vector<16xi32>,
        %get3A_304 = arith.index_cast %add3A_295 : i32 to index
        %get3A_305 = tpu.vector_load %arg13[%get3A_304] {strides = array<i32>} : memref<2000xi32, #tpu.memory_space<vmem>>, vector<16xi32>,
        %swap3A_306 = arith.constant 64 : index
        %swap3A_307 = tpu.vector_load %arg17[%swap3A_306] {strides = array<i32>} : memref<80xi32, #tpu.memory_space<vmem>>, vector<16xi32>,
        tpu.vector_store %arg17[%swap3A_306], %get3A_305 {strides = array<i32>} : memref<80xi32, #tpu.memory_space<vmem>>, vector<16xi32>,
        "tpu.region"() ({
          %run_scoped3A = tpu.sem_alloc : memref<!tpu.dma_semaphore, #tpu.memory_space<semaphore_mem>>
          %dma_start3A = arith.constant 0 : i32
          %dma_start3A_480 = arith.constant 0 : i32
          %dma_start3A_481 = tpu.memref_slice %arg2[%dma_start3A, %dma_start3A_480] : memref<40000x128xf32, #tpu.memory_space<hbm>> -> memref<40000x128xf32, #tpu.memory_space<hbm>>
          tpu.enqueue_indirect_dma source(%dma_start3A_481 : memref<40000x128xf32, #tpu.memory_space<hbm>>) target(%arg15 : memref<80x128xf32, #tpu.memory_space<vmem>>) offsets(%arg16 : memref<80xi32, #tpu.memory_space<vmem>>) semaphore(%run_scoped3A : memref<!tpu.dma_semaphore, #tpu.memory_space<semaphore_mem>>)
          %dma_wait3A = arith.constant 0 : i32
          %dma_wait3A_482 = arith.constant 0 : i32
          %dma_wait3A_483 = tpu.memref_slice %arg2[%dma_wait3A, %dma_wait3A_482] : memref<40000x128xf32, #tpu.memory_space<hbm>> -> memref<40000x128xf32, #tpu.memory_space<hbm>>
          tpu.wait_indirect_dma semaphore(%run_scoped3A : memref<!tpu.dma_semaphore, #tpu.memory_space<semaphore_mem>>) src(%dma_wait3A_483 : memref<40000x128xf32, #tpu.memory_space<hbm>>) dst(%arg15 : memref<80x128xf32, #tpu.memory_space<vmem>>)
          tpu.yield
        }) : () -> ()
        %mul3A_308 = arith.constant 80 : i32
        %mul3A_309 = arith.muli %scan3A_228, %mul3A_308 : i32
        %add3A_310 = arith.constant 0 : i32
        %add3A_311 = arith.addi %mul3A_309, %add3A_310 : i32
        %get3A_312 = arith.index_cast %add3A_311 : i32 to index
        %get3A_313 = tpu.vector_load %arg12[%get3A_312] {strides = array<i32>} : memref<2000xi32, #tpu.memory_space<vmem>>, vector<16xi32>,
        %get3A_314 = arith.index_cast %add3A_311 : i32 to index
        %get3A_315 = tpu.vector_load %arg13[%get3A_314] {strides = array<i32>} : memref<2000xi32, #tpu.memory_space<vmem>>, vector<16xi32>,
        %gather3A = tpu.vector_load_idx %arg9[%get3A_313] : memref<10240xf32, #tpu.memory_space<vmem>>[vector<16xi32>], vector<16xf32>,
        %gather3A_316 = tpu.vector_load_idx %arg10[%get3A_315] : memref<10240xf32, #tpu.memory_space<vmem>>[vector<16xi32>], vector<16xf32>,
        %add3A_317 = arith.addf %gather3A, %gather3A_316 : vector<16xf32>
        %ge3A = arith.constant 0.000000e+00 : f32
        %ge3A_318 = vector.broadcast %ge3A : f32 to vector<16xf32>
        %ge3A_319 = arith.cmpf oge, %add3A_317, %ge3A_318 : vector<16xf32>
        %mul3A_320 = arith.constant 2.000000e-01 : f32
        %mul3A_321 = vector.broadcast %mul3A_320 : f32 to vector<16xf32>
        %mul3A_322 = arith.mulf %mul3A_321, %add3A_317 : vector<16xf32>
        %select_n3A = arith.select %ge3A_319, %add3A_317, %mul3A_322 : vector<16xi1>, vector<16xf32>
        %exp3A = math.exp %select_n3A : vector<16xf32>
        %shift_right_logical3A = arith.constant 7 : i32
        %shift_right_logical3A_323 = vector.broadcast %shift_right_logical3A : i32 to vector<16xi32>
        %shift_right_logical3A_324 = arith.shrui %get3A_315, %shift_right_logical3A_323 : vector<16xi32>
        %and3A = arith.constant 127 : i32
        %and3A_325 = vector.broadcast %and3A : i32 to vector<16xi32>
        %and3A_326 = arith.andi %get3A_315, %and3A_325 : vector<16xi32>
        %gather3A_327 = tpu.vector_load_idx %arg11[%shift_right_logical3A_324, %and3A_326] : memref<80x128xf32, #tpu.memory_space<vmem>>[vector<16xi32>, vector<16xi32>], vector<16xf32>,
        %get3A_328 = arith.index_cast %add3A_311 : i32 to index
        %get3A_329 = tpu.vector_load %arg14[%get3A_328] {strides = array<i32>} : memref<2000xf32, #tpu.memory_space<vmem>>, vector<16xf32>,
        %max3A = arith.constant 1.000000e-30 : f32
        %max3A_330 = vector.broadcast %max3A : f32 to vector<16xf32>
        %max3A_331 = arith.maximumf %gather3A_327, %max3A_330 : vector<16xf32>
        %div3A = arith.divf %exp3A, %max3A_331 : vector<16xf32>
        %mul3A_332 = arith.mulf %div3A, %get3A_329 : vector<16xf32>
        %swap3A_333 = arith.constant 0 : index
        %swap3A_334 = tpu.vector_load %arg18[%swap3A_333] {strides = array<i32>} : memref<80xf32, #tpu.memory_space<vmem>>, vector<16xf32>,
        tpu.vector_store %arg18[%swap3A_333], %mul3A_332 {strides = array<i32>} : memref<80xf32, #tpu.memory_space<vmem>>, vector<16xf32>,
        %mul3A_335 = arith.constant 80 : i32
        %mul3A_336 = arith.muli %scan3A_228, %mul3A_335 : i32
        %add3A_337 = arith.constant 16 : i32
        %add3A_338 = arith.addi %mul3A_336, %add3A_337 : i32
        %get3A_339 = arith.index_cast %add3A_338 : i32 to index
        %get3A_340 = tpu.vector_load %arg12[%get3A_339] {strides = array<i32>} : memref<2000xi32, #tpu.memory_space<vmem>>, vector<16xi32>,
        %get3A_341 = arith.index_cast %add3A_338 : i32 to index
        %get3A_342 = tpu.vector_load %arg13[%get3A_341] {strides = array<i32>} : memref<2000xi32, #tpu.memory_space<vmem>>, vector<16xi32>,
        %gather3A_343 = tpu.vector_load_idx %arg9[%get3A_340] : memref<10240xf32, #tpu.memory_space<vmem>>[vector<16xi32>], vector<16xf32>,
        %gather3A_344 = tpu.vector_load_idx %arg10[%get3A_342] : memref<10240xf32, #tpu.memory_space<vmem>>[vector<16xi32>], vector<16xf32>,
        %add3A_345 = arith.addf %gather3A_343, %gather3A_344 : vector<16xf32>
        %ge3A_346 = arith.constant 0.000000e+00 : f32
        %ge3A_347 = vector.broadcast %ge3A_346 : f32 to vector<16xf32>
        %ge3A_348 = arith.cmpf oge, %add3A_345, %ge3A_347 : vector<16xf32>
        %mul3A_349 = arith.constant 2.000000e-01 : f32
        %mul3A_350 = vector.broadcast %mul3A_349 : f32 to vector<16xf32>
        %mul3A_351 = arith.mulf %mul3A_350, %add3A_345 : vector<16xf32>
        %select_n3A_352 = arith.select %ge3A_348, %add3A_345, %mul3A_351 : vector<16xi1>, vector<16xf32>
        %exp3A_353 = math.exp %select_n3A_352 : vector<16xf32>
        %shift_right_logical3A_354 = arith.constant 7 : i32
        %shift_right_logical3A_355 = vector.broadcast %shift_right_logical3A_354 : i32 to vector<16xi32>
        %shift_right_logical3A_356 = arith.shrui %get3A_342, %shift_right_logical3A_355 : vector<16xi32>
        %and3A_357 = arith.constant 127 : i32
        %and3A_358 = vector.broadcast %and3A_357 : i32 to vector<16xi32>
        %and3A_359 = arith.andi %get3A_342, %and3A_358 : vector<16xi32>
        %gather3A_360 = tpu.vector_load_idx %arg11[%shift_right_logical3A_356, %and3A_359] : memref<80x128xf32, #tpu.memory_space<vmem>>[vector<16xi32>, vector<16xi32>], vector<16xf32>,
        %get3A_361 = arith.index_cast %add3A_338 : i32 to index
        %get3A_362 = tpu.vector_load %arg14[%get3A_361] {strides = array<i32>} : memref<2000xf32, #tpu.memory_space<vmem>>, vector<16xf32>,
        %max3A_363 = arith.constant 1.000000e-30 : f32
        %max3A_364 = vector.broadcast %max3A_363 : f32 to vector<16xf32>
        %max3A_365 = arith.maximumf %gather3A_360, %max3A_364 : vector<16xf32>
        %div3A_366 = arith.divf %exp3A_353, %max3A_365 : vector<16xf32>
        %mul3A_367 = arith.mulf %div3A_366, %get3A_362 : vector<16xf32>
        %swap3A_368 = arith.constant 16 : index
        %swap3A_369 = tpu.vector_load %arg18[%swap3A_368] {strides = array<i32>} : memref<80xf32, #tpu.memory_space<vmem>>, vector<16xf32>,
        tpu.vector_store %arg18[%swap3A_368], %mul3A_367 {strides = array<i32>} : memref<80xf32, #tpu.memory_space<vmem>>, vector<16xf32>,
        %mul3A_370 = arith.constant 80 : i32
        %mul3A_371 = arith.muli %scan3A_228, %mul3A_370 : i32
        %add3A_372 = arith.constant 32 : i32
        %add3A_373 = arith.addi %mul3A_371, %add3A_372 : i32
        %get3A_374 = arith.index_cast %add3A_373 : i32 to index
        %get3A_375 = tpu.vector_load %arg12[%get3A_374] {strides = array<i32>} : memref<2000xi32, #tpu.memory_space<vmem>>, vector<16xi32>,
        %get3A_376 = arith.index_cast %add3A_373 : i32 to index
        %get3A_377 = tpu.vector_load %arg13[%get3A_376] {strides = array<i32>} : memref<2000xi32, #tpu.memory_space<vmem>>, vector<16xi32>,
        %gather3A_378 = tpu.vector_load_idx %arg9[%get3A_375] : memref<10240xf32, #tpu.memory_space<vmem>>[vector<16xi32>], vector<16xf32>,
        %gather3A_379 = tpu.vector_load_idx %arg10[%get3A_377] : memref<10240xf32, #tpu.memory_space<vmem>>[vector<16xi32>], vector<16xf32>,
        %add3A_380 = arith.addf %gather3A_378, %gather3A_379 : vector<16xf32>
        %ge3A_381 = arith.constant 0.000000e+00 : f32
        %ge3A_382 = vector.broadcast %ge3A_381 : f32 to vector<16xf32>
        %ge3A_383 = arith.cmpf oge, %add3A_380, %ge3A_382 : vector<16xf32>
        %mul3A_384 = arith.constant 2.000000e-01 : f32
        %mul3A_385 = vector.broadcast %mul3A_384 : f32 to vector<16xf32>
        %mul3A_386 = arith.mulf %mul3A_385, %add3A_380 : vector<16xf32>
        %select_n3A_387 = arith.select %ge3A_383, %add3A_380, %mul3A_386 : vector<16xi1>, vector<16xf32>
        %exp3A_388 = math.exp %select_n3A_387 : vector<16xf32>
        %shift_right_logical3A_389 = arith.constant 7 : i32
        %shift_right_logical3A_390 = vector.broadcast %shift_right_logical3A_389 : i32 to vector<16xi32>
        %shift_right_logical3A_391 = arith.shrui %get3A_377, %shift_right_logical3A_390 : vector<16xi32>
        %and3A_392 = arith.constant 127 : i32
        %and3A_393 = vector.broadcast %and3A_392 : i32 to vector<16xi32>
        %and3A_394 = arith.andi %get3A_377, %and3A_393 : vector<16xi32>
        %gather3A_395 = tpu.vector_load_idx %arg11[%shift_right_logical3A_391, %and3A_394] : memref<80x128xf32, #tpu.memory_space<vmem>>[vector<16xi32>, vector<16xi32>], vector<16xf32>,
        %get3A_396 = arith.index_cast %add3A_373 : i32 to index
        %get3A_397 = tpu.vector_load %arg14[%get3A_396] {strides = array<i32>} : memref<2000xf32, #tpu.memory_space<vmem>>, vector<16xf32>,
        %max3A_398 = arith.constant 1.000000e-30 : f32
        %max3A_399 = vector.broadcast %max3A_398 : f32 to vector<16xf32>
        %max3A_400 = arith.maximumf %gather3A_395, %max3A_399 : vector<16xf32>
        %div3A_401 = arith.divf %exp3A_388, %max3A_400 : vector<16xf32>
        %mul3A_402 = arith.mulf %div3A_401, %get3A_397 : vector<16xf32>
        %swap3A_403 = arith.constant 32 : index
        %swap3A_404 = tpu.vector_load %arg18[%swap3A_403] {strides = array<i32>} : memref<80xf32, #tpu.memory_space<vmem>>, vector<16xf32>,
        tpu.vector_store %arg18[%swap3A_403], %mul3A_402 {strides = array<i32>} : memref<80xf32, #tpu.memory_space<vmem>>, vector<16xf32>,
        %mul3A_405 = arith.constant 80 : i32
        %mul3A_406 = arith.muli %scan3A_228, %mul3A_405 : i32
        %add3A_407 = arith.constant 48 : i32
        %add3A_408 = arith.addi %mul3A_406, %add3A_407 : i32
        %get3A_409 = arith.index_cast %add3A_408 : i32 to index
        %get3A_410 = tpu.vector_load %arg12[%get3A_409] {strides = array<i32>} : memref<2000xi32, #tpu.memory_space<vmem>>, vector<16xi32>,
        %get3A_411 = arith.index_cast %add3A_408 : i32 to index
        %get3A_412 = tpu.vector_load %arg13[%get3A_411] {strides = array<i32>} : memref<2000xi32, #tpu.memory_space<vmem>>, vector<16xi32>,
        %gather3A_413 = tpu.vector_load_idx %arg9[%get3A_410] : memref<10240xf32, #tpu.memory_space<vmem>>[vector<16xi32>], vector<16xf32>,
        %gather3A_414 = tpu.vector_load_idx %arg10[%get3A_412] : memref<10240xf32, #tpu.memory_space<vmem>>[vector<16xi32>], vector<16xf32>,
        %add3A_415 = arith.addf %gather3A_413, %gather3A_414 : vector<16xf32>
        %ge3A_416 = arith.constant 0.000000e+00 : f32
        %ge3A_417 = vector.broadcast %ge3A_416 : f32 to vector<16xf32>
        %ge3A_418 = arith.cmpf oge, %add3A_415, %ge3A_417 : vector<16xf32>
        %mul3A_419 = arith.constant 2.000000e-01 : f32
        %mul3A_420 = vector.broadcast %mul3A_419 : f32 to vector<16xf32>
        %mul3A_421 = arith.mulf %mul3A_420, %add3A_415 : vector<16xf32>
        %select_n3A_422 = arith.select %ge3A_418, %add3A_415, %mul3A_421 : vector<16xi1>, vector<16xf32>
        %exp3A_423 = math.exp %select_n3A_422 : vector<16xf32>
        %shift_right_logical3A_424 = arith.constant 7 : i32
        %shift_right_logical3A_425 = vector.broadcast %shift_right_logical3A_424 : i32 to vector<16xi32>
        %shift_right_logical3A_426 = arith.shrui %get3A_412, %shift_right_logical3A_425 : vector<16xi32>
        %and3A_427 = arith.constant 127 : i32
        %and3A_428 = vector.broadcast %and3A_427 : i32 to vector<16xi32>
        %and3A_429 = arith.andi %get3A_412, %and3A_428 : vector<16xi32>
        %gather3A_430 = tpu.vector_load_idx %arg11[%shift_right_logical3A_426, %and3A_429] : memref<80x128xf32, #tpu.memory_space<vmem>>[vector<16xi32>, vector<16xi32>], vector<16xf32>,
        %get3A_431 = arith.index_cast %add3A_408 : i32 to index
        %get3A_432 = tpu.vector_load %arg14[%get3A_431] {strides = array<i32>} : memref<2000xf32, #tpu.memory_space<vmem>>, vector<16xf32>,
        %max3A_433 = arith.constant 1.000000e-30 : f32
        %max3A_434 = vector.broadcast %max3A_433 : f32 to vector<16xf32>
        %max3A_435 = arith.maximumf %gather3A_430, %max3A_434 : vector<16xf32>
        %div3A_436 = arith.divf %exp3A_423, %max3A_435 : vector<16xf32>
        %mul3A_437 = arith.mulf %div3A_436, %get3A_432 : vector<16xf32>
        %swap3A_438 = arith.constant 48 : index
        %swap3A_439 = tpu.vector_load %arg18[%swap3A_438] {strides = array<i32>} : memref<80xf32, #tpu.memory_space<vmem>>, vector<16xf32>,
        tpu.vector_store %arg18[%swap3A_438], %mul3A_437 {strides = array<i32>} : memref<80xf32, #tpu.memory_space<vmem>>, vector<16xf32>,
        %mul3A_440 = arith.constant 80 : i32
        %mul3A_441 = arith.muli %scan3A_228, %mul3A_440 : i32
        %add3A_442 = arith.constant 64 : i32
        %add3A_443 = arith.addi %mul3A_441, %add3A_442 : i32
        %get3A_444 = arith.index_cast %add3A_443 : i32 to index
        %get3A_445 = tpu.vector_load %arg12[%get3A_444] {strides = array<i32>} : memref<2000xi32, #tpu.memory_space<vmem>>, vector<16xi32>,
        %get3A_446 = arith.index_cast %add3A_443 : i32 to index
        %get3A_447 = tpu.vector_load %arg13[%get3A_446] {strides = array<i32>} : memref<2000xi32, #tpu.memory_space<vmem>>, vector<16xi32>,
        %gather3A_448 = tpu.vector_load_idx %arg9[%get3A_445] : memref<10240xf32, #tpu.memory_space<vmem>>[vector<16xi32>], vector<16xf32>,
        %gather3A_449 = tpu.vector_load_idx %arg10[%get3A_447] : memref<10240xf32, #tpu.memory_space<vmem>>[vector<16xi32>], vector<16xf32>,
        %add3A_450 = arith.addf %gather3A_448, %gather3A_449 : vector<16xf32>
        %ge3A_451 = arith.constant 0.000000e+00 : f32
        %ge3A_452 = vector.broadcast %ge3A_451 : f32 to vector<16xf32>
        %ge3A_453 = arith.cmpf oge, %add3A_450, %ge3A_452 : vector<16xf32>
        %mul3A_454 = arith.constant 2.000000e-01 : f32
        %mul3A_455 = vector.broadcast %mul3A_454 : f32 to vector<16xf32>
        %mul3A_456 = arith.mulf %mul3A_455, %add3A_450 : vector<16xf32>
        %select_n3A_457 = arith.select %ge3A_453, %add3A_450, %mul3A_456 : vector<16xi1>, vector<16xf32>
        %exp3A_458 = math.exp %select_n3A_457 : vector<16xf32>
        %shift_right_logical3A_459 = arith.constant 7 : i32
        %shift_right_logical3A_460 = vector.broadcast %shift_right_logical3A_459 : i32 to vector<16xi32>
        %shift_right_logical3A_461 = arith.shrui %get3A_447, %shift_right_logical3A_460 : vector<16xi32>
        %and3A_462 = arith.constant 127 : i32
        %and3A_463 = vector.broadcast %and3A_462 : i32 to vector<16xi32>
        %and3A_464 = arith.andi %get3A_447, %and3A_463 : vector<16xi32>
        %gather3A_465 = tpu.vector_load_idx %arg11[%shift_right_logical3A_461, %and3A_464] : memref<80x128xf32, #tpu.memory_space<vmem>>[vector<16xi32>, vector<16xi32>], vector<16xf32>,
        %get3A_466 = arith.index_cast %add3A_443 : i32 to index
        %get3A_467 = tpu.vector_load %arg14[%get3A_466] {strides = array<i32>} : memref<2000xf32, #tpu.memory_space<vmem>>, vector<16xf32>,
        %max3A_468 = arith.constant 1.000000e-30 : f32
        %max3A_469 = vector.broadcast %max3A_468 : f32 to vector<16xf32>
        %max3A_470 = arith.maximumf %gather3A_465, %max3A_469 : vector<16xf32>
        %div3A_471 = arith.divf %exp3A_458, %max3A_470 : vector<16xf32>
        %mul3A_472 = arith.mulf %div3A_471, %get3A_467 : vector<16xf32>
        %swap3A_473 = arith.constant 64 : index
        %swap3A_474 = tpu.vector_load %arg18[%swap3A_473] {strides = array<i32>} : memref<80xf32, #tpu.memory_space<vmem>>, vector<16xf32>,
        tpu.vector_store %arg18[%swap3A_473], %mul3A_472 {strides = array<i32>} : memref<80xf32, #tpu.memory_space<vmem>>, vector<16xf32>,
        %scan3A_475 = arith.constant 0 : i32
        %scan3A_476 = arith.constant 5 : i32
        %scan3A_477 = arith.addi %scan3A_475, %scan3A_476 : i32
        %scan3A_478 = arith.constant 1 : i32
        scf.for %scan3A_480 = %scan3A_475 to %scan3A_477 step %scan3A_478  : i32 {
          %mul3A_481 = arith.constant 16 : i32
          %mul3A_482 = arith.muli %scan3A_480, %mul3A_481 : i32
          %get3A_483 = arith.index_cast %mul3A_482 : i32 to index
          %get3A_484 = tpu.vector_load %arg18[%get3A_483] {strides = array<i32>} : memref<80xf32, #tpu.memory_space<vmem>>, vector<16xf32>,
          %broadcast_in_dim3A = arith.constant 0 : i32
          %broadcast_in_dim3A_485 = vector.broadcast %broadcast_in_dim3A : i32 to vector<16xi32>
          %broadcast_in_dim3A_486 = vector.shape_cast %broadcast_in_dim3A_485 : vector<16xi32> to vector<16x1xi32>
          %gather3A_487 = vector.shape_cast %broadcast_in_dim3A_486 : vector<16x1xi32> to vector<16xi32>
          %gather3A_488 = tpu.dynamic_gather %get3A_484[%gather3A_487] in [0] : vector<16xf32>, vector<16xi32> -> vector<16xf32>
          %mul3A_489 = arith.constant 16 : i32
          %mul3A_490 = arith.muli %scan3A_480, %mul3A_489 : i32
          %add3A_491 = arith.constant 0 : i32
          %add3A_492 = arith.addi %mul3A_490, %add3A_491 : i32
          %get3A_493 = arith.index_cast %add3A_492 : i32 to index
          %get3A_494 = arith.constant 0 : index
          %get3A_495 = tpu.vector_load %arg15[%get3A_493, %get3A_494] {strides = array<i32>} : memref<80x128xf32, #tpu.memory_space<vmem>>, vector<16xf32>,
          %mul3A_496 = arith.mulf %get3A_495, %gather3A_488 : vector<16xf32>
          %swap3A_497 = arith.index_cast %add3A_492 : i32 to index
          %swap3A_498 = arith.constant 0 : index
          %swap3A_499 = tpu.vector_load %arg15[%swap3A_497, %swap3A_498] {strides = array<i32>} : memref<80x128xf32, #tpu.memory_space<vmem>>, vector<16xf32>,
          tpu.vector_store %arg15[%swap3A_497, %swap3A_498], %mul3A_496 {strides = array<i32>} : memref<80x128xf32, #tpu.memory_space<vmem>>, vector<16xf32>,
          %get3A_500 = arith.index_cast %add3A_492 : i32 to index
          %get3A_501 = arith.constant 16 : index
          %get3A_502 = tpu.vector_load %arg15[%get3A_500, %get3A_501] {strides = array<i32>} : memref<80x128xf32, #tpu.memory_space<vmem>>, vector<16xf32>,
          %mul3A_503 = arith.mulf %get3A_502, %gather3A_488 : vector<16xf32>
          %swap3A_504 = arith.index_cast %add3A_492 : i32 to index
          %swap3A_505 = arith.constant 16 : index
          %swap3A_506 = tpu.vector_load %arg15[%swap3A_504, %swap3A_505] {strides = array<i32>} : memref<80x128xf32, #tpu.memory_space<vmem>>, vector<16xf32>,
          tpu.vector_store %arg15[%swap3A_504, %swap3A_505], %mul3A_503 {strides = array<i32>} : memref<80x128xf32, #tpu.memory_space<vmem>>, vector<16xf32>,
          %get3A_507 = arith.index_cast %add3A_492 : i32 to index
          %get3A_508 = arith.constant 32 : index
          %get3A_509 = tpu.vector_load %arg15[%get3A_507, %get3A_508] {strides = array<i32>} : memref<80x128xf32, #tpu.memory_space<vmem>>, vector<16xf32>,
          %mul3A_510 = arith.mulf %get3A_509, %gather3A_488 : vector<16xf32>
          %swap3A_511 = arith.index_cast %add3A_492 : i32 to index
          %swap3A_512 = arith.constant 32 : index
          %swap3A_513 = tpu.vector_load %arg15[%swap3A_511, %swap3A_512] {strides = array<i32>} : memref<80x128xf32, #tpu.memory_space<vmem>>, vector<16xf32>,
          tpu.vector_store %arg15[%swap3A_511, %swap3A_512], %mul3A_510 {strides = array<i32>} : memref<80x128xf32, #tpu.memory_space<vmem>>, vector<16xf32>,
          %get3A_514 = arith.index_cast %add3A_492 : i32 to index
          %get3A_515 = arith.constant 48 : index
          %get3A_516 = tpu.vector_load %arg15[%get3A_514, %get3A_515] {strides = array<i32>} : memref<80x128xf32, #tpu.memory_space<vmem>>, vector<16xf32>,
          %mul3A_517 = arith.mulf %get3A_516, %gather3A_488 : vector<16xf32>
          %swap3A_518 = arith.index_cast %add3A_492 : i32 to index
          %swap3A_519 = arith.constant 48 : index
          %swap3A_520 = tpu.vector_load %arg15[%swap3A_518, %swap3A_519] {strides = array<i32>} : memref<80x128xf32, #tpu.memory_space<vmem>>, vector<16xf32>,
          tpu.vector_store %arg15[%swap3A_518, %swap3A_519], %mul3A_517 {strides = array<i32>} : memref<80x128xf32, #tpu.memory_space<vmem>>, vector<16xf32>,
          %get3A_521 = arith.index_cast %add3A_492 : i32 to index
          %get3A_522 = arith.constant 64 : index
          %get3A_523 = tpu.vector_load %arg15[%get3A_521, %get3A_522] {strides = array<i32>} : memref<80x128xf32, #tpu.memory_space<vmem>>, vector<16xf32>,
          %mul3A_524 = arith.mulf %get3A_523, %gather3A_488 : vector<16xf32>
          %swap3A_525 = arith.index_cast %add3A_492 : i32 to index
          %swap3A_526 = arith.constant 64 : index
          %swap3A_527 = tpu.vector_load %arg15[%swap3A_525, %swap3A_526] {strides = array<i32>} : memref<80x128xf32, #tpu.memory_space<vmem>>, vector<16xf32>,
          tpu.vector_store %arg15[%swap3A_525, %swap3A_526], %mul3A_524 {strides = array<i32>} : memref<80x128xf32, #tpu.memory_space<vmem>>, vector<16xf32>,
          %get3A_528 = arith.index_cast %add3A_492 : i32 to index
          %get3A_529 = arith.constant 80 : index
          %get3A_530 = tpu.vector_load %arg15[%get3A_528, %get3A_529] {strides = array<i32>} : memref<80x128xf32, #tpu.memory_space<vmem>>, vector<16xf32>,
          %mul3A_531 = arith.mulf %get3A_530, %gather3A_488 : vector<16xf32>
          %swap3A_532 = arith.index_cast %add3A_492 : i32 to index
          %swap3A_533 = arith.constant 80 : index
          %swap3A_534 = tpu.vector_load %arg15[%swap3A_532, %swap3A_533] {strides = array<i32>} : memref<80x128xf32, #tpu.memory_space<vmem>>, vector<16xf32>,
          tpu.vector_store %arg15[%swap3A_532, %swap3A_533], %mul3A_531 {strides = array<i32>} : memref<80x128xf32, #tpu.memory_space<vmem>>, vector<16xf32>,
          %get3A_535 = arith.index_cast %add3A_492 : i32 to index
          %get3A_536 = arith.constant 96 : index
          %get3A_537 = tpu.vector_load %arg15[%get3A_535, %get3A_536] {strides = array<i32>} : memref<80x128xf32, #tpu.memory_space<vmem>>, vector<16xf32>,
          %mul3A_538 = arith.mulf %get3A_537, %gather3A_488 : vector<16xf32>
          %swap3A_539 = arith.index_cast %add3A_492 : i32 to index
          %swap3A_540 = arith.constant 96 : index
          %swap3A_541 = tpu.vector_load %arg15[%swap3A_539, %swap3A_540] {strides = array<i32>} : memref<80x128xf32, #tpu.memory_space<vmem>>, vector<16xf32>,
          tpu.vector_store %arg15[%swap3A_539, %swap3A_540], %mul3A_538 {strides = array<i32>} : memref<80x128xf32, #tpu.memory_space<vmem>>, vector<16xf32>,
          %get3A_542 = arith.index_cast %add3A_492 : i32 to index
          %get3A_543 = arith.constant 112 : index
          %get3A_544 = tpu.vector_load %arg15[%get3A_542, %get3A_543] {strides = array<i32>} : memref<80x128xf32, #tpu.memory_space<vmem>>, vector<16xf32>,
          %mul3A_545 = arith.mulf %get3A_544, %gather3A_488 : vector<16xf32>
          %swap3A_546 = arith.index_cast %add3A_492 : i32 to index
          %swap3A_547 = arith.constant 112 : index
          %swap3A_548 = tpu.vector_load %arg15[%swap3A_546, %swap3A_547] {strides = array<i32>} : memref<80x128xf32, #tpu.memory_space<vmem>>, vector<16xf32>,
          tpu.vector_store %arg15[%swap3A_546, %swap3A_547], %mul3A_545 {strides = array<i32>} : memref<80x128xf32, #tpu.memory_space<vmem>>, vector<16xf32>,
          %broadcast_in_dim3A_549 = arith.constant 1 : i32
          %broadcast_in_dim3A_550 = vector.broadcast %broadcast_in_dim3A_549 : i32 to vector<16xi32>
          %broadcast_in_dim3A_551 = vector.shape_cast %broadcast_in_dim3A_550 : vector<16xi32> to vector<16x1xi32>
          %gather3A_552 = vector.shape_cast %broadcast_in_dim3A_551 : vector<16x1xi32> to vector<16xi32>
          %gather3A_553 = tpu.dynamic_gather %get3A_484[%gather3A_552] in [0] : vector<16xf32>, vector<16xi32> -> vector<16xf32>
          %mul3A_554 = arith.constant 16 : i32
          %mul3A_555 = arith.muli %scan3A_480, %mul3A_554 : i32
          %add3A_556 = arith.constant 1 : i32
          %add3A_557 = arith.addi %mul3A_555, %add3A_556 : i32
          %get3A_558 = arith.index_cast %add3A_557 : i32 to index
          %get3A_559 = arith.constant 0 : index
          %get3A_560 = tpu.vector_load %arg15[%get3A_558, %get3A_559] {strides = array<i32>} : memref<80x128xf32, #tpu.memory_space<vmem>>, vector<16xf32>,
          %mul3A_561 = arith.mulf %get3A_560, %gather3A_553 : vector<16xf32>
          %swap3A_562 = arith.index_cast %add3A_557 : i32 to index
          %swap3A_563 = arith.constant 0 : index
          %swap3A_564 = tpu.vector_load %arg15[%swap3A_562, %swap3A_563] {strides = array<i32>} : memref<80x128xf32, #tpu.memory_space<vmem>>, vector<16xf32>,
          tpu.vector_store %arg15[%swap3A_562, %swap3A_563], %mul3A_561 {strides = array<i32>} : memref<80x128xf32, #tpu.memory_space<vmem>>, vector<16xf32>,
          %get3A_565 = arith.index_cast %add3A_557 : i32 to index
          %get3A_566 = arith.constant 16 : index
          %get3A_567 = tpu.vector_load %arg15[%get3A_565, %get3A_566] {strides = array<i32>} : memref<80x128xf32, #tpu.memory_space<vmem>>, vector<16xf32>,
          %mul3A_568 = arith.mulf %get3A_567, %gather3A_553 : vector<16xf32>
          %swap3A_569 = arith.index_cast %add3A_557 : i32 to index
          %swap3A_570 = arith.constant 16 : index
          %swap3A_571 = tpu.vector_load %arg15[%swap3A_569, %swap3A_570] {strides = array<i32>} : memref<80x128xf32, #tpu.memory_space<vmem>>, vector<16xf32>,
          tpu.vector_store %arg15[%swap3A_569, %swap3A_570], %mul3A_568 {strides = array<i32>} : memref<80x128xf32, #tpu.memory_space<vmem>>, vector<16xf32>,
          %get3A_572 = arith.index_cast %add3A_557 : i32 to index
          %get3A_573 = arith.constant 32 : index
          %get3A_574 = tpu.vector_load %arg15[%get3A_572, %get3A_573] {strides = array<i32>} : memref<80x128xf32, #tpu.memory_space<vmem>>, vector<16xf32>,
          %mul3A_575 = arith.mulf %get3A_574, %gather3A_553 : vector<16xf32>
          %swap3A_576 = arith.index_cast %add3A_557 : i32 to index
          %swap3A_577 = arith.constant 32 : index
          %swap3A_578 = tpu.vector_load %arg15[%swap3A_576, %swap3A_577] {strides = array<i32>} : memref<80x128xf32, #tpu.memory_space<vmem>>, vector<16xf32>,
          tpu.vector_store %arg15[%swap3A_576, %swap3A_577], %mul3A_575 {strides = array<i32>} : memref<80x128xf32, #tpu.memory_space<vmem>>, vector<16xf32>,
          %get3A_579 = arith.index_cast %add3A_557 : i32 to index
          %get3A_580 = arith.constant 48 : index
          %get3A_581 = tpu.vector_load %arg15[%get3A_579, %get3A_580] {strides = array<i32>} : memref<80x128xf32, #tpu.memory_space<vmem>>, vector<16xf32>,
          %mul3A_582 = arith.mulf %get3A_581, %gather3A_553 : vector<16xf32>
          %swap3A_583 = arith.index_cast %add3A_557 : i32 to index
          %swap3A_584 = arith.constant 48 : index
          %swap3A_585 = tpu.vector_load %arg15[%swap3A_583, %swap3A_584] {strides = array<i32>} : memref<80x128xf32, #tpu.memory_space<vmem>>, vector<16xf32>,
          tpu.vector_store %arg15[%swap3A_583, %swap3A_584], %mul3A_582 {strides = array<i32>} : memref<80x128xf32, #tpu.memory_space<vmem>>, vector<16xf32>,
          %get3A_586 = arith.index_cast %add3A_557 : i32 to index
          %get3A_587 = arith.constant 64 : index
          %get3A_588 = tpu.vector_load %arg15[%get3A_586, %get3A_587] {strides = array<i32>} : memref<80x128xf32, #tpu.memory_space<vmem>>, vector<16xf32>,
          %mul3A_589 = arith.mulf %get3A_588, %gather3A_553 : vector<16xf32>
          %swap3A_590 = arith.index_cast %add3A_557 : i32 to index
          %swap3A_591 = arith.constant 64 : index
          %swap3A_592 = tpu.vector_load %arg15[%swap3A_590, %swap3A_591] {strides = array<i32>} : memref<80x128xf32, #tpu.memory_space<vmem>>, vector<16xf32>,
          tpu.vector_store %arg15[%swap3A_590, %swap3A_591], %mul3A_589 {strides = array<i32>} : memref<80x128xf32, #tpu.memory_space<vmem>>, vector<16xf32>,
          %get3A_593 = arith.index_cast %add3A_557 : i32 to index
          %get3A_594 = arith.constant 80 : index
          %get3A_595 = tpu.vector_load %arg15[%get3A_593, %get3A_594] {strides = array<i32>} : memref<80x128xf32, #tpu.memory_space<vmem>>, vector<16xf32>,
          %mul3A_596 = arith.mulf %get3A_595, %gather3A_553 : vector<16xf32>
          %swap3A_597 = arith.index_cast %add3A_557 : i32 to index
          %swap3A_598 = arith.constant 80 : index
          %swap3A_599 = tpu.vector_load %arg15[%swap3A_597, %swap3A_598] {strides = array<i32>} : memref<80x128xf32, #tpu.memory_space<vmem>>, vector<16xf32>,
          tpu.vector_store %arg15[%swap3A_597, %swap3A_598], %mul3A_596 {strides = array<i32>} : memref<80x128xf32, #tpu.memory_space<vmem>>, vector<16xf32>,
          %get3A_600 = arith.index_cast %add3A_557 : i32 to index
          %get3A_601 = arith.constant 96 : index
          %get3A_602 = tpu.vector_load %arg15[%get3A_600, %get3A_601] {strides = array<i32>} : memref<80x128xf32, #tpu.memory_space<vmem>>, vector<16xf32>,
          %mul3A_603 = arith.mulf %get3A_602, %gather3A_553 : vector<16xf32>
          %swap3A_604 = arith.index_cast %add3A_557 : i32 to index
          %swap3A_605 = arith.constant 96 : index
          %swap3A_606 = tpu.vector_load %arg15[%swap3A_604, %swap3A_605] {strides = array<i32>} : memref<80x128xf32, #tpu.memory_space<vmem>>, vector<16xf32>,
          tpu.vector_store %arg15[%swap3A_604, %swap3A_605], %mul3A_603 {strides = array<i32>} : memref<80x128xf32, #tpu.memory_space<vmem>>, vector<16xf32>,
          %get3A_607 = arith.index_cast %add3A_557 : i32 to index
          %get3A_608 = arith.constant 112 : index
          %get3A_609 = tpu.vector_load %arg15[%get3A_607, %get3A_608] {strides = array<i32>} : memref<80x128xf32, #tpu.memory_space<vmem>>, vector<16xf32>,
          %mul3A_610 = arith.mulf %get3A_609, %gather3A_553 : vector<16xf32>
          %swap3A_611 = arith.index_cast %add3A_557 : i32 to index
          %swap3A_612 = arith.constant 112 : index
          %swap3A_613 = tpu.vector_load %arg15[%swap3A_611, %swap3A_612] {strides = array<i32>} : memref<80x128xf32, #tpu.memory_space<vmem>>, vector<16xf32>,
          tpu.vector_store %arg15[%swap3A_611, %swap3A_612], %mul3A_610 {strides = array<i32>} : memref<80x128xf32, #tpu.memory_space<vmem>>, vector<16xf32>,
          %broadcast_in_dim3A_614 = arith.constant 2 : i32
          %broadcast_in_dim3A_615 = vector.broadcast %broadcast_in_dim3A_614 : i32 to vector<16xi32>
          %broadcast_in_dim3A_616 = vector.shape_cast %broadcast_in_dim3A_615 : vector<16xi32> to vector<16x1xi32>
          %gather3A_617 = vector.shape_cast %broadcast_in_dim3A_616 : vector<16x1xi32> to vector<16xi32>
          %gather3A_618 = tpu.dynamic_gather %get3A_484[%gather3A_617] in [0] : vector<16xf32>, vector<16xi32> -> vector<16xf32>
          %mul3A_619 = arith.constant 16 : i32
          %mul3A_620 = arith.muli %scan3A_480, %mul3A_619 : i32
          %add3A_621 = arith.constant 2 : i32
          %add3A_622 = arith.addi %mul3A_620, %add3A_621 : i32
          %get3A_623 = arith.index_cast %add3A_622 : i32 to index
          %get3A_624 = arith.constant 0 : index
          %get3A_625 = tpu.vector_load %arg15[%get3A_623, %get3A_624] {strides = array<i32>} : memref<80x128xf32, #tpu.memory_space<vmem>>, vector<16xf32>,
          %mul3A_626 = arith.mulf %get3A_625, %gather3A_618 : vector<16xf32>
          %swap3A_627 = arith.index_cast %add3A_622 : i32 to index
          %swap3A_628 = arith.constant 0 : index
          %swap3A_629 = tpu.vector_load %arg15[%swap3A_627, %swap3A_628] {strides = array<i32>} : memref<80x128xf32, #tpu.memory_space<vmem>>, vector<16xf32>,
          tpu.vector_store %arg15[%swap3A_627, %swap3A_628], %mul3A_626 {strides = array<i32>} : memref<80x128xf32, #tpu.memory_space<vmem>>, vector<16xf32>,
          %get3A_630 = arith.index_cast %add3A_622 : i32 to index
          %get3A_631 = arith.constant 16 : index
          %get3A_632 = tpu.vector_load %arg15[%get3A_630, %get3A_631] {strides = array<i32>} : memref<80x128xf32, #tpu.memory_space<vmem>>, vector<16xf32>,
          %mul3A_633 = arith.mulf %get3A_632, %gather3A_618 : vector<16xf32>
          %swap3A_634 = arith.index_cast %add3A_622 : i32 to index
          %swap3A_635 = arith.constant 16 : index
          %swap3A_636 = tpu.vector_load %arg15[%swap3A_634, %swap3A_635] {strides = array<i32>} : memref<80x128xf32, #tpu.memory_space<vmem>>, vector<16xf32>,
          tpu.vector_store %arg15[%swap3A_634, %swap3A_635], %mul3A_633 {strides = array<i32>} : memref<80x128xf32, #tpu.memory_space<vmem>>, vector<16xf32>,
          %get3A_637 = arith.index_cast %add3A_622 : i32 to index
          %get3A_638 = arith.constant 32 : index
          %get3A_639 = tpu.vector_load %arg15[%get3A_637, %get3A_638] {strides = array<i32>} : memref<80x128xf32, #tpu.memory_space<vmem>>, vector<16xf32>,
          %mul3A_640 = arith.mulf %get3A_639, %gather3A_618 : vector<16xf32>
          %swap3A_641 = arith.index_cast %add3A_622 : i32 to index
          %swap3A_642 = arith.constant 32 : index
          %swap3A_643 = tpu.vector_load %arg15[%swap3A_641, %swap3A_642] {strides = array<i32>} : memref<80x128xf32, #tpu.memory_space<vmem>>, vector<16xf32>,
          tpu.vector_store %arg15[%swap3A_641, %swap3A_642], %mul3A_640 {strides = array<i32>} : memref<80x128xf32, #tpu.memory_space<vmem>>, vector<16xf32>,
          %get3A_644 = arith.index_cast %add3A_622 : i32 to index
          %get3A_645 = arith.constant 48 : index
          %get3A_646 = tpu.vector_load %arg15[%get3A_644, %get3A_645] {strides = array<i32>} : memref<80x128xf32, #tpu.memory_space<vmem>>, vector<16xf32>,
          %mul3A_647 = arith.mulf %get3A_646, %gather3A_618 : vector<16xf32>
          %swap3A_648 = arith.index_cast %add3A_622 : i32 to index
          %swap3A_649 = arith.constant 48 : index
          %swap3A_650 = tpu.vector_load %arg15[%swap3A_648, %swap3A_649] {strides = array<i32>} : memref<80x128xf32, #tpu.memory_space<vmem>>, vector<16xf32>,
          tpu.vector_store %arg15[%swap3A_648, %swap3A_649], %mul3A_647 {strides = array<i32>} : memref<80x128xf32, #tpu.memory_space<vmem>>, vector<16xf32>,
          %get3A_651 = arith.index_cast %add3A_622 : i32 to index
          %get3A_652 = arith.constant 64 : index
          %get3A_653 = tpu.vector_load %arg15[%get3A_651, %get3A_652] {strides = array<i32>} : memref<80x128xf32, #tpu.memory_space<vmem>>, vector<16xf32>,
          %mul3A_654 = arith.mulf %get3A_653, %gather3A_618 : vector<16xf32>
          %swap3A_655 = arith.index_cast %add3A_622 : i32 to index
          %swap3A_656 = arith.constant 64 : index
          %swap3A_657 = tpu.vector_load %arg15[%swap3A_655, %swap3A_656] {strides = array<i32>} : memref<80x128xf32, #tpu.memory_space<vmem>>, vector<16xf32>,
          tpu.vector_store %arg15[%swap3A_655, %swap3A_656], %mul3A_654 {strides = array<i32>} : memref<80x128xf32, #tpu.memory_space<vmem>>, vector<16xf32>,
          %get3A_658 = arith.index_cast %add3A_622 : i32 to index
          %get3A_659 = arith.constant 80 : index
          %get3A_660 = tpu.vector_load %arg15[%get3A_658, %get3A_659] {strides = array<i32>} : memref<80x128xf32, #tpu.memory_space<vmem>>, vector<16xf32>,
          %mul3A_661 = arith.mulf %get3A_660, %gather3A_618 : vector<16xf32>
          %swap3A_662 = arith.index_cast %add3A_622 : i32 to index
          %swap3A_663 = arith.constant 80 : index
          %swap3A_664 = tpu.vector_load %arg15[%swap3A_662, %swap3A_663] {strides = array<i32>} : memref<80x128xf32, #tpu.memory_space<vmem>>, vector<16xf32>,
          tpu.vector_store %arg15[%swap3A_662, %swap3A_663], %mul3A_661 {strides = array<i32>} : memref<80x128xf32, #tpu.memory_space<vmem>>, vector<16xf32>,
          %get3A_665 = arith.index_cast %add3A_622 : i32 to index
          %get3A_666 = arith.constant 96 : index
          %get3A_667 = tpu.vector_load %arg15[%get3A_665, %get3A_666] {strides = array<i32>} : memref<80x128xf32, #tpu.memory_space<vmem>>, vector<16xf32>,
          %mul3A_668 = arith.mulf %get3A_667, %gather3A_618 : vector<16xf32>
          %swap3A_669 = arith.index_cast %add3A_622 : i32 to index
          %swap3A_670 = arith.constant 96 : index
          %swap3A_671 = tpu.vector_load %arg15[%swap3A_669, %swap3A_670] {strides = array<i32>} : memref<80x128xf32, #tpu.memory_space<vmem>>, vector<16xf32>,
          tpu.vector_store %arg15[%swap3A_669, %swap3A_670], %mul3A_668 {strides = array<i32>} : memref<80x128xf32, #tpu.memory_space<vmem>>, vector<16xf32>,
          %get3A_672 = arith.index_cast %add3A_622 : i32 to index
          %get3A_673 = arith.constant 112 : index
          %get3A_674 = tpu.vector_load %arg15[%get3A_672, %get3A_673] {strides = array<i32>} : memref<80x128xf32, #tpu.memory_space<vmem>>, vector<16xf32>,
          %mul3A_675 = arith.mulf %get3A_674, %gather3A_618 : vector<16xf32>
          %swap3A_676 = arith.index_cast %add3A_622 : i32 to index
          %swap3A_677 = arith.constant 112 : index
          %swap3A_678 = tpu.vector_load %arg15[%swap3A_676, %swap3A_677] {strides = array<i32>} : memref<80x128xf32, #tpu.memory_space<vmem>>, vector<16xf32>,
          tpu.vector_store %arg15[%swap3A_676, %swap3A_677], %mul3A_675 {strides = array<i32>} : memref<80x128xf32, #tpu.memory_space<vmem>>, vector<16xf32>,
          %broadcast_in_dim3A_679 = arith.constant 3 : i32
          %broadcast_in_dim3A_680 = vector.broadcast %broadcast_in_dim3A_679 : i32 to vector<16xi32>
          %broadcast_in_dim3A_681 = vector.shape_cast %broadcast_in_dim3A_680 : vector<16xi32> to vector<16x1xi32>
          %gather3A_682 = vector.shape_cast %broadcast_in_dim3A_681 : vector<16x1xi32> to vector<16xi32>
          %gather3A_683 = tpu.dynamic_gather %get3A_484[%gather3A_682] in [0] : vector<16xf32>, vector<16xi32> -> vector<16xf32>
          %mul3A_684 = arith.constant 16 : i32
          %mul3A_685 = arith.muli %scan3A_480, %mul3A_684 : i32
          %add3A_686 = arith.constant 3 : i32
          %add3A_687 = arith.addi %mul3A_685, %add3A_686 : i32
          %get3A_688 = arith.index_cast %add3A_687 : i32 to index
          %get3A_689 = arith.constant 0 : index
          %get3A_690 = tpu.vector_load %arg15[%get3A_688, %get3A_689] {strides = array<i32>} : memref<80x128xf32, #tpu.memory_space<vmem>>, vector<16xf32>,
          %mul3A_691 = arith.mulf %get3A_690, %gather3A_683 : vector<16xf32>
          %swap3A_692 = arith.index_cast %add3A_687 : i32 to index
          %swap3A_693 = arith.constant 0 : index
          %swap3A_694 = tpu.vector_load %arg15[%swap3A_692, %swap3A_693] {strides = array<i32>} : memref<80x128xf32, #tpu.memory_space<vmem>>, vector<16xf32>,
          tpu.vector_store %arg15[%swap3A_692, %swap3A_693], %mul3A_691 {strides = array<i32>} : memref<80x128xf32, #tpu.memory_space<vmem>>, vector<16xf32>,
          %get3A_695 = arith.index_cast %add3A_687 : i32 to index
          %get3A_696 = arith.constant 16 : index
          %get3A_697 = tpu.vector_load %arg15[%get3A_695, %get3A_696] {strides = array<i32>} : memref<80x128xf32, #tpu.memory_space<vmem>>, vector<16xf32>,
          %mul3A_698 = arith.mulf %get3A_697, %gather3A_683 : vector<16xf32>
          %swap3A_699 = arith.index_cast %add3A_687 : i32 to index
          %swap3A_700 = arith.constant 16 : index
          %swap3A_701 = tpu.vector_load %arg15[%swap3A_699, %swap3A_700] {strides = array<i32>} : memref<80x128xf32, #tpu.memory_space<vmem>>, vector<16xf32>,
          tpu.vector_store %arg15[%swap3A_699, %swap3A_700], %mul3A_698 {strides = array<i32>} : memref<80x128xf32, #tpu.memory_space<vmem>>, vector<16xf32>,
          %get3A_702 = arith.index_cast %add3A_687 : i32 to index
          %get3A_703 = arith.constant 32 : index
          %get3A_704 = tpu.vector_load %arg15[%get3A_702, %get3A_703] {strides = array<i32>} : memref<80x128xf32, #tpu.memory_space<vmem>>, vector<16xf32>,
          %mul3A_705 = arith.mulf %get3A_704, %gather3A_683 : vector<16xf32>
          %swap3A_706 = arith.index_cast %add3A_687 : i32 to index
          %swap3A_707 = arith.constant 32 : index
          %swap3A_708 = tpu.vector_load %arg15[%swap3A_706, %swap3A_707] {strides = array<i32>} : memref<80x128xf32, #tpu.memory_space<vmem>>, vector<16xf32>,
          tpu.vector_store %arg15[%swap3A_706, %swap3A_707], %mul3A_705 {strides = array<i32>} : memref<80x128xf32, #tpu.memory_space<vmem>>, vector<16xf32>,
          %get3A_709 = arith.index_cast %add3A_687 : i32 to index
          %get3A_710 = arith.constant 48 : index
          %get3A_711 = tpu.vector_load %arg15[%get3A_709, %get3A_710] {strides = array<i32>} : memref<80x128xf32, #tpu.memory_space<vmem>>, vector<16xf32>,
          %mul3A_712 = arith.mulf %get3A_711, %gather3A_683 : vector<16xf32>
          %swap3A_713 = arith.index_cast %add3A_687 : i32 to index
          %swap3A_714 = arith.constant 48 : index
          %swap3A_715 = tpu.vector_load %arg15[%swap3A_713, %swap3A_714] {strides = array<i32>} : memref<80x128xf32, #tpu.memory_space<vmem>>, vector<16xf32>,
          tpu.vector_store %arg15[%swap3A_713, %swap3A_714], %mul3A_712 {strides = array<i32>} : memref<80x128xf32, #tpu.memory_space<vmem>>, vector<16xf32>,
          %get3A_716 = arith.index_cast %add3A_687 : i32 to index
          %get3A_717 = arith.constant 64 : index
          %get3A_718 = tpu.vector_load %arg15[%get3A_716, %get3A_717] {strides = array<i32>} : memref<80x128xf32, #tpu.memory_space<vmem>>, vector<16xf32>,
          %mul3A_719 = arith.mulf %get3A_718, %gather3A_683 : vector<16xf32>
          %swap3A_720 = arith.index_cast %add3A_687 : i32 to index
          %swap3A_721 = arith.constant 64 : index
          %swap3A_722 = tpu.vector_load %arg15[%swap3A_720, %swap3A_721] {strides = array<i32>} : memref<80x128xf32, #tpu.memory_space<vmem>>, vector<16xf32>,
          tpu.vector_store %arg15[%swap3A_720, %swap3A_721], %mul3A_719 {strides = array<i32>} : memref<80x128xf32, #tpu.memory_space<vmem>>, vector<16xf32>,
          %get3A_723 = arith.index_cast %add3A_687 : i32 to index
          %get3A_724 = arith.constant 80 : index
          %get3A_725 = tpu.vector_load %arg15[%get3A_723, %get3A_724] {strides = array<i32>} : memref<80x128xf32, #tpu.memory_space<vmem>>, vector<16xf32>,
          %mul3A_726 = arith.mulf %get3A_725, %gather3A_683 : vector<16xf32>
          %swap3A_727 = arith.index_cast %add3A_687 : i32 to index
          %swap3A_728 = arith.constant 80 : index
          %swap3A_729 = tpu.vector_load %arg15[%swap3A_727, %swap3A_728] {strides = array<i32>} : memref<80x128xf32, #tpu.memory_space<vmem>>, vector<16xf32>,
          tpu.vector_store %arg15[%swap3A_727, %swap3A_728], %mul3A_726 {strides = array<i32>} : memref<80x128xf32, #tpu.memory_space<vmem>>, vector<16xf32>,
          %get3A_730 = arith.index_cast %add3A_687 : i32 to index
          %get3A_731 = arith.constant 96 : index
          %get3A_732 = tpu.vector_load %arg15[%get3A_730, %get3A_731] {strides = array<i32>} : memref<80x128xf32, #tpu.memory_space<vmem>>, vector<16xf32>,
          %mul3A_733 = arith.mulf %get3A_732, %gather3A_683 : vector<16xf32>
          %swap3A_734 = arith.index_cast %add3A_687 : i32 to index
          %swap3A_735 = arith.constant 96 : index
          %swap3A_736 = tpu.vector_load %arg15[%swap3A_734, %swap3A_735] {strides = array<i32>} : memref<80x128xf32, #tpu.memory_space<vmem>>, vector<16xf32>,
          tpu.vector_store %arg15[%swap3A_734, %swap3A_735], %mul3A_733 {strides = array<i32>} : memref<80x128xf32, #tpu.memory_space<vmem>>, vector<16xf32>,
          %get3A_737 = arith.index_cast %add3A_687 : i32 to index
          %get3A_738 = arith.constant 112 : index
          %get3A_739 = tpu.vector_load %arg15[%get3A_737, %get3A_738] {strides = array<i32>} : memref<80x128xf32, #tpu.memory_space<vmem>>, vector<16xf32>,
          %mul3A_740 = arith.mulf %get3A_739, %gather3A_683 : vector<16xf32>
          %swap3A_741 = arith.index_cast %add3A_687 : i32 to index
          %swap3A_742 = arith.constant 112 : index
          %swap3A_743 = tpu.vector_load %arg15[%swap3A_741, %swap3A_742] {strides = array<i32>} : memref<80x128xf32, #tpu.memory_space<vmem>>, vector<16xf32>,
          tpu.vector_store %arg15[%swap3A_741, %swap3A_742], %mul3A_740 {strides = array<i32>} : memref<80x128xf32, #tpu.memory_space<vmem>>, vector<16xf32>,
          %broadcast_in_dim3A_744 = arith.constant 4 : i32
          %broadcast_in_dim3A_745 = vector.broadcast %broadcast_in_dim3A_744 : i32 to vector<16xi32>
          %broadcast_in_dim3A_746 = vector.shape_cast %broadcast_in_dim3A_745 : vector<16xi32> to vector<16x1xi32>
          %gather3A_747 = vector.shape_cast %broadcast_in_dim3A_746 : vector<16x1xi32> to vector<16xi32>
          %gather3A_748 = tpu.dynamic_gather %get3A_484[%gather3A_747] in [0] : vector<16xf32>, vector<16xi32> -> vector<16xf32>
          %mul3A_749 = arith.constant 16 : i32
          %mul3A_750 = arith.muli %scan3A_480, %mul3A_749 : i32
          %add3A_751 = arith.constant 4 : i32
          %add3A_752 = arith.addi %mul3A_750, %add3A_751 : i32
          %get3A_753 = arith.index_cast %add3A_752 : i32 to index
          %get3A_754 = arith.constant 0 : index
          %get3A_755 = tpu.vector_load %arg15[%get3A_753, %get3A_754] {strides = array<i32>} : memref<80x128xf32, #tpu.memory_space<vmem>>, vector<16xf32>,
          %mul3A_756 = arith.mulf %get3A_755, %gather3A_748 : vector<16xf32>
          %swap3A_757 = arith.index_cast %add3A_752 : i32 to index
          %swap3A_758 = arith.constant 0 : index
          %swap3A_759 = tpu.vector_load %arg15[%swap3A_757, %swap3A_758] {strides = array<i32>} : memref<80x128xf32, #tpu.memory_space<vmem>>, vector<16xf32>,
          tpu.vector_store %arg15[%swap3A_757, %swap3A_758], %mul3A_756 {strides = array<i32>} : memref<80x128xf32, #tpu.memory_space<vmem>>, vector<16xf32>,
          %get3A_760 = arith.index_cast %add3A_752 : i32 to index
          %get3A_761 = arith.constant 16 : index
          %get3A_762 = tpu.vector_load %arg15[%get3A_760, %get3A_761] {strides = array<i32>} : memref<80x128xf32, #tpu.memory_space<vmem>>, vector<16xf32>,
          %mul3A_763 = arith.mulf %get3A_762, %gather3A_748 : vector<16xf32>
          %swap3A_764 = arith.index_cast %add3A_752 : i32 to index
          %swap3A_765 = arith.constant 16 : index
          %swap3A_766 = tpu.vector_load %arg15[%swap3A_764, %swap3A_765] {strides = array<i32>} : memref<80x128xf32, #tpu.memory_space<vmem>>, vector<16xf32>,
          tpu.vector_store %arg15[%swap3A_764, %swap3A_765], %mul3A_763 {strides = array<i32>} : memref<80x128xf32, #tpu.memory_space<vmem>>, vector<16xf32>,
          %get3A_767 = arith.index_cast %add3A_752 : i32 to index
          %get3A_768 = arith.constant 32 : index
          %get3A_769 = tpu.vector_load %arg15[%get3A_767, %get3A_768] {strides = array<i32>} : memref<80x128xf32, #tpu.memory_space<vmem>>, vector<16xf32>,
          %mul3A_770 = arith.mulf %get3A_769, %gather3A_748 : vector<16xf32>
          %swap3A_771 = arith.index_cast %add3A_752 : i32 to index
          %swap3A_772 = arith.constant 32 : index
          %swap3A_773 = tpu.vector_load %arg15[%swap3A_771, %swap3A_772] {strides = array<i32>} : memref<80x128xf32, #tpu.memory_space<vmem>>, vector<16xf32>,
          tpu.vector_store %arg15[%swap3A_771, %swap3A_772], %mul3A_770 {strides = array<i32>} : memref<80x128xf32, #tpu.memory_space<vmem>>, vector<16xf32>,
          %get3A_774 = arith.index_cast %add3A_752 : i32 to index
          %get3A_775 = arith.constant 48 : index
          %get3A_776 = tpu.vector_load %arg15[%get3A_774, %get3A_775] {strides = array<i32>} : memref<80x128xf32, #tpu.memory_space<vmem>>, vector<16xf32>,
          %mul3A_777 = arith.mulf %get3A_776, %gather3A_748 : vector<16xf32>
          %swap3A_778 = arith.index_cast %add3A_752 : i32 to index
          %swap3A_779 = arith.constant 48 : index
          %swap3A_780 = tpu.vector_load %arg15[%swap3A_778, %swap3A_779] {strides = array<i32>} : memref<80x128xf32, #tpu.memory_space<vmem>>, vector<16xf32>,
          tpu.vector_store %arg15[%swap3A_778, %swap3A_779], %mul3A_777 {strides = array<i32>} : memref<80x128xf32, #tpu.memory_space<vmem>>, vector<16xf32>,
          %get3A_781 = arith.index_cast %add3A_752 : i32 to index
          %get3A_782 = arith.constant 64 : index
          %get3A_783 = tpu.vector_load %arg15[%get3A_781, %get3A_782] {strides = array<i32>} : memref<80x128xf32, #tpu.memory_space<vmem>>, vector<16xf32>,
          %mul3A_784 = arith.mulf %get3A_783, %gather3A_748 : vector<16xf32>
          %swap3A_785 = arith.index_cast %add3A_752 : i32 to index
          %swap3A_786 = arith.constant 64 : index
          %swap3A_787 = tpu.vector_load %arg15[%swap3A_785, %swap3A_786] {strides = array<i32>} : memref<80x128xf32, #tpu.memory_space<vmem>>, vector<16xf32>,
          tpu.vector_store %arg15[%swap3A_785, %swap3A_786], %mul3A_784 {strides = array<i32>} : memref<80x128xf32, #tpu.memory_space<vmem>>, vector<16xf32>,
          %get3A_788 = arith.index_cast %add3A_752 : i32 to index
          %get3A_789 = arith.constant 80 : index
          %get3A_790 = tpu.vector_load %arg15[%get3A_788, %get3A_789] {strides = array<i32>} : memref<80x128xf32, #tpu.memory_space<vmem>>, vector<16xf32>,
          %mul3A_791 = arith.mulf %get3A_790, %gather3A_748 : vector<16xf32>
          %swap3A_792 = arith.index_cast %add3A_752 : i32 to index
          %swap3A_793 = arith.constant 80 : index
          %swap3A_794 = tpu.vector_load %arg15[%swap3A_792, %swap3A_793] {strides = array<i32>} : memref<80x128xf32, #tpu.memory_space<vmem>>, vector<16xf32>,
          tpu.vector_store %arg15[%swap3A_792, %swap3A_793], %mul3A_791 {strides = array<i32>} : memref<80x128xf32, #tpu.memory_space<vmem>>, vector<16xf32>,
          %get3A_795 = arith.index_cast %add3A_752 : i32 to index
          %get3A_796 = arith.constant 96 : index
          %get3A_797 = tpu.vector_load %arg15[%get3A_795, %get3A_796] {strides = array<i32>} : memref<80x128xf32, #tpu.memory_space<vmem>>, vector<16xf32>,
          %mul3A_798 = arith.mulf %get3A_797, %gather3A_748 : vector<16xf32>
          %swap3A_799 = arith.index_cast %add3A_752 : i32 to index
          %swap3A_800 = arith.constant 96 : index
          %swap3A_801 = tpu.vector_load %arg15[%swap3A_799, %swap3A_800] {strides = array<i32>} : memref<80x128xf32, #tpu.memory_space<vmem>>, vector<16xf32>,
          tpu.vector_store %arg15[%swap3A_799, %swap3A_800], %mul3A_798 {strides = array<i32>} : memref<80x128xf32, #tpu.memory_space<vmem>>, vector<16xf32>,
          %get3A_802 = arith.index_cast %add3A_752 : i32 to index
          %get3A_803 = arith.constant 112 : index
          %get3A_804 = tpu.vector_load %arg15[%get3A_802, %get3A_803] {strides = array<i32>} : memref<80x128xf32, #tpu.memory_space<vmem>>, vector<16xf32>,
          %mul3A_805 = arith.mulf %get3A_804, %gather3A_748 : vector<16xf32>
          %swap3A_806 = arith.index_cast %add3A_752 : i32 to index
          %swap3A_807 = arith.constant 112 : index
          %swap3A_808 = tpu.vector_load %arg15[%swap3A_806, %swap3A_807] {strides = array<i32>} : memref<80x128xf32, #tpu.memory_space<vmem>>, vector<16xf32>,
          tpu.vector_store %arg15[%swap3A_806, %swap3A_807], %mul3A_805 {strides = array<i32>} : memref<80x128xf32, #tpu.memory_space<vmem>>, vector<16xf32>,
          %broadcast_in_dim3A_809 = arith.constant 5 : i32
          %broadcast_in_dim3A_810 = vector.broadcast %broadcast_in_dim3A_809 : i32 to vector<16xi32>
          %broadcast_in_dim3A_811 = vector.shape_cast %broadcast_in_dim3A_810 : vector<16xi32> to vector<16x1xi32>
          %gather3A_812 = vector.shape_cast %broadcast_in_dim3A_811 : vector<16x1xi32> to vector<16xi32>
          %gather3A_813 = tpu.dynamic_gather %get3A_484[%gather3A_812] in [0] : vector<16xf32>, vector<16xi32> -> vector<16xf32>
          %mul3A_814 = arith.constant 16 : i32
          %mul3A_815 = arith.muli %scan3A_480, %mul3A_814 : i32
          %add3A_816 = arith.constant 5 : i32
          %add3A_817 = arith.addi %mul3A_815, %add3A_816 : i32
          %get3A_818 = arith.index_cast %add3A_817 : i32 to index
          %get3A_819 = arith.constant 0 : index
          %get3A_820 = tpu.vector_load %arg15[%get3A_818, %get3A_819] {strides = array<i32>} : memref<80x128xf32, #tpu.memory_space<vmem>>, vector<16xf32>,
          %mul3A_821 = arith.mulf %get3A_820, %gather3A_813 : vector<16xf32>
          %swap3A_822 = arith.index_cast %add3A_817 : i32 to index
          %swap3A_823 = arith.constant 0 : index
          %swap3A_824 = tpu.vector_load %arg15[%swap3A_822, %swap3A_823] {strides = array<i32>} : memref<80x128xf32, #tpu.memory_space<vmem>>, vector<16xf32>,
          tpu.vector_store %arg15[%swap3A_822, %swap3A_823], %mul3A_821 {strides = array<i32>} : memref<80x128xf32, #tpu.memory_space<vmem>>, vector<16xf32>,
          %get3A_825 = arith.index_cast %add3A_817 : i32 to index
          %get3A_826 = arith.constant 16 : index
          %get3A_827 = tpu.vector_load %arg15[%get3A_825, %get3A_826] {strides = array<i32>} : memref<80x128xf32, #tpu.memory_space<vmem>>, vector<16xf32>,
          %mul3A_828 = arith.mulf %get3A_827, %gather3A_813 : vector<16xf32>
          %swap3A_829 = arith.index_cast %add3A_817 : i32 to index
          %swap3A_830 = arith.constant 16 : index
          %swap3A_831 = tpu.vector_load %arg15[%swap3A_829, %swap3A_830] {strides = array<i32>} : memref<80x128xf32, #tpu.memory_space<vmem>>, vector<16xf32>,
          tpu.vector_store %arg15[%swap3A_829, %swap3A_830], %mul3A_828 {strides = array<i32>} : memref<80x128xf32, #tpu.memory_space<vmem>>, vector<16xf32>,
          %get3A_832 = arith.index_cast %add3A_817 : i32 to index
          %get3A_833 = arith.constant 32 : index
          %get3A_834 = tpu.vector_load %arg15[%get3A_832, %get3A_833] {strides = array<i32>} : memref<80x128xf32, #tpu.memory_space<vmem>>, vector<16xf32>,
          %mul3A_835 = arith.mulf %get3A_834, %gather3A_813 : vector<16xf32>
          %swap3A_836 = arith.index_cast %add3A_817 : i32 to index
          %swap3A_837 = arith.constant 32 : index
          %swap3A_838 = tpu.vector_load %arg15[%swap3A_836, %swap3A_837] {strides = array<i32>} : memref<80x128xf32, #tpu.memory_space<vmem>>, vector<16xf32>,
          tpu.vector_store %arg15[%swap3A_836, %swap3A_837], %mul3A_835 {strides = array<i32>} : memref<80x128xf32, #tpu.memory_space<vmem>>, vector<16xf32>,
          %get3A_839 = arith.index_cast %add3A_817 : i32 to index
          %get3A_840 = arith.constant 48 : index
          %get3A_841 = tpu.vector_load %arg15[%get3A_839, %get3A_840] {strides = array<i32>} : memref<80x128xf32, #tpu.memory_space<vmem>>, vector<16xf32>,
          %mul3A_842 = arith.mulf %get3A_841, %gather3A_813 : vector<16xf32>
          %swap3A_843 = arith.index_cast %add3A_817 : i32 to index
          %swap3A_844 = arith.constant 48 : index
          %swap3A_845 = tpu.vector_load %arg15[%swap3A_843, %swap3A_844] {strides = array<i32>} : memref<80x128xf32, #tpu.memory_space<vmem>>, vector<16xf32>,
          tpu.vector_store %arg15[%swap3A_843, %swap3A_844], %mul3A_842 {strides = array<i32>} : memref<80x128xf32, #tpu.memory_space<vmem>>, vector<16xf32>,
          %get3A_846 = arith.index_cast %add3A_817 : i32 to index
          %get3A_847 = arith.constant 64 : index
          %get3A_848 = tpu.vector_load %arg15[%get3A_846, %get3A_847] {strides = array<i32>} : memref<80x128xf32, #tpu.memory_space<vmem>>, vector<16xf32>,
          %mul3A_849 = arith.mulf %get3A_848, %gather3A_813 : vector<16xf32>
          %swap3A_850 = arith.index_cast %add3A_817 : i32 to index
          %swap3A_851 = arith.constant 64 : index
          %swap3A_852 = tpu.vector_load %arg15[%swap3A_850, %swap3A_851] {strides = array<i32>} : memref<80x128xf32, #tpu.memory_space<vmem>>, vector<16xf32>,
          tpu.vector_store %arg15[%swap3A_850, %swap3A_851], %mul3A_849 {strides = array<i32>} : memref<80x128xf32, #tpu.memory_space<vmem>>, vector<16xf32>,
          %get3A_853 = arith.index_cast %add3A_817 : i32 to index
          %get3A_854 = arith.constant 80 : index
          %get3A_855 = tpu.vector_load %arg15[%get3A_853, %get3A_854] {strides = array<i32>} : memref<80x128xf32, #tpu.memory_space<vmem>>, vector<16xf32>,
          %mul3A_856 = arith.mulf %get3A_855, %gather3A_813 : vector<16xf32>
          %swap3A_857 = arith.index_cast %add3A_817 : i32 to index
          %swap3A_858 = arith.constant 80 : index
          %swap3A_859 = tpu.vector_load %arg15[%swap3A_857, %swap3A_858] {strides = array<i32>} : memref<80x128xf32, #tpu.memory_space<vmem>>, vector<16xf32>,
          tpu.vector_store %arg15[%swap3A_857, %swap3A_858], %mul3A_856 {strides = array<i32>} : memref<80x128xf32, #tpu.memory_space<vmem>>, vector<16xf32>,
          %get3A_860 = arith.index_cast %add3A_817 : i32 to index
          %get3A_861 = arith.constant 96 : index
          %get3A_862 = tpu.vector_load %arg15[%get3A_860, %get3A_861] {strides = array<i32>} : memref<80x128xf32, #tpu.memory_space<vmem>>, vector<16xf32>,
          %mul3A_863 = arith.mulf %get3A_862, %gather3A_813 : vector<16xf32>
          %swap3A_864 = arith.index_cast %add3A_817 : i32 to index
          %swap3A_865 = arith.constant 96 : index
          %swap3A_866 = tpu.vector_load %arg15[%swap3A_864, %swap3A_865] {strides = array<i32>} : memref<80x128xf32, #tpu.memory_space<vmem>>, vector<16xf32>,
          tpu.vector_store %arg15[%swap3A_864, %swap3A_865], %mul3A_863 {strides = array<i32>} : memref<80x128xf32, #tpu.memory_space<vmem>>, vector<16xf32>,
          %get3A_867 = arith.index_cast %add3A_817 : i32 to index
          %get3A_868 = arith.constant 112 : index
          %get3A_869 = tpu.vector_load %arg15[%get3A_867, %get3A_868] {strides = array<i32>} : memref<80x128xf32, #tpu.memory_space<vmem>>, vector<16xf32>,
          %mul3A_870 = arith.mulf %get3A_869, %gather3A_813 : vector<16xf32>
          %swap3A_871 = arith.index_cast %add3A_817 : i32 to index
          %swap3A_872 = arith.constant 112 : index
          %swap3A_873 = tpu.vector_load %arg15[%swap3A_871, %swap3A_872] {strides = array<i32>} : memref<80x128xf32, #tpu.memory_space<vmem>>, vector<16xf32>,
          tpu.vector_store %arg15[%swap3A_871, %swap3A_872], %mul3A_870 {strides = array<i32>} : memref<80x128xf32, #tpu.memory_space<vmem>>, vector<16xf32>,
          %broadcast_in_dim3A_874 = arith.constant 6 : i32
          %broadcast_in_dim3A_875 = vector.broadcast %broadcast_in_dim3A_874 : i32 to vector<16xi32>
          %broadcast_in_dim3A_876 = vector.shape_cast %broadcast_in_dim3A_875 : vector<16xi32> to vector<16x1xi32>
          %gather3A_877 = vector.shape_cast %broadcast_in_dim3A_876 : vector<16x1xi32> to vector<16xi32>
          %gather3A_878 = tpu.dynamic_gather %get3A_484[%gather3A_877] in [0] : vector<16xf32>, vector<16xi32> -> vector<16xf32>
          %mul3A_879 = arith.constant 16 : i32
          %mul3A_880 = arith.muli %scan3A_480, %mul3A_879 : i32
          %add3A_881 = arith.constant 6 : i32
          %add3A_882 = arith.addi %mul3A_880, %add3A_881 : i32
          %get3A_883 = arith.index_cast %add3A_882 : i32 to index
          %get3A_884 = arith.constant 0 : index
          %get3A_885 = tpu.vector_load %arg15[%get3A_883, %get3A_884] {strides = array<i32>} : memref<80x128xf32, #tpu.memory_space<vmem>>, vector<16xf32>,
          %mul3A_886 = arith.mulf %get3A_885, %gather3A_878 : vector<16xf32>
          %swap3A_887 = arith.index_cast %add3A_882 : i32 to index
          %swap3A_888 = arith.constant 0 : index
          %swap3A_889 = tpu.vector_load %arg15[%swap3A_887, %swap3A_888] {strides = array<i32>} : memref<80x128xf32, #tpu.memory_space<vmem>>, vector<16xf32>,
          tpu.vector_store %arg15[%swap3A_887, %swap3A_888], %mul3A_886 {strides = array<i32>} : memref<80x128xf32, #tpu.memory_space<vmem>>, vector<16xf32>,
          %get3A_890 = arith.index_cast %add3A_882 : i32 to index
          %get3A_891 = arith.constant 16 : index
          %get3A_892 = tpu.vector_load %arg15[%get3A_890, %get3A_891] {strides = array<i32>} : memref<80x128xf32, #tpu.memory_space<vmem>>, vector<16xf32>,
          %mul3A_893 = arith.mulf %get3A_892, %gather3A_878 : vector<16xf32>
          %swap3A_894 = arith.index_cast %add3A_882 : i32 to index
          %swap3A_895 = arith.constant 16 : index
          %swap3A_896 = tpu.vector_load %arg15[%swap3A_894, %swap3A_895] {strides = array<i32>} : memref<80x128xf32, #tpu.memory_space<vmem>>, vector<16xf32>,
          tpu.vector_store %arg15[%swap3A_894, %swap3A_895], %mul3A_893 {strides = array<i32>} : memref<80x128xf32, #tpu.memory_space<vmem>>, vector<16xf32>,
          %get3A_897 = arith.index_cast %add3A_882 : i32 to index
          %get3A_898 = arith.constant 32 : index
          %get3A_899 = tpu.vector_load %arg15[%get3A_897, %get3A_898] {strides = array<i32>} : memref<80x128xf32, #tpu.memory_space<vmem>>, vector<16xf32>,
          %mul3A_900 = arith.mulf %get3A_899, %gather3A_878 : vector<16xf32>
          %swap3A_901 = arith.index_cast %add3A_882 : i32 to index
          %swap3A_902 = arith.constant 32 : index
          %swap3A_903 = tpu.vector_load %arg15[%swap3A_901, %swap3A_902] {strides = array<i32>} : memref<80x128xf32, #tpu.memory_space<vmem>>, vector<16xf32>,
          tpu.vector_store %arg15[%swap3A_901, %swap3A_902], %mul3A_900 {strides = array<i32>} : memref<80x128xf32, #tpu.memory_space<vmem>>, vector<16xf32>,
          %get3A_904 = arith.index_cast %add3A_882 : i32 to index
          %get3A_905 = arith.constant 48 : index
          %get3A_906 = tpu.vector_load %arg15[%get3A_904, %get3A_905] {strides = array<i32>} : memref<80x128xf32, #tpu.memory_space<vmem>>, vector<16xf32>,
          %mul3A_907 = arith.mulf %get3A_906, %gather3A_878 : vector<16xf32>
          %swap3A_908 = arith.index_cast %add3A_882 : i32 to index
          %swap3A_909 = arith.constant 48 : index
          %swap3A_910 = tpu.vector_load %arg15[%swap3A_908, %swap3A_909] {strides = array<i32>} : memref<80x128xf32, #tpu.memory_space<vmem>>, vector<16xf32>,
          tpu.vector_store %arg15[%swap3A_908, %swap3A_909], %mul3A_907 {strides = array<i32>} : memref<80x128xf32, #tpu.memory_space<vmem>>, vector<16xf32>,
          %get3A_911 = arith.index_cast %add3A_882 : i32 to index
          %get3A_912 = arith.constant 64 : index
          %get3A_913 = tpu.vector_load %arg15[%get3A_911, %get3A_912] {strides = array<i32>} : memref<80x128xf32, #tpu.memory_space<vmem>>, vector<16xf32>,
          %mul3A_914 = arith.mulf %get3A_913, %gather3A_878 : vector<16xf32>
          %swap3A_915 = arith.index_cast %add3A_882 : i32 to index
          %swap3A_916 = arith.constant 64 : index
          %swap3A_917 = tpu.vector_load %arg15[%swap3A_915, %swap3A_916] {strides = array<i32>} : memref<80x128xf32, #tpu.memory_space<vmem>>, vector<16xf32>,
          tpu.vector_store %arg15[%swap3A_915, %swap3A_916], %mul3A_914 {strides = array<i32>} : memref<80x128xf32, #tpu.memory_space<vmem>>, vector<16xf32>,
          %get3A_918 = arith.index_cast %add3A_882 : i32 to index
          %get3A_919 = arith.constant 80 : index
          %get3A_920 = tpu.vector_load %arg15[%get3A_918, %get3A_919] {strides = array<i32>} : memref<80x128xf32, #tpu.memory_space<vmem>>, vector<16xf32>,
          %mul3A_921 = arith.mulf %get3A_920, %gather3A_878 : vector<16xf32>
          %swap3A_922 = arith.index_cast %add3A_882 : i32 to index
          %swap3A_923 = arith.constant 80 : index
          %swap3A_924 = tpu.vector_load %arg15[%swap3A_922, %swap3A_923] {strides = array<i32>} : memref<80x128xf32, #tpu.memory_space<vmem>>, vector<16xf32>,
          tpu.vector_store %arg15[%swap3A_922, %swap3A_923], %mul3A_921 {strides = array<i32>} : memref<80x128xf32, #tpu.memory_space<vmem>>, vector<16xf32>,
          %get3A_925 = arith.index_cast %add3A_882 : i32 to index
          %get3A_926 = arith.constant 96 : index
          %get3A_927 = tpu.vector_load %arg15[%get3A_925, %get3A_926] {strides = array<i32>} : memref<80x128xf32, #tpu.memory_space<vmem>>, vector<16xf32>,
          %mul3A_928 = arith.mulf %get3A_927, %gather3A_878 : vector<16xf32>
          %swap3A_929 = arith.index_cast %add3A_882 : i32 to index
          %swap3A_930 = arith.constant 96 : index
          %swap3A_931 = tpu.vector_load %arg15[%swap3A_929, %swap3A_930] {strides = array<i32>} : memref<80x128xf32, #tpu.memory_space<vmem>>, vector<16xf32>,
          tpu.vector_store %arg15[%swap3A_929, %swap3A_930], %mul3A_928 {strides = array<i32>} : memref<80x128xf32, #tpu.memory_space<vmem>>, vector<16xf32>,
          %get3A_932 = arith.index_cast %add3A_882 : i32 to index
          %get3A_933 = arith.constant 112 : index
          %get3A_934 = tpu.vector_load %arg15[%get3A_932, %get3A_933] {strides = array<i32>} : memref<80x128xf32, #tpu.memory_space<vmem>>, vector<16xf32>,
          %mul3A_935 = arith.mulf %get3A_934, %gather3A_878 : vector<16xf32>
          %swap3A_936 = arith.index_cast %add3A_882 : i32 to index
          %swap3A_937 = arith.constant 112 : index
          %swap3A_938 = tpu.vector_load %arg15[%swap3A_936, %swap3A_937] {strides = array<i32>} : memref<80x128xf32, #tpu.memory_space<vmem>>, vector<16xf32>,
          tpu.vector_store %arg15[%swap3A_936, %swap3A_937], %mul3A_935 {strides = array<i32>} : memref<80x128xf32, #tpu.memory_space<vmem>>, vector<16xf32>,
          %broadcast_in_dim3A_939 = arith.constant 7 : i32
          %broadcast_in_dim3A_940 = vector.broadcast %broadcast_in_dim3A_939 : i32 to vector<16xi32>
          %broadcast_in_dim3A_941 = vector.shape_cast %broadcast_in_dim3A_940 : vector<16xi32> to vector<16x1xi32>
          %gather3A_942 = vector.shape_cast %broadcast_in_dim3A_941 : vector<16x1xi32> to vector<16xi32>
          %gather3A_943 = tpu.dynamic_gather %get3A_484[%gather3A_942] in [0] : vector<16xf32>, vector<16xi32> -> vector<16xf32>
          %mul3A_944 = arith.constant 16 : i32
          %mul3A_945 = arith.muli %scan3A_480, %mul3A_944 : i32
          %add3A_946 = arith.constant 7 : i32
          %add3A_947 = arith.addi %mul3A_945, %add3A_946 : i32
          %get3A_948 = arith.index_cast %add3A_947 : i32 to index
          %get3A_949 = arith.constant 0 : index
          %get3A_950 = tpu.vector_load %arg15[%get3A_948, %get3A_949] {strides = array<i32>} : memref<80x128xf32, #tpu.memory_space<vmem>>, vector<16xf32>,
          %mul3A_951 = arith.mulf %get3A_950, %gather3A_943 : vector<16xf32>
          %swap3A_952 = arith.index_cast %add3A_947 : i32 to index
          %swap3A_953 = arith.constant 0 : index
          %swap3A_954 = tpu.vector_load %arg15[%swap3A_952, %swap3A_953] {strides = array<i32>} : memref<80x128xf32, #tpu.memory_space<vmem>>, vector<16xf32>,
          tpu.vector_store %arg15[%swap3A_952, %swap3A_953], %mul3A_951 {strides = array<i32>} : memref<80x128xf32, #tpu.memory_space<vmem>>, vector<16xf32>,
          %get3A_955 = arith.index_cast %add3A_947 : i32 to index
          %get3A_956 = arith.constant 16 : index
          %get3A_957 = tpu.vector_load %arg15[%get3A_955, %get3A_956] {strides = array<i32>} : memref<80x128xf32, #tpu.memory_space<vmem>>, vector<16xf32>,
          %mul3A_958 = arith.mulf %get3A_957, %gather3A_943 : vector<16xf32>
          %swap3A_959 = arith.index_cast %add3A_947 : i32 to index
          %swap3A_960 = arith.constant 16 : index
          %swap3A_961 = tpu.vector_load %arg15[%swap3A_959, %swap3A_960] {strides = array<i32>} : memref<80x128xf32, #tpu.memory_space<vmem>>, vector<16xf32>,
          tpu.vector_store %arg15[%swap3A_959, %swap3A_960], %mul3A_958 {strides = array<i32>} : memref<80x128xf32, #tpu.memory_space<vmem>>, vector<16xf32>,
          %get3A_962 = arith.index_cast %add3A_947 : i32 to index
          %get3A_963 = arith.constant 32 : index
          %get3A_964 = tpu.vector_load %arg15[%get3A_962, %get3A_963] {strides = array<i32>} : memref<80x128xf32, #tpu.memory_space<vmem>>, vector<16xf32>,
          %mul3A_965 = arith.mulf %get3A_964, %gather3A_943 : vector<16xf32>
          %swap3A_966 = arith.index_cast %add3A_947 : i32 to index
          %swap3A_967 = arith.constant 32 : index
          %swap3A_968 = tpu.vector_load %arg15[%swap3A_966, %swap3A_967] {strides = array<i32>} : memref<80x128xf32, #tpu.memory_space<vmem>>, vector<16xf32>,
          tpu.vector_store %arg15[%swap3A_966, %swap3A_967], %mul3A_965 {strides = array<i32>} : memref<80x128xf32, #tpu.memory_space<vmem>>, vector<16xf32>,
          %get3A_969 = arith.index_cast %add3A_947 : i32 to index
          %get3A_970 = arith.constant 48 : index
          %get3A_971 = tpu.vector_load %arg15[%get3A_969, %get3A_970] {strides = array<i32>} : memref<80x128xf32, #tpu.memory_space<vmem>>, vector<16xf32>,
          %mul3A_972 = arith.mulf %get3A_971, %gather3A_943 : vector<16xf32>
          %swap3A_973 = arith.index_cast %add3A_947 : i32 to index
          %swap3A_974 = arith.constant 48 : index
          %swap3A_975 = tpu.vector_load %arg15[%swap3A_973, %swap3A_974] {strides = array<i32>} : memref<80x128xf32, #tpu.memory_space<vmem>>, vector<16xf32>,
          tpu.vector_store %arg15[%swap3A_973, %swap3A_974], %mul3A_972 {strides = array<i32>} : memref<80x128xf32, #tpu.memory_space<vmem>>, vector<16xf32>,
          %get3A_976 = arith.index_cast %add3A_947 : i32 to index
          %get3A_977 = arith.constant 64 : index
          %get3A_978 = tpu.vector_load %arg15[%get3A_976, %get3A_977] {strides = array<i32>} : memref<80x128xf32, #tpu.memory_space<vmem>>, vector<16xf32>,
          %mul3A_979 = arith.mulf %get3A_978, %gather3A_943 : vector<16xf32>
          %swap3A_980 = arith.index_cast %add3A_947 : i32 to index
          %swap3A_981 = arith.constant 64 : index
          %swap3A_982 = tpu.vector_load %arg15[%swap3A_980, %swap3A_981] {strides = array<i32>} : memref<80x128xf32, #tpu.memory_space<vmem>>, vector<16xf32>,
          tpu.vector_store %arg15[%swap3A_980, %swap3A_981], %mul3A_979 {strides = array<i32>} : memref<80x128xf32, #tpu.memory_space<vmem>>, vector<16xf32>,
          %get3A_983 = arith.index_cast %add3A_947 : i32 to index
          %get3A_984 = arith.constant 80 : index
          %get3A_985 = tpu.vector_load %arg15[%get3A_983, %get3A_984] {strides = array<i32>} : memref<80x128xf32, #tpu.memory_space<vmem>>, vector<16xf32>,
          %mul3A_986 = arith.mulf %get3A_985, %gather3A_943 : vector<16xf32>
          %swap3A_987 = arith.index_cast %add3A_947 : i32 to index
          %swap3A_988 = arith.constant 80 : index
          %swap3A_989 = tpu.vector_load %arg15[%swap3A_987, %swap3A_988] {strides = array<i32>} : memref<80x128xf32, #tpu.memory_space<vmem>>, vector<16xf32>,
          tpu.vector_store %arg15[%swap3A_987, %swap3A_988], %mul3A_986 {strides = array<i32>} : memref<80x128xf32, #tpu.memory_space<vmem>>, vector<16xf32>,
          %get3A_990 = arith.index_cast %add3A_947 : i32 to index
          %get3A_991 = arith.constant 96 : index
          %get3A_992 = tpu.vector_load %arg15[%get3A_990, %get3A_991] {strides = array<i32>} : memref<80x128xf32, #tpu.memory_space<vmem>>, vector<16xf32>,
          %mul3A_993 = arith.mulf %get3A_992, %gather3A_943 : vector<16xf32>
          %swap3A_994 = arith.index_cast %add3A_947 : i32 to index
          %swap3A_995 = arith.constant 96 : index
          %swap3A_996 = tpu.vector_load %arg15[%swap3A_994, %swap3A_995] {strides = array<i32>} : memref<80x128xf32, #tpu.memory_space<vmem>>, vector<16xf32>,
          tpu.vector_store %arg15[%swap3A_994, %swap3A_995], %mul3A_993 {strides = array<i32>} : memref<80x128xf32, #tpu.memory_space<vmem>>, vector<16xf32>,
          %get3A_997 = arith.index_cast %add3A_947 : i32 to index
          %get3A_998 = arith.constant 112 : index
          %get3A_999 = tpu.vector_load %arg15[%get3A_997, %get3A_998] {strides = array<i32>} : memref<80x128xf32, #tpu.memory_space<vmem>>, vector<16xf32>,
          %mul3A_1000 = arith.mulf %get3A_999, %gather3A_943 : vector<16xf32>
          %swap3A_1001 = arith.index_cast %add3A_947 : i32 to index
          %swap3A_1002 = arith.constant 112 : index
          %swap3A_1003 = tpu.vector_load %arg15[%swap3A_1001, %swap3A_1002] {strides = array<i32>} : memref<80x128xf32, #tpu.memory_space<vmem>>, vector<16xf32>,
          tpu.vector_store %arg15[%swap3A_1001, %swap3A_1002], %mul3A_1000 {strides = array<i32>} : memref<80x128xf32, #tpu.memory_space<vmem>>, vector<16xf32>,
          %broadcast_in_dim3A_1004 = arith.constant 8 : i32
          %broadcast_in_dim3A_1005 = vector.broadcast %broadcast_in_dim3A_1004 : i32 to vector<16xi32>
          %broadcast_in_dim3A_1006 = vector.shape_cast %broadcast_in_dim3A_1005 : vector<16xi32> to vector<16x1xi32>
          %gather3A_1007 = vector.shape_cast %broadcast_in_dim3A_1006 : vector<16x1xi32> to vector<16xi32>
          %gather3A_1008 = tpu.dynamic_gather %get3A_484[%gather3A_1007] in [0] : vector<16xf32>, vector<16xi32> -> vector<16xf32>
          %mul3A_1009 = arith.constant 16 : i32
          %mul3A_1010 = arith.muli %scan3A_480, %mul3A_1009 : i32
          %add3A_1011 = arith.constant 8 : i32
          %add3A_1012 = arith.addi %mul3A_1010, %add3A_1011 : i32
          %get3A_1013 = arith.index_cast %add3A_1012 : i32 to index
          %get3A_1014 = arith.constant 0 : index
          %get3A_1015 = tpu.vector_load %arg15[%get3A_1013, %get3A_1014] {strides = array<i32>} : memref<80x128xf32, #tpu.memory_space<vmem>>, vector<16xf32>,
          %mul3A_1016 = arith.mulf %get3A_1015, %gather3A_1008 : vector<16xf32>
          %swap3A_1017 = arith.index_cast %add3A_1012 : i32 to index
          %swap3A_1018 = arith.constant 0 : index
          %swap3A_1019 = tpu.vector_load %arg15[%swap3A_1017, %swap3A_1018] {strides = array<i32>} : memref<80x128xf32, #tpu.memory_space<vmem>>, vector<16xf32>,
          tpu.vector_store %arg15[%swap3A_1017, %swap3A_1018], %mul3A_1016 {strides = array<i32>} : memref<80x128xf32, #tpu.memory_space<vmem>>, vector<16xf32>,
          %get3A_1020 = arith.index_cast %add3A_1012 : i32 to index
          %get3A_1021 = arith.constant 16 : index
          %get3A_1022 = tpu.vector_load %arg15[%get3A_1020, %get3A_1021] {strides = array<i32>} : memref<80x128xf32, #tpu.memory_space<vmem>>, vector<16xf32>,
          %mul3A_1023 = arith.mulf %get3A_1022, %gather3A_1008 : vector<16xf32>
          %swap3A_1024 = arith.index_cast %add3A_1012 : i32 to index
          %swap3A_1025 = arith.constant 16 : index
          %swap3A_1026 = tpu.vector_load %arg15[%swap3A_1024, %swap3A_1025] {strides = array<i32>} : memref<80x128xf32, #tpu.memory_space<vmem>>, vector<16xf32>,
          tpu.vector_store %arg15[%swap3A_1024, %swap3A_1025], %mul3A_1023 {strides = array<i32>} : memref<80x128xf32, #tpu.memory_space<vmem>>, vector<16xf32>,
          %get3A_1027 = arith.index_cast %add3A_1012 : i32 to index
          %get3A_1028 = arith.constant 32 : index
          %get3A_1029 = tpu.vector_load %arg15[%get3A_1027, %get3A_1028] {strides = array<i32>} : memref<80x128xf32, #tpu.memory_space<vmem>>, vector<16xf32>,
          %mul3A_1030 = arith.mulf %get3A_1029, %gather3A_1008 : vector<16xf32>
          %swap3A_1031 = arith.index_cast %add3A_1012 : i32 to index
          %swap3A_1032 = arith.constant 32 : index
          %swap3A_1033 = tpu.vector_load %arg15[%swap3A_1031, %swap3A_1032] {strides = array<i32>} : memref<80x128xf32, #tpu.memory_space<vmem>>, vector<16xf32>,
          tpu.vector_store %arg15[%swap3A_1031, %swap3A_1032], %mul3A_1030 {strides = array<i32>} : memref<80x128xf32, #tpu.memory_space<vmem>>, vector<16xf32>,
          %get3A_1034 = arith.index_cast %add3A_1012 : i32 to index
          %get3A_1035 = arith.constant 48 : index
          %get3A_1036 = tpu.vector_load %arg15[%get3A_1034, %get3A_1035] {strides = array<i32>} : memref<80x128xf32, #tpu.memory_space<vmem>>, vector<16xf32>,
          %mul3A_1037 = arith.mulf %get3A_1036, %gather3A_1008 : vector<16xf32>
          %swap3A_1038 = arith.index_cast %add3A_1012 : i32 to index
          %swap3A_1039 = arith.constant 48 : index
          %swap3A_1040 = tpu.vector_load %arg15[%swap3A_1038, %swap3A_1039] {strides = array<i32>} : memref<80x128xf32, #tpu.memory_space<vmem>>, vector<16xf32>,
          tpu.vector_store %arg15[%swap3A_1038, %swap3A_1039], %mul3A_1037 {strides = array<i32>} : memref<80x128xf32, #tpu.memory_space<vmem>>, vector<16xf32>,
          %get3A_1041 = arith.index_cast %add3A_1012 : i32 to index
          %get3A_1042 = arith.constant 64 : index
          %get3A_1043 = tpu.vector_load %arg15[%get3A_1041, %get3A_1042] {strides = array<i32>} : memref<80x128xf32, #tpu.memory_space<vmem>>, vector<16xf32>,
          %mul3A_1044 = arith.mulf %get3A_1043, %gather3A_1008 : vector<16xf32>
          %swap3A_1045 = arith.index_cast %add3A_1012 : i32 to index
          %swap3A_1046 = arith.constant 64 : index
          %swap3A_1047 = tpu.vector_load %arg15[%swap3A_1045, %swap3A_1046] {strides = array<i32>} : memref<80x128xf32, #tpu.memory_space<vmem>>, vector<16xf32>,
          tpu.vector_store %arg15[%swap3A_1045, %swap3A_1046], %mul3A_1044 {strides = array<i32>} : memref<80x128xf32, #tpu.memory_space<vmem>>, vector<16xf32>,
          %get3A_1048 = arith.index_cast %add3A_1012 : i32 to index
          %get3A_1049 = arith.constant 80 : index
          %get3A_1050 = tpu.vector_load %arg15[%get3A_1048, %get3A_1049] {strides = array<i32>} : memref<80x128xf32, #tpu.memory_space<vmem>>, vector<16xf32>,
          %mul3A_1051 = arith.mulf %get3A_1050, %gather3A_1008 : vector<16xf32>
          %swap3A_1052 = arith.index_cast %add3A_1012 : i32 to index
          %swap3A_1053 = arith.constant 80 : index
          %swap3A_1054 = tpu.vector_load %arg15[%swap3A_1052, %swap3A_1053] {strides = array<i32>} : memref<80x128xf32, #tpu.memory_space<vmem>>, vector<16xf32>,
          tpu.vector_store %arg15[%swap3A_1052, %swap3A_1053], %mul3A_1051 {strides = array<i32>} : memref<80x128xf32, #tpu.memory_space<vmem>>, vector<16xf32>,
          %get3A_1055 = arith.index_cast %add3A_1012 : i32 to index
          %get3A_1056 = arith.constant 96 : index
          %get3A_1057 = tpu.vector_load %arg15[%get3A_1055, %get3A_1056] {strides = array<i32>} : memref<80x128xf32, #tpu.memory_space<vmem>>, vector<16xf32>,
          %mul3A_1058 = arith.mulf %get3A_1057, %gather3A_1008 : vector<16xf32>
          %swap3A_1059 = arith.index_cast %add3A_1012 : i32 to index
          %swap3A_1060 = arith.constant 96 : index
          %swap3A_1061 = tpu.vector_load %arg15[%swap3A_1059, %swap3A_1060] {strides = array<i32>} : memref<80x128xf32, #tpu.memory_space<vmem>>, vector<16xf32>,
          tpu.vector_store %arg15[%swap3A_1059, %swap3A_1060], %mul3A_1058 {strides = array<i32>} : memref<80x128xf32, #tpu.memory_space<vmem>>, vector<16xf32>,
          %get3A_1062 = arith.index_cast %add3A_1012 : i32 to index
          %get3A_1063 = arith.constant 112 : index
          %get3A_1064 = tpu.vector_load %arg15[%get3A_1062, %get3A_1063] {strides = array<i32>} : memref<80x128xf32, #tpu.memory_space<vmem>>, vector<16xf32>,
          %mul3A_1065 = arith.mulf %get3A_1064, %gather3A_1008 : vector<16xf32>
          %swap3A_1066 = arith.index_cast %add3A_1012 : i32 to index
          %swap3A_1067 = arith.constant 112 : index
          %swap3A_1068 = tpu.vector_load %arg15[%swap3A_1066, %swap3A_1067] {strides = array<i32>} : memref<80x128xf32, #tpu.memory_space<vmem>>, vector<16xf32>,
          tpu.vector_store %arg15[%swap3A_1066, %swap3A_1067], %mul3A_1065 {strides = array<i32>} : memref<80x128xf32, #tpu.memory_space<vmem>>, vector<16xf32>,
          %broadcast_in_dim3A_1069 = arith.constant 9 : i32
          %broadcast_in_dim3A_1070 = vector.broadcast %broadcast_in_dim3A_1069 : i32 to vector<16xi32>
          %broadcast_in_dim3A_1071 = vector.shape_cast %broadcast_in_dim3A_1070 : vector<16xi32> to vector<16x1xi32>
          %gather3A_1072 = vector.shape_cast %broadcast_in_dim3A_1071 : vector<16x1xi32> to vector<16xi32>
          %gather3A_1073 = tpu.dynamic_gather %get3A_484[%gather3A_1072] in [0] : vector<16xf32>, vector<16xi32> -> vector<16xf32>
          %mul3A_1074 = arith.constant 16 : i32
          %mul3A_1075 = arith.muli %scan3A_480, %mul3A_1074 : i32
          %add3A_1076 = arith.constant 9 : i32
          %add3A_1077 = arith.addi %mul3A_1075, %add3A_1076 : i32
          %get3A_1078 = arith.index_cast %add3A_1077 : i32 to index
          %get3A_1079 = arith.constant 0 : index
          %get3A_1080 = tpu.vector_load %arg15[%get3A_1078, %get3A_1079] {strides = array<i32>} : memref<80x128xf32, #tpu.memory_space<vmem>>, vector<16xf32>,
          %mul3A_1081 = arith.mulf %get3A_1080, %gather3A_1073 : vector<16xf32>
          %swap3A_1082 = arith.index_cast %add3A_1077 : i32 to index
          %swap3A_1083 = arith.constant 0 : index
          %swap3A_1084 = tpu.vector_load %arg15[%swap3A_1082, %swap3A_1083] {strides = array<i32>} : memref<80x128xf32, #tpu.memory_space<vmem>>, vector<16xf32>,
          tpu.vector_store %arg15[%swap3A_1082, %swap3A_1083], %mul3A_1081 {strides = array<i32>} : memref<80x128xf32, #tpu.memory_space<vmem>>, vector<16xf32>,
          %get3A_1085 = arith.index_cast %add3A_1077 : i32 to index
          %get3A_1086 = arith.constant 16 : index
          %get3A_1087 = tpu.vector_load %arg15[%get3A_1085, %get3A_1086] {strides = array<i32>} : memref<80x128xf32, #tpu.memory_space<vmem>>, vector<16xf32>,
          %mul3A_1088 = arith.mulf %get3A_1087, %gather3A_1073 : vector<16xf32>
          %swap3A_1089 = arith.index_cast %add3A_1077 : i32 to index
          %swap3A_1090 = arith.constant 16 : index
          %swap3A_1091 = tpu.vector_load %arg15[%swap3A_1089, %swap3A_1090] {strides = array<i32>} : memref<80x128xf32, #tpu.memory_space<vmem>>, vector<16xf32>,
          tpu.vector_store %arg15[%swap3A_1089, %swap3A_1090], %mul3A_1088 {strides = array<i32>} : memref<80x128xf32, #tpu.memory_space<vmem>>, vector<16xf32>,
          %get3A_1092 = arith.index_cast %add3A_1077 : i32 to index
          %get3A_1093 = arith.constant 32 : index
          %get3A_1094 = tpu.vector_load %arg15[%get3A_1092, %get3A_1093] {strides = array<i32>} : memref<80x128xf32, #tpu.memory_space<vmem>>, vector<16xf32>,
          %mul3A_1095 = arith.mulf %get3A_1094, %gather3A_1073 : vector<16xf32>
          %swap3A_1096 = arith.index_cast %add3A_1077 : i32 to index
          %swap3A_1097 = arith.constant 32 : index
          %swap3A_1098 = tpu.vector_load %arg15[%swap3A_1096, %swap3A_1097] {strides = array<i32>} : memref<80x128xf32, #tpu.memory_space<vmem>>, vector<16xf32>,
          tpu.vector_store %arg15[%swap3A_1096, %swap3A_1097], %mul3A_1095 {strides = array<i32>} : memref<80x128xf32, #tpu.memory_space<vmem>>, vector<16xf32>,
          %get3A_1099 = arith.index_cast %add3A_1077 : i32 to index
          %get3A_1100 = arith.constant 48 : index
          %get3A_1101 = tpu.vector_load %arg15[%get3A_1099, %get3A_1100] {strides = array<i32>} : memref<80x128xf32, #tpu.memory_space<vmem>>, vector<16xf32>,
          %mul3A_1102 = arith.mulf %get3A_1101, %gather3A_1073 : vector<16xf32>
          %swap3A_1103 = arith.index_cast %add3A_1077 : i32 to index
          %swap3A_1104 = arith.constant 48 : index
          %swap3A_1105 = tpu.vector_load %arg15[%swap3A_1103, %swap3A_1104] {strides = array<i32>} : memref<80x128xf32, #tpu.memory_space<vmem>>, vector<16xf32>,
          tpu.vector_store %arg15[%swap3A_1103, %swap3A_1104], %mul3A_1102 {strides = array<i32>} : memref<80x128xf32, #tpu.memory_space<vmem>>, vector<16xf32>,
          %get3A_1106 = arith.index_cast %add3A_1077 : i32 to index
          %get3A_1107 = arith.constant 64 : index
          %get3A_1108 = tpu.vector_load %arg15[%get3A_1106, %get3A_1107] {strides = array<i32>} : memref<80x128xf32, #tpu.memory_space<vmem>>, vector<16xf32>,
          %mul3A_1109 = arith.mulf %get3A_1108, %gather3A_1073 : vector<16xf32>
          %swap3A_1110 = arith.index_cast %add3A_1077 : i32 to index
          %swap3A_1111 = arith.constant 64 : index
          %swap3A_1112 = tpu.vector_load %arg15[%swap3A_1110, %swap3A_1111] {strides = array<i32>} : memref<80x128xf32, #tpu.memory_space<vmem>>, vector<16xf32>,
          tpu.vector_store %arg15[%swap3A_1110, %swap3A_1111], %mul3A_1109 {strides = array<i32>} : memref<80x128xf32, #tpu.memory_space<vmem>>, vector<16xf32>,
          %get3A_1113 = arith.index_cast %add3A_1077 : i32 to index
          %get3A_1114 = arith.constant 80 : index
          %get3A_1115 = tpu.vector_load %arg15[%get3A_1113, %get3A_1114] {strides = array<i32>} : memref<80x128xf32, #tpu.memory_space<vmem>>, vector<16xf32>,
          %mul3A_1116 = arith.mulf %get3A_1115, %gather3A_1073 : vector<16xf32>
          %swap3A_1117 = arith.index_cast %add3A_1077 : i32 to index
          %swap3A_1118 = arith.constant 80 : index
          %swap3A_1119 = tpu.vector_load %arg15[%swap3A_1117, %swap3A_1118] {strides = array<i32>} : memref<80x128xf32, #tpu.memory_space<vmem>>, vector<16xf32>,
          tpu.vector_store %arg15[%swap3A_1117, %swap3A_1118], %mul3A_1116 {strides = array<i32>} : memref<80x128xf32, #tpu.memory_space<vmem>>, vector<16xf32>,
          %get3A_1120 = arith.index_cast %add3A_1077 : i32 to index
          %get3A_1121 = arith.constant 96 : index
          %get3A_1122 = tpu.vector_load %arg15[%get3A_1120, %get3A_1121] {strides = array<i32>} : memref<80x128xf32, #tpu.memory_space<vmem>>, vector<16xf32>,
          %mul3A_1123 = arith.mulf %get3A_1122, %gather3A_1073 : vector<16xf32>
          %swap3A_1124 = arith.index_cast %add3A_1077 : i32 to index
          %swap3A_1125 = arith.constant 96 : index
          %swap3A_1126 = tpu.vector_load %arg15[%swap3A_1124, %swap3A_1125] {strides = array<i32>} : memref<80x128xf32, #tpu.memory_space<vmem>>, vector<16xf32>,
          tpu.vector_store %arg15[%swap3A_1124, %swap3A_1125], %mul3A_1123 {strides = array<i32>} : memref<80x128xf32, #tpu.memory_space<vmem>>, vector<16xf32>,
          %get3A_1127 = arith.index_cast %add3A_1077 : i32 to index
          %get3A_1128 = arith.constant 112 : index
          %get3A_1129 = tpu.vector_load %arg15[%get3A_1127, %get3A_1128] {strides = array<i32>} : memref<80x128xf32, #tpu.memory_space<vmem>>, vector<16xf32>,
          %mul3A_1130 = arith.mulf %get3A_1129, %gather3A_1073 : vector<16xf32>
          %swap3A_1131 = arith.index_cast %add3A_1077 : i32 to index
          %swap3A_1132 = arith.constant 112 : index
          %swap3A_1133 = tpu.vector_load %arg15[%swap3A_1131, %swap3A_1132] {strides = array<i32>} : memref<80x128xf32, #tpu.memory_space<vmem>>, vector<16xf32>,
          tpu.vector_store %arg15[%swap3A_1131, %swap3A_1132], %mul3A_1130 {strides = array<i32>} : memref<80x128xf32, #tpu.memory_space<vmem>>, vector<16xf32>,
          %broadcast_in_dim3A_1134 = arith.constant 10 : i32
          %broadcast_in_dim3A_1135 = vector.broadcast %broadcast_in_dim3A_1134 : i32 to vector<16xi32>
          %broadcast_in_dim3A_1136 = vector.shape_cast %broadcast_in_dim3A_1135 : vector<16xi32> to vector<16x1xi32>
          %gather3A_1137 = vector.shape_cast %broadcast_in_dim3A_1136 : vector<16x1xi32> to vector<16xi32>
          %gather3A_1138 = tpu.dynamic_gather %get3A_484[%gather3A_1137] in [0] : vector<16xf32>, vector<16xi32> -> vector<16xf32>
          %mul3A_1139 = arith.constant 16 : i32
          %mul3A_1140 = arith.muli %scan3A_480, %mul3A_1139 : i32
          %add3A_1141 = arith.constant 10 : i32
          %add3A_1142 = arith.addi %mul3A_1140, %add3A_1141 : i32
          %get3A_1143 = arith.index_cast %add3A_1142 : i32 to index
          %get3A_1144 = arith.constant 0 : index
          %get3A_1145 = tpu.vector_load %arg15[%get3A_1143, %get3A_1144] {strides = array<i32>} : memref<80x128xf32, #tpu.memory_space<vmem>>, vector<16xf32>,
          %mul3A_1146 = arith.mulf %get3A_1145, %gather3A_1138 : vector<16xf32>
          %swap3A_1147 = arith.index_cast %add3A_1142 : i32 to index
          %swap3A_1148 = arith.constant 0 : index
          %swap3A_1149 = tpu.vector_load %arg15[%swap3A_1147, %swap3A_1148] {strides = array<i32>} : memref<80x128xf32, #tpu.memory_space<vmem>>, vector<16xf32>,
          tpu.vector_store %arg15[%swap3A_1147, %swap3A_1148], %mul3A_1146 {strides = array<i32>} : memref<80x128xf32, #tpu.memory_space<vmem>>, vector<16xf32>,
          %get3A_1150 = arith.index_cast %add3A_1142 : i32 to index
          %get3A_1151 = arith.constant 16 : index
          %get3A_1152 = tpu.vector_load %arg15[%get3A_1150, %get3A_1151] {strides = array<i32>} : memref<80x128xf32, #tpu.memory_space<vmem>>, vector<16xf32>,
          %mul3A_1153 = arith.mulf %get3A_1152, %gather3A_1138 : vector<16xf32>
          %swap3A_1154 = arith.index_cast %add3A_1142 : i32 to index
          %swap3A_1155 = arith.constant 16 : index
          %swap3A_1156 = tpu.vector_load %arg15[%swap3A_1154, %swap3A_1155] {strides = array<i32>} : memref<80x128xf32, #tpu.memory_space<vmem>>, vector<16xf32>,
          tpu.vector_store %arg15[%swap3A_1154, %swap3A_1155], %mul3A_1153 {strides = array<i32>} : memref<80x128xf32, #tpu.memory_space<vmem>>, vector<16xf32>,
          %get3A_1157 = arith.index_cast %add3A_1142 : i32 to index
          %get3A_1158 = arith.constant 32 : index
          %get3A_1159 = tpu.vector_load %arg15[%get3A_1157, %get3A_1158] {strides = array<i32>} : memref<80x128xf32, #tpu.memory_space<vmem>>, vector<16xf32>,
          %mul3A_1160 = arith.mulf %get3A_1159, %gather3A_1138 : vector<16xf32>
          %swap3A_1161 = arith.index_cast %add3A_1142 : i32 to index
          %swap3A_1162 = arith.constant 32 : index
          %swap3A_1163 = tpu.vector_load %arg15[%swap3A_1161, %swap3A_1162] {strides = array<i32>} : memref<80x128xf32, #tpu.memory_space<vmem>>, vector<16xf32>,
          tpu.vector_store %arg15[%swap3A_1161, %swap3A_1162], %mul3A_1160 {strides = array<i32>} : memref<80x128xf32, #tpu.memory_space<vmem>>, vector<16xf32>,
          %get3A_1164 = arith.index_cast %add3A_1142 : i32 to index
          %get3A_1165 = arith.constant 48 : index
          %get3A_1166 = tpu.vector_load %arg15[%get3A_1164, %get3A_1165] {strides = array<i32>} : memref<80x128xf32, #tpu.memory_space<vmem>>, vector<16xf32>,
          %mul3A_1167 = arith.mulf %get3A_1166, %gather3A_1138 : vector<16xf32>
          %swap3A_1168 = arith.index_cast %add3A_1142 : i32 to index
          %swap3A_1169 = arith.constant 48 : index
          %swap3A_1170 = tpu.vector_load %arg15[%swap3A_1168, %swap3A_1169] {strides = array<i32>} : memref<80x128xf32, #tpu.memory_space<vmem>>, vector<16xf32>,
          tpu.vector_store %arg15[%swap3A_1168, %swap3A_1169], %mul3A_1167 {strides = array<i32>} : memref<80x128xf32, #tpu.memory_space<vmem>>, vector<16xf32>,
          %get3A_1171 = arith.index_cast %add3A_1142 : i32 to index
          %get3A_1172 = arith.constant 64 : index
          %get3A_1173 = tpu.vector_load %arg15[%get3A_1171, %get3A_1172] {strides = array<i32>} : memref<80x128xf32, #tpu.memory_space<vmem>>, vector<16xf32>,
          %mul3A_1174 = arith.mulf %get3A_1173, %gather3A_1138 : vector<16xf32>
          %swap3A_1175 = arith.index_cast %add3A_1142 : i32 to index
          %swap3A_1176 = arith.constant 64 : index
          %swap3A_1177 = tpu.vector_load %arg15[%swap3A_1175, %swap3A_1176] {strides = array<i32>} : memref<80x128xf32, #tpu.memory_space<vmem>>, vector<16xf32>,
          tpu.vector_store %arg15[%swap3A_1175, %swap3A_1176], %mul3A_1174 {strides = array<i32>} : memref<80x128xf32, #tpu.memory_space<vmem>>, vector<16xf32>,
          %get3A_1178 = arith.index_cast %add3A_1142 : i32 to index
          %get3A_1179 = arith.constant 80 : index
          %get3A_1180 = tpu.vector_load %arg15[%get3A_1178, %get3A_1179] {strides = array<i32>} : memref<80x128xf32, #tpu.memory_space<vmem>>, vector<16xf32>,
          %mul3A_1181 = arith.mulf %get3A_1180, %gather3A_1138 : vector<16xf32>
          %swap3A_1182 = arith.index_cast %add3A_1142 : i32 to index
          %swap3A_1183 = arith.constant 80 : index
          %swap3A_1184 = tpu.vector_load %arg15[%swap3A_1182, %swap3A_1183] {strides = array<i32>} : memref<80x128xf32, #tpu.memory_space<vmem>>, vector<16xf32>,
          tpu.vector_store %arg15[%swap3A_1182, %swap3A_1183], %mul3A_1181 {strides = array<i32>} : memref<80x128xf32, #tpu.memory_space<vmem>>, vector<16xf32>,
          %get3A_1185 = arith.index_cast %add3A_1142 : i32 to index
          %get3A_1186 = arith.constant 96 : index
          %get3A_1187 = tpu.vector_load %arg15[%get3A_1185, %get3A_1186] {strides = array<i32>} : memref<80x128xf32, #tpu.memory_space<vmem>>, vector<16xf32>,
          %mul3A_1188 = arith.mulf %get3A_1187, %gather3A_1138 : vector<16xf32>
          %swap3A_1189 = arith.index_cast %add3A_1142 : i32 to index
          %swap3A_1190 = arith.constant 96 : index
          %swap3A_1191 = tpu.vector_load %arg15[%swap3A_1189, %swap3A_1190] {strides = array<i32>} : memref<80x128xf32, #tpu.memory_space<vmem>>, vector<16xf32>,
          tpu.vector_store %arg15[%swap3A_1189, %swap3A_1190], %mul3A_1188 {strides = array<i32>} : memref<80x128xf32, #tpu.memory_space<vmem>>, vector<16xf32>,
          %get3A_1192 = arith.index_cast %add3A_1142 : i32 to index
          %get3A_1193 = arith.constant 112 : index
          %get3A_1194 = tpu.vector_load %arg15[%get3A_1192, %get3A_1193] {strides = array<i32>} : memref<80x128xf32, #tpu.memory_space<vmem>>, vector<16xf32>,
          %mul3A_1195 = arith.mulf %get3A_1194, %gather3A_1138 : vector<16xf32>
          %swap3A_1196 = arith.index_cast %add3A_1142 : i32 to index
          %swap3A_1197 = arith.constant 112 : index
          %swap3A_1198 = tpu.vector_load %arg15[%swap3A_1196, %swap3A_1197] {strides = array<i32>} : memref<80x128xf32, #tpu.memory_space<vmem>>, vector<16xf32>,
          tpu.vector_store %arg15[%swap3A_1196, %swap3A_1197], %mul3A_1195 {strides = array<i32>} : memref<80x128xf32, #tpu.memory_space<vmem>>, vector<16xf32>,
          %broadcast_in_dim3A_1199 = arith.constant 11 : i32
          %broadcast_in_dim3A_1200 = vector.broadcast %broadcast_in_dim3A_1199 : i32 to vector<16xi32>
          %broadcast_in_dim3A_1201 = vector.shape_cast %broadcast_in_dim3A_1200 : vector<16xi32> to vector<16x1xi32>
          %gather3A_1202 = vector.shape_cast %broadcast_in_dim3A_1201 : vector<16x1xi32> to vector<16xi32>
          %gather3A_1203 = tpu.dynamic_gather %get3A_484[%gather3A_1202] in [0] : vector<16xf32>, vector<16xi32> -> vector<16xf32>
          %mul3A_1204 = arith.constant 16 : i32
          %mul3A_1205 = arith.muli %scan3A_480, %mul3A_1204 : i32
          %add3A_1206 = arith.constant 11 : i32
          %add3A_1207 = arith.addi %mul3A_1205, %add3A_1206 : i32
          %get3A_1208 = arith.index_cast %add3A_1207 : i32 to index
          %get3A_1209 = arith.constant 0 : index
          %get3A_1210 = tpu.vector_load %arg15[%get3A_1208, %get3A_1209] {strides = array<i32>} : memref<80x128xf32, #tpu.memory_space<vmem>>, vector<16xf32>,
          %mul3A_1211 = arith.mulf %get3A_1210, %gather3A_1203 : vector<16xf32>
          %swap3A_1212 = arith.index_cast %add3A_1207 : i32 to index
          %swap3A_1213 = arith.constant 0 : index
          %swap3A_1214 = tpu.vector_load %arg15[%swap3A_1212, %swap3A_1213] {strides = array<i32>} : memref<80x128xf32, #tpu.memory_space<vmem>>, vector<16xf32>,
          tpu.vector_store %arg15[%swap3A_1212, %swap3A_1213], %mul3A_1211 {strides = array<i32>} : memref<80x128xf32, #tpu.memory_space<vmem>>, vector<16xf32>,
          %get3A_1215 = arith.index_cast %add3A_1207 : i32 to index
          %get3A_1216 = arith.constant 16 : index
          %get3A_1217 = tpu.vector_load %arg15[%get3A_1215, %get3A_1216] {strides = array<i32>} : memref<80x128xf32, #tpu.memory_space<vmem>>, vector<16xf32>,
          %mul3A_1218 = arith.mulf %get3A_1217, %gather3A_1203 : vector<16xf32>
          %swap3A_1219 = arith.index_cast %add3A_1207 : i32 to index
          %swap3A_1220 = arith.constant 16 : index
          %swap3A_1221 = tpu.vector_load %arg15[%swap3A_1219, %swap3A_1220] {strides = array<i32>} : memref<80x128xf32, #tpu.memory_space<vmem>>, vector<16xf32>,
          tpu.vector_store %arg15[%swap3A_1219, %swap3A_1220], %mul3A_1218 {strides = array<i32>} : memref<80x128xf32, #tpu.memory_space<vmem>>, vector<16xf32>,
          %get3A_1222 = arith.index_cast %add3A_1207 : i32 to index
          %get3A_1223 = arith.constant 32 : index
          %get3A_1224 = tpu.vector_load %arg15[%get3A_1222, %get3A_1223] {strides = array<i32>} : memref<80x128xf32, #tpu.memory_space<vmem>>, vector<16xf32>,
          %mul3A_1225 = arith.mulf %get3A_1224, %gather3A_1203 : vector<16xf32>
          %swap3A_1226 = arith.index_cast %add3A_1207 : i32 to index
          %swap3A_1227 = arith.constant 32 : index
          %swap3A_1228 = tpu.vector_load %arg15[%swap3A_1226, %swap3A_1227] {strides = array<i32>} : memref<80x128xf32, #tpu.memory_space<vmem>>, vector<16xf32>,
          tpu.vector_store %arg15[%swap3A_1226, %swap3A_1227], %mul3A_1225 {strides = array<i32>} : memref<80x128xf32, #tpu.memory_space<vmem>>, vector<16xf32>,
          %get3A_1229 = arith.index_cast %add3A_1207 : i32 to index
          %get3A_1230 = arith.constant 48 : index
          %get3A_1231 = tpu.vector_load %arg15[%get3A_1229, %get3A_1230] {strides = array<i32>} : memref<80x128xf32, #tpu.memory_space<vmem>>, vector<16xf32>,
          %mul3A_1232 = arith.mulf %get3A_1231, %gather3A_1203 : vector<16xf32>
          %swap3A_1233 = arith.index_cast %add3A_1207 : i32 to index
          %swap3A_1234 = arith.constant 48 : index
          %swap3A_1235 = tpu.vector_load %arg15[%swap3A_1233, %swap3A_1234] {strides = array<i32>} : memref<80x128xf32, #tpu.memory_space<vmem>>, vector<16xf32>,
          tpu.vector_store %arg15[%swap3A_1233, %swap3A_1234], %mul3A_1232 {strides = array<i32>} : memref<80x128xf32, #tpu.memory_space<vmem>>, vector<16xf32>,
          %get3A_1236 = arith.index_cast %add3A_1207 : i32 to index
          %get3A_1237 = arith.constant 64 : index
          %get3A_1238 = tpu.vector_load %arg15[%get3A_1236, %get3A_1237] {strides = array<i32>} : memref<80x128xf32, #tpu.memory_space<vmem>>, vector<16xf32>,
          %mul3A_1239 = arith.mulf %get3A_1238, %gather3A_1203 : vector<16xf32>
          %swap3A_1240 = arith.index_cast %add3A_1207 : i32 to index
          %swap3A_1241 = arith.constant 64 : index
          %swap3A_1242 = tpu.vector_load %arg15[%swap3A_1240, %swap3A_1241] {strides = array<i32>} : memref<80x128xf32, #tpu.memory_space<vmem>>, vector<16xf32>,
          tpu.vector_store %arg15[%swap3A_1240, %swap3A_1241], %mul3A_1239 {strides = array<i32>} : memref<80x128xf32, #tpu.memory_space<vmem>>, vector<16xf32>,
          %get3A_1243 = arith.index_cast %add3A_1207 : i32 to index
          %get3A_1244 = arith.constant 80 : index
          %get3A_1245 = tpu.vector_load %arg15[%get3A_1243, %get3A_1244] {strides = array<i32>} : memref<80x128xf32, #tpu.memory_space<vmem>>, vector<16xf32>,
          %mul3A_1246 = arith.mulf %get3A_1245, %gather3A_1203 : vector<16xf32>
          %swap3A_1247 = arith.index_cast %add3A_1207 : i32 to index
          %swap3A_1248 = arith.constant 80 : index
          %swap3A_1249 = tpu.vector_load %arg15[%swap3A_1247, %swap3A_1248] {strides = array<i32>} : memref<80x128xf32, #tpu.memory_space<vmem>>, vector<16xf32>,
          tpu.vector_store %arg15[%swap3A_1247, %swap3A_1248], %mul3A_1246 {strides = array<i32>} : memref<80x128xf32, #tpu.memory_space<vmem>>, vector<16xf32>,
          %get3A_1250 = arith.index_cast %add3A_1207 : i32 to index
          %get3A_1251 = arith.constant 96 : index
          %get3A_1252 = tpu.vector_load %arg15[%get3A_1250, %get3A_1251] {strides = array<i32>} : memref<80x128xf32, #tpu.memory_space<vmem>>, vector<16xf32>,
          %mul3A_1253 = arith.mulf %get3A_1252, %gather3A_1203 : vector<16xf32>
          %swap3A_1254 = arith.index_cast %add3A_1207 : i32 to index
          %swap3A_1255 = arith.constant 96 : index
          %swap3A_1256 = tpu.vector_load %arg15[%swap3A_1254, %swap3A_1255] {strides = array<i32>} : memref<80x128xf32, #tpu.memory_space<vmem>>, vector<16xf32>,
          tpu.vector_store %arg15[%swap3A_1254, %swap3A_1255], %mul3A_1253 {strides = array<i32>} : memref<80x128xf32, #tpu.memory_space<vmem>>, vector<16xf32>,
          %get3A_1257 = arith.index_cast %add3A_1207 : i32 to index
          %get3A_1258 = arith.constant 112 : index
          %get3A_1259 = tpu.vector_load %arg15[%get3A_1257, %get3A_1258] {strides = array<i32>} : memref<80x128xf32, #tpu.memory_space<vmem>>, vector<16xf32>,
          %mul3A_1260 = arith.mulf %get3A_1259, %gather3A_1203 : vector<16xf32>
          %swap3A_1261 = arith.index_cast %add3A_1207 : i32 to index
          %swap3A_1262 = arith.constant 112 : index
          %swap3A_1263 = tpu.vector_load %arg15[%swap3A_1261, %swap3A_1262] {strides = array<i32>} : memref<80x128xf32, #tpu.memory_space<vmem>>, vector<16xf32>,
          tpu.vector_store %arg15[%swap3A_1261, %swap3A_1262], %mul3A_1260 {strides = array<i32>} : memref<80x128xf32, #tpu.memory_space<vmem>>, vector<16xf32>,
          %broadcast_in_dim3A_1264 = arith.constant 12 : i32
          %broadcast_in_dim3A_1265 = vector.broadcast %broadcast_in_dim3A_1264 : i32 to vector<16xi32>
          %broadcast_in_dim3A_1266 = vector.shape_cast %broadcast_in_dim3A_1265 : vector<16xi32> to vector<16x1xi32>
          %gather3A_1267 = vector.shape_cast %broadcast_in_dim3A_1266 : vector<16x1xi32> to vector<16xi32>
          %gather3A_1268 = tpu.dynamic_gather %get3A_484[%gather3A_1267] in [0] : vector<16xf32>, vector<16xi32> -> vector<16xf32>
          %mul3A_1269 = arith.constant 16 : i32
          %mul3A_1270 = arith.muli %scan3A_480, %mul3A_1269 : i32
          %add3A_1271 = arith.constant 12 : i32
          %add3A_1272 = arith.addi %mul3A_1270, %add3A_1271 : i32
          %get3A_1273 = arith.index_cast %add3A_1272 : i32 to index
          %get3A_1274 = arith.constant 0 : index
          %get3A_1275 = tpu.vector_load %arg15[%get3A_1273, %get3A_1274] {strides = array<i32>} : memref<80x128xf32, #tpu.memory_space<vmem>>, vector<16xf32>,
          %mul3A_1276 = arith.mulf %get3A_1275, %gather3A_1268 : vector<16xf32>
          %swap3A_1277 = arith.index_cast %add3A_1272 : i32 to index
          %swap3A_1278 = arith.constant 0 : index
          %swap3A_1279 = tpu.vector_load %arg15[%swap3A_1277, %swap3A_1278] {strides = array<i32>} : memref<80x128xf32, #tpu.memory_space<vmem>>, vector<16xf32>,
          tpu.vector_store %arg15[%swap3A_1277, %swap3A_1278], %mul3A_1276 {strides = array<i32>} : memref<80x128xf32, #tpu.memory_space<vmem>>, vector<16xf32>,
          %get3A_1280 = arith.index_cast %add3A_1272 : i32 to index
          %get3A_1281 = arith.constant 16 : index
          %get3A_1282 = tpu.vector_load %arg15[%get3A_1280, %get3A_1281] {strides = array<i32>} : memref<80x128xf32, #tpu.memory_space<vmem>>, vector<16xf32>,
          %mul3A_1283 = arith.mulf %get3A_1282, %gather3A_1268 : vector<16xf32>
          %swap3A_1284 = arith.index_cast %add3A_1272 : i32 to index
          %swap3A_1285 = arith.constant 16 : index
          %swap3A_1286 = tpu.vector_load %arg15[%swap3A_1284, %swap3A_1285] {strides = array<i32>} : memref<80x128xf32, #tpu.memory_space<vmem>>, vector<16xf32>,
          tpu.vector_store %arg15[%swap3A_1284, %swap3A_1285], %mul3A_1283 {strides = array<i32>} : memref<80x128xf32, #tpu.memory_space<vmem>>, vector<16xf32>,
          %get3A_1287 = arith.index_cast %add3A_1272 : i32 to index
          %get3A_1288 = arith.constant 32 : index
          %get3A_1289 = tpu.vector_load %arg15[%get3A_1287, %get3A_1288] {strides = array<i32>} : memref<80x128xf32, #tpu.memory_space<vmem>>, vector<16xf32>,
          %mul3A_1290 = arith.mulf %get3A_1289, %gather3A_1268 : vector<16xf32>
          %swap3A_1291 = arith.index_cast %add3A_1272 : i32 to index
          %swap3A_1292 = arith.constant 32 : index
          %swap3A_1293 = tpu.vector_load %arg15[%swap3A_1291, %swap3A_1292] {strides = array<i32>} : memref<80x128xf32, #tpu.memory_space<vmem>>, vector<16xf32>,
          tpu.vector_store %arg15[%swap3A_1291, %swap3A_1292], %mul3A_1290 {strides = array<i32>} : memref<80x128xf32, #tpu.memory_space<vmem>>, vector<16xf32>,
          %get3A_1294 = arith.index_cast %add3A_1272 : i32 to index
          %get3A_1295 = arith.constant 48 : index
          %get3A_1296 = tpu.vector_load %arg15[%get3A_1294, %get3A_1295] {strides = array<i32>} : memref<80x128xf32, #tpu.memory_space<vmem>>, vector<16xf32>,
          %mul3A_1297 = arith.mulf %get3A_1296, %gather3A_1268 : vector<16xf32>
          %swap3A_1298 = arith.index_cast %add3A_1272 : i32 to index
          %swap3A_1299 = arith.constant 48 : index
          %swap3A_1300 = tpu.vector_load %arg15[%swap3A_1298, %swap3A_1299] {strides = array<i32>} : memref<80x128xf32, #tpu.memory_space<vmem>>, vector<16xf32>,
          tpu.vector_store %arg15[%swap3A_1298, %swap3A_1299], %mul3A_1297 {strides = array<i32>} : memref<80x128xf32, #tpu.memory_space<vmem>>, vector<16xf32>,
          %get3A_1301 = arith.index_cast %add3A_1272 : i32 to index
          %get3A_1302 = arith.constant 64 : index
          %get3A_1303 = tpu.vector_load %arg15[%get3A_1301, %get3A_1302] {strides = array<i32>} : memref<80x128xf32, #tpu.memory_space<vmem>>, vector<16xf32>,
          %mul3A_1304 = arith.mulf %get3A_1303, %gather3A_1268 : vector<16xf32>
          %swap3A_1305 = arith.index_cast %add3A_1272 : i32 to index
          %swap3A_1306 = arith.constant 64 : index
          %swap3A_1307 = tpu.vector_load %arg15[%swap3A_1305, %swap3A_1306] {strides = array<i32>} : memref<80x128xf32, #tpu.memory_space<vmem>>, vector<16xf32>,
          tpu.vector_store %arg15[%swap3A_1305, %swap3A_1306], %mul3A_1304 {strides = array<i32>} : memref<80x128xf32, #tpu.memory_space<vmem>>, vector<16xf32>,
          %get3A_1308 = arith.index_cast %add3A_1272 : i32 to index
          %get3A_1309 = arith.constant 80 : index
          %get3A_1310 = tpu.vector_load %arg15[%get3A_1308, %get3A_1309] {strides = array<i32>} : memref<80x128xf32, #tpu.memory_space<vmem>>, vector<16xf32>,
          %mul3A_1311 = arith.mulf %get3A_1310, %gather3A_1268 : vector<16xf32>
          %swap3A_1312 = arith.index_cast %add3A_1272 : i32 to index
          %swap3A_1313 = arith.constant 80 : index
          %swap3A_1314 = tpu.vector_load %arg15[%swap3A_1312, %swap3A_1313] {strides = array<i32>} : memref<80x128xf32, #tpu.memory_space<vmem>>, vector<16xf32>,
          tpu.vector_store %arg15[%swap3A_1312, %swap3A_1313], %mul3A_1311 {strides = array<i32>} : memref<80x128xf32, #tpu.memory_space<vmem>>, vector<16xf32>,
          %get3A_1315 = arith.index_cast %add3A_1272 : i32 to index
          %get3A_1316 = arith.constant 96 : index
          %get3A_1317 = tpu.vector_load %arg15[%get3A_1315, %get3A_1316] {strides = array<i32>} : memref<80x128xf32, #tpu.memory_space<vmem>>, vector<16xf32>,
          %mul3A_1318 = arith.mulf %get3A_1317, %gather3A_1268 : vector<16xf32>
          %swap3A_1319 = arith.index_cast %add3A_1272 : i32 to index
          %swap3A_1320 = arith.constant 96 : index
          %swap3A_1321 = tpu.vector_load %arg15[%swap3A_1319, %swap3A_1320] {strides = array<i32>} : memref<80x128xf32, #tpu.memory_space<vmem>>, vector<16xf32>,
          tpu.vector_store %arg15[%swap3A_1319, %swap3A_1320], %mul3A_1318 {strides = array<i32>} : memref<80x128xf32, #tpu.memory_space<vmem>>, vector<16xf32>,
          %get3A_1322 = arith.index_cast %add3A_1272 : i32 to index
          %get3A_1323 = arith.constant 112 : index
          %get3A_1324 = tpu.vector_load %arg15[%get3A_1322, %get3A_1323] {strides = array<i32>} : memref<80x128xf32, #tpu.memory_space<vmem>>, vector<16xf32>,
          %mul3A_1325 = arith.mulf %get3A_1324, %gather3A_1268 : vector<16xf32>
          %swap3A_1326 = arith.index_cast %add3A_1272 : i32 to index
          %swap3A_1327 = arith.constant 112 : index
          %swap3A_1328 = tpu.vector_load %arg15[%swap3A_1326, %swap3A_1327] {strides = array<i32>} : memref<80x128xf32, #tpu.memory_space<vmem>>, vector<16xf32>,
          tpu.vector_store %arg15[%swap3A_1326, %swap3A_1327], %mul3A_1325 {strides = array<i32>} : memref<80x128xf32, #tpu.memory_space<vmem>>, vector<16xf32>,
          %broadcast_in_dim3A_1329 = arith.constant 13 : i32
          %broadcast_in_dim3A_1330 = vector.broadcast %broadcast_in_dim3A_1329 : i32 to vector<16xi32>
          %broadcast_in_dim3A_1331 = vector.shape_cast %broadcast_in_dim3A_1330 : vector<16xi32> to vector<16x1xi32>
          %gather3A_1332 = vector.shape_cast %broadcast_in_dim3A_1331 : vector<16x1xi32> to vector<16xi32>
          %gather3A_1333 = tpu.dynamic_gather %get3A_484[%gather3A_1332] in [0] : vector<16xf32>, vector<16xi32> -> vector<16xf32>
          %mul3A_1334 = arith.constant 16 : i32
          %mul3A_1335 = arith.muli %scan3A_480, %mul3A_1334 : i32
          %add3A_1336 = arith.constant 13 : i32
          %add3A_1337 = arith.addi %mul3A_1335, %add3A_1336 : i32
          %get3A_1338 = arith.index_cast %add3A_1337 : i32 to index
          %get3A_1339 = arith.constant 0 : index
          %get3A_1340 = tpu.vector_load %arg15[%get3A_1338, %get3A_1339] {strides = array<i32>} : memref<80x128xf32, #tpu.memory_space<vmem>>, vector<16xf32>,
          %mul3A_1341 = arith.mulf %get3A_1340, %gather3A_1333 : vector<16xf32>
          %swap3A_1342 = arith.index_cast %add3A_1337 : i32 to index
          %swap3A_1343 = arith.constant 0 : index
          %swap3A_1344 = tpu.vector_load %arg15[%swap3A_1342, %swap3A_1343] {strides = array<i32>} : memref<80x128xf32, #tpu.memory_space<vmem>>, vector<16xf32>,
          tpu.vector_store %arg15[%swap3A_1342, %swap3A_1343], %mul3A_1341 {strides = array<i32>} : memref<80x128xf32, #tpu.memory_space<vmem>>, vector<16xf32>,
          %get3A_1345 = arith.index_cast %add3A_1337 : i32 to index
          %get3A_1346 = arith.constant 16 : index
          %get3A_1347 = tpu.vector_load %arg15[%get3A_1345, %get3A_1346] {strides = array<i32>} : memref<80x128xf32, #tpu.memory_space<vmem>>, vector<16xf32>,
          %mul3A_1348 = arith.mulf %get3A_1347, %gather3A_1333 : vector<16xf32>
          %swap3A_1349 = arith.index_cast %add3A_1337 : i32 to index
          %swap3A_1350 = arith.constant 16 : index
          %swap3A_1351 = tpu.vector_load %arg15[%swap3A_1349, %swap3A_1350] {strides = array<i32>} : memref<80x128xf32, #tpu.memory_space<vmem>>, vector<16xf32>,
          tpu.vector_store %arg15[%swap3A_1349, %swap3A_1350], %mul3A_1348 {strides = array<i32>} : memref<80x128xf32, #tpu.memory_space<vmem>>, vector<16xf32>,
          %get3A_1352 = arith.index_cast %add3A_1337 : i32 to index
          %get3A_1353 = arith.constant 32 : index
          %get3A_1354 = tpu.vector_load %arg15[%get3A_1352, %get3A_1353] {strides = array<i32>} : memref<80x128xf32, #tpu.memory_space<vmem>>, vector<16xf32>,
          %mul3A_1355 = arith.mulf %get3A_1354, %gather3A_1333 : vector<16xf32>
          %swap3A_1356 = arith.index_cast %add3A_1337 : i32 to index
          %swap3A_1357 = arith.constant 32 : index
          %swap3A_1358 = tpu.vector_load %arg15[%swap3A_1356, %swap3A_1357] {strides = array<i32>} : memref<80x128xf32, #tpu.memory_space<vmem>>, vector<16xf32>,
          tpu.vector_store %arg15[%swap3A_1356, %swap3A_1357], %mul3A_1355 {strides = array<i32>} : memref<80x128xf32, #tpu.memory_space<vmem>>, vector<16xf32>,
          %get3A_1359 = arith.index_cast %add3A_1337 : i32 to index
          %get3A_1360 = arith.constant 48 : index
          %get3A_1361 = tpu.vector_load %arg15[%get3A_1359, %get3A_1360] {strides = array<i32>} : memref<80x128xf32, #tpu.memory_space<vmem>>, vector<16xf32>,
          %mul3A_1362 = arith.mulf %get3A_1361, %gather3A_1333 : vector<16xf32>
          %swap3A_1363 = arith.index_cast %add3A_1337 : i32 to index
          %swap3A_1364 = arith.constant 48 : index
          %swap3A_1365 = tpu.vector_load %arg15[%swap3A_1363, %swap3A_1364] {strides = array<i32>} : memref<80x128xf32, #tpu.memory_space<vmem>>, vector<16xf32>,
          tpu.vector_store %arg15[%swap3A_1363, %swap3A_1364], %mul3A_1362 {strides = array<i32>} : memref<80x128xf32, #tpu.memory_space<vmem>>, vector<16xf32>,
          %get3A_1366 = arith.index_cast %add3A_1337 : i32 to index
          %get3A_1367 = arith.constant 64 : index
          %get3A_1368 = tpu.vector_load %arg15[%get3A_1366, %get3A_1367] {strides = array<i32>} : memref<80x128xf32, #tpu.memory_space<vmem>>, vector<16xf32>,
          %mul3A_1369 = arith.mulf %get3A_1368, %gather3A_1333 : vector<16xf32>
          %swap3A_1370 = arith.index_cast %add3A_1337 : i32 to index
          %swap3A_1371 = arith.constant 64 : index
          %swap3A_1372 = tpu.vector_load %arg15[%swap3A_1370, %swap3A_1371] {strides = array<i32>} : memref<80x128xf32, #tpu.memory_space<vmem>>, vector<16xf32>,
          tpu.vector_store %arg15[%swap3A_1370, %swap3A_1371], %mul3A_1369 {strides = array<i32>} : memref<80x128xf32, #tpu.memory_space<vmem>>, vector<16xf32>,
          %get3A_1373 = arith.index_cast %add3A_1337 : i32 to index
          %get3A_1374 = arith.constant 80 : index
          %get3A_1375 = tpu.vector_load %arg15[%get3A_1373, %get3A_1374] {strides = array<i32>} : memref<80x128xf32, #tpu.memory_space<vmem>>, vector<16xf32>,
          %mul3A_1376 = arith.mulf %get3A_1375, %gather3A_1333 : vector<16xf32>
          %swap3A_1377 = arith.index_cast %add3A_1337 : i32 to index
          %swap3A_1378 = arith.constant 80 : index
          %swap3A_1379 = tpu.vector_load %arg15[%swap3A_1377, %swap3A_1378] {strides = array<i32>} : memref<80x128xf32, #tpu.memory_space<vmem>>, vector<16xf32>,
          tpu.vector_store %arg15[%swap3A_1377, %swap3A_1378], %mul3A_1376 {strides = array<i32>} : memref<80x128xf32, #tpu.memory_space<vmem>>, vector<16xf32>,
          %get3A_1380 = arith.index_cast %add3A_1337 : i32 to index
          %get3A_1381 = arith.constant 96 : index
          %get3A_1382 = tpu.vector_load %arg15[%get3A_1380, %get3A_1381] {strides = array<i32>} : memref<80x128xf32, #tpu.memory_space<vmem>>, vector<16xf32>,
          %mul3A_1383 = arith.mulf %get3A_1382, %gather3A_1333 : vector<16xf32>
          %swap3A_1384 = arith.index_cast %add3A_1337 : i32 to index
          %swap3A_1385 = arith.constant 96 : index
          %swap3A_1386 = tpu.vector_load %arg15[%swap3A_1384, %swap3A_1385] {strides = array<i32>} : memref<80x128xf32, #tpu.memory_space<vmem>>, vector<16xf32>,
          tpu.vector_store %arg15[%swap3A_1384, %swap3A_1385], %mul3A_1383 {strides = array<i32>} : memref<80x128xf32, #tpu.memory_space<vmem>>, vector<16xf32>,
          %get3A_1387 = arith.index_cast %add3A_1337 : i32 to index
          %get3A_1388 = arith.constant 112 : index
          %get3A_1389 = tpu.vector_load %arg15[%get3A_1387, %get3A_1388] {strides = array<i32>} : memref<80x128xf32, #tpu.memory_space<vmem>>, vector<16xf32>,
          %mul3A_1390 = arith.mulf %get3A_1389, %gather3A_1333 : vector<16xf32>
          %swap3A_1391 = arith.index_cast %add3A_1337 : i32 to index
          %swap3A_1392 = arith.constant 112 : index
          %swap3A_1393 = tpu.vector_load %arg15[%swap3A_1391, %swap3A_1392] {strides = array<i32>} : memref<80x128xf32, #tpu.memory_space<vmem>>, vector<16xf32>,
          tpu.vector_store %arg15[%swap3A_1391, %swap3A_1392], %mul3A_1390 {strides = array<i32>} : memref<80x128xf32, #tpu.memory_space<vmem>>, vector<16xf32>,
          %broadcast_in_dim3A_1394 = arith.constant 14 : i32
          %broadcast_in_dim3A_1395 = vector.broadcast %broadcast_in_dim3A_1394 : i32 to vector<16xi32>
          %broadcast_in_dim3A_1396 = vector.shape_cast %broadcast_in_dim3A_1395 : vector<16xi32> to vector<16x1xi32>
          %gather3A_1397 = vector.shape_cast %broadcast_in_dim3A_1396 : vector<16x1xi32> to vector<16xi32>
          %gather3A_1398 = tpu.dynamic_gather %get3A_484[%gather3A_1397] in [0] : vector<16xf32>, vector<16xi32> -> vector<16xf32>
          %mul3A_1399 = arith.constant 16 : i32
          %mul3A_1400 = arith.muli %scan3A_480, %mul3A_1399 : i32
          %add3A_1401 = arith.constant 14 : i32
          %add3A_1402 = arith.addi %mul3A_1400, %add3A_1401 : i32
          %get3A_1403 = arith.index_cast %add3A_1402 : i32 to index
          %get3A_1404 = arith.constant 0 : index
          %get3A_1405 = tpu.vector_load %arg15[%get3A_1403, %get3A_1404] {strides = array<i32>} : memref<80x128xf32, #tpu.memory_space<vmem>>, vector<16xf32>,
          %mul3A_1406 = arith.mulf %get3A_1405, %gather3A_1398 : vector<16xf32>
          %swap3A_1407 = arith.index_cast %add3A_1402 : i32 to index
          %swap3A_1408 = arith.constant 0 : index
          %swap3A_1409 = tpu.vector_load %arg15[%swap3A_1407, %swap3A_1408] {strides = array<i32>} : memref<80x128xf32, #tpu.memory_space<vmem>>, vector<16xf32>,
          tpu.vector_store %arg15[%swap3A_1407, %swap3A_1408], %mul3A_1406 {strides = array<i32>} : memref<80x128xf32, #tpu.memory_space<vmem>>, vector<16xf32>,
          %get3A_1410 = arith.index_cast %add3A_1402 : i32 to index
          %get3A_1411 = arith.constant 16 : index
          %get3A_1412 = tpu.vector_load %arg15[%get3A_1410, %get3A_1411] {strides = array<i32>} : memref<80x128xf32, #tpu.memory_space<vmem>>, vector<16xf32>,
          %mul3A_1413 = arith.mulf %get3A_1412, %gather3A_1398 : vector<16xf32>
          %swap3A_1414 = arith.index_cast %add3A_1402 : i32 to index
          %swap3A_1415 = arith.constant 16 : index
          %swap3A_1416 = tpu.vector_load %arg15[%swap3A_1414, %swap3A_1415] {strides = array<i32>} : memref<80x128xf32, #tpu.memory_space<vmem>>, vector<16xf32>,
          tpu.vector_store %arg15[%swap3A_1414, %swap3A_1415], %mul3A_1413 {strides = array<i32>} : memref<80x128xf32, #tpu.memory_space<vmem>>, vector<16xf32>,
          %get3A_1417 = arith.index_cast %add3A_1402 : i32 to index
          %get3A_1418 = arith.constant 32 : index
          %get3A_1419 = tpu.vector_load %arg15[%get3A_1417, %get3A_1418] {strides = array<i32>} : memref<80x128xf32, #tpu.memory_space<vmem>>, vector<16xf32>,
          %mul3A_1420 = arith.mulf %get3A_1419, %gather3A_1398 : vector<16xf32>
          %swap3A_1421 = arith.index_cast %add3A_1402 : i32 to index
          %swap3A_1422 = arith.constant 32 : index
          %swap3A_1423 = tpu.vector_load %arg15[%swap3A_1421, %swap3A_1422] {strides = array<i32>} : memref<80x128xf32, #tpu.memory_space<vmem>>, vector<16xf32>,
          tpu.vector_store %arg15[%swap3A_1421, %swap3A_1422], %mul3A_1420 {strides = array<i32>} : memref<80x128xf32, #tpu.memory_space<vmem>>, vector<16xf32>,
          %get3A_1424 = arith.index_cast %add3A_1402 : i32 to index
          %get3A_1425 = arith.constant 48 : index
          %get3A_1426 = tpu.vector_load %arg15[%get3A_1424, %get3A_1425] {strides = array<i32>} : memref<80x128xf32, #tpu.memory_space<vmem>>, vector<16xf32>,
          %mul3A_1427 = arith.mulf %get3A_1426, %gather3A_1398 : vector<16xf32>
          %swap3A_1428 = arith.index_cast %add3A_1402 : i32 to index
          %swap3A_1429 = arith.constant 48 : index
          %swap3A_1430 = tpu.vector_load %arg15[%swap3A_1428, %swap3A_1429] {strides = array<i32>} : memref<80x128xf32, #tpu.memory_space<vmem>>, vector<16xf32>,
          tpu.vector_store %arg15[%swap3A_1428, %swap3A_1429], %mul3A_1427 {strides = array<i32>} : memref<80x128xf32, #tpu.memory_space<vmem>>, vector<16xf32>,
          %get3A_1431 = arith.index_cast %add3A_1402 : i32 to index
          %get3A_1432 = arith.constant 64 : index
          %get3A_1433 = tpu.vector_load %arg15[%get3A_1431, %get3A_1432] {strides = array<i32>} : memref<80x128xf32, #tpu.memory_space<vmem>>, vector<16xf32>,
          %mul3A_1434 = arith.mulf %get3A_1433, %gather3A_1398 : vector<16xf32>
          %swap3A_1435 = arith.index_cast %add3A_1402 : i32 to index
          %swap3A_1436 = arith.constant 64 : index
          %swap3A_1437 = tpu.vector_load %arg15[%swap3A_1435, %swap3A_1436] {strides = array<i32>} : memref<80x128xf32, #tpu.memory_space<vmem>>, vector<16xf32>,
          tpu.vector_store %arg15[%swap3A_1435, %swap3A_1436], %mul3A_1434 {strides = array<i32>} : memref<80x128xf32, #tpu.memory_space<vmem>>, vector<16xf32>,
          %get3A_1438 = arith.index_cast %add3A_1402 : i32 to index
          %get3A_1439 = arith.constant 80 : index
          %get3A_1440 = tpu.vector_load %arg15[%get3A_1438, %get3A_1439] {strides = array<i32>} : memref<80x128xf32, #tpu.memory_space<vmem>>, vector<16xf32>,
          %mul3A_1441 = arith.mulf %get3A_1440, %gather3A_1398 : vector<16xf32>
          %swap3A_1442 = arith.index_cast %add3A_1402 : i32 to index
          %swap3A_1443 = arith.constant 80 : index
          %swap3A_1444 = tpu.vector_load %arg15[%swap3A_1442, %swap3A_1443] {strides = array<i32>} : memref<80x128xf32, #tpu.memory_space<vmem>>, vector<16xf32>,
          tpu.vector_store %arg15[%swap3A_1442, %swap3A_1443], %mul3A_1441 {strides = array<i32>} : memref<80x128xf32, #tpu.memory_space<vmem>>, vector<16xf32>,
          %get3A_1445 = arith.index_cast %add3A_1402 : i32 to index
          %get3A_1446 = arith.constant 96 : index
          %get3A_1447 = tpu.vector_load %arg15[%get3A_1445, %get3A_1446] {strides = array<i32>} : memref<80x128xf32, #tpu.memory_space<vmem>>, vector<16xf32>,
          %mul3A_1448 = arith.mulf %get3A_1447, %gather3A_1398 : vector<16xf32>
          %swap3A_1449 = arith.index_cast %add3A_1402 : i32 to index
          %swap3A_1450 = arith.constant 96 : index
          %swap3A_1451 = tpu.vector_load %arg15[%swap3A_1449, %swap3A_1450] {strides = array<i32>} : memref<80x128xf32, #tpu.memory_space<vmem>>, vector<16xf32>,
          tpu.vector_store %arg15[%swap3A_1449, %swap3A_1450], %mul3A_1448 {strides = array<i32>} : memref<80x128xf32, #tpu.memory_space<vmem>>, vector<16xf32>,
          %get3A_1452 = arith.index_cast %add3A_1402 : i32 to index
          %get3A_1453 = arith.constant 112 : index
          %get3A_1454 = tpu.vector_load %arg15[%get3A_1452, %get3A_1453] {strides = array<i32>} : memref<80x128xf32, #tpu.memory_space<vmem>>, vector<16xf32>,
          %mul3A_1455 = arith.mulf %get3A_1454, %gather3A_1398 : vector<16xf32>
          %swap3A_1456 = arith.index_cast %add3A_1402 : i32 to index
          %swap3A_1457 = arith.constant 112 : index
          %swap3A_1458 = tpu.vector_load %arg15[%swap3A_1456, %swap3A_1457] {strides = array<i32>} : memref<80x128xf32, #tpu.memory_space<vmem>>, vector<16xf32>,
          tpu.vector_store %arg15[%swap3A_1456, %swap3A_1457], %mul3A_1455 {strides = array<i32>} : memref<80x128xf32, #tpu.memory_space<vmem>>, vector<16xf32>,
          %broadcast_in_dim3A_1459 = arith.constant 15 : i32
          %broadcast_in_dim3A_1460 = vector.broadcast %broadcast_in_dim3A_1459 : i32 to vector<16xi32>
          %broadcast_in_dim3A_1461 = vector.shape_cast %broadcast_in_dim3A_1460 : vector<16xi32> to vector<16x1xi32>
          %gather3A_1462 = vector.shape_cast %broadcast_in_dim3A_1461 : vector<16x1xi32> to vector<16xi32>
          %gather3A_1463 = tpu.dynamic_gather %get3A_484[%gather3A_1462] in [0] : vector<16xf32>, vector<16xi32> -> vector<16xf32>
          %mul3A_1464 = arith.constant 16 : i32
          %mul3A_1465 = arith.muli %scan3A_480, %mul3A_1464 : i32
          %add3A_1466 = arith.constant 15 : i32
          %add3A_1467 = arith.addi %mul3A_1465, %add3A_1466 : i32
          %get3A_1468 = arith.index_cast %add3A_1467 : i32 to index
          %get3A_1469 = arith.constant 0 : index
          %get3A_1470 = tpu.vector_load %arg15[%get3A_1468, %get3A_1469] {strides = array<i32>} : memref<80x128xf32, #tpu.memory_space<vmem>>, vector<16xf32>,
          %mul3A_1471 = arith.mulf %get3A_1470, %gather3A_1463 : vector<16xf32>
          %swap3A_1472 = arith.index_cast %add3A_1467 : i32 to index
          %swap3A_1473 = arith.constant 0 : index
          %swap3A_1474 = tpu.vector_load %arg15[%swap3A_1472, %swap3A_1473] {strides = array<i32>} : memref<80x128xf32, #tpu.memory_space<vmem>>, vector<16xf32>,
          tpu.vector_store %arg15[%swap3A_1472, %swap3A_1473], %mul3A_1471 {strides = array<i32>} : memref<80x128xf32, #tpu.memory_space<vmem>>, vector<16xf32>,
          %get3A_1475 = arith.index_cast %add3A_1467 : i32 to index
          %get3A_1476 = arith.constant 16 : index
          %get3A_1477 = tpu.vector_load %arg15[%get3A_1475, %get3A_1476] {strides = array<i32>} : memref<80x128xf32, #tpu.memory_space<vmem>>, vector<16xf32>,
          %mul3A_1478 = arith.mulf %get3A_1477, %gather3A_1463 : vector<16xf32>
          %swap3A_1479 = arith.index_cast %add3A_1467 : i32 to index
          %swap3A_1480 = arith.constant 16 : index
          %swap3A_1481 = tpu.vector_load %arg15[%swap3A_1479, %swap3A_1480] {strides = array<i32>} : memref<80x128xf32, #tpu.memory_space<vmem>>, vector<16xf32>,
          tpu.vector_store %arg15[%swap3A_1479, %swap3A_1480], %mul3A_1478 {strides = array<i32>} : memref<80x128xf32, #tpu.memory_space<vmem>>, vector<16xf32>,
          %get3A_1482 = arith.index_cast %add3A_1467 : i32 to index
          %get3A_1483 = arith.constant 32 : index
          %get3A_1484 = tpu.vector_load %arg15[%get3A_1482, %get3A_1483] {strides = array<i32>} : memref<80x128xf32, #tpu.memory_space<vmem>>, vector<16xf32>,
          %mul3A_1485 = arith.mulf %get3A_1484, %gather3A_1463 : vector<16xf32>
          %swap3A_1486 = arith.index_cast %add3A_1467 : i32 to index
          %swap3A_1487 = arith.constant 32 : index
          %swap3A_1488 = tpu.vector_load %arg15[%swap3A_1486, %swap3A_1487] {strides = array<i32>} : memref<80x128xf32, #tpu.memory_space<vmem>>, vector<16xf32>,
          tpu.vector_store %arg15[%swap3A_1486, %swap3A_1487], %mul3A_1485 {strides = array<i32>} : memref<80x128xf32, #tpu.memory_space<vmem>>, vector<16xf32>,
          %get3A_1489 = arith.index_cast %add3A_1467 : i32 to index
          %get3A_1490 = arith.constant 48 : index
          %get3A_1491 = tpu.vector_load %arg15[%get3A_1489, %get3A_1490] {strides = array<i32>} : memref<80x128xf32, #tpu.memory_space<vmem>>, vector<16xf32>,
          %mul3A_1492 = arith.mulf %get3A_1491, %gather3A_1463 : vector<16xf32>
          %swap3A_1493 = arith.index_cast %add3A_1467 : i32 to index
          %swap3A_1494 = arith.constant 48 : index
          %swap3A_1495 = tpu.vector_load %arg15[%swap3A_1493, %swap3A_1494] {strides = array<i32>} : memref<80x128xf32, #tpu.memory_space<vmem>>, vector<16xf32>,
          tpu.vector_store %arg15[%swap3A_1493, %swap3A_1494], %mul3A_1492 {strides = array<i32>} : memref<80x128xf32, #tpu.memory_space<vmem>>, vector<16xf32>,
          %get3A_1496 = arith.index_cast %add3A_1467 : i32 to index
          %get3A_1497 = arith.constant 64 : index
          %get3A_1498 = tpu.vector_load %arg15[%get3A_1496, %get3A_1497] {strides = array<i32>} : memref<80x128xf32, #tpu.memory_space<vmem>>, vector<16xf32>,
          %mul3A_1499 = arith.mulf %get3A_1498, %gather3A_1463 : vector<16xf32>
          %swap3A_1500 = arith.index_cast %add3A_1467 : i32 to index
          %swap3A_1501 = arith.constant 64 : index
          %swap3A_1502 = tpu.vector_load %arg15[%swap3A_1500, %swap3A_1501] {strides = array<i32>} : memref<80x128xf32, #tpu.memory_space<vmem>>, vector<16xf32>,
          tpu.vector_store %arg15[%swap3A_1500, %swap3A_1501], %mul3A_1499 {strides = array<i32>} : memref<80x128xf32, #tpu.memory_space<vmem>>, vector<16xf32>,
          %get3A_1503 = arith.index_cast %add3A_1467 : i32 to index
          %get3A_1504 = arith.constant 80 : index
          %get3A_1505 = tpu.vector_load %arg15[%get3A_1503, %get3A_1504] {strides = array<i32>} : memref<80x128xf32, #tpu.memory_space<vmem>>, vector<16xf32>,
          %mul3A_1506 = arith.mulf %get3A_1505, %gather3A_1463 : vector<16xf32>
          %swap3A_1507 = arith.index_cast %add3A_1467 : i32 to index
          %swap3A_1508 = arith.constant 80 : index
          %swap3A_1509 = tpu.vector_load %arg15[%swap3A_1507, %swap3A_1508] {strides = array<i32>} : memref<80x128xf32, #tpu.memory_space<vmem>>, vector<16xf32>,
          tpu.vector_store %arg15[%swap3A_1507, %swap3A_1508], %mul3A_1506 {strides = array<i32>} : memref<80x128xf32, #tpu.memory_space<vmem>>, vector<16xf32>,
          %get3A_1510 = arith.index_cast %add3A_1467 : i32 to index
          %get3A_1511 = arith.constant 96 : index
          %get3A_1512 = tpu.vector_load %arg15[%get3A_1510, %get3A_1511] {strides = array<i32>} : memref<80x128xf32, #tpu.memory_space<vmem>>, vector<16xf32>,
          %mul3A_1513 = arith.mulf %get3A_1512, %gather3A_1463 : vector<16xf32>
          %swap3A_1514 = arith.index_cast %add3A_1467 : i32 to index
          %swap3A_1515 = arith.constant 96 : index
          %swap3A_1516 = tpu.vector_load %arg15[%swap3A_1514, %swap3A_1515] {strides = array<i32>} : memref<80x128xf32, #tpu.memory_space<vmem>>, vector<16xf32>,
          tpu.vector_store %arg15[%swap3A_1514, %swap3A_1515], %mul3A_1513 {strides = array<i32>} : memref<80x128xf32, #tpu.memory_space<vmem>>, vector<16xf32>,
          %get3A_1517 = arith.index_cast %add3A_1467 : i32 to index
          %get3A_1518 = arith.constant 112 : index
          %get3A_1519 = tpu.vector_load %arg15[%get3A_1517, %get3A_1518] {strides = array<i32>} : memref<80x128xf32, #tpu.memory_space<vmem>>, vector<16xf32>,
          %mul3A_1520 = arith.mulf %get3A_1519, %gather3A_1463 : vector<16xf32>
          %swap3A_1521 = arith.index_cast %add3A_1467 : i32 to index
          %swap3A_1522 = arith.constant 112 : index
          %swap3A_1523 = tpu.vector_load %arg15[%swap3A_1521, %swap3A_1522] {strides = array<i32>} : memref<80x128xf32, #tpu.memory_space<vmem>>, vector<16xf32>,
          tpu.vector_store %arg15[%swap3A_1521, %swap3A_1522], %mul3A_1520 {strides = array<i32>} : memref<80x128xf32, #tpu.memory_space<vmem>>, vector<16xf32>,
        }
        %scan3A_479 = arith.constant 5 : i32
        "tpu.region"() ({
          %run_scoped3A = tpu.sem_alloc : memref<!tpu.dma_semaphore, #tpu.memory_space<semaphore_mem>>
          %dma_start3A = arith.constant 0 : i32
          %dma_start3A_480 = arith.constant 0 : i32
          %dma_start3A_481 = tpu.memref_slice %arg21[%dma_start3A, %dma_start3A_480] : memref<10240x128xf32, #tpu.memory_space<vmem_shared>> -> memref<10240x128xf32, #tpu.memory_space<vmem_shared>>
          tpu.enqueue_indirect_dma source(%arg15 : memref<80x128xf32, #tpu.memory_space<vmem>>) target(%dma_start3A_481 : memref<10240x128xf32, #tpu.memory_space<vmem_shared>>) offsets(%arg17 : memref<80xi32, #tpu.memory_space<vmem>>) semaphore(%run_scoped3A : memref<!tpu.dma_semaphore, #tpu.memory_space<semaphore_mem>>) {add = true}
          %dma_wait3A = arith.constant 0 : i32
          %dma_wait3A_482 = arith.constant 0 : i32
          %dma_wait3A_483 = tpu.memref_slice %arg21[%dma_wait3A, %dma_wait3A_482] : memref<10240x128xf32, #tpu.memory_space<vmem_shared>> -> memref<10240x128xf32, #tpu.memory_space<vmem_shared>>
          tpu.wait_indirect_dma semaphore(%run_scoped3A : memref<!tpu.dma_semaphore, #tpu.memory_space<semaphore_mem>>) src(%arg15 : memref<80x128xf32, #tpu.memory_space<vmem>>) dst(%dma_wait3A_483 : memref<10240x128xf32, #tpu.memory_space<vmem_shared>>)
          tpu.yield
        }) : () -> ()
      }
      %scan3A_227 = arith.constant 25 : i32
    }
    %scan3A_92 = arith.constant 10 : i32
    %barrier3A_93 = arith.constant 0 : index
    tpu.barrier barrier_id(%barrier3A_93)
    %mul3A_94 = arith.constant 640 : i32
    %mul3A_95 = arith.muli %arg1, %mul3A_94 : i32
    %mul3A_96 = arith.constant 10240 : i32
    %mul3A_97 = arith.muli %add3A_1, %mul3A_96 : i32
    %mul3A_98 = arith.constant 640 : i32
    %mul3A_99 = arith.muli %arg1, %mul3A_98 : i32
    %add3A_100 = arith.addi %mul3A_97, %mul3A_99 : i32
    "tpu.region"() ({
      %run_scoped3A = tpu.sem_alloc : memref<!tpu.dma_semaphore, #tpu.memory_space<semaphore_mem>>
      %dma_start3A = arith.constant 0 : i32
      %dma_start3A_213 = tpu.memref_slice %arg8[%add3A_100, %dma_start3A] : memref<40960x128xf32, #tpu.memory_space<hbm>> -> memref<640x128xf32, #tpu.memory_space<hbm>>
      %dma_start3A_214 = arith.constant 0 : i32
      %dma_start3A_215 = tpu.memref_slice %arg21[%mul3A_95, %dma_start3A_214] : memref<10240x128xf32, #tpu.memory_space<vmem_shared>> -> memref<640x128xf32, #tpu.memory_space<vmem_shared>>
      tpu.enqueue_dma source(%dma_start3A_215 : memref<640x128xf32, #tpu.memory_space<vmem_shared>>) target(%dma_start3A_213 : memref<640x128xf32, #tpu.memory_space<hbm>>) target_semaphore(%run_scoped3A : memref<!tpu.dma_semaphore, #tpu.memory_space<semaphore_mem>>)
      %dma_wait3A = arith.constant 0 : i32
      %dma_wait3A_216 = tpu.memref_slice %arg8[%add3A_100, %dma_wait3A] : memref<40960x128xf32, #tpu.memory_space<hbm>> -> memref<640x128xf32, #tpu.memory_space<hbm>>
      %dma_wait3A_217 = arith.constant 0 : i32
      %dma_wait3A_218 = tpu.memref_slice %arg21[%mul3A_95, %dma_wait3A_217] : memref<10240x128xf32, #tpu.memory_space<vmem_shared>> -> memref<640x128xf32, #tpu.memory_space<vmem_shared>>
      tpu.wait_dma2 semaphore(%run_scoped3A : memref<!tpu.dma_semaphore, #tpu.memory_space<semaphore_mem>>) src(%dma_wait3A_218 : memref<640x128xf32, #tpu.memory_space<vmem_shared>>) dst(%dma_wait3A_216 : memref<640x128xf32, #tpu.memory_space<hbm>>)
      tpu.yield
    }) : () -> ()
    %barrier3A_101 = arith.constant 0 : index
    tpu.barrier barrier_id(%barrier3A_101)
    %mul3A_102 = arith.constant 2 : i32
    %mul3A_103 = arith.muli %arg0, %mul3A_102 : i32
    %add3A_104 = arith.constant 1 : i32
    %add3A_105 = arith.addi %mul3A_103, %add3A_104 : i32
    %mul3A_106 = arith.constant 320000 : i32
    %mul3A_107 = arith.muli %add3A_105, %mul3A_106 : i32
    %mul3A_108 = arith.constant 20000 : i32
    %mul3A_109 = arith.muli %arg1, %mul3A_108 : i32
    %add3A_110 = arith.addi %mul3A_107, %mul3A_109 : i32
    %mul3A_111 = arith.constant 10240 : i32
    %mul3A_112 = arith.muli %add3A_105, %mul3A_111 : i32
    "tpu.region"() ({
      %run_scoped3A = tpu.sem_alloc : memref<!tpu.dma_semaphore, #tpu.memory_space<semaphore_mem>>
      %dma_start3A = tpu.memref_slice %arg3[%mul3A_112] : memref<40960xf32, #tpu.memory_space<hbm>> -> memref<10240xf32, #tpu.memory_space<hbm>>
      %dma_start3A_213 = tpu.memref_slice %arg3[%mul3A_112] : memref<40960xf32, #tpu.memory_space<hbm>> -> memref<10240xf32, #tpu.memory_space<hbm>>
      tpu.enqueue_dma source(%dma_start3A_213 : memref<10240xf32, #tpu.memory_space<hbm>>) target(%arg9 : memref<10240xf32, #tpu.memory_space<vmem>>) target_semaphore(%run_scoped3A : memref<!tpu.dma_semaphore, #tpu.memory_space<semaphore_mem>>)
      %dma_wait3A = tpu.memref_slice %arg3[%mul3A_112] : memref<40960xf32, #tpu.memory_space<hbm>> -> memref<10240xf32, #tpu.memory_space<hbm>>
      %dma_wait3A_214 = tpu.memref_slice %arg3[%mul3A_112] : memref<40960xf32, #tpu.memory_space<hbm>> -> memref<10240xf32, #tpu.memory_space<hbm>>
      tpu.wait_dma2 semaphore(%run_scoped3A : memref<!tpu.dma_semaphore, #tpu.memory_space<semaphore_mem>>) src(%dma_wait3A_214 : memref<10240xf32, #tpu.memory_space<hbm>>) dst(%arg9 : memref<10240xf32, #tpu.memory_space<vmem>>)
      tpu.yield
    }) : () -> ()
    %mul3A_113 = arith.constant 10240 : i32
    %mul3A_114 = arith.muli %add3A_105, %mul3A_113 : i32
    "tpu.region"() ({
      %run_scoped3A = tpu.sem_alloc : memref<!tpu.dma_semaphore, #tpu.memory_space<semaphore_mem>>
      %dma_start3A = tpu.memref_slice %arg4[%mul3A_114] : memref<40960xf32, #tpu.memory_space<hbm>> -> memref<10240xf32, #tpu.memory_space<hbm>>
      %dma_start3A_213 = tpu.memref_slice %arg4[%mul3A_114] : memref<40960xf32, #tpu.memory_space<hbm>> -> memref<10240xf32, #tpu.memory_space<hbm>>
      tpu.enqueue_dma source(%dma_start3A_213 : memref<10240xf32, #tpu.memory_space<hbm>>) target(%arg10 : memref<10240xf32, #tpu.memory_space<vmem>>) target_semaphore(%run_scoped3A : memref<!tpu.dma_semaphore, #tpu.memory_space<semaphore_mem>>)
      %dma_wait3A = tpu.memref_slice %arg4[%mul3A_114] : memref<40960xf32, #tpu.memory_space<hbm>> -> memref<10240xf32, #tpu.memory_space<hbm>>
      %dma_wait3A_214 = tpu.memref_slice %arg4[%mul3A_114] : memref<40960xf32, #tpu.memory_space<hbm>> -> memref<10240xf32, #tpu.memory_space<hbm>>
      tpu.wait_dma2 semaphore(%run_scoped3A : memref<!tpu.dma_semaphore, #tpu.memory_space<semaphore_mem>>) src(%dma_wait3A_214 : memref<10240xf32, #tpu.memory_space<hbm>>) dst(%arg10 : memref<10240xf32, #tpu.memory_space<vmem>>)
      tpu.yield
    }) : () -> ()
    %scan3A_115 = arith.constant 0 : i32
    %scan3A_116 = arith.constant 80 : i32
    %scan3A_117 = arith.addi %scan3A_115, %scan3A_116 : i32
    %scan3A_118 = arith.constant 1 : i32
    scf.for %scan3A_213 = %scan3A_115 to %scan3A_117 step %scan3A_118  : i32 {
      %broadcast_in_dim3A = arith.constant 0.000000e+00 : f32
      %broadcast_in_dim3A_214 = vector.broadcast %broadcast_in_dim3A : f32 to vector<16xf32>
      %swap3A_215 = arith.index_cast %scan3A_213 : i32 to index
      %swap3A_216 = arith.constant 0 : index
      %swap3A_217 = tpu.vector_load %arg11[%swap3A_215, %swap3A_216] {strides = array<i32>} : memref<80x128xf32, #tpu.memory_space<vmem>>, vector<16xf32>,
      tpu.vector_store %arg11[%swap3A_215, %swap3A_216], %broadcast_in_dim3A_214 {strides = array<i32>} : memref<80x128xf32, #tpu.memory_space<vmem>>, vector<16xf32>,
      %broadcast_in_dim3A_218 = arith.constant 0.000000e+00 : f32
      %broadcast_in_dim3A_219 = vector.broadcast %broadcast_in_dim3A_218 : f32 to vector<16xf32>
      %swap3A_220 = arith.index_cast %scan3A_213 : i32 to index
      %swap3A_221 = arith.constant 16 : index
      %swap3A_222 = tpu.vector_load %arg11[%swap3A_220, %swap3A_221] {strides = array<i32>} : memref<80x128xf32, #tpu.memory_space<vmem>>, vector<16xf32>,
      tpu.vector_store %arg11[%swap3A_220, %swap3A_221], %broadcast_in_dim3A_219 {strides = array<i32>} : memref<80x128xf32, #tpu.memory_space<vmem>>, vector<16xf32>,
      %broadcast_in_dim3A_223 = arith.constant 0.000000e+00 : f32
      %broadcast_in_dim3A_224 = vector.broadcast %broadcast_in_dim3A_223 : f32 to vector<16xf32>
      %swap3A_225 = arith.index_cast %scan3A_213 : i32 to index
      %swap3A_226 = arith.constant 32 : index
      %swap3A_227 = tpu.vector_load %arg11[%swap3A_225, %swap3A_226] {strides = array<i32>} : memref<80x128xf32, #tpu.memory_space<vmem>>, vector<16xf32>,
      tpu.vector_store %arg11[%swap3A_225, %swap3A_226], %broadcast_in_dim3A_224 {strides = array<i32>} : memref<80x128xf32, #tpu.memory_space<vmem>>, vector<16xf32>,
      %broadcast_in_dim3A_228 = arith.constant 0.000000e+00 : f32
      %broadcast_in_dim3A_229 = vector.broadcast %broadcast_in_dim3A_228 : f32 to vector<16xf32>
      %swap3A_230 = arith.index_cast %scan3A_213 : i32 to index
      %swap3A_231 = arith.constant 48 : index
      %swap3A_232 = tpu.vector_load %arg11[%swap3A_230, %swap3A_231] {strides = array<i32>} : memref<80x128xf32, #tpu.memory_space<vmem>>, vector<16xf32>,
      tpu.vector_store %arg11[%swap3A_230, %swap3A_231], %broadcast_in_dim3A_229 {strides = array<i32>} : memref<80x128xf32, #tpu.memory_space<vmem>>, vector<16xf32>,
      %broadcast_in_dim3A_233 = arith.constant 0.000000e+00 : f32
      %broadcast_in_dim3A_234 = vector.broadcast %broadcast_in_dim3A_233 : f32 to vector<16xf32>
      %swap3A_235 = arith.index_cast %scan3A_213 : i32 to index
      %swap3A_236 = arith.constant 64 : index
      %swap3A_237 = tpu.vector_load %arg11[%swap3A_235, %swap3A_236] {strides = array<i32>} : memref<80x128xf32, #tpu.memory_space<vmem>>, vector<16xf32>,
      tpu.vector_store %arg11[%swap3A_235, %swap3A_236], %broadcast_in_dim3A_234 {strides = array<i32>} : memref<80x128xf32, #tpu.memory_space<vmem>>, vector<16xf32>,
      %broadcast_in_dim3A_238 = arith.constant 0.000000e+00 : f32
      %broadcast_in_dim3A_239 = vector.broadcast %broadcast_in_dim3A_238 : f32 to vector<16xf32>
      %swap3A_240 = arith.index_cast %scan3A_213 : i32 to index
      %swap3A_241 = arith.constant 80 : index
      %swap3A_242 = tpu.vector_load %arg11[%swap3A_240, %swap3A_241] {strides = array<i32>} : memref<80x128xf32, #tpu.memory_space<vmem>>, vector<16xf32>,
      tpu.vector_store %arg11[%swap3A_240, %swap3A_241], %broadcast_in_dim3A_239 {strides = array<i32>} : memref<80x128xf32, #tpu.memory_space<vmem>>, vector<16xf32>,
      %broadcast_in_dim3A_243 = arith.constant 0.000000e+00 : f32
      %broadcast_in_dim3A_244 = vector.broadcast %broadcast_in_dim3A_243 : f32 to vector<16xf32>
      %swap3A_245 = arith.index_cast %scan3A_213 : i32 to index
      %swap3A_246 = arith.constant 96 : index
      %swap3A_247 = tpu.vector_load %arg11[%swap3A_245, %swap3A_246] {strides = array<i32>} : memref<80x128xf32, #tpu.memory_space<vmem>>, vector<16xf32>,
      tpu.vector_store %arg11[%swap3A_245, %swap3A_246], %broadcast_in_dim3A_244 {strides = array<i32>} : memref<80x128xf32, #tpu.memory_space<vmem>>, vector<16xf32>,
      %broadcast_in_dim3A_248 = arith.constant 0.000000e+00 : f32
      %broadcast_in_dim3A_249 = vector.broadcast %broadcast_in_dim3A_248 : f32 to vector<16xf32>
      %swap3A_250 = arith.index_cast %scan3A_213 : i32 to index
      %swap3A_251 = arith.constant 112 : index
      %swap3A_252 = tpu.vector_load %arg11[%swap3A_250, %swap3A_251] {strides = array<i32>} : memref<80x128xf32, #tpu.memory_space<vmem>>, vector<16xf32>,
      tpu.vector_store %arg11[%swap3A_250, %swap3A_251], %broadcast_in_dim3A_249 {strides = array<i32>} : memref<80x128xf32, #tpu.memory_space<vmem>>, vector<16xf32>,
    }
    %scan3A_119 = arith.constant 80 : i32
    %eq3A_120 = arith.constant 0 : i32
    %eq3A_121 = arith.cmpi eq, %arg1, %eq3A_120 : i32
    %convert_element_type3A_122 = arith.extui %eq3A_121 : i1 to i32
    %cond3A_123 = arith.constant 0 : i32
    %cond3A_124 = arith.cmpi ne, %convert_element_type3A_122, %cond3A_123 : i32
    scf.if %cond3A_124 {
      "tpu.region"() ({
        %run_scoped3A = tpu.sem_alloc : memref<!tpu.dma_semaphore, #tpu.memory_space<semaphore_mem>>
        tpu.enqueue_dma source(%arg11 : memref<80x128xf32, #tpu.memory_space<vmem>>) target(%arg20 : memref<80x128xf32, #tpu.memory_space<vmem_shared>>) target_semaphore(%run_scoped3A : memref<!tpu.dma_semaphore, #tpu.memory_space<semaphore_mem>>)
        tpu.wait_dma2 semaphore(%run_scoped3A : memref<!tpu.dma_semaphore, #tpu.memory_space<semaphore_mem>>) src(%arg11 : memref<80x128xf32, #tpu.memory_space<vmem>>) dst(%arg20 : memref<80x128xf32, #tpu.memory_space<vmem_shared>>)
        tpu.yield
      }) : () -> ()
    } else {
    }
    %scan3A_125 = arith.constant 0 : i32
    %scan3A_126 = arith.constant 80 : i32
    %scan3A_127 = arith.addi %scan3A_125, %scan3A_126 : i32
    %scan3A_128 = arith.constant 1 : i32
    scf.for %scan3A_213 = %scan3A_125 to %scan3A_127 step %scan3A_128  : i32 {
      %broadcast_in_dim3A = arith.constant 0.000000e+00 : f32
      %broadcast_in_dim3A_214 = vector.broadcast %broadcast_in_dim3A : f32 to vector<16xf32>
      %swap3A_215 = arith.index_cast %scan3A_213 : i32 to index
      %swap3A_216 = arith.constant 0 : index
      %swap3A_217 = tpu.vector_load %arg15[%swap3A_215, %swap3A_216] {strides = array<i32>} : memref<80x128xf32, #tpu.memory_space<vmem>>, vector<16xf32>,
      tpu.vector_store %arg15[%swap3A_215, %swap3A_216], %broadcast_in_dim3A_214 {strides = array<i32>} : memref<80x128xf32, #tpu.memory_space<vmem>>, vector<16xf32>,
      %broadcast_in_dim3A_218 = arith.constant 0.000000e+00 : f32
      %broadcast_in_dim3A_219 = vector.broadcast %broadcast_in_dim3A_218 : f32 to vector<16xf32>
      %swap3A_220 = arith.index_cast %scan3A_213 : i32 to index
      %swap3A_221 = arith.constant 16 : index
      %swap3A_222 = tpu.vector_load %arg15[%swap3A_220, %swap3A_221] {strides = array<i32>} : memref<80x128xf32, #tpu.memory_space<vmem>>, vector<16xf32>,
      tpu.vector_store %arg15[%swap3A_220, %swap3A_221], %broadcast_in_dim3A_219 {strides = array<i32>} : memref<80x128xf32, #tpu.memory_space<vmem>>, vector<16xf32>,
      %broadcast_in_dim3A_223 = arith.constant 0.000000e+00 : f32
      %broadcast_in_dim3A_224 = vector.broadcast %broadcast_in_dim3A_223 : f32 to vector<16xf32>
      %swap3A_225 = arith.index_cast %scan3A_213 : i32 to index
      %swap3A_226 = arith.constant 32 : index
      %swap3A_227 = tpu.vector_load %arg15[%swap3A_225, %swap3A_226] {strides = array<i32>} : memref<80x128xf32, #tpu.memory_space<vmem>>, vector<16xf32>,
      tpu.vector_store %arg15[%swap3A_225, %swap3A_226], %broadcast_in_dim3A_224 {strides = array<i32>} : memref<80x128xf32, #tpu.memory_space<vmem>>, vector<16xf32>,
      %broadcast_in_dim3A_228 = arith.constant 0.000000e+00 : f32
      %broadcast_in_dim3A_229 = vector.broadcast %broadcast_in_dim3A_228 : f32 to vector<16xf32>
      %swap3A_230 = arith.index_cast %scan3A_213 : i32 to index
      %swap3A_231 = arith.constant 48 : index
      %swap3A_232 = tpu.vector_load %arg15[%swap3A_230, %swap3A_231] {strides = array<i32>} : memref<80x128xf32, #tpu.memory_space<vmem>>, vector<16xf32>,
      tpu.vector_store %arg15[%swap3A_230, %swap3A_231], %broadcast_in_dim3A_229 {strides = array<i32>} : memref<80x128xf32, #tpu.memory_space<vmem>>, vector<16xf32>,
      %broadcast_in_dim3A_233 = arith.constant 0.000000e+00 : f32
      %broadcast_in_dim3A_234 = vector.broadcast %broadcast_in_dim3A_233 : f32 to vector<16xf32>
      %swap3A_235 = arith.index_cast %scan3A_213 : i32 to index
      %swap3A_236 = arith.constant 64 : index
      %swap3A_237 = tpu.vector_load %arg15[%swap3A_235, %swap3A_236] {strides = array<i32>} : memref<80x128xf32, #tpu.memory_space<vmem>>, vector<16xf32>,
      tpu.vector_store %arg15[%swap3A_235, %swap3A_236], %broadcast_in_dim3A_234 {strides = array<i32>} : memref<80x128xf32, #tpu.memory_space<vmem>>, vector<16xf32>,
      %broadcast_in_dim3A_238 = arith.constant 0.000000e+00 : f32
      %broadcast_in_dim3A_239 = vector.broadcast %broadcast_in_dim3A_238 : f32 to vector<16xf32>
      %swap3A_240 = arith.index_cast %scan3A_213 : i32 to index
      %swap3A_241 = arith.constant 80 : index
      %swap3A_242 = tpu.vector_load %arg15[%swap3A_240, %swap3A_241] {strides = array<i32>} : memref<80x128xf32, #tpu.memory_space<vmem>>, vector<16xf32>,
      tpu.vector_store %arg15[%swap3A_240, %swap3A_241], %broadcast_in_dim3A_239 {strides = array<i32>} : memref<80x128xf32, #tpu.memory_space<vmem>>, vector<16xf32>,
      %broadcast_in_dim3A_243 = arith.constant 0.000000e+00 : f32
      %broadcast_in_dim3A_244 = vector.broadcast %broadcast_in_dim3A_243 : f32 to vector<16xf32>
      %swap3A_245 = arith.index_cast %scan3A_213 : i32 to index
      %swap3A_246 = arith.constant 96 : index
      %swap3A_247 = tpu.vector_load %arg15[%swap3A_245, %swap3A_246] {strides = array<i32>} : memref<80x128xf32, #tpu.memory_space<vmem>>, vector<16xf32>,
      tpu.vector_store %arg15[%swap3A_245, %swap3A_246], %broadcast_in_dim3A_244 {strides = array<i32>} : memref<80x128xf32, #tpu.memory_space<vmem>>, vector<16xf32>,
      %broadcast_in_dim3A_248 = arith.constant 0.000000e+00 : f32
      %broadcast_in_dim3A_249 = vector.broadcast %broadcast_in_dim3A_248 : f32 to vector<16xf32>
      %swap3A_250 = arith.index_cast %scan3A_213 : i32 to index
      %swap3A_251 = arith.constant 112 : index
      %swap3A_252 = tpu.vector_load %arg15[%swap3A_250, %swap3A_251] {strides = array<i32>} : memref<80x128xf32, #tpu.memory_space<vmem>>, vector<16xf32>,
      tpu.vector_store %arg15[%swap3A_250, %swap3A_251], %broadcast_in_dim3A_249 {strides = array<i32>} : memref<80x128xf32, #tpu.memory_space<vmem>>, vector<16xf32>,
    }
    %scan3A_129 = arith.constant 80 : i32
    %mul3A_130 = arith.constant 640 : i32
    %mul3A_131 = arith.muli %arg1, %mul3A_130 : i32
    %add3A_132 = arith.constant 0 : i32
    %add3A_133 = arith.addi %mul3A_131, %add3A_132 : i32
    "tpu.region"() ({
      %run_scoped3A = tpu.sem_alloc : memref<!tpu.dma_semaphore, #tpu.memory_space<semaphore_mem>>
      %dma_start3A = arith.constant 0 : i32
      %dma_start3A_213 = tpu.memref_slice %arg21[%add3A_133, %dma_start3A] : memref<10240x128xf32, #tpu.memory_space<vmem_shared>> -> memref<80x128xf32, #tpu.memory_space<vmem_shared>>
      %dma_start3A_214 = arith.constant 0 : i32
      %dma_start3A_215 = tpu.memref_slice %arg21[%add3A_133, %dma_start3A_214] : memref<10240x128xf32, #tpu.memory_space<vmem_shared>> -> memref<80x128xf32, #tpu.memory_space<vmem_shared>>
      tpu.enqueue_dma source(%arg15 : memref<80x128xf32, #tpu.memory_space<vmem>>) target(%dma_start3A_215 : memref<80x128xf32, #tpu.memory_space<vmem_shared>>) target_semaphore(%run_scoped3A : memref<!tpu.dma_semaphore, #tpu.memory_space<semaphore_mem>>)
      %dma_wait3A = arith.constant 0 : i32
      %dma_wait3A_216 = tpu.memref_slice %arg21[%add3A_133, %dma_wait3A] : memref<10240x128xf32, #tpu.memory_space<vmem_shared>> -> memref<80x128xf32, #tpu.memory_space<vmem_shared>>
      %dma_wait3A_217 = arith.constant 0 : i32
      %dma_wait3A_218 = tpu.memref_slice %arg21[%add3A_133, %dma_wait3A_217] : memref<10240x128xf32, #tpu.memory_space<vmem_shared>> -> memref<80x128xf32, #tpu.memory_space<vmem_shared>>
      tpu.wait_dma2 semaphore(%run_scoped3A : memref<!tpu.dma_semaphore, #tpu.memory_space<semaphore_mem>>) src(%arg15 : memref<80x128xf32, #tpu.memory_space<vmem>>) dst(%dma_wait3A_218 : memref<80x128xf32, #tpu.memory_space<vmem_shared>>)
      tpu.yield
    }) : () -> ()
    %mul3A_134 = arith.constant 640 : i32
    %mul3A_135 = arith.muli %arg1, %mul3A_134 : i32
    %add3A_136 = arith.constant 80 : i32
    %add3A_137 = arith.addi %mul3A_135, %add3A_136 : i32
    "tpu.region"() ({
      %run_scoped3A = tpu.sem_alloc : memref<!tpu.dma_semaphore, #tpu.memory_space<semaphore_mem>>
      %dma_start3A = arith.constant 0 : i32
      %dma_start3A_213 = tpu.memref_slice %arg21[%add3A_137, %dma_start3A] : memref<10240x128xf32, #tpu.memory_space<vmem_shared>> -> memref<80x128xf32, #tpu.memory_space<vmem_shared>>
      %dma_start3A_214 = arith.constant 0 : i32
      %dma_start3A_215 = tpu.memref_slice %arg21[%add3A_137, %dma_start3A_214] : memref<10240x128xf32, #tpu.memory_space<vmem_shared>> -> memref<80x128xf32, #tpu.memory_space<vmem_shared>>
      tpu.enqueue_dma source(%arg15 : memref<80x128xf32, #tpu.memory_space<vmem>>) target(%dma_start3A_215 : memref<80x128xf32, #tpu.memory_space<vmem_shared>>) target_semaphore(%run_scoped3A : memref<!tpu.dma_semaphore, #tpu.memory_space<semaphore_mem>>)
      %dma_wait3A = arith.constant 0 : i32
      %dma_wait3A_216 = tpu.memref_slice %arg21[%add3A_137, %dma_wait3A] : memref<10240x128xf32, #tpu.memory_space<vmem_shared>> -> memref<80x128xf32, #tpu.memory_space<vmem_shared>>
      %dma_wait3A_217 = arith.constant 0 : i32
      %dma_wait3A_218 = tpu.memref_slice %arg21[%add3A_137, %dma_wait3A_217] : memref<10240x128xf32, #tpu.memory_space<vmem_shared>> -> memref<80x128xf32, #tpu.memory_space<vmem_shared>>
      tpu.wait_dma2 semaphore(%run_scoped3A : memref<!tpu.dma_semaphore, #tpu.memory_space<semaphore_mem>>) src(%arg15 : memref<80x128xf32, #tpu.memory_space<vmem>>) dst(%dma_wait3A_218 : memref<80x128xf32, #tpu.memory_space<vmem_shared>>)
      tpu.yield
    }) : () -> ()
    %mul3A_138 = arith.constant 640 : i32
    %mul3A_139 = arith.muli %arg1, %mul3A_138 : i32
    %add3A_140 = arith.constant 160 : i32
    %add3A_141 = arith.addi %mul3A_139, %add3A_140 : i32
    "tpu.region"() ({
      %run_scoped3A = tpu.sem_alloc : memref<!tpu.dma_semaphore, #tpu.memory_space<semaphore_mem>>
      %dma_start3A = arith.constant 0 : i32
      %dma_start3A_213 = tpu.memref_slice %arg21[%add3A_141, %dma_start3A] : memref<10240x128xf32, #tpu.memory_space<vmem_shared>> -> memref<80x128xf32, #tpu.memory_space<vmem_shared>>
      %dma_start3A_214 = arith.constant 0 : i32
      %dma_start3A_215 = tpu.memref_slice %arg21[%add3A_141, %dma_start3A_214] : memref<10240x128xf32, #tpu.memory_space<vmem_shared>> -> memref<80x128xf32, #tpu.memory_space<vmem_shared>>
      tpu.enqueue_dma source(%arg15 : memref<80x128xf32, #tpu.memory_space<vmem>>) target(%dma_start3A_215 : memref<80x128xf32, #tpu.memory_space<vmem_shared>>) target_semaphore(%run_scoped3A : memref<!tpu.dma_semaphore, #tpu.memory_space<semaphore_mem>>)
      %dma_wait3A = arith.constant 0 : i32
      %dma_wait3A_216 = tpu.memref_slice %arg21[%add3A_141, %dma_wait3A] : memref<10240x128xf32, #tpu.memory_space<vmem_shared>> -> memref<80x128xf32, #tpu.memory_space<vmem_shared>>
      %dma_wait3A_217 = arith.constant 0 : i32
      %dma_wait3A_218 = tpu.memref_slice %arg21[%add3A_141, %dma_wait3A_217] : memref<10240x128xf32, #tpu.memory_space<vmem_shared>> -> memref<80x128xf32, #tpu.memory_space<vmem_shared>>
      tpu.wait_dma2 semaphore(%run_scoped3A : memref<!tpu.dma_semaphore, #tpu.memory_space<semaphore_mem>>) src(%arg15 : memref<80x128xf32, #tpu.memory_space<vmem>>) dst(%dma_wait3A_218 : memref<80x128xf32, #tpu.memory_space<vmem_shared>>)
      tpu.yield
    }) : () -> ()
    %mul3A_142 = arith.constant 640 : i32
    %mul3A_143 = arith.muli %arg1, %mul3A_142 : i32
    %add3A_144 = arith.constant 240 : i32
    %add3A_145 = arith.addi %mul3A_143, %add3A_144 : i32
    "tpu.region"() ({
      %run_scoped3A = tpu.sem_alloc : memref<!tpu.dma_semaphore, #tpu.memory_space<semaphore_mem>>
      %dma_start3A = arith.constant 0 : i32
      %dma_start3A_213 = tpu.memref_slice %arg21[%add3A_145, %dma_start3A] : memref<10240x128xf32, #tpu.memory_space<vmem_shared>> -> memref<80x128xf32, #tpu.memory_space<vmem_shared>>
      %dma_start3A_214 = arith.constant 0 : i32
      %dma_start3A_215 = tpu.memref_slice %arg21[%add3A_145, %dma_start3A_214] : memref<10240x128xf32, #tpu.memory_space<vmem_shared>> -> memref<80x128xf32, #tpu.memory_space<vmem_shared>>
      tpu.enqueue_dma source(%arg15 : memref<80x128xf32, #tpu.memory_space<vmem>>) target(%dma_start3A_215 : memref<80x128xf32, #tpu.memory_space<vmem_shared>>) target_semaphore(%run_scoped3A : memref<!tpu.dma_semaphore, #tpu.memory_space<semaphore_mem>>)
      %dma_wait3A = arith.constant 0 : i32
      %dma_wait3A_216 = tpu.memref_slice %arg21[%add3A_145, %dma_wait3A] : memref<10240x128xf32, #tpu.memory_space<vmem_shared>> -> memref<80x128xf32, #tpu.memory_space<vmem_shared>>
      %dma_wait3A_217 = arith.constant 0 : i32
      %dma_wait3A_218 = tpu.memref_slice %arg21[%add3A_145, %dma_wait3A_217] : memref<10240x128xf32, #tpu.memory_space<vmem_shared>> -> memref<80x128xf32, #tpu.memory_space<vmem_shared>>
      tpu.wait_dma2 semaphore(%run_scoped3A : memref<!tpu.dma_semaphore, #tpu.memory_space<semaphore_mem>>) src(%arg15 : memref<80x128xf32, #tpu.memory_space<vmem>>) dst(%dma_wait3A_218 : memref<80x128xf32, #tpu.memory_space<vmem_shared>>)
      tpu.yield
    }) : () -> ()
    %mul3A_146 = arith.constant 640 : i32
    %mul3A_147 = arith.muli %arg1, %mul3A_146 : i32
    %add3A_148 = arith.constant 320 : i32
    %add3A_149 = arith.addi %mul3A_147, %add3A_148 : i32
    "tpu.region"() ({
      %run_scoped3A = tpu.sem_alloc : memref<!tpu.dma_semaphore, #tpu.memory_space<semaphore_mem>>
      %dma_start3A = arith.constant 0 : i32
      %dma_start3A_213 = tpu.memref_slice %arg21[%add3A_149, %dma_start3A] : memref<10240x128xf32, #tpu.memory_space<vmem_shared>> -> memref<80x128xf32, #tpu.memory_space<vmem_shared>>
      %dma_start3A_214 = arith.constant 0 : i32
      %dma_start3A_215 = tpu.memref_slice %arg21[%add3A_149, %dma_start3A_214] : memref<10240x128xf32, #tpu.memory_space<vmem_shared>> -> memref<80x128xf32, #tpu.memory_space<vmem_shared>>
      tpu.enqueue_dma source(%arg15 : memref<80x128xf32, #tpu.memory_space<vmem>>) target(%dma_start3A_215 : memref<80x128xf32, #tpu.memory_space<vmem_shared>>) target_semaphore(%run_scoped3A : memref<!tpu.dma_semaphore, #tpu.memory_space<semaphore_mem>>)
      %dma_wait3A = arith.constant 0 : i32
      %dma_wait3A_216 = tpu.memref_slice %arg21[%add3A_149, %dma_wait3A] : memref<10240x128xf32, #tpu.memory_space<vmem_shared>> -> memref<80x128xf32, #tpu.memory_space<vmem_shared>>
      %dma_wait3A_217 = arith.constant 0 : i32
      %dma_wait3A_218 = tpu.memref_slice %arg21[%add3A_149, %dma_wait3A_217] : memref<10240x128xf32, #tpu.memory_space<vmem_shared>> -> memref<80x128xf32, #tpu.memory_space<vmem_shared>>
      tpu.wait_dma2 semaphore(%run_scoped3A : memref<!tpu.dma_semaphore, #tpu.memory_space<semaphore_mem>>) src(%arg15 : memref<80x128xf32, #tpu.memory_space<vmem>>) dst(%dma_wait3A_218 : memref<80x128xf32, #tpu.memory_space<vmem_shared>>)
      tpu.yield
    }) : () -> ()
    %mul3A_150 = arith.constant 640 : i32
    %mul3A_151 = arith.muli %arg1, %mul3A_150 : i32
    %add3A_152 = arith.constant 400 : i32
    %add3A_153 = arith.addi %mul3A_151, %add3A_152 : i32
    "tpu.region"() ({
      %run_scoped3A = tpu.sem_alloc : memref<!tpu.dma_semaphore, #tpu.memory_space<semaphore_mem>>
      %dma_start3A = arith.constant 0 : i32
      %dma_start3A_213 = tpu.memref_slice %arg21[%add3A_153, %dma_start3A] : memref<10240x128xf32, #tpu.memory_space<vmem_shared>> -> memref<80x128xf32, #tpu.memory_space<vmem_shared>>
      %dma_start3A_214 = arith.constant 0 : i32
      %dma_start3A_215 = tpu.memref_slice %arg21[%add3A_153, %dma_start3A_214] : memref<10240x128xf32, #tpu.memory_space<vmem_shared>> -> memref<80x128xf32, #tpu.memory_space<vmem_shared>>
      tpu.enqueue_dma source(%arg15 : memref<80x128xf32, #tpu.memory_space<vmem>>) target(%dma_start3A_215 : memref<80x128xf32, #tpu.memory_space<vmem_shared>>) target_semaphore(%run_scoped3A : memref<!tpu.dma_semaphore, #tpu.memory_space<semaphore_mem>>)
      %dma_wait3A = arith.constant 0 : i32
      %dma_wait3A_216 = tpu.memref_slice %arg21[%add3A_153, %dma_wait3A] : memref<10240x128xf32, #tpu.memory_space<vmem_shared>> -> memref<80x128xf32, #tpu.memory_space<vmem_shared>>
      %dma_wait3A_217 = arith.constant 0 : i32
      %dma_wait3A_218 = tpu.memref_slice %arg21[%add3A_153, %dma_wait3A_217] : memref<10240x128xf32, #tpu.memory_space<vmem_shared>> -> memref<80x128xf32, #tpu.memory_space<vmem_shared>>
      tpu.wait_dma2 semaphore(%run_scoped3A : memref<!tpu.dma_semaphore, #tpu.memory_space<semaphore_mem>>) src(%arg15 : memref<80x128xf32, #tpu.memory_space<vmem>>) dst(%dma_wait3A_218 : memref<80x128xf32, #tpu.memory_space<vmem_shared>>)
      tpu.yield
    }) : () -> ()
    %mul3A_154 = arith.constant 640 : i32
    %mul3A_155 = arith.muli %arg1, %mul3A_154 : i32
    %add3A_156 = arith.constant 480 : i32
    %add3A_157 = arith.addi %mul3A_155, %add3A_156 : i32
    "tpu.region"() ({
      %run_scoped3A = tpu.sem_alloc : memref<!tpu.dma_semaphore, #tpu.memory_space<semaphore_mem>>
      %dma_start3A = arith.constant 0 : i32
      %dma_start3A_213 = tpu.memref_slice %arg21[%add3A_157, %dma_start3A] : memref<10240x128xf32, #tpu.memory_space<vmem_shared>> -> memref<80x128xf32, #tpu.memory_space<vmem_shared>>
      %dma_start3A_214 = arith.constant 0 : i32
      %dma_start3A_215 = tpu.memref_slice %arg21[%add3A_157, %dma_start3A_214] : memref<10240x128xf32, #tpu.memory_space<vmem_shared>> -> memref<80x128xf32, #tpu.memory_space<vmem_shared>>
      tpu.enqueue_dma source(%arg15 : memref<80x128xf32, #tpu.memory_space<vmem>>) target(%dma_start3A_215 : memref<80x128xf32, #tpu.memory_space<vmem_shared>>) target_semaphore(%run_scoped3A : memref<!tpu.dma_semaphore, #tpu.memory_space<semaphore_mem>>)
      %dma_wait3A = arith.constant 0 : i32
      %dma_wait3A_216 = tpu.memref_slice %arg21[%add3A_157, %dma_wait3A] : memref<10240x128xf32, #tpu.memory_space<vmem_shared>> -> memref<80x128xf32, #tpu.memory_space<vmem_shared>>
      %dma_wait3A_217 = arith.constant 0 : i32
      %dma_wait3A_218 = tpu.memref_slice %arg21[%add3A_157, %dma_wait3A_217] : memref<10240x128xf32, #tpu.memory_space<vmem_shared>> -> memref<80x128xf32, #tpu.memory_space<vmem_shared>>
      tpu.wait_dma2 semaphore(%run_scoped3A : memref<!tpu.dma_semaphore, #tpu.memory_space<semaphore_mem>>) src(%arg15 : memref<80x128xf32, #tpu.memory_space<vmem>>) dst(%dma_wait3A_218 : memref<80x128xf32, #tpu.memory_space<vmem_shared>>)
      tpu.yield
    }) : () -> ()
    %mul3A_158 = arith.constant 640 : i32
    %mul3A_159 = arith.muli %arg1, %mul3A_158 : i32
    %add3A_160 = arith.constant 560 : i32
    %add3A_161 = arith.addi %mul3A_159, %add3A_160 : i32
    "tpu.region"() ({
      %run_scoped3A = tpu.sem_alloc : memref<!tpu.dma_semaphore, #tpu.memory_space<semaphore_mem>>
      %dma_start3A = arith.constant 0 : i32
      %dma_start3A_213 = tpu.memref_slice %arg21[%add3A_161, %dma_start3A] : memref<10240x128xf32, #tpu.memory_space<vmem_shared>> -> memref<80x128xf32, #tpu.memory_space<vmem_shared>>
      %dma_start3A_214 = arith.constant 0 : i32
      %dma_start3A_215 = tpu.memref_slice %arg21[%add3A_161, %dma_start3A_214] : memref<10240x128xf32, #tpu.memory_space<vmem_shared>> -> memref<80x128xf32, #tpu.memory_space<vmem_shared>>
      tpu.enqueue_dma source(%arg15 : memref<80x128xf32, #tpu.memory_space<vmem>>) target(%dma_start3A_215 : memref<80x128xf32, #tpu.memory_space<vmem_shared>>) target_semaphore(%run_scoped3A : memref<!tpu.dma_semaphore, #tpu.memory_space<semaphore_mem>>)
      %dma_wait3A = arith.constant 0 : i32
      %dma_wait3A_216 = tpu.memref_slice %arg21[%add3A_161, %dma_wait3A] : memref<10240x128xf32, #tpu.memory_space<vmem_shared>> -> memref<80x128xf32, #tpu.memory_space<vmem_shared>>
      %dma_wait3A_217 = arith.constant 0 : i32
      %dma_wait3A_218 = tpu.memref_slice %arg21[%add3A_161, %dma_wait3A_217] : memref<10240x128xf32, #tpu.memory_space<vmem_shared>> -> memref<80x128xf32, #tpu.memory_space<vmem_shared>>
      tpu.wait_dma2 semaphore(%run_scoped3A : memref<!tpu.dma_semaphore, #tpu.memory_space<semaphore_mem>>) src(%arg15 : memref<80x128xf32, #tpu.memory_space<vmem>>) dst(%dma_wait3A_218 : memref<80x128xf32, #tpu.memory_space<vmem_shared>>)
      tpu.yield
    }) : () -> ()
    %barrier3A_162 = arith.constant 0 : index
    tpu.barrier barrier_id(%barrier3A_162)
    %scan3A_163 = arith.constant 0 : i32
    %scan3A_164 = arith.constant 10 : i32
    %scan3A_165 = arith.addi %scan3A_163, %scan3A_164 : i32
    %scan3A_166 = arith.constant 1 : i32
    scf.for %scan3A_213 = %scan3A_163 to %scan3A_165 step %scan3A_166  : i32 {
      %mul3A_214 = arith.constant 2000 : i32
      %mul3A_215 = arith.muli %scan3A_213, %mul3A_214 : i32
      %add3A_216 = arith.addi %add3A_110, %mul3A_215 : i32
      "tpu.region"() ({
        %run_scoped3A = tpu.sem_alloc : memref<!tpu.dma_semaphore, #tpu.memory_space<semaphore_mem>>
        %dma_start3A = tpu.memref_slice %arg5[%add3A_216] : memref<1280000xi32, #tpu.memory_space<hbm>> -> memref<2000xi32, #tpu.memory_space<hbm>>
        %dma_start3A_225 = tpu.memref_slice %arg5[%add3A_216] : memref<1280000xi32, #tpu.memory_space<hbm>> -> memref<2000xi32, #tpu.memory_space<hbm>>
        tpu.enqueue_dma source(%dma_start3A_225 : memref<2000xi32, #tpu.memory_space<hbm>>) target(%arg12 : memref<2000xi32, #tpu.memory_space<vmem>>) target_semaphore(%run_scoped3A : memref<!tpu.dma_semaphore, #tpu.memory_space<semaphore_mem>>)
        %dma_wait3A = tpu.memref_slice %arg5[%add3A_216] : memref<1280000xi32, #tpu.memory_space<hbm>> -> memref<2000xi32, #tpu.memory_space<hbm>>
        %dma_wait3A_226 = tpu.memref_slice %arg5[%add3A_216] : memref<1280000xi32, #tpu.memory_space<hbm>> -> memref<2000xi32, #tpu.memory_space<hbm>>
        tpu.wait_dma2 semaphore(%run_scoped3A : memref<!tpu.dma_semaphore, #tpu.memory_space<semaphore_mem>>) src(%dma_wait3A_226 : memref<2000xi32, #tpu.memory_space<hbm>>) dst(%arg12 : memref<2000xi32, #tpu.memory_space<vmem>>)
        tpu.yield
      }) : () -> ()
      %mul3A_217 = arith.constant 2000 : i32
      %mul3A_218 = arith.muli %scan3A_213, %mul3A_217 : i32
      %add3A_219 = arith.addi %add3A_110, %mul3A_218 : i32
      "tpu.region"() ({
        %run_scoped3A = tpu.sem_alloc : memref<!tpu.dma_semaphore, #tpu.memory_space<semaphore_mem>>
        %dma_start3A = tpu.memref_slice %arg6[%add3A_219] : memref<1280000xi32, #tpu.memory_space<hbm>> -> memref<2000xi32, #tpu.memory_space<hbm>>
        %dma_start3A_225 = tpu.memref_slice %arg6[%add3A_219] : memref<1280000xi32, #tpu.memory_space<hbm>> -> memref<2000xi32, #tpu.memory_space<hbm>>
        tpu.enqueue_dma source(%dma_start3A_225 : memref<2000xi32, #tpu.memory_space<hbm>>) target(%arg13 : memref<2000xi32, #tpu.memory_space<vmem>>) target_semaphore(%run_scoped3A : memref<!tpu.dma_semaphore, #tpu.memory_space<semaphore_mem>>)
        %dma_wait3A = tpu.memref_slice %arg6[%add3A_219] : memref<1280000xi32, #tpu.memory_space<hbm>> -> memref<2000xi32, #tpu.memory_space<hbm>>
        %dma_wait3A_226 = tpu.memref_slice %arg6[%add3A_219] : memref<1280000xi32, #tpu.memory_space<hbm>> -> memref<2000xi32, #tpu.memory_space<hbm>>
        tpu.wait_dma2 semaphore(%run_scoped3A : memref<!tpu.dma_semaphore, #tpu.memory_space<semaphore_mem>>) src(%dma_wait3A_226 : memref<2000xi32, #tpu.memory_space<hbm>>) dst(%arg13 : memref<2000xi32, #tpu.memory_space<vmem>>)
        tpu.yield
      }) : () -> ()
      %scan3A_220 = arith.constant 0 : i32
      %scan3A_221 = arith.constant 125 : i32
      %scan3A_222 = arith.addi %scan3A_220, %scan3A_221 : i32
      %scan3A_223 = arith.constant 1 : i32
      scf.for %scan3A_225 = %scan3A_220 to %scan3A_222 step %scan3A_223  : i32 {
        %mul3A_226 = arith.constant 16 : i32
        %mul3A_227 = arith.muli %scan3A_225, %mul3A_226 : i32
        %get3A = arith.index_cast %mul3A_227 : i32 to index
        %get3A_228 = tpu.vector_load %arg12[%get3A] {strides = array<i32>} : memref<2000xi32, #tpu.memory_space<vmem>>, vector<16xi32>,
        %mul3A_229 = arith.constant 16 : i32
        %mul3A_230 = arith.muli %scan3A_225, %mul3A_229 : i32
        %get3A_231 = arith.index_cast %mul3A_230 : i32 to index
        %get3A_232 = tpu.vector_load %arg13[%get3A_231] {strides = array<i32>} : memref<2000xi32, #tpu.memory_space<vmem>>, vector<16xi32>,
        %gather3A = tpu.vector_load_idx %arg9[%get3A_228] : memref<10240xf32, #tpu.memory_space<vmem>>[vector<16xi32>], vector<16xf32>,
        %gather3A_233 = tpu.vector_load_idx %arg10[%get3A_232] : memref<10240xf32, #tpu.memory_space<vmem>>[vector<16xi32>], vector<16xf32>,
        %add3A_234 = arith.addf %gather3A, %gather3A_233 : vector<16xf32>
        %ge3A = arith.constant 0.000000e+00 : f32
        %ge3A_235 = vector.broadcast %ge3A : f32 to vector<16xf32>
        %ge3A_236 = arith.cmpf oge, %add3A_234, %ge3A_235 : vector<16xf32>
        %mul3A_237 = arith.constant 2.000000e-01 : f32
        %mul3A_238 = vector.broadcast %mul3A_237 : f32 to vector<16xf32>
        %mul3A_239 = arith.mulf %mul3A_238, %add3A_234 : vector<16xf32>
        %select_n3A = arith.select %ge3A_236, %add3A_234, %mul3A_239 : vector<16xi1>, vector<16xf32>
        %exp3A = math.exp %select_n3A : vector<16xf32>
        %masked_sort3A = arith.constant dense<true> : vector<16xi1>
        %masked_sort3A_240 = arith.constant -2147483648 : i32
        %masked_sort3A_241 = vector.broadcast %masked_sort3A_240 : i32 to vector<16xi32>
        %masked_sort3A_242 = arith.xori %get3A_232, %masked_sort3A_241 : vector<16xi32>
        %masked_sort3A_243, %masked_sort3A_244, %masked_sort3A_245 = tpu.sort %masked_sort3A_242, %exp3A masked %masked_sort3A : (vector<16xi32>, vector<16xf32>, vector<16xi1>) -> (vector<16xi1>, vector<16xi32>, vector<16xf32>)
        %masked_sort3A_246 = arith.xori %masked_sort3A_244, %masked_sort3A_241 : vector<16xi32>
        %iota3A_247 = tpu.iota {dimensions = array<i32: 0>} : vector<16xi32>
        %sub3A = arith.constant 1 : i32
        %sub3A_248 = vector.broadcast %sub3A : i32 to vector<16xi32>
        %sub3A_249 = arith.subi %iota3A_247, %sub3A_248 : vector<16xi32>
        %max3A = arith.constant 0 : i32
        %max3A_250 = vector.broadcast %max3A : i32 to vector<16xi32>
        %max3A_251 = arith.maxsi %sub3A_249, %max3A_250 : vector<16xi32>
        %broadcast_in_dim3A = vector.shape_cast %max3A_251 : vector<16xi32> to vector<16x1xi32>
        %gather3A_252 = vector.shape_cast %broadcast_in_dim3A : vector<16x1xi32> to vector<16xi32>
        %gather3A_253 = tpu.dynamic_gather %masked_sort3A_246[%gather3A_252] in [0] : vector<16xi32>, vector<16xi32> -> vector<16xi32>
        %broadcast_in_dim3A_254 = vector.shape_cast %max3A_251 : vector<16xi32> to vector<16x1xi32>
        %gather3A_255 = vector.shape_cast %broadcast_in_dim3A_254 : vector<16x1xi32> to vector<16xi32>
        %gather3A_256 = tpu.dynamic_gather %masked_sort3A_245[%gather3A_255] in [0] : vector<16xf32>, vector<16xi32> -> vector<16xf32>
        %ge3A_257 = arith.constant 1 : i32
        %ge3A_258 = vector.broadcast %ge3A_257 : i32 to vector<16xi32>
        %ge3A_259 = arith.cmpi sge, %iota3A_247, %ge3A_258 : vector<16xi32>
        %eq3A_260 = arith.cmpi eq, %gather3A_253, %masked_sort3A_246 : vector<16xi32>
        %and3A = arith.andi %ge3A_259, %eq3A_260 : vector<16xi1>
        %add3A_261 = arith.addf %masked_sort3A_245, %gather3A_256 : vector<16xf32>
        %select_n3A_262 = arith.select %and3A, %add3A_261, %masked_sort3A_245 : vector<16xi1>, vector<16xf32>
        %sub3A_263 = arith.constant 2 : i32
        %sub3A_264 = vector.broadcast %sub3A_263 : i32 to vector<16xi32>
        %sub3A_265 = arith.subi %iota3A_247, %sub3A_264 : vector<16xi32>
        %max3A_266 = arith.constant 0 : i32
        %max3A_267 = vector.broadcast %max3A_266 : i32 to vector<16xi32>
        %max3A_268 = arith.maxsi %sub3A_265, %max3A_267 : vector<16xi32>
        %broadcast_in_dim3A_269 = vector.shape_cast %max3A_268 : vector<16xi32> to vector<16x1xi32>
        %gather3A_270 = vector.shape_cast %broadcast_in_dim3A_269 : vector<16x1xi32> to vector<16xi32>
        %gather3A_271 = tpu.dynamic_gather %masked_sort3A_246[%gather3A_270] in [0] : vector<16xi32>, vector<16xi32> -> vector<16xi32>
        %broadcast_in_dim3A_272 = vector.shape_cast %max3A_268 : vector<16xi32> to vector<16x1xi32>
        %gather3A_273 = vector.shape_cast %broadcast_in_dim3A_272 : vector<16x1xi32> to vector<16xi32>
        %gather3A_274 = tpu.dynamic_gather %select_n3A_262[%gather3A_273] in [0] : vector<16xf32>, vector<16xi32> -> vector<16xf32>
        %ge3A_275 = arith.constant 2 : i32
        %ge3A_276 = vector.broadcast %ge3A_275 : i32 to vector<16xi32>
        %ge3A_277 = arith.cmpi sge, %iota3A_247, %ge3A_276 : vector<16xi32>
        %eq3A_278 = arith.cmpi eq, %gather3A_271, %masked_sort3A_246 : vector<16xi32>
        %and3A_279 = arith.andi %ge3A_277, %eq3A_278 : vector<16xi1>
        %add3A_280 = arith.addf %select_n3A_262, %gather3A_274 : vector<16xf32>
        %select_n3A_281 = arith.select %and3A_279, %add3A_280, %select_n3A_262 : vector<16xi1>, vector<16xf32>
        %sub3A_282 = arith.constant 4 : i32
        %sub3A_283 = vector.broadcast %sub3A_282 : i32 to vector<16xi32>
        %sub3A_284 = arith.subi %iota3A_247, %sub3A_283 : vector<16xi32>
        %max3A_285 = arith.constant 0 : i32
        %max3A_286 = vector.broadcast %max3A_285 : i32 to vector<16xi32>
        %max3A_287 = arith.maxsi %sub3A_284, %max3A_286 : vector<16xi32>
        %broadcast_in_dim3A_288 = vector.shape_cast %max3A_287 : vector<16xi32> to vector<16x1xi32>
        %gather3A_289 = vector.shape_cast %broadcast_in_dim3A_288 : vector<16x1xi32> to vector<16xi32>
        %gather3A_290 = tpu.dynamic_gather %masked_sort3A_246[%gather3A_289] in [0] : vector<16xi32>, vector<16xi32> -> vector<16xi32>
        %broadcast_in_dim3A_291 = vector.shape_cast %max3A_287 : vector<16xi32> to vector<16x1xi32>
        %gather3A_292 = vector.shape_cast %broadcast_in_dim3A_291 : vector<16x1xi32> to vector<16xi32>
        %gather3A_293 = tpu.dynamic_gather %select_n3A_281[%gather3A_292] in [0] : vector<16xf32>, vector<16xi32> -> vector<16xf32>
        %ge3A_294 = arith.constant 4 : i32
        %ge3A_295 = vector.broadcast %ge3A_294 : i32 to vector<16xi32>
        %ge3A_296 = arith.cmpi sge, %iota3A_247, %ge3A_295 : vector<16xi32>
        %eq3A_297 = arith.cmpi eq, %gather3A_290, %masked_sort3A_246 : vector<16xi32>
        %and3A_298 = arith.andi %ge3A_296, %eq3A_297 : vector<16xi1>
        %add3A_299 = arith.addf %select_n3A_281, %gather3A_293 : vector<16xf32>
        %select_n3A_300 = arith.select %and3A_298, %add3A_299, %select_n3A_281 : vector<16xi1>, vector<16xf32>
        %sub3A_301 = arith.constant 8 : i32
        %sub3A_302 = vector.broadcast %sub3A_301 : i32 to vector<16xi32>
        %sub3A_303 = arith.subi %iota3A_247, %sub3A_302 : vector<16xi32>
        %max3A_304 = arith.constant 0 : i32
        %max3A_305 = vector.broadcast %max3A_304 : i32 to vector<16xi32>
        %max3A_306 = arith.maxsi %sub3A_303, %max3A_305 : vector<16xi32>
        %broadcast_in_dim3A_307 = vector.shape_cast %max3A_306 : vector<16xi32> to vector<16x1xi32>
        %gather3A_308 = vector.shape_cast %broadcast_in_dim3A_307 : vector<16x1xi32> to vector<16xi32>
        %gather3A_309 = tpu.dynamic_gather %masked_sort3A_246[%gather3A_308] in [0] : vector<16xi32>, vector<16xi32> -> vector<16xi32>
        %broadcast_in_dim3A_310 = vector.shape_cast %max3A_306 : vector<16xi32> to vector<16x1xi32>
        %gather3A_311 = vector.shape_cast %broadcast_in_dim3A_310 : vector<16x1xi32> to vector<16xi32>
        %gather3A_312 = tpu.dynamic_gather %select_n3A_300[%gather3A_311] in [0] : vector<16xf32>, vector<16xi32> -> vector<16xf32>
        %ge3A_313 = arith.constant 8 : i32
        %ge3A_314 = vector.broadcast %ge3A_313 : i32 to vector<16xi32>
        %ge3A_315 = arith.cmpi sge, %iota3A_247, %ge3A_314 : vector<16xi32>
        %eq3A_316 = arith.cmpi eq, %gather3A_309, %masked_sort3A_246 : vector<16xi32>
        %and3A_317 = arith.andi %ge3A_315, %eq3A_316 : vector<16xi1>
        %add3A_318 = arith.addf %select_n3A_300, %gather3A_312 : vector<16xf32>
        %select_n3A_319 = arith.select %and3A_317, %add3A_318, %select_n3A_300 : vector<16xi1>, vector<16xf32>
        %add3A_320 = arith.constant 1 : i32
        %add3A_321 = vector.broadcast %add3A_320 : i32 to vector<16xi32>
        %add3A_322 = arith.addi %iota3A_247, %add3A_321 : vector<16xi32>
        %min3A = arith.constant 15 : i32
        %min3A_323 = vector.broadcast %min3A : i32 to vector<16xi32>
        %min3A_324 = arith.minsi %add3A_322, %min3A_323 : vector<16xi32>
        %broadcast_in_dim3A_325 = vector.shape_cast %min3A_324 : vector<16xi32> to vector<16x1xi32>
        %gather3A_326 = vector.shape_cast %broadcast_in_dim3A_325 : vector<16x1xi32> to vector<16xi32>
        %gather3A_327 = tpu.dynamic_gather %masked_sort3A_246[%gather3A_326] in [0] : vector<16xi32>, vector<16xi32> -> vector<16xi32>
        %ne3A = arith.cmpi ne, %gather3A_327, %masked_sort3A_246 : vector<16xi32>
        %eq3A_328 = arith.constant 15 : i32
        %eq3A_329 = vector.broadcast %eq3A_328 : i32 to vector<16xi32>
        %eq3A_330 = arith.cmpi eq, %iota3A_247, %eq3A_329 : vector<16xi32>
        %or3A = arith.ori %ne3A, %eq3A_330 : vector<16xi1>
        %shift_right_logical3A = arith.constant 7 : i32
        %shift_right_logical3A_331 = vector.broadcast %shift_right_logical3A : i32 to vector<16xi32>
        %shift_right_logical3A_332 = arith.shrui %masked_sort3A_246, %shift_right_logical3A_331 : vector<16xi32>
        %and3A_333 = arith.constant 127 : i32
        %and3A_334 = vector.broadcast %and3A_333 : i32 to vector<16xi32>
        %and3A_335 = arith.andi %masked_sort3A_246, %and3A_334 : vector<16xi32>
        %gather3A_336 = tpu.vector_load_idx %arg11[%shift_right_logical3A_332, %and3A_335] : memref<80x128xf32, #tpu.memory_space<vmem>>[vector<16xi32>, vector<16xi32>], vector<16xf32>,
        %add3A_337 = arith.addf %gather3A_336, %select_n3A_319 : vector<16xf32>
        tpu.vector_store_idx %arg11[%shift_right_logical3A_332, %and3A_335], %add3A_337 masked %or3A : memref<80x128xf32, #tpu.memory_space<vmem>>[vector<16xi32>, vector<16xi32>], vector<16xf32>, vector<16xi1>
      }
      %scan3A_224 = arith.constant 125 : i32
    }
    %scan3A_167 = arith.constant 10 : i32
    %iota3A_168 = tpu.iota {dimensions = array<i32: 0>} : vector<16xi32>
    %add3A_169 = arith.constant 0 : i32
    %add3A_170 = vector.broadcast %add3A_169 : i32 to vector<16xi32>
    %add3A_171 = arith.addi %iota3A_168, %add3A_170 : vector<16xi32>
    %swap3A_172 = arith.constant 0 : index
    %swap3A_173 = tpu.vector_load %arg19[%swap3A_172] {strides = array<i32>} : memref<80xi32, #tpu.memory_space<vmem>>, vector<16xi32>,
    tpu.vector_store %arg19[%swap3A_172], %add3A_171 {strides = array<i32>} : memref<80xi32, #tpu.memory_space<vmem>>, vector<16xi32>,
    %iota3A_174 = tpu.iota {dimensions = array<i32: 0>} : vector<16xi32>
    %add3A_175 = arith.constant 16 : i32
    %add3A_176 = vector.broadcast %add3A_175 : i32 to vector<16xi32>
    %add3A_177 = arith.addi %iota3A_174, %add3A_176 : vector<16xi32>
    %swap3A_178 = arith.constant 16 : index
    %swap3A_179 = tpu.vector_load %arg19[%swap3A_178] {strides = array<i32>} : memref<80xi32, #tpu.memory_space<vmem>>, vector<16xi32>,
    tpu.vector_store %arg19[%swap3A_178], %add3A_177 {strides = array<i32>} : memref<80xi32, #tpu.memory_space<vmem>>, vector<16xi32>,
    %iota3A_180 = tpu.iota {dimensions = array<i32: 0>} : vector<16xi32>
    %add3A_181 = arith.constant 32 : i32
    %add3A_182 = vector.broadcast %add3A_181 : i32 to vector<16xi32>
    %add3A_183 = arith.addi %iota3A_180, %add3A_182 : vector<16xi32>
    %swap3A_184 = arith.constant 32 : index
    %swap3A_185 = tpu.vector_load %arg19[%swap3A_184] {strides = array<i32>} : memref<80xi32, #tpu.memory_space<vmem>>, vector<16xi32>,
    tpu.vector_store %arg19[%swap3A_184], %add3A_183 {strides = array<i32>} : memref<80xi32, #tpu.memory_space<vmem>>, vector<16xi32>,
    %iota3A_186 = tpu.iota {dimensions = array<i32: 0>} : vector<16xi32>
    %add3A_187 = arith.constant 48 : i32
    %add3A_188 = vector.broadcast %add3A_187 : i32 to vector<16xi32>
    %add3A_189 = arith.addi %iota3A_186, %add3A_188 : vector<16xi32>
    %swap3A_190 = arith.constant 48 : index
    %swap3A_191 = tpu.vector_load %arg19[%swap3A_190] {strides = array<i32>} : memref<80xi32, #tpu.memory_space<vmem>>, vector<16xi32>,
    tpu.vector_store %arg19[%swap3A_190], %add3A_189 {strides = array<i32>} : memref<80xi32, #tpu.memory_space<vmem>>, vector<16xi32>,
    %iota3A_192 = tpu.iota {dimensions = array<i32: 0>} : vector<16xi32>
    %add3A_193 = arith.constant 64 : i32
    %add3A_194 = vector.broadcast %add3A_193 : i32 to vector<16xi32>
    %add3A_195 = arith.addi %iota3A_192, %add3A_194 : vector<16xi32>
    %swap3A_196 = arith.constant 64 : index
    %swap3A_197 = tpu.vector_load %arg19[%swap3A_196] {strides = array<i32>} : memref<80xi32, #tpu.memory_space<vmem>>, vector<16xi32>,
    tpu.vector_store %arg19[%swap3A_196], %add3A_195 {strides = array<i32>} : memref<80xi32, #tpu.memory_space<vmem>>, vector<16xi32>,
    "tpu.region"() ({
      %run_scoped3A = tpu.sem_alloc : memref<!tpu.dma_semaphore, #tpu.memory_space<semaphore_mem>>
      %dma_start3A = arith.constant 0 : i32
      %dma_start3A_213 = arith.constant 0 : i32
      %dma_start3A_214 = tpu.memref_slice %arg20[%dma_start3A, %dma_start3A_213] : memref<80x128xf32, #tpu.memory_space<vmem_shared>> -> memref<80x128xf32, #tpu.memory_space<vmem_shared>>
      tpu.enqueue_indirect_dma source(%arg11 : memref<80x128xf32, #tpu.memory_space<vmem>>) target(%dma_start3A_214 : memref<80x128xf32, #tpu.memory_space<vmem_shared>>) offsets(%arg19 : memref<80xi32, #tpu.memory_space<vmem>>) semaphore(%run_scoped3A : memref<!tpu.dma_semaphore, #tpu.memory_space<semaphore_mem>>) {add = true}
      %dma_wait3A = arith.constant 0 : i32
      %dma_wait3A_215 = arith.constant 0 : i32
      %dma_wait3A_216 = tpu.memref_slice %arg20[%dma_wait3A, %dma_wait3A_215] : memref<80x128xf32, #tpu.memory_space<vmem_shared>> -> memref<80x128xf32, #tpu.memory_space<vmem_shared>>
      tpu.wait_indirect_dma semaphore(%run_scoped3A : memref<!tpu.dma_semaphore, #tpu.memory_space<semaphore_mem>>) src(%arg11 : memref<80x128xf32, #tpu.memory_space<vmem>>) dst(%dma_wait3A_216 : memref<80x128xf32, #tpu.memory_space<vmem_shared>>)
      tpu.yield
    }) : () -> ()
    %barrier3A_198 = arith.constant 0 : index
    tpu.barrier barrier_id(%barrier3A_198)
    "tpu.region"() ({
      %run_scoped3A = tpu.sem_alloc : memref<!tpu.dma_semaphore, #tpu.memory_space<semaphore_mem>>
      tpu.enqueue_dma source(%arg20 : memref<80x128xf32, #tpu.memory_space<vmem_shared>>) target(%arg11 : memref<80x128xf32, #tpu.memory_space<vmem>>) target_semaphore(%run_scoped3A : memref<!tpu.dma_semaphore, #tpu.memory_space<semaphore_mem>>)
      tpu.wait_dma2 semaphore(%run_scoped3A : memref<!tpu.dma_semaphore, #tpu.memory_space<semaphore_mem>>) src(%arg20 : memref<80x128xf32, #tpu.memory_space<vmem_shared>>) dst(%arg11 : memref<80x128xf32, #tpu.memory_space<vmem>>)
      tpu.yield
    }) : () -> ()
    %scan3A_199 = arith.constant 0 : i32
    %scan3A_200 = arith.constant 10 : i32
    %scan3A_201 = arith.addi %scan3A_199, %scan3A_200 : i32
    %scan3A_202 = arith.constant 1 : i32
    scf.for %scan3A_213 = %scan3A_199 to %scan3A_201 step %scan3A_202  : i32 {
      %mul3A_214 = arith.constant 2000 : i32
      %mul3A_215 = arith.muli %scan3A_213, %mul3A_214 : i32
      %add3A_216 = arith.addi %add3A_110, %mul3A_215 : i32
      "tpu.region"() ({
        %run_scoped3A = tpu.sem_alloc : memref<!tpu.dma_semaphore, #tpu.memory_space<semaphore_mem>>
        %dma_start3A = tpu.memref_slice %arg5[%add3A_216] : memref<1280000xi32, #tpu.memory_space<hbm>> -> memref<2000xi32, #tpu.memory_space<hbm>>
        %dma_start3A_228 = tpu.memref_slice %arg5[%add3A_216] : memref<1280000xi32, #tpu.memory_space<hbm>> -> memref<2000xi32, #tpu.memory_space<hbm>>
        tpu.enqueue_dma source(%dma_start3A_228 : memref<2000xi32, #tpu.memory_space<hbm>>) target(%arg12 : memref<2000xi32, #tpu.memory_space<vmem>>) target_semaphore(%run_scoped3A : memref<!tpu.dma_semaphore, #tpu.memory_space<semaphore_mem>>)
        %dma_wait3A = tpu.memref_slice %arg5[%add3A_216] : memref<1280000xi32, #tpu.memory_space<hbm>> -> memref<2000xi32, #tpu.memory_space<hbm>>
        %dma_wait3A_229 = tpu.memref_slice %arg5[%add3A_216] : memref<1280000xi32, #tpu.memory_space<hbm>> -> memref<2000xi32, #tpu.memory_space<hbm>>
        tpu.wait_dma2 semaphore(%run_scoped3A : memref<!tpu.dma_semaphore, #tpu.memory_space<semaphore_mem>>) src(%dma_wait3A_229 : memref<2000xi32, #tpu.memory_space<hbm>>) dst(%arg12 : memref<2000xi32, #tpu.memory_space<vmem>>)
        tpu.yield
      }) : () -> ()
      %mul3A_217 = arith.constant 2000 : i32
      %mul3A_218 = arith.muli %scan3A_213, %mul3A_217 : i32
      %add3A_219 = arith.addi %add3A_110, %mul3A_218 : i32
      "tpu.region"() ({
        %run_scoped3A = tpu.sem_alloc : memref<!tpu.dma_semaphore, #tpu.memory_space<semaphore_mem>>
        %dma_start3A = tpu.memref_slice %arg6[%add3A_219] : memref<1280000xi32, #tpu.memory_space<hbm>> -> memref<2000xi32, #tpu.memory_space<hbm>>
        %dma_start3A_228 = tpu.memref_slice %arg6[%add3A_219] : memref<1280000xi32, #tpu.memory_space<hbm>> -> memref<2000xi32, #tpu.memory_space<hbm>>
        tpu.enqueue_dma source(%dma_start3A_228 : memref<2000xi32, #tpu.memory_space<hbm>>) target(%arg13 : memref<2000xi32, #tpu.memory_space<vmem>>) target_semaphore(%run_scoped3A : memref<!tpu.dma_semaphore, #tpu.memory_space<semaphore_mem>>)
        %dma_wait3A = tpu.memref_slice %arg6[%add3A_219] : memref<1280000xi32, #tpu.memory_space<hbm>> -> memref<2000xi32, #tpu.memory_space<hbm>>
        %dma_wait3A_229 = tpu.memref_slice %arg6[%add3A_219] : memref<1280000xi32, #tpu.memory_space<hbm>> -> memref<2000xi32, #tpu.memory_space<hbm>>
        tpu.wait_dma2 semaphore(%run_scoped3A : memref<!tpu.dma_semaphore, #tpu.memory_space<semaphore_mem>>) src(%dma_wait3A_229 : memref<2000xi32, #tpu.memory_space<hbm>>) dst(%arg13 : memref<2000xi32, #tpu.memory_space<vmem>>)
        tpu.yield
      }) : () -> ()
      %mul3A_220 = arith.constant 2000 : i32
      %mul3A_221 = arith.muli %scan3A_213, %mul3A_220 : i32
      %add3A_222 = arith.addi %add3A_110, %mul3A_221 : i32
      "tpu.region"() ({
        %run_scoped3A = tpu.sem_alloc : memref<!tpu.dma_semaphore, #tpu.memory_space<semaphore_mem>>
        %dma_start3A = tpu.memref_slice %arg7[%add3A_222] : memref<1280000xf32, #tpu.memory_space<hbm>> -> memref<2000xf32, #tpu.memory_space<hbm>>
        %dma_start3A_228 = tpu.memref_slice %arg7[%add3A_222] : memref<1280000xf32, #tpu.memory_space<hbm>> -> memref<2000xf32, #tpu.memory_space<hbm>>
        tpu.enqueue_dma source(%dma_start3A_228 : memref<2000xf32, #tpu.memory_space<hbm>>) target(%arg14 : memref<2000xf32, #tpu.memory_space<vmem>>) target_semaphore(%run_scoped3A : memref<!tpu.dma_semaphore, #tpu.memory_space<semaphore_mem>>)
        %dma_wait3A = tpu.memref_slice %arg7[%add3A_222] : memref<1280000xf32, #tpu.memory_space<hbm>> -> memref<2000xf32, #tpu.memory_space<hbm>>
        %dma_wait3A_229 = tpu.memref_slice %arg7[%add3A_222] : memref<1280000xf32, #tpu.memory_space<hbm>> -> memref<2000xf32, #tpu.memory_space<hbm>>
        tpu.wait_dma2 semaphore(%run_scoped3A : memref<!tpu.dma_semaphore, #tpu.memory_space<semaphore_mem>>) src(%dma_wait3A_229 : memref<2000xf32, #tpu.memory_space<hbm>>) dst(%arg14 : memref<2000xf32, #tpu.memory_space<vmem>>)
        tpu.yield
      }) : () -> ()
      %scan3A_223 = arith.constant 0 : i32
      %scan3A_224 = arith.constant 25 : i32
      %scan3A_225 = arith.addi %scan3A_223, %scan3A_224 : i32
      %scan3A_226 = arith.constant 1 : i32
      scf.for %scan3A_228 = %scan3A_223 to %scan3A_225 step %scan3A_226  : i32 {
        %mul3A_229 = arith.constant 80 : i32
        %mul3A_230 = arith.muli %scan3A_228, %mul3A_229 : i32
        %add3A_231 = arith.constant 0 : i32
        %add3A_232 = arith.addi %mul3A_230, %add3A_231 : i32
        %get3A = arith.index_cast %add3A_232 : i32 to index
        %get3A_233 = tpu.vector_load %arg12[%get3A] {strides = array<i32>} : memref<2000xi32, #tpu.memory_space<vmem>>, vector<16xi32>,
        %mul3A_234 = arith.constant 10000 : i32
        %mul3A_235 = arith.muli %add3A_105, %mul3A_234 : i32
        %add3A_236 = vector.broadcast %mul3A_235 : i32 to vector<16xi32>
        %add3A_237 = arith.addi %get3A_233, %add3A_236 : vector<16xi32>
        %swap3A_238 = arith.constant 0 : index
        %swap3A_239 = tpu.vector_load %arg16[%swap3A_238] {strides = array<i32>} : memref<80xi32, #tpu.memory_space<vmem>>, vector<16xi32>,
        tpu.vector_store %arg16[%swap3A_238], %add3A_237 {strides = array<i32>} : memref<80xi32, #tpu.memory_space<vmem>>, vector<16xi32>,
        %get3A_240 = arith.index_cast %add3A_232 : i32 to index
        %get3A_241 = tpu.vector_load %arg13[%get3A_240] {strides = array<i32>} : memref<2000xi32, #tpu.memory_space<vmem>>, vector<16xi32>,
        %swap3A_242 = arith.constant 0 : index
        %swap3A_243 = tpu.vector_load %arg17[%swap3A_242] {strides = array<i32>} : memref<80xi32, #tpu.memory_space<vmem>>, vector<16xi32>,
        tpu.vector_store %arg17[%swap3A_242], %get3A_241 {strides = array<i32>} : memref<80xi32, #tpu.memory_space<vmem>>, vector<16xi32>,
        %mul3A_244 = arith.constant 80 : i32
        %mul3A_245 = arith.muli %scan3A_228, %mul3A_244 : i32
        %add3A_246 = arith.constant 16 : i32
        %add3A_247 = arith.addi %mul3A_245, %add3A_246 : i32
        %get3A_248 = arith.index_cast %add3A_247 : i32 to index
        %get3A_249 = tpu.vector_load %arg12[%get3A_248] {strides = array<i32>} : memref<2000xi32, #tpu.memory_space<vmem>>, vector<16xi32>,
        %mul3A_250 = arith.constant 10000 : i32
        %mul3A_251 = arith.muli %add3A_105, %mul3A_250 : i32
        %add3A_252 = vector.broadcast %mul3A_251 : i32 to vector<16xi32>
        %add3A_253 = arith.addi %get3A_249, %add3A_252 : vector<16xi32>
        %swap3A_254 = arith.constant 16 : index
        %swap3A_255 = tpu.vector_load %arg16[%swap3A_254] {strides = array<i32>} : memref<80xi32, #tpu.memory_space<vmem>>, vector<16xi32>,
        tpu.vector_store %arg16[%swap3A_254], %add3A_253 {strides = array<i32>} : memref<80xi32, #tpu.memory_space<vmem>>, vector<16xi32>,
        %get3A_256 = arith.index_cast %add3A_247 : i32 to index
        %get3A_257 = tpu.vector_load %arg13[%get3A_256] {strides = array<i32>} : memref<2000xi32, #tpu.memory_space<vmem>>, vector<16xi32>,
        %swap3A_258 = arith.constant 16 : index
        %swap3A_259 = tpu.vector_load %arg17[%swap3A_258] {strides = array<i32>} : memref<80xi32, #tpu.memory_space<vmem>>, vector<16xi32>,
        tpu.vector_store %arg17[%swap3A_258], %get3A_257 {strides = array<i32>} : memref<80xi32, #tpu.memory_space<vmem>>, vector<16xi32>,
        %mul3A_260 = arith.constant 80 : i32
        %mul3A_261 = arith.muli %scan3A_228, %mul3A_260 : i32
        %add3A_262 = arith.constant 32 : i32
        %add3A_263 = arith.addi %mul3A_261, %add3A_262 : i32
        %get3A_264 = arith.index_cast %add3A_263 : i32 to index
        %get3A_265 = tpu.vector_load %arg12[%get3A_264] {strides = array<i32>} : memref<2000xi32, #tpu.memory_space<vmem>>, vector<16xi32>,
        %mul3A_266 = arith.constant 10000 : i32
        %mul3A_267 = arith.muli %add3A_105, %mul3A_266 : i32
        %add3A_268 = vector.broadcast %mul3A_267 : i32 to vector<16xi32>
        %add3A_269 = arith.addi %get3A_265, %add3A_268 : vector<16xi32>
        %swap3A_270 = arith.constant 32 : index
        %swap3A_271 = tpu.vector_load %arg16[%swap3A_270] {strides = array<i32>} : memref<80xi32, #tpu.memory_space<vmem>>, vector<16xi32>,
        tpu.vector_store %arg16[%swap3A_270], %add3A_269 {strides = array<i32>} : memref<80xi32, #tpu.memory_space<vmem>>, vector<16xi32>,
        %get3A_272 = arith.index_cast %add3A_263 : i32 to index
        %get3A_273 = tpu.vector_load %arg13[%get3A_272] {strides = array<i32>} : memref<2000xi32, #tpu.memory_space<vmem>>, vector<16xi32>,
        %swap3A_274 = arith.constant 32 : index
        %swap3A_275 = tpu.vector_load %arg17[%swap3A_274] {strides = array<i32>} : memref<80xi32, #tpu.memory_space<vmem>>, vector<16xi32>,
        tpu.vector_store %arg17[%swap3A_274], %get3A_273 {strides = array<i32>} : memref<80xi32, #tpu.memory_space<vmem>>, vector<16xi32>,
        %mul3A_276 = arith.constant 80 : i32
        %mul3A_277 = arith.muli %scan3A_228, %mul3A_276 : i32
        %add3A_278 = arith.constant 48 : i32
        %add3A_279 = arith.addi %mul3A_277, %add3A_278 : i32
        %get3A_280 = arith.index_cast %add3A_279 : i32 to index
        %get3A_281 = tpu.vector_load %arg12[%get3A_280] {strides = array<i32>} : memref<2000xi32, #tpu.memory_space<vmem>>, vector<16xi32>,
        %mul3A_282 = arith.constant 10000 : i32
        %mul3A_283 = arith.muli %add3A_105, %mul3A_282 : i32
        %add3A_284 = vector.broadcast %mul3A_283 : i32 to vector<16xi32>
        %add3A_285 = arith.addi %get3A_281, %add3A_284 : vector<16xi32>
        %swap3A_286 = arith.constant 48 : index
        %swap3A_287 = tpu.vector_load %arg16[%swap3A_286] {strides = array<i32>} : memref<80xi32, #tpu.memory_space<vmem>>, vector<16xi32>,
        tpu.vector_store %arg16[%swap3A_286], %add3A_285 {strides = array<i32>} : memref<80xi32, #tpu.memory_space<vmem>>, vector<16xi32>,
        %get3A_288 = arith.index_cast %add3A_279 : i32 to index
        %get3A_289 = tpu.vector_load %arg13[%get3A_288] {strides = array<i32>} : memref<2000xi32, #tpu.memory_space<vmem>>, vector<16xi32>,
        %swap3A_290 = arith.constant 48 : index
        %swap3A_291 = tpu.vector_load %arg17[%swap3A_290] {strides = array<i32>} : memref<80xi32, #tpu.memory_space<vmem>>, vector<16xi32>,
        tpu.vector_store %arg17[%swap3A_290], %get3A_289 {strides = array<i32>} : memref<80xi32, #tpu.memory_space<vmem>>, vector<16xi32>,
        %mul3A_292 = arith.constant 80 : i32
        %mul3A_293 = arith.muli %scan3A_228, %mul3A_292 : i32
        %add3A_294 = arith.constant 64 : i32
        %add3A_295 = arith.addi %mul3A_293, %add3A_294 : i32
        %get3A_296 = arith.index_cast %add3A_295 : i32 to index
        %get3A_297 = tpu.vector_load %arg12[%get3A_296] {strides = array<i32>} : memref<2000xi32, #tpu.memory_space<vmem>>, vector<16xi32>,
        %mul3A_298 = arith.constant 10000 : i32
        %mul3A_299 = arith.muli %add3A_105, %mul3A_298 : i32
        %add3A_300 = vector.broadcast %mul3A_299 : i32 to vector<16xi32>
        %add3A_301 = arith.addi %get3A_297, %add3A_300 : vector<16xi32>
        %swap3A_302 = arith.constant 64 : index
        %swap3A_303 = tpu.vector_load %arg16[%swap3A_302] {strides = array<i32>} : memref<80xi32, #tpu.memory_space<vmem>>, vector<16xi32>,
        tpu.vector_store %arg16[%swap3A_302], %add3A_301 {strides = array<i32>} : memref<80xi32, #tpu.memory_space<vmem>>, vector<16xi32>,
        %get3A_304 = arith.index_cast %add3A_295 : i32 to index
        %get3A_305 = tpu.vector_load %arg13[%get3A_304] {strides = array<i32>} : memref<2000xi32, #tpu.memory_space<vmem>>, vector<16xi32>,
        %swap3A_306 = arith.constant 64 : index
        %swap3A_307 = tpu.vector_load %arg17[%swap3A_306] {strides = array<i32>} : memref<80xi32, #tpu.memory_space<vmem>>, vector<16xi32>,
        tpu.vector_store %arg17[%swap3A_306], %get3A_305 {strides = array<i32>} : memref<80xi32, #tpu.memory_space<vmem>>, vector<16xi32>,
        "tpu.region"() ({
          %run_scoped3A = tpu.sem_alloc : memref<!tpu.dma_semaphore, #tpu.memory_space<semaphore_mem>>
          %dma_start3A = arith.constant 0 : i32
          %dma_start3A_480 = arith.constant 0 : i32
          %dma_start3A_481 = tpu.memref_slice %arg2[%dma_start3A, %dma_start3A_480] : memref<40000x128xf32, #tpu.memory_space<hbm>> -> memref<40000x128xf32, #tpu.memory_space<hbm>>
          tpu.enqueue_indirect_dma source(%dma_start3A_481 : memref<40000x128xf32, #tpu.memory_space<hbm>>) target(%arg15 : memref<80x128xf32, #tpu.memory_space<vmem>>) offsets(%arg16 : memref<80xi32, #tpu.memory_space<vmem>>) semaphore(%run_scoped3A : memref<!tpu.dma_semaphore, #tpu.memory_space<semaphore_mem>>)
          %dma_wait3A = arith.constant 0 : i32
          %dma_wait3A_482 = arith.constant 0 : i32
          %dma_wait3A_483 = tpu.memref_slice %arg2[%dma_wait3A, %dma_wait3A_482] : memref<40000x128xf32, #tpu.memory_space<hbm>> -> memref<40000x128xf32, #tpu.memory_space<hbm>>
          tpu.wait_indirect_dma semaphore(%run_scoped3A : memref<!tpu.dma_semaphore, #tpu.memory_space<semaphore_mem>>) src(%dma_wait3A_483 : memref<40000x128xf32, #tpu.memory_space<hbm>>) dst(%arg15 : memref<80x128xf32, #tpu.memory_space<vmem>>)
          tpu.yield
        }) : () -> ()
        %mul3A_308 = arith.constant 80 : i32
        %mul3A_309 = arith.muli %scan3A_228, %mul3A_308 : i32
        %add3A_310 = arith.constant 0 : i32
        %add3A_311 = arith.addi %mul3A_309, %add3A_310 : i32
        %get3A_312 = arith.index_cast %add3A_311 : i32 to index
        %get3A_313 = tpu.vector_load %arg12[%get3A_312] {strides = array<i32>} : memref<2000xi32, #tpu.memory_space<vmem>>, vector<16xi32>,
        %get3A_314 = arith.index_cast %add3A_311 : i32 to index
        %get3A_315 = tpu.vector_load %arg13[%get3A_314] {strides = array<i32>} : memref<2000xi32, #tpu.memory_space<vmem>>, vector<16xi32>,
        %gather3A = tpu.vector_load_idx %arg9[%get3A_313] : memref<10240xf32, #tpu.memory_space<vmem>>[vector<16xi32>], vector<16xf32>,
        %gather3A_316 = tpu.vector_load_idx %arg10[%get3A_315] : memref<10240xf32, #tpu.memory_space<vmem>>[vector<16xi32>], vector<16xf32>,
        %add3A_317 = arith.addf %gather3A, %gather3A_316 : vector<16xf32>
        %ge3A = arith.constant 0.000000e+00 : f32
        %ge3A_318 = vector.broadcast %ge3A : f32 to vector<16xf32>
        %ge3A_319 = arith.cmpf oge, %add3A_317, %ge3A_318 : vector<16xf32>
        %mul3A_320 = arith.constant 2.000000e-01 : f32
        %mul3A_321 = vector.broadcast %mul3A_320 : f32 to vector<16xf32>
        %mul3A_322 = arith.mulf %mul3A_321, %add3A_317 : vector<16xf32>
        %select_n3A = arith.select %ge3A_319, %add3A_317, %mul3A_322 : vector<16xi1>, vector<16xf32>
        %exp3A = math.exp %select_n3A : vector<16xf32>
        %shift_right_logical3A = arith.constant 7 : i32
        %shift_right_logical3A_323 = vector.broadcast %shift_right_logical3A : i32 to vector<16xi32>
        %shift_right_logical3A_324 = arith.shrui %get3A_315, %shift_right_logical3A_323 : vector<16xi32>
        %and3A = arith.constant 127 : i32
        %and3A_325 = vector.broadcast %and3A : i32 to vector<16xi32>
        %and3A_326 = arith.andi %get3A_315, %and3A_325 : vector<16xi32>
        %gather3A_327 = tpu.vector_load_idx %arg11[%shift_right_logical3A_324, %and3A_326] : memref<80x128xf32, #tpu.memory_space<vmem>>[vector<16xi32>, vector<16xi32>], vector<16xf32>,
        %get3A_328 = arith.index_cast %add3A_311 : i32 to index
        %get3A_329 = tpu.vector_load %arg14[%get3A_328] {strides = array<i32>} : memref<2000xf32, #tpu.memory_space<vmem>>, vector<16xf32>,
        %max3A = arith.constant 1.000000e-30 : f32
        %max3A_330 = vector.broadcast %max3A : f32 to vector<16xf32>
        %max3A_331 = arith.maximumf %gather3A_327, %max3A_330 : vector<16xf32>
        %div3A = arith.divf %exp3A, %max3A_331 : vector<16xf32>
        %mul3A_332 = arith.mulf %div3A, %get3A_329 : vector<16xf32>
        %swap3A_333 = arith.constant 0 : index
        %swap3A_334 = tpu.vector_load %arg18[%swap3A_333] {strides = array<i32>} : memref<80xf32, #tpu.memory_space<vmem>>, vector<16xf32>,
        tpu.vector_store %arg18[%swap3A_333], %mul3A_332 {strides = array<i32>} : memref<80xf32, #tpu.memory_space<vmem>>, vector<16xf32>,
        %mul3A_335 = arith.constant 80 : i32
        %mul3A_336 = arith.muli %scan3A_228, %mul3A_335 : i32
        %add3A_337 = arith.constant 16 : i32
        %add3A_338 = arith.addi %mul3A_336, %add3A_337 : i32
        %get3A_339 = arith.index_cast %add3A_338 : i32 to index
        %get3A_340 = tpu.vector_load %arg12[%get3A_339] {strides = array<i32>} : memref<2000xi32, #tpu.memory_space<vmem>>, vector<16xi32>,
        %get3A_341 = arith.index_cast %add3A_338 : i32 to index
        %get3A_342 = tpu.vector_load %arg13[%get3A_341] {strides = array<i32>} : memref<2000xi32, #tpu.memory_space<vmem>>, vector<16xi32>,
        %gather3A_343 = tpu.vector_load_idx %arg9[%get3A_340] : memref<10240xf32, #tpu.memory_space<vmem>>[vector<16xi32>], vector<16xf32>,
        %gather3A_344 = tpu.vector_load_idx %arg10[%get3A_342] : memref<10240xf32, #tpu.memory_space<vmem>>[vector<16xi32>], vector<16xf32>,
        %add3A_345 = arith.addf %gather3A_343, %gather3A_344 : vector<16xf32>
        %ge3A_346 = arith.constant 0.000000e+00 : f32
        %ge3A_347 = vector.broadcast %ge3A_346 : f32 to vector<16xf32>
        %ge3A_348 = arith.cmpf oge, %add3A_345, %ge3A_347 : vector<16xf32>
        %mul3A_349 = arith.constant 2.000000e-01 : f32
        %mul3A_350 = vector.broadcast %mul3A_349 : f32 to vector<16xf32>
        %mul3A_351 = arith.mulf %mul3A_350, %add3A_345 : vector<16xf32>
        %select_n3A_352 = arith.select %ge3A_348, %add3A_345, %mul3A_351 : vector<16xi1>, vector<16xf32>
        %exp3A_353 = math.exp %select_n3A_352 : vector<16xf32>
        %shift_right_logical3A_354 = arith.constant 7 : i32
        %shift_right_logical3A_355 = vector.broadcast %shift_right_logical3A_354 : i32 to vector<16xi32>
        %shift_right_logical3A_356 = arith.shrui %get3A_342, %shift_right_logical3A_355 : vector<16xi32>
        %and3A_357 = arith.constant 127 : i32
        %and3A_358 = vector.broadcast %and3A_357 : i32 to vector<16xi32>
        %and3A_359 = arith.andi %get3A_342, %and3A_358 : vector<16xi32>
        %gather3A_360 = tpu.vector_load_idx %arg11[%shift_right_logical3A_356, %and3A_359] : memref<80x128xf32, #tpu.memory_space<vmem>>[vector<16xi32>, vector<16xi32>], vector<16xf32>,
        %get3A_361 = arith.index_cast %add3A_338 : i32 to index
        %get3A_362 = tpu.vector_load %arg14[%get3A_361] {strides = array<i32>} : memref<2000xf32, #tpu.memory_space<vmem>>, vector<16xf32>,
        %max3A_363 = arith.constant 1.000000e-30 : f32
        %max3A_364 = vector.broadcast %max3A_363 : f32 to vector<16xf32>
        %max3A_365 = arith.maximumf %gather3A_360, %max3A_364 : vector<16xf32>
        %div3A_366 = arith.divf %exp3A_353, %max3A_365 : vector<16xf32>
        %mul3A_367 = arith.mulf %div3A_366, %get3A_362 : vector<16xf32>
        %swap3A_368 = arith.constant 16 : index
        %swap3A_369 = tpu.vector_load %arg18[%swap3A_368] {strides = array<i32>} : memref<80xf32, #tpu.memory_space<vmem>>, vector<16xf32>,
        tpu.vector_store %arg18[%swap3A_368], %mul3A_367 {strides = array<i32>} : memref<80xf32, #tpu.memory_space<vmem>>, vector<16xf32>,
        %mul3A_370 = arith.constant 80 : i32
        %mul3A_371 = arith.muli %scan3A_228, %mul3A_370 : i32
        %add3A_372 = arith.constant 32 : i32
        %add3A_373 = arith.addi %mul3A_371, %add3A_372 : i32
        %get3A_374 = arith.index_cast %add3A_373 : i32 to index
        %get3A_375 = tpu.vector_load %arg12[%get3A_374] {strides = array<i32>} : memref<2000xi32, #tpu.memory_space<vmem>>, vector<16xi32>,
        %get3A_376 = arith.index_cast %add3A_373 : i32 to index
        %get3A_377 = tpu.vector_load %arg13[%get3A_376] {strides = array<i32>} : memref<2000xi32, #tpu.memory_space<vmem>>, vector<16xi32>,
        %gather3A_378 = tpu.vector_load_idx %arg9[%get3A_375] : memref<10240xf32, #tpu.memory_space<vmem>>[vector<16xi32>], vector<16xf32>,
        %gather3A_379 = tpu.vector_load_idx %arg10[%get3A_377] : memref<10240xf32, #tpu.memory_space<vmem>>[vector<16xi32>], vector<16xf32>,
        %add3A_380 = arith.addf %gather3A_378, %gather3A_379 : vector<16xf32>
        %ge3A_381 = arith.constant 0.000000e+00 : f32
        %ge3A_382 = vector.broadcast %ge3A_381 : f32 to vector<16xf32>
        %ge3A_383 = arith.cmpf oge, %add3A_380, %ge3A_382 : vector<16xf32>
        %mul3A_384 = arith.constant 2.000000e-01 : f32
        %mul3A_385 = vector.broadcast %mul3A_384 : f32 to vector<16xf32>
        %mul3A_386 = arith.mulf %mul3A_385, %add3A_380 : vector<16xf32>
        %select_n3A_387 = arith.select %ge3A_383, %add3A_380, %mul3A_386 : vector<16xi1>, vector<16xf32>
        %exp3A_388 = math.exp %select_n3A_387 : vector<16xf32>
        %shift_right_logical3A_389 = arith.constant 7 : i32
        %shift_right_logical3A_390 = vector.broadcast %shift_right_logical3A_389 : i32 to vector<16xi32>
        %shift_right_logical3A_391 = arith.shrui %get3A_377, %shift_right_logical3A_390 : vector<16xi32>
        %and3A_392 = arith.constant 127 : i32
        %and3A_393 = vector.broadcast %and3A_392 : i32 to vector<16xi32>
        %and3A_394 = arith.andi %get3A_377, %and3A_393 : vector<16xi32>
        %gather3A_395 = tpu.vector_load_idx %arg11[%shift_right_logical3A_391, %and3A_394] : memref<80x128xf32, #tpu.memory_space<vmem>>[vector<16xi32>, vector<16xi32>], vector<16xf32>,
        %get3A_396 = arith.index_cast %add3A_373 : i32 to index
        %get3A_397 = tpu.vector_load %arg14[%get3A_396] {strides = array<i32>} : memref<2000xf32, #tpu.memory_space<vmem>>, vector<16xf32>,
        %max3A_398 = arith.constant 1.000000e-30 : f32
        %max3A_399 = vector.broadcast %max3A_398 : f32 to vector<16xf32>
        %max3A_400 = arith.maximumf %gather3A_395, %max3A_399 : vector<16xf32>
        %div3A_401 = arith.divf %exp3A_388, %max3A_400 : vector<16xf32>
        %mul3A_402 = arith.mulf %div3A_401, %get3A_397 : vector<16xf32>
        %swap3A_403 = arith.constant 32 : index
        %swap3A_404 = tpu.vector_load %arg18[%swap3A_403] {strides = array<i32>} : memref<80xf32, #tpu.memory_space<vmem>>, vector<16xf32>,
        tpu.vector_store %arg18[%swap3A_403], %mul3A_402 {strides = array<i32>} : memref<80xf32, #tpu.memory_space<vmem>>, vector<16xf32>,
        %mul3A_405 = arith.constant 80 : i32
        %mul3A_406 = arith.muli %scan3A_228, %mul3A_405 : i32
        %add3A_407 = arith.constant 48 : i32
        %add3A_408 = arith.addi %mul3A_406, %add3A_407 : i32
        %get3A_409 = arith.index_cast %add3A_408 : i32 to index
        %get3A_410 = tpu.vector_load %arg12[%get3A_409] {strides = array<i32>} : memref<2000xi32, #tpu.memory_space<vmem>>, vector<16xi32>,
        %get3A_411 = arith.index_cast %add3A_408 : i32 to index
        %get3A_412 = tpu.vector_load %arg13[%get3A_411] {strides = array<i32>} : memref<2000xi32, #tpu.memory_space<vmem>>, vector<16xi32>,
        %gather3A_413 = tpu.vector_load_idx %arg9[%get3A_410] : memref<10240xf32, #tpu.memory_space<vmem>>[vector<16xi32>], vector<16xf32>,
        %gather3A_414 = tpu.vector_load_idx %arg10[%get3A_412] : memref<10240xf32, #tpu.memory_space<vmem>>[vector<16xi32>], vector<16xf32>,
        %add3A_415 = arith.addf %gather3A_413, %gather3A_414 : vector<16xf32>
        %ge3A_416 = arith.constant 0.000000e+00 : f32
        %ge3A_417 = vector.broadcast %ge3A_416 : f32 to vector<16xf32>
        %ge3A_418 = arith.cmpf oge, %add3A_415, %ge3A_417 : vector<16xf32>
        %mul3A_419 = arith.constant 2.000000e-01 : f32
        %mul3A_420 = vector.broadcast %mul3A_419 : f32 to vector<16xf32>
        %mul3A_421 = arith.mulf %mul3A_420, %add3A_415 : vector<16xf32>
        %select_n3A_422 = arith.select %ge3A_418, %add3A_415, %mul3A_421 : vector<16xi1>, vector<16xf32>
        %exp3A_423 = math.exp %select_n3A_422 : vector<16xf32>
        %shift_right_logical3A_424 = arith.constant 7 : i32
        %shift_right_logical3A_425 = vector.broadcast %shift_right_logical3A_424 : i32 to vector<16xi32>
        %shift_right_logical3A_426 = arith.shrui %get3A_412, %shift_right_logical3A_425 : vector<16xi32>
        %and3A_427 = arith.constant 127 : i32
        %and3A_428 = vector.broadcast %and3A_427 : i32 to vector<16xi32>
        %and3A_429 = arith.andi %get3A_412, %and3A_428 : vector<16xi32>
        %gather3A_430 = tpu.vector_load_idx %arg11[%shift_right_logical3A_426, %and3A_429] : memref<80x128xf32, #tpu.memory_space<vmem>>[vector<16xi32>, vector<16xi32>], vector<16xf32>,
        %get3A_431 = arith.index_cast %add3A_408 : i32 to index
        %get3A_432 = tpu.vector_load %arg14[%get3A_431] {strides = array<i32>} : memref<2000xf32, #tpu.memory_space<vmem>>, vector<16xf32>,
        %max3A_433 = arith.constant 1.000000e-30 : f32
        %max3A_434 = vector.broadcast %max3A_433 : f32 to vector<16xf32>
        %max3A_435 = arith.maximumf %gather3A_430, %max3A_434 : vector<16xf32>
        %div3A_436 = arith.divf %exp3A_423, %max3A_435 : vector<16xf32>
        %mul3A_437 = arith.mulf %div3A_436, %get3A_432 : vector<16xf32>
        %swap3A_438 = arith.constant 48 : index
        %swap3A_439 = tpu.vector_load %arg18[%swap3A_438] {strides = array<i32>} : memref<80xf32, #tpu.memory_space<vmem>>, vector<16xf32>,
        tpu.vector_store %arg18[%swap3A_438], %mul3A_437 {strides = array<i32>} : memref<80xf32, #tpu.memory_space<vmem>>, vector<16xf32>,
        %mul3A_440 = arith.constant 80 : i32
        %mul3A_441 = arith.muli %scan3A_228, %mul3A_440 : i32
        %add3A_442 = arith.constant 64 : i32
        %add3A_443 = arith.addi %mul3A_441, %add3A_442 : i32
        %get3A_444 = arith.index_cast %add3A_443 : i32 to index
        %get3A_445 = tpu.vector_load %arg12[%get3A_444] {strides = array<i32>} : memref<2000xi32, #tpu.memory_space<vmem>>, vector<16xi32>,
        %get3A_446 = arith.index_cast %add3A_443 : i32 to index
        %get3A_447 = tpu.vector_load %arg13[%get3A_446] {strides = array<i32>} : memref<2000xi32, #tpu.memory_space<vmem>>, vector<16xi32>,
        %gather3A_448 = tpu.vector_load_idx %arg9[%get3A_445] : memref<10240xf32, #tpu.memory_space<vmem>>[vector<16xi32>], vector<16xf32>,
        %gather3A_449 = tpu.vector_load_idx %arg10[%get3A_447] : memref<10240xf32, #tpu.memory_space<vmem>>[vector<16xi32>], vector<16xf32>,
        %add3A_450 = arith.addf %gather3A_448, %gather3A_449 : vector<16xf32>
        %ge3A_451 = arith.constant 0.000000e+00 : f32
        %ge3A_452 = vector.broadcast %ge3A_451 : f32 to vector<16xf32>
        %ge3A_453 = arith.cmpf oge, %add3A_450, %ge3A_452 : vector<16xf32>
        %mul3A_454 = arith.constant 2.000000e-01 : f32
        %mul3A_455 = vector.broadcast %mul3A_454 : f32 to vector<16xf32>
        %mul3A_456 = arith.mulf %mul3A_455, %add3A_450 : vector<16xf32>
        %select_n3A_457 = arith.select %ge3A_453, %add3A_450, %mul3A_456 : vector<16xi1>, vector<16xf32>
        %exp3A_458 = math.exp %select_n3A_457 : vector<16xf32>
        %shift_right_logical3A_459 = arith.constant 7 : i32
        %shift_right_logical3A_460 = vector.broadcast %shift_right_logical3A_459 : i32 to vector<16xi32>
        %shift_right_logical3A_461 = arith.shrui %get3A_447, %shift_right_logical3A_460 : vector<16xi32>
        %and3A_462 = arith.constant 127 : i32
        %and3A_463 = vector.broadcast %and3A_462 : i32 to vector<16xi32>
        %and3A_464 = arith.andi %get3A_447, %and3A_463 : vector<16xi32>
        %gather3A_465 = tpu.vector_load_idx %arg11[%shift_right_logical3A_461, %and3A_464] : memref<80x128xf32, #tpu.memory_space<vmem>>[vector<16xi32>, vector<16xi32>], vector<16xf32>,
        %get3A_466 = arith.index_cast %add3A_443 : i32 to index
        %get3A_467 = tpu.vector_load %arg14[%get3A_466] {strides = array<i32>} : memref<2000xf32, #tpu.memory_space<vmem>>, vector<16xf32>,
        %max3A_468 = arith.constant 1.000000e-30 : f32
        %max3A_469 = vector.broadcast %max3A_468 : f32 to vector<16xf32>
        %max3A_470 = arith.maximumf %gather3A_465, %max3A_469 : vector<16xf32>
        %div3A_471 = arith.divf %exp3A_458, %max3A_470 : vector<16xf32>
        %mul3A_472 = arith.mulf %div3A_471, %get3A_467 : vector<16xf32>
        %swap3A_473 = arith.constant 64 : index
        %swap3A_474 = tpu.vector_load %arg18[%swap3A_473] {strides = array<i32>} : memref<80xf32, #tpu.memory_space<vmem>>, vector<16xf32>,
        tpu.vector_store %arg18[%swap3A_473], %mul3A_472 {strides = array<i32>} : memref<80xf32, #tpu.memory_space<vmem>>, vector<16xf32>,
        %scan3A_475 = arith.constant 0 : i32
        %scan3A_476 = arith.constant 5 : i32
        %scan3A_477 = arith.addi %scan3A_475, %scan3A_476 : i32
        %scan3A_478 = arith.constant 1 : i32
        scf.for %scan3A_480 = %scan3A_475 to %scan3A_477 step %scan3A_478  : i32 {
          %mul3A_481 = arith.constant 16 : i32
          %mul3A_482 = arith.muli %scan3A_480, %mul3A_481 : i32
          %get3A_483 = arith.index_cast %mul3A_482 : i32 to index
          %get3A_484 = tpu.vector_load %arg18[%get3A_483] {strides = array<i32>} : memref<80xf32, #tpu.memory_space<vmem>>, vector<16xf32>,
          %broadcast_in_dim3A = arith.constant 0 : i32
          %broadcast_in_dim3A_485 = vector.broadcast %broadcast_in_dim3A : i32 to vector<16xi32>
          %broadcast_in_dim3A_486 = vector.shape_cast %broadcast_in_dim3A_485 : vector<16xi32> to vector<16x1xi32>
          %gather3A_487 = vector.shape_cast %broadcast_in_dim3A_486 : vector<16x1xi32> to vector<16xi32>
          %gather3A_488 = tpu.dynamic_gather %get3A_484[%gather3A_487] in [0] : vector<16xf32>, vector<16xi32> -> vector<16xf32>
          %mul3A_489 = arith.constant 16 : i32
          %mul3A_490 = arith.muli %scan3A_480, %mul3A_489 : i32
          %add3A_491 = arith.constant 0 : i32
          %add3A_492 = arith.addi %mul3A_490, %add3A_491 : i32
          %get3A_493 = arith.index_cast %add3A_492 : i32 to index
          %get3A_494 = arith.constant 0 : index
          %get3A_495 = tpu.vector_load %arg15[%get3A_493, %get3A_494] {strides = array<i32>} : memref<80x128xf32, #tpu.memory_space<vmem>>, vector<16xf32>,
          %mul3A_496 = arith.mulf %get3A_495, %gather3A_488 : vector<16xf32>
          %swap3A_497 = arith.index_cast %add3A_492 : i32 to index
          %swap3A_498 = arith.constant 0 : index
          %swap3A_499 = tpu.vector_load %arg15[%swap3A_497, %swap3A_498] {strides = array<i32>} : memref<80x128xf32, #tpu.memory_space<vmem>>, vector<16xf32>,
          tpu.vector_store %arg15[%swap3A_497, %swap3A_498], %mul3A_496 {strides = array<i32>} : memref<80x128xf32, #tpu.memory_space<vmem>>, vector<16xf32>,
          %get3A_500 = arith.index_cast %add3A_492 : i32 to index
          %get3A_501 = arith.constant 16 : index
          %get3A_502 = tpu.vector_load %arg15[%get3A_500, %get3A_501] {strides = array<i32>} : memref<80x128xf32, #tpu.memory_space<vmem>>, vector<16xf32>,
          %mul3A_503 = arith.mulf %get3A_502, %gather3A_488 : vector<16xf32>
          %swap3A_504 = arith.index_cast %add3A_492 : i32 to index
          %swap3A_505 = arith.constant 16 : index
          %swap3A_506 = tpu.vector_load %arg15[%swap3A_504, %swap3A_505] {strides = array<i32>} : memref<80x128xf32, #tpu.memory_space<vmem>>, vector<16xf32>,
          tpu.vector_store %arg15[%swap3A_504, %swap3A_505], %mul3A_503 {strides = array<i32>} : memref<80x128xf32, #tpu.memory_space<vmem>>, vector<16xf32>,
          %get3A_507 = arith.index_cast %add3A_492 : i32 to index
          %get3A_508 = arith.constant 32 : index
          %get3A_509 = tpu.vector_load %arg15[%get3A_507, %get3A_508] {strides = array<i32>} : memref<80x128xf32, #tpu.memory_space<vmem>>, vector<16xf32>,
          %mul3A_510 = arith.mulf %get3A_509, %gather3A_488 : vector<16xf32>
          %swap3A_511 = arith.index_cast %add3A_492 : i32 to index
          %swap3A_512 = arith.constant 32 : index
          %swap3A_513 = tpu.vector_load %arg15[%swap3A_511, %swap3A_512] {strides = array<i32>} : memref<80x128xf32, #tpu.memory_space<vmem>>, vector<16xf32>,
          tpu.vector_store %arg15[%swap3A_511, %swap3A_512], %mul3A_510 {strides = array<i32>} : memref<80x128xf32, #tpu.memory_space<vmem>>, vector<16xf32>,
          %get3A_514 = arith.index_cast %add3A_492 : i32 to index
          %get3A_515 = arith.constant 48 : index
          %get3A_516 = tpu.vector_load %arg15[%get3A_514, %get3A_515] {strides = array<i32>} : memref<80x128xf32, #tpu.memory_space<vmem>>, vector<16xf32>,
          %mul3A_517 = arith.mulf %get3A_516, %gather3A_488 : vector<16xf32>
          %swap3A_518 = arith.index_cast %add3A_492 : i32 to index
          %swap3A_519 = arith.constant 48 : index
          %swap3A_520 = tpu.vector_load %arg15[%swap3A_518, %swap3A_519] {strides = array<i32>} : memref<80x128xf32, #tpu.memory_space<vmem>>, vector<16xf32>,
          tpu.vector_store %arg15[%swap3A_518, %swap3A_519], %mul3A_517 {strides = array<i32>} : memref<80x128xf32, #tpu.memory_space<vmem>>, vector<16xf32>,
          %get3A_521 = arith.index_cast %add3A_492 : i32 to index
          %get3A_522 = arith.constant 64 : index
          %get3A_523 = tpu.vector_load %arg15[%get3A_521, %get3A_522] {strides = array<i32>} : memref<80x128xf32, #tpu.memory_space<vmem>>, vector<16xf32>,
          %mul3A_524 = arith.mulf %get3A_523, %gather3A_488 : vector<16xf32>
          %swap3A_525 = arith.index_cast %add3A_492 : i32 to index
          %swap3A_526 = arith.constant 64 : index
          %swap3A_527 = tpu.vector_load %arg15[%swap3A_525, %swap3A_526] {strides = array<i32>} : memref<80x128xf32, #tpu.memory_space<vmem>>, vector<16xf32>,
          tpu.vector_store %arg15[%swap3A_525, %swap3A_526], %mul3A_524 {strides = array<i32>} : memref<80x128xf32, #tpu.memory_space<vmem>>, vector<16xf32>,
          %get3A_528 = arith.index_cast %add3A_492 : i32 to index
          %get3A_529 = arith.constant 80 : index
          %get3A_530 = tpu.vector_load %arg15[%get3A_528, %get3A_529] {strides = array<i32>} : memref<80x128xf32, #tpu.memory_space<vmem>>, vector<16xf32>,
          %mul3A_531 = arith.mulf %get3A_530, %gather3A_488 : vector<16xf32>
          %swap3A_532 = arith.index_cast %add3A_492 : i32 to index
          %swap3A_533 = arith.constant 80 : index
          %swap3A_534 = tpu.vector_load %arg15[%swap3A_532, %swap3A_533] {strides = array<i32>} : memref<80x128xf32, #tpu.memory_space<vmem>>, vector<16xf32>,
          tpu.vector_store %arg15[%swap3A_532, %swap3A_533], %mul3A_531 {strides = array<i32>} : memref<80x128xf32, #tpu.memory_space<vmem>>, vector<16xf32>,
          %get3A_535 = arith.index_cast %add3A_492 : i32 to index
          %get3A_536 = arith.constant 96 : index
          %get3A_537 = tpu.vector_load %arg15[%get3A_535, %get3A_536] {strides = array<i32>} : memref<80x128xf32, #tpu.memory_space<vmem>>, vector<16xf32>,
          %mul3A_538 = arith.mulf %get3A_537, %gather3A_488 : vector<16xf32>
          %swap3A_539 = arith.index_cast %add3A_492 : i32 to index
          %swap3A_540 = arith.constant 96 : index
          %swap3A_541 = tpu.vector_load %arg15[%swap3A_539, %swap3A_540] {strides = array<i32>} : memref<80x128xf32, #tpu.memory_space<vmem>>, vector<16xf32>,
          tpu.vector_store %arg15[%swap3A_539, %swap3A_540], %mul3A_538 {strides = array<i32>} : memref<80x128xf32, #tpu.memory_space<vmem>>, vector<16xf32>,
          %get3A_542 = arith.index_cast %add3A_492 : i32 to index
          %get3A_543 = arith.constant 112 : index
          %get3A_544 = tpu.vector_load %arg15[%get3A_542, %get3A_543] {strides = array<i32>} : memref<80x128xf32, #tpu.memory_space<vmem>>, vector<16xf32>,
          %mul3A_545 = arith.mulf %get3A_544, %gather3A_488 : vector<16xf32>
          %swap3A_546 = arith.index_cast %add3A_492 : i32 to index
          %swap3A_547 = arith.constant 112 : index
          %swap3A_548 = tpu.vector_load %arg15[%swap3A_546, %swap3A_547] {strides = array<i32>} : memref<80x128xf32, #tpu.memory_space<vmem>>, vector<16xf32>,
          tpu.vector_store %arg15[%swap3A_546, %swap3A_547], %mul3A_545 {strides = array<i32>} : memref<80x128xf32, #tpu.memory_space<vmem>>, vector<16xf32>,
          %broadcast_in_dim3A_549 = arith.constant 1 : i32
          %broadcast_in_dim3A_550 = vector.broadcast %broadcast_in_dim3A_549 : i32 to vector<16xi32>
          %broadcast_in_dim3A_551 = vector.shape_cast %broadcast_in_dim3A_550 : vector<16xi32> to vector<16x1xi32>
          %gather3A_552 = vector.shape_cast %broadcast_in_dim3A_551 : vector<16x1xi32> to vector<16xi32>
          %gather3A_553 = tpu.dynamic_gather %get3A_484[%gather3A_552] in [0] : vector<16xf32>, vector<16xi32> -> vector<16xf32>
          %mul3A_554 = arith.constant 16 : i32
          %mul3A_555 = arith.muli %scan3A_480, %mul3A_554 : i32
          %add3A_556 = arith.constant 1 : i32
          %add3A_557 = arith.addi %mul3A_555, %add3A_556 : i32
          %get3A_558 = arith.index_cast %add3A_557 : i32 to index
          %get3A_559 = arith.constant 0 : index
          %get3A_560 = tpu.vector_load %arg15[%get3A_558, %get3A_559] {strides = array<i32>} : memref<80x128xf32, #tpu.memory_space<vmem>>, vector<16xf32>,
          %mul3A_561 = arith.mulf %get3A_560, %gather3A_553 : vector<16xf32>
          %swap3A_562 = arith.index_cast %add3A_557 : i32 to index
          %swap3A_563 = arith.constant 0 : index
          %swap3A_564 = tpu.vector_load %arg15[%swap3A_562, %swap3A_563] {strides = array<i32>} : memref<80x128xf32, #tpu.memory_space<vmem>>, vector<16xf32>,
          tpu.vector_store %arg15[%swap3A_562, %swap3A_563], %mul3A_561 {strides = array<i32>} : memref<80x128xf32, #tpu.memory_space<vmem>>, vector<16xf32>,
          %get3A_565 = arith.index_cast %add3A_557 : i32 to index
          %get3A_566 = arith.constant 16 : index
          %get3A_567 = tpu.vector_load %arg15[%get3A_565, %get3A_566] {strides = array<i32>} : memref<80x128xf32, #tpu.memory_space<vmem>>, vector<16xf32>,
          %mul3A_568 = arith.mulf %get3A_567, %gather3A_553 : vector<16xf32>
          %swap3A_569 = arith.index_cast %add3A_557 : i32 to index
          %swap3A_570 = arith.constant 16 : index
          %swap3A_571 = tpu.vector_load %arg15[%swap3A_569, %swap3A_570] {strides = array<i32>} : memref<80x128xf32, #tpu.memory_space<vmem>>, vector<16xf32>,
          tpu.vector_store %arg15[%swap3A_569, %swap3A_570], %mul3A_568 {strides = array<i32>} : memref<80x128xf32, #tpu.memory_space<vmem>>, vector<16xf32>,
          %get3A_572 = arith.index_cast %add3A_557 : i32 to index
          %get3A_573 = arith.constant 32 : index
          %get3A_574 = tpu.vector_load %arg15[%get3A_572, %get3A_573] {strides = array<i32>} : memref<80x128xf32, #tpu.memory_space<vmem>>, vector<16xf32>,
          %mul3A_575 = arith.mulf %get3A_574, %gather3A_553 : vector<16xf32>
          %swap3A_576 = arith.index_cast %add3A_557 : i32 to index
          %swap3A_577 = arith.constant 32 : index
          %swap3A_578 = tpu.vector_load %arg15[%swap3A_576, %swap3A_577] {strides = array<i32>} : memref<80x128xf32, #tpu.memory_space<vmem>>, vector<16xf32>,
          tpu.vector_store %arg15[%swap3A_576, %swap3A_577], %mul3A_575 {strides = array<i32>} : memref<80x128xf32, #tpu.memory_space<vmem>>, vector<16xf32>,
          %get3A_579 = arith.index_cast %add3A_557 : i32 to index
          %get3A_580 = arith.constant 48 : index
          %get3A_581 = tpu.vector_load %arg15[%get3A_579, %get3A_580] {strides = array<i32>} : memref<80x128xf32, #tpu.memory_space<vmem>>, vector<16xf32>,
          %mul3A_582 = arith.mulf %get3A_581, %gather3A_553 : vector<16xf32>
          %swap3A_583 = arith.index_cast %add3A_557 : i32 to index
          %swap3A_584 = arith.constant 48 : index
          %swap3A_585 = tpu.vector_load %arg15[%swap3A_583, %swap3A_584] {strides = array<i32>} : memref<80x128xf32, #tpu.memory_space<vmem>>, vector<16xf32>,
          tpu.vector_store %arg15[%swap3A_583, %swap3A_584], %mul3A_582 {strides = array<i32>} : memref<80x128xf32, #tpu.memory_space<vmem>>, vector<16xf32>,
          %get3A_586 = arith.index_cast %add3A_557 : i32 to index
          %get3A_587 = arith.constant 64 : index
          %get3A_588 = tpu.vector_load %arg15[%get3A_586, %get3A_587] {strides = array<i32>} : memref<80x128xf32, #tpu.memory_space<vmem>>, vector<16xf32>,
          %mul3A_589 = arith.mulf %get3A_588, %gather3A_553 : vector<16xf32>
          %swap3A_590 = arith.index_cast %add3A_557 : i32 to index
          %swap3A_591 = arith.constant 64 : index
          %swap3A_592 = tpu.vector_load %arg15[%swap3A_590, %swap3A_591] {strides = array<i32>} : memref<80x128xf32, #tpu.memory_space<vmem>>, vector<16xf32>,
          tpu.vector_store %arg15[%swap3A_590, %swap3A_591], %mul3A_589 {strides = array<i32>} : memref<80x128xf32, #tpu.memory_space<vmem>>, vector<16xf32>,
          %get3A_593 = arith.index_cast %add3A_557 : i32 to index
          %get3A_594 = arith.constant 80 : index
          %get3A_595 = tpu.vector_load %arg15[%get3A_593, %get3A_594] {strides = array<i32>} : memref<80x128xf32, #tpu.memory_space<vmem>>, vector<16xf32>,
          %mul3A_596 = arith.mulf %get3A_595, %gather3A_553 : vector<16xf32>
          %swap3A_597 = arith.index_cast %add3A_557 : i32 to index
          %swap3A_598 = arith.constant 80 : index
          %swap3A_599 = tpu.vector_load %arg15[%swap3A_597, %swap3A_598] {strides = array<i32>} : memref<80x128xf32, #tpu.memory_space<vmem>>, vector<16xf32>,
          tpu.vector_store %arg15[%swap3A_597, %swap3A_598], %mul3A_596 {strides = array<i32>} : memref<80x128xf32, #tpu.memory_space<vmem>>, vector<16xf32>,
          %get3A_600 = arith.index_cast %add3A_557 : i32 to index
          %get3A_601 = arith.constant 96 : index
          %get3A_602 = tpu.vector_load %arg15[%get3A_600, %get3A_601] {strides = array<i32>} : memref<80x128xf32, #tpu.memory_space<vmem>>, vector<16xf32>,
          %mul3A_603 = arith.mulf %get3A_602, %gather3A_553 : vector<16xf32>
          %swap3A_604 = arith.index_cast %add3A_557 : i32 to index
          %swap3A_605 = arith.constant 96 : index
          %swap3A_606 = tpu.vector_load %arg15[%swap3A_604, %swap3A_605] {strides = array<i32>} : memref<80x128xf32, #tpu.memory_space<vmem>>, vector<16xf32>,
          tpu.vector_store %arg15[%swap3A_604, %swap3A_605], %mul3A_603 {strides = array<i32>} : memref<80x128xf32, #tpu.memory_space<vmem>>, vector<16xf32>,
          %get3A_607 = arith.index_cast %add3A_557 : i32 to index
          %get3A_608 = arith.constant 112 : index
          %get3A_609 = tpu.vector_load %arg15[%get3A_607, %get3A_608] {strides = array<i32>} : memref<80x128xf32, #tpu.memory_space<vmem>>, vector<16xf32>,
          %mul3A_610 = arith.mulf %get3A_609, %gather3A_553 : vector<16xf32>
          %swap3A_611 = arith.index_cast %add3A_557 : i32 to index
          %swap3A_612 = arith.constant 112 : index
          %swap3A_613 = tpu.vector_load %arg15[%swap3A_611, %swap3A_612] {strides = array<i32>} : memref<80x128xf32, #tpu.memory_space<vmem>>, vector<16xf32>,
          tpu.vector_store %arg15[%swap3A_611, %swap3A_612], %mul3A_610 {strides = array<i32>} : memref<80x128xf32, #tpu.memory_space<vmem>>, vector<16xf32>,
          %broadcast_in_dim3A_614 = arith.constant 2 : i32
          %broadcast_in_dim3A_615 = vector.broadcast %broadcast_in_dim3A_614 : i32 to vector<16xi32>
          %broadcast_in_dim3A_616 = vector.shape_cast %broadcast_in_dim3A_615 : vector<16xi32> to vector<16x1xi32>
          %gather3A_617 = vector.shape_cast %broadcast_in_dim3A_616 : vector<16x1xi32> to vector<16xi32>
          %gather3A_618 = tpu.dynamic_gather %get3A_484[%gather3A_617] in [0] : vector<16xf32>, vector<16xi32> -> vector<16xf32>
          %mul3A_619 = arith.constant 16 : i32
          %mul3A_620 = arith.muli %scan3A_480, %mul3A_619 : i32
          %add3A_621 = arith.constant 2 : i32
          %add3A_622 = arith.addi %mul3A_620, %add3A_621 : i32
          %get3A_623 = arith.index_cast %add3A_622 : i32 to index
          %get3A_624 = arith.constant 0 : index
          %get3A_625 = tpu.vector_load %arg15[%get3A_623, %get3A_624] {strides = array<i32>} : memref<80x128xf32, #tpu.memory_space<vmem>>, vector<16xf32>,
          %mul3A_626 = arith.mulf %get3A_625, %gather3A_618 : vector<16xf32>
          %swap3A_627 = arith.index_cast %add3A_622 : i32 to index
          %swap3A_628 = arith.constant 0 : index
          %swap3A_629 = tpu.vector_load %arg15[%swap3A_627, %swap3A_628] {strides = array<i32>} : memref<80x128xf32, #tpu.memory_space<vmem>>, vector<16xf32>,
          tpu.vector_store %arg15[%swap3A_627, %swap3A_628], %mul3A_626 {strides = array<i32>} : memref<80x128xf32, #tpu.memory_space<vmem>>, vector<16xf32>,
          %get3A_630 = arith.index_cast %add3A_622 : i32 to index
          %get3A_631 = arith.constant 16 : index
          %get3A_632 = tpu.vector_load %arg15[%get3A_630, %get3A_631] {strides = array<i32>} : memref<80x128xf32, #tpu.memory_space<vmem>>, vector<16xf32>,
          %mul3A_633 = arith.mulf %get3A_632, %gather3A_618 : vector<16xf32>
          %swap3A_634 = arith.index_cast %add3A_622 : i32 to index
          %swap3A_635 = arith.constant 16 : index
          %swap3A_636 = tpu.vector_load %arg15[%swap3A_634, %swap3A_635] {strides = array<i32>} : memref<80x128xf32, #tpu.memory_space<vmem>>, vector<16xf32>,
          tpu.vector_store %arg15[%swap3A_634, %swap3A_635], %mul3A_633 {strides = array<i32>} : memref<80x128xf32, #tpu.memory_space<vmem>>, vector<16xf32>,
          %get3A_637 = arith.index_cast %add3A_622 : i32 to index
          %get3A_638 = arith.constant 32 : index
          %get3A_639 = tpu.vector_load %arg15[%get3A_637, %get3A_638] {strides = array<i32>} : memref<80x128xf32, #tpu.memory_space<vmem>>, vector<16xf32>,
          %mul3A_640 = arith.mulf %get3A_639, %gather3A_618 : vector<16xf32>
          %swap3A_641 = arith.index_cast %add3A_622 : i32 to index
          %swap3A_642 = arith.constant 32 : index
          %swap3A_643 = tpu.vector_load %arg15[%swap3A_641, %swap3A_642] {strides = array<i32>} : memref<80x128xf32, #tpu.memory_space<vmem>>, vector<16xf32>,
          tpu.vector_store %arg15[%swap3A_641, %swap3A_642], %mul3A_640 {strides = array<i32>} : memref<80x128xf32, #tpu.memory_space<vmem>>, vector<16xf32>,
          %get3A_644 = arith.index_cast %add3A_622 : i32 to index
          %get3A_645 = arith.constant 48 : index
          %get3A_646 = tpu.vector_load %arg15[%get3A_644, %get3A_645] {strides = array<i32>} : memref<80x128xf32, #tpu.memory_space<vmem>>, vector<16xf32>,
          %mul3A_647 = arith.mulf %get3A_646, %gather3A_618 : vector<16xf32>
          %swap3A_648 = arith.index_cast %add3A_622 : i32 to index
          %swap3A_649 = arith.constant 48 : index
          %swap3A_650 = tpu.vector_load %arg15[%swap3A_648, %swap3A_649] {strides = array<i32>} : memref<80x128xf32, #tpu.memory_space<vmem>>, vector<16xf32>,
          tpu.vector_store %arg15[%swap3A_648, %swap3A_649], %mul3A_647 {strides = array<i32>} : memref<80x128xf32, #tpu.memory_space<vmem>>, vector<16xf32>,
          %get3A_651 = arith.index_cast %add3A_622 : i32 to index
          %get3A_652 = arith.constant 64 : index
          %get3A_653 = tpu.vector_load %arg15[%get3A_651, %get3A_652] {strides = array<i32>} : memref<80x128xf32, #tpu.memory_space<vmem>>, vector<16xf32>,
          %mul3A_654 = arith.mulf %get3A_653, %gather3A_618 : vector<16xf32>
          %swap3A_655 = arith.index_cast %add3A_622 : i32 to index
          %swap3A_656 = arith.constant 64 : index
          %swap3A_657 = tpu.vector_load %arg15[%swap3A_655, %swap3A_656] {strides = array<i32>} : memref<80x128xf32, #tpu.memory_space<vmem>>, vector<16xf32>,
          tpu.vector_store %arg15[%swap3A_655, %swap3A_656], %mul3A_654 {strides = array<i32>} : memref<80x128xf32, #tpu.memory_space<vmem>>, vector<16xf32>,
          %get3A_658 = arith.index_cast %add3A_622 : i32 to index
          %get3A_659 = arith.constant 80 : index
          %get3A_660 = tpu.vector_load %arg15[%get3A_658, %get3A_659] {strides = array<i32>} : memref<80x128xf32, #tpu.memory_space<vmem>>, vector<16xf32>,
          %mul3A_661 = arith.mulf %get3A_660, %gather3A_618 : vector<16xf32>
          %swap3A_662 = arith.index_cast %add3A_622 : i32 to index
          %swap3A_663 = arith.constant 80 : index
          %swap3A_664 = tpu.vector_load %arg15[%swap3A_662, %swap3A_663] {strides = array<i32>} : memref<80x128xf32, #tpu.memory_space<vmem>>, vector<16xf32>,
          tpu.vector_store %arg15[%swap3A_662, %swap3A_663], %mul3A_661 {strides = array<i32>} : memref<80x128xf32, #tpu.memory_space<vmem>>, vector<16xf32>,
          %get3A_665 = arith.index_cast %add3A_622 : i32 to index
          %get3A_666 = arith.constant 96 : index
          %get3A_667 = tpu.vector_load %arg15[%get3A_665, %get3A_666] {strides = array<i32>} : memref<80x128xf32, #tpu.memory_space<vmem>>, vector<16xf32>,
          %mul3A_668 = arith.mulf %get3A_667, %gather3A_618 : vector<16xf32>
          %swap3A_669 = arith.index_cast %add3A_622 : i32 to index
          %swap3A_670 = arith.constant 96 : index
          %swap3A_671 = tpu.vector_load %arg15[%swap3A_669, %swap3A_670] {strides = array<i32>} : memref<80x128xf32, #tpu.memory_space<vmem>>, vector<16xf32>,
          tpu.vector_store %arg15[%swap3A_669, %swap3A_670], %mul3A_668 {strides = array<i32>} : memref<80x128xf32, #tpu.memory_space<vmem>>, vector<16xf32>,
          %get3A_672 = arith.index_cast %add3A_622 : i32 to index
          %get3A_673 = arith.constant 112 : index
          %get3A_674 = tpu.vector_load %arg15[%get3A_672, %get3A_673] {strides = array<i32>} : memref<80x128xf32, #tpu.memory_space<vmem>>, vector<16xf32>,
          %mul3A_675 = arith.mulf %get3A_674, %gather3A_618 : vector<16xf32>
          %swap3A_676 = arith.index_cast %add3A_622 : i32 to index
          %swap3A_677 = arith.constant 112 : index
          %swap3A_678 = tpu.vector_load %arg15[%swap3A_676, %swap3A_677] {strides = array<i32>} : memref<80x128xf32, #tpu.memory_space<vmem>>, vector<16xf32>,
          tpu.vector_store %arg15[%swap3A_676, %swap3A_677], %mul3A_675 {strides = array<i32>} : memref<80x128xf32, #tpu.memory_space<vmem>>, vector<16xf32>,
          %broadcast_in_dim3A_679 = arith.constant 3 : i32
          %broadcast_in_dim3A_680 = vector.broadcast %broadcast_in_dim3A_679 : i32 to vector<16xi32>
          %broadcast_in_dim3A_681 = vector.shape_cast %broadcast_in_dim3A_680 : vector<16xi32> to vector<16x1xi32>
          %gather3A_682 = vector.shape_cast %broadcast_in_dim3A_681 : vector<16x1xi32> to vector<16xi32>
          %gather3A_683 = tpu.dynamic_gather %get3A_484[%gather3A_682] in [0] : vector<16xf32>, vector<16xi32> -> vector<16xf32>
          %mul3A_684 = arith.constant 16 : i32
          %mul3A_685 = arith.muli %scan3A_480, %mul3A_684 : i32
          %add3A_686 = arith.constant 3 : i32
          %add3A_687 = arith.addi %mul3A_685, %add3A_686 : i32
          %get3A_688 = arith.index_cast %add3A_687 : i32 to index
          %get3A_689 = arith.constant 0 : index
          %get3A_690 = tpu.vector_load %arg15[%get3A_688, %get3A_689] {strides = array<i32>} : memref<80x128xf32, #tpu.memory_space<vmem>>, vector<16xf32>,
          %mul3A_691 = arith.mulf %get3A_690, %gather3A_683 : vector<16xf32>
          %swap3A_692 = arith.index_cast %add3A_687 : i32 to index
          %swap3A_693 = arith.constant 0 : index
          %swap3A_694 = tpu.vector_load %arg15[%swap3A_692, %swap3A_693] {strides = array<i32>} : memref<80x128xf32, #tpu.memory_space<vmem>>, vector<16xf32>,
          tpu.vector_store %arg15[%swap3A_692, %swap3A_693], %mul3A_691 {strides = array<i32>} : memref<80x128xf32, #tpu.memory_space<vmem>>, vector<16xf32>,
          %get3A_695 = arith.index_cast %add3A_687 : i32 to index
          %get3A_696 = arith.constant 16 : index
          %get3A_697 = tpu.vector_load %arg15[%get3A_695, %get3A_696] {strides = array<i32>} : memref<80x128xf32, #tpu.memory_space<vmem>>, vector<16xf32>,
          %mul3A_698 = arith.mulf %get3A_697, %gather3A_683 : vector<16xf32>
          %swap3A_699 = arith.index_cast %add3A_687 : i32 to index
          %swap3A_700 = arith.constant 16 : index
          %swap3A_701 = tpu.vector_load %arg15[%swap3A_699, %swap3A_700] {strides = array<i32>} : memref<80x128xf32, #tpu.memory_space<vmem>>, vector<16xf32>,
          tpu.vector_store %arg15[%swap3A_699, %swap3A_700], %mul3A_698 {strides = array<i32>} : memref<80x128xf32, #tpu.memory_space<vmem>>, vector<16xf32>,
          %get3A_702 = arith.index_cast %add3A_687 : i32 to index
          %get3A_703 = arith.constant 32 : index
          %get3A_704 = tpu.vector_load %arg15[%get3A_702, %get3A_703] {strides = array<i32>} : memref<80x128xf32, #tpu.memory_space<vmem>>, vector<16xf32>,
          %mul3A_705 = arith.mulf %get3A_704, %gather3A_683 : vector<16xf32>
          %swap3A_706 = arith.index_cast %add3A_687 : i32 to index
          %swap3A_707 = arith.constant 32 : index
          %swap3A_708 = tpu.vector_load %arg15[%swap3A_706, %swap3A_707] {strides = array<i32>} : memref<80x128xf32, #tpu.memory_space<vmem>>, vector<16xf32>,
          tpu.vector_store %arg15[%swap3A_706, %swap3A_707], %mul3A_705 {strides = array<i32>} : memref<80x128xf32, #tpu.memory_space<vmem>>, vector<16xf32>,
          %get3A_709 = arith.index_cast %add3A_687 : i32 to index
          %get3A_710 = arith.constant 48 : index
          %get3A_711 = tpu.vector_load %arg15[%get3A_709, %get3A_710] {strides = array<i32>} : memref<80x128xf32, #tpu.memory_space<vmem>>, vector<16xf32>,
          %mul3A_712 = arith.mulf %get3A_711, %gather3A_683 : vector<16xf32>
          %swap3A_713 = arith.index_cast %add3A_687 : i32 to index
          %swap3A_714 = arith.constant 48 : index
          %swap3A_715 = tpu.vector_load %arg15[%swap3A_713, %swap3A_714] {strides = array<i32>} : memref<80x128xf32, #tpu.memory_space<vmem>>, vector<16xf32>,
          tpu.vector_store %arg15[%swap3A_713, %swap3A_714], %mul3A_712 {strides = array<i32>} : memref<80x128xf32, #tpu.memory_space<vmem>>, vector<16xf32>,
          %get3A_716 = arith.index_cast %add3A_687 : i32 to index
          %get3A_717 = arith.constant 64 : index
          %get3A_718 = tpu.vector_load %arg15[%get3A_716, %get3A_717] {strides = array<i32>} : memref<80x128xf32, #tpu.memory_space<vmem>>, vector<16xf32>,
          %mul3A_719 = arith.mulf %get3A_718, %gather3A_683 : vector<16xf32>
          %swap3A_720 = arith.index_cast %add3A_687 : i32 to index
          %swap3A_721 = arith.constant 64 : index
          %swap3A_722 = tpu.vector_load %arg15[%swap3A_720, %swap3A_721] {strides = array<i32>} : memref<80x128xf32, #tpu.memory_space<vmem>>, vector<16xf32>,
          tpu.vector_store %arg15[%swap3A_720, %swap3A_721], %mul3A_719 {strides = array<i32>} : memref<80x128xf32, #tpu.memory_space<vmem>>, vector<16xf32>,
          %get3A_723 = arith.index_cast %add3A_687 : i32 to index
          %get3A_724 = arith.constant 80 : index
          %get3A_725 = tpu.vector_load %arg15[%get3A_723, %get3A_724] {strides = array<i32>} : memref<80x128xf32, #tpu.memory_space<vmem>>, vector<16xf32>,
          %mul3A_726 = arith.mulf %get3A_725, %gather3A_683 : vector<16xf32>
          %swap3A_727 = arith.index_cast %add3A_687 : i32 to index
          %swap3A_728 = arith.constant 80 : index
          %swap3A_729 = tpu.vector_load %arg15[%swap3A_727, %swap3A_728] {strides = array<i32>} : memref<80x128xf32, #tpu.memory_space<vmem>>, vector<16xf32>,
          tpu.vector_store %arg15[%swap3A_727, %swap3A_728], %mul3A_726 {strides = array<i32>} : memref<80x128xf32, #tpu.memory_space<vmem>>, vector<16xf32>,
          %get3A_730 = arith.index_cast %add3A_687 : i32 to index
          %get3A_731 = arith.constant 96 : index
          %get3A_732 = tpu.vector_load %arg15[%get3A_730, %get3A_731] {strides = array<i32>} : memref<80x128xf32, #tpu.memory_space<vmem>>, vector<16xf32>,
          %mul3A_733 = arith.mulf %get3A_732, %gather3A_683 : vector<16xf32>
          %swap3A_734 = arith.index_cast %add3A_687 : i32 to index
          %swap3A_735 = arith.constant 96 : index
          %swap3A_736 = tpu.vector_load %arg15[%swap3A_734, %swap3A_735] {strides = array<i32>} : memref<80x128xf32, #tpu.memory_space<vmem>>, vector<16xf32>,
          tpu.vector_store %arg15[%swap3A_734, %swap3A_735], %mul3A_733 {strides = array<i32>} : memref<80x128xf32, #tpu.memory_space<vmem>>, vector<16xf32>,
          %get3A_737 = arith.index_cast %add3A_687 : i32 to index
          %get3A_738 = arith.constant 112 : index
          %get3A_739 = tpu.vector_load %arg15[%get3A_737, %get3A_738] {strides = array<i32>} : memref<80x128xf32, #tpu.memory_space<vmem>>, vector<16xf32>,
          %mul3A_740 = arith.mulf %get3A_739, %gather3A_683 : vector<16xf32>
          %swap3A_741 = arith.index_cast %add3A_687 : i32 to index
          %swap3A_742 = arith.constant 112 : index
          %swap3A_743 = tpu.vector_load %arg15[%swap3A_741, %swap3A_742] {strides = array<i32>} : memref<80x128xf32, #tpu.memory_space<vmem>>, vector<16xf32>,
          tpu.vector_store %arg15[%swap3A_741, %swap3A_742], %mul3A_740 {strides = array<i32>} : memref<80x128xf32, #tpu.memory_space<vmem>>, vector<16xf32>,
          %broadcast_in_dim3A_744 = arith.constant 4 : i32
          %broadcast_in_dim3A_745 = vector.broadcast %broadcast_in_dim3A_744 : i32 to vector<16xi32>
          %broadcast_in_dim3A_746 = vector.shape_cast %broadcast_in_dim3A_745 : vector<16xi32> to vector<16x1xi32>
          %gather3A_747 = vector.shape_cast %broadcast_in_dim3A_746 : vector<16x1xi32> to vector<16xi32>
          %gather3A_748 = tpu.dynamic_gather %get3A_484[%gather3A_747] in [0] : vector<16xf32>, vector<16xi32> -> vector<16xf32>
          %mul3A_749 = arith.constant 16 : i32
          %mul3A_750 = arith.muli %scan3A_480, %mul3A_749 : i32
          %add3A_751 = arith.constant 4 : i32
          %add3A_752 = arith.addi %mul3A_750, %add3A_751 : i32
          %get3A_753 = arith.index_cast %add3A_752 : i32 to index
          %get3A_754 = arith.constant 0 : index
          %get3A_755 = tpu.vector_load %arg15[%get3A_753, %get3A_754] {strides = array<i32>} : memref<80x128xf32, #tpu.memory_space<vmem>>, vector<16xf32>,
          %mul3A_756 = arith.mulf %get3A_755, %gather3A_748 : vector<16xf32>
          %swap3A_757 = arith.index_cast %add3A_752 : i32 to index
          %swap3A_758 = arith.constant 0 : index
          %swap3A_759 = tpu.vector_load %arg15[%swap3A_757, %swap3A_758] {strides = array<i32>} : memref<80x128xf32, #tpu.memory_space<vmem>>, vector<16xf32>,
          tpu.vector_store %arg15[%swap3A_757, %swap3A_758], %mul3A_756 {strides = array<i32>} : memref<80x128xf32, #tpu.memory_space<vmem>>, vector<16xf32>,
          %get3A_760 = arith.index_cast %add3A_752 : i32 to index
          %get3A_761 = arith.constant 16 : index
          %get3A_762 = tpu.vector_load %arg15[%get3A_760, %get3A_761] {strides = array<i32>} : memref<80x128xf32, #tpu.memory_space<vmem>>, vector<16xf32>,
          %mul3A_763 = arith.mulf %get3A_762, %gather3A_748 : vector<16xf32>
          %swap3A_764 = arith.index_cast %add3A_752 : i32 to index
          %swap3A_765 = arith.constant 16 : index
          %swap3A_766 = tpu.vector_load %arg15[%swap3A_764, %swap3A_765] {strides = array<i32>} : memref<80x128xf32, #tpu.memory_space<vmem>>, vector<16xf32>,
          tpu.vector_store %arg15[%swap3A_764, %swap3A_765], %mul3A_763 {strides = array<i32>} : memref<80x128xf32, #tpu.memory_space<vmem>>, vector<16xf32>,
          %get3A_767 = arith.index_cast %add3A_752 : i32 to index
          %get3A_768 = arith.constant 32 : index
          %get3A_769 = tpu.vector_load %arg15[%get3A_767, %get3A_768] {strides = array<i32>} : memref<80x128xf32, #tpu.memory_space<vmem>>, vector<16xf32>,
          %mul3A_770 = arith.mulf %get3A_769, %gather3A_748 : vector<16xf32>
          %swap3A_771 = arith.index_cast %add3A_752 : i32 to index
          %swap3A_772 = arith.constant 32 : index
          %swap3A_773 = tpu.vector_load %arg15[%swap3A_771, %swap3A_772] {strides = array<i32>} : memref<80x128xf32, #tpu.memory_space<vmem>>, vector<16xf32>,
          tpu.vector_store %arg15[%swap3A_771, %swap3A_772], %mul3A_770 {strides = array<i32>} : memref<80x128xf32, #tpu.memory_space<vmem>>, vector<16xf32>,
          %get3A_774 = arith.index_cast %add3A_752 : i32 to index
          %get3A_775 = arith.constant 48 : index
          %get3A_776 = tpu.vector_load %arg15[%get3A_774, %get3A_775] {strides = array<i32>} : memref<80x128xf32, #tpu.memory_space<vmem>>, vector<16xf32>,
          %mul3A_777 = arith.mulf %get3A_776, %gather3A_748 : vector<16xf32>
          %swap3A_778 = arith.index_cast %add3A_752 : i32 to index
          %swap3A_779 = arith.constant 48 : index
          %swap3A_780 = tpu.vector_load %arg15[%swap3A_778, %swap3A_779] {strides = array<i32>} : memref<80x128xf32, #tpu.memory_space<vmem>>, vector<16xf32>,
          tpu.vector_store %arg15[%swap3A_778, %swap3A_779], %mul3A_777 {strides = array<i32>} : memref<80x128xf32, #tpu.memory_space<vmem>>, vector<16xf32>,
          %get3A_781 = arith.index_cast %add3A_752 : i32 to index
          %get3A_782 = arith.constant 64 : index
          %get3A_783 = tpu.vector_load %arg15[%get3A_781, %get3A_782] {strides = array<i32>} : memref<80x128xf32, #tpu.memory_space<vmem>>, vector<16xf32>,
          %mul3A_784 = arith.mulf %get3A_783, %gather3A_748 : vector<16xf32>
          %swap3A_785 = arith.index_cast %add3A_752 : i32 to index
          %swap3A_786 = arith.constant 64 : index
          %swap3A_787 = tpu.vector_load %arg15[%swap3A_785, %swap3A_786] {strides = array<i32>} : memref<80x128xf32, #tpu.memory_space<vmem>>, vector<16xf32>,
          tpu.vector_store %arg15[%swap3A_785, %swap3A_786], %mul3A_784 {strides = array<i32>} : memref<80x128xf32, #tpu.memory_space<vmem>>, vector<16xf32>,
          %get3A_788 = arith.index_cast %add3A_752 : i32 to index
          %get3A_789 = arith.constant 80 : index
          %get3A_790 = tpu.vector_load %arg15[%get3A_788, %get3A_789] {strides = array<i32>} : memref<80x128xf32, #tpu.memory_space<vmem>>, vector<16xf32>,
          %mul3A_791 = arith.mulf %get3A_790, %gather3A_748 : vector<16xf32>
          %swap3A_792 = arith.index_cast %add3A_752 : i32 to index
          %swap3A_793 = arith.constant 80 : index
          %swap3A_794 = tpu.vector_load %arg15[%swap3A_792, %swap3A_793] {strides = array<i32>} : memref<80x128xf32, #tpu.memory_space<vmem>>, vector<16xf32>,
          tpu.vector_store %arg15[%swap3A_792, %swap3A_793], %mul3A_791 {strides = array<i32>} : memref<80x128xf32, #tpu.memory_space<vmem>>, vector<16xf32>,
          %get3A_795 = arith.index_cast %add3A_752 : i32 to index
          %get3A_796 = arith.constant 96 : index
          %get3A_797 = tpu.vector_load %arg15[%get3A_795, %get3A_796] {strides = array<i32>} : memref<80x128xf32, #tpu.memory_space<vmem>>, vector<16xf32>,
          %mul3A_798 = arith.mulf %get3A_797, %gather3A_748 : vector<16xf32>
          %swap3A_799 = arith.index_cast %add3A_752 : i32 to index
          %swap3A_800 = arith.constant 96 : index
          %swap3A_801 = tpu.vector_load %arg15[%swap3A_799, %swap3A_800] {strides = array<i32>} : memref<80x128xf32, #tpu.memory_space<vmem>>, vector<16xf32>,
          tpu.vector_store %arg15[%swap3A_799, %swap3A_800], %mul3A_798 {strides = array<i32>} : memref<80x128xf32, #tpu.memory_space<vmem>>, vector<16xf32>,
          %get3A_802 = arith.index_cast %add3A_752 : i32 to index
          %get3A_803 = arith.constant 112 : index
          %get3A_804 = tpu.vector_load %arg15[%get3A_802, %get3A_803] {strides = array<i32>} : memref<80x128xf32, #tpu.memory_space<vmem>>, vector<16xf32>,
          %mul3A_805 = arith.mulf %get3A_804, %gather3A_748 : vector<16xf32>
          %swap3A_806 = arith.index_cast %add3A_752 : i32 to index
          %swap3A_807 = arith.constant 112 : index
          %swap3A_808 = tpu.vector_load %arg15[%swap3A_806, %swap3A_807] {strides = array<i32>} : memref<80x128xf32, #tpu.memory_space<vmem>>, vector<16xf32>,
          tpu.vector_store %arg15[%swap3A_806, %swap3A_807], %mul3A_805 {strides = array<i32>} : memref<80x128xf32, #tpu.memory_space<vmem>>, vector<16xf32>,
          %broadcast_in_dim3A_809 = arith.constant 5 : i32
          %broadcast_in_dim3A_810 = vector.broadcast %broadcast_in_dim3A_809 : i32 to vector<16xi32>
          %broadcast_in_dim3A_811 = vector.shape_cast %broadcast_in_dim3A_810 : vector<16xi32> to vector<16x1xi32>
          %gather3A_812 = vector.shape_cast %broadcast_in_dim3A_811 : vector<16x1xi32> to vector<16xi32>
          %gather3A_813 = tpu.dynamic_gather %get3A_484[%gather3A_812] in [0] : vector<16xf32>, vector<16xi32> -> vector<16xf32>
          %mul3A_814 = arith.constant 16 : i32
          %mul3A_815 = arith.muli %scan3A_480, %mul3A_814 : i32
          %add3A_816 = arith.constant 5 : i32
          %add3A_817 = arith.addi %mul3A_815, %add3A_816 : i32
          %get3A_818 = arith.index_cast %add3A_817 : i32 to index
          %get3A_819 = arith.constant 0 : index
          %get3A_820 = tpu.vector_load %arg15[%get3A_818, %get3A_819] {strides = array<i32>} : memref<80x128xf32, #tpu.memory_space<vmem>>, vector<16xf32>,
          %mul3A_821 = arith.mulf %get3A_820, %gather3A_813 : vector<16xf32>
          %swap3A_822 = arith.index_cast %add3A_817 : i32 to index
          %swap3A_823 = arith.constant 0 : index
          %swap3A_824 = tpu.vector_load %arg15[%swap3A_822, %swap3A_823] {strides = array<i32>} : memref<80x128xf32, #tpu.memory_space<vmem>>, vector<16xf32>,
          tpu.vector_store %arg15[%swap3A_822, %swap3A_823], %mul3A_821 {strides = array<i32>} : memref<80x128xf32, #tpu.memory_space<vmem>>, vector<16xf32>,
          %get3A_825 = arith.index_cast %add3A_817 : i32 to index
          %get3A_826 = arith.constant 16 : index
          %get3A_827 = tpu.vector_load %arg15[%get3A_825, %get3A_826] {strides = array<i32>} : memref<80x128xf32, #tpu.memory_space<vmem>>, vector<16xf32>,
          %mul3A_828 = arith.mulf %get3A_827, %gather3A_813 : vector<16xf32>
          %swap3A_829 = arith.index_cast %add3A_817 : i32 to index
          %swap3A_830 = arith.constant 16 : index
          %swap3A_831 = tpu.vector_load %arg15[%swap3A_829, %swap3A_830] {strides = array<i32>} : memref<80x128xf32, #tpu.memory_space<vmem>>, vector<16xf32>,
          tpu.vector_store %arg15[%swap3A_829, %swap3A_830], %mul3A_828 {strides = array<i32>} : memref<80x128xf32, #tpu.memory_space<vmem>>, vector<16xf32>,
          %get3A_832 = arith.index_cast %add3A_817 : i32 to index
          %get3A_833 = arith.constant 32 : index
          %get3A_834 = tpu.vector_load %arg15[%get3A_832, %get3A_833] {strides = array<i32>} : memref<80x128xf32, #tpu.memory_space<vmem>>, vector<16xf32>,
          %mul3A_835 = arith.mulf %get3A_834, %gather3A_813 : vector<16xf32>
          %swap3A_836 = arith.index_cast %add3A_817 : i32 to index
          %swap3A_837 = arith.constant 32 : index
          %swap3A_838 = tpu.vector_load %arg15[%swap3A_836, %swap3A_837] {strides = array<i32>} : memref<80x128xf32, #tpu.memory_space<vmem>>, vector<16xf32>,
          tpu.vector_store %arg15[%swap3A_836, %swap3A_837], %mul3A_835 {strides = array<i32>} : memref<80x128xf32, #tpu.memory_space<vmem>>, vector<16xf32>,
          %get3A_839 = arith.index_cast %add3A_817 : i32 to index
          %get3A_840 = arith.constant 48 : index
          %get3A_841 = tpu.vector_load %arg15[%get3A_839, %get3A_840] {strides = array<i32>} : memref<80x128xf32, #tpu.memory_space<vmem>>, vector<16xf32>,
          %mul3A_842 = arith.mulf %get3A_841, %gather3A_813 : vector<16xf32>
          %swap3A_843 = arith.index_cast %add3A_817 : i32 to index
          %swap3A_844 = arith.constant 48 : index
          %swap3A_845 = tpu.vector_load %arg15[%swap3A_843, %swap3A_844] {strides = array<i32>} : memref<80x128xf32, #tpu.memory_space<vmem>>, vector<16xf32>,
          tpu.vector_store %arg15[%swap3A_843, %swap3A_844], %mul3A_842 {strides = array<i32>} : memref<80x128xf32, #tpu.memory_space<vmem>>, vector<16xf32>,
          %get3A_846 = arith.index_cast %add3A_817 : i32 to index
          %get3A_847 = arith.constant 64 : index
          %get3A_848 = tpu.vector_load %arg15[%get3A_846, %get3A_847] {strides = array<i32>} : memref<80x128xf32, #tpu.memory_space<vmem>>, vector<16xf32>,
          %mul3A_849 = arith.mulf %get3A_848, %gather3A_813 : vector<16xf32>
          %swap3A_850 = arith.index_cast %add3A_817 : i32 to index
          %swap3A_851 = arith.constant 64 : index
          %swap3A_852 = tpu.vector_load %arg15[%swap3A_850, %swap3A_851] {strides = array<i32>} : memref<80x128xf32, #tpu.memory_space<vmem>>, vector<16xf32>,
          tpu.vector_store %arg15[%swap3A_850, %swap3A_851], %mul3A_849 {strides = array<i32>} : memref<80x128xf32, #tpu.memory_space<vmem>>, vector<16xf32>,
          %get3A_853 = arith.index_cast %add3A_817 : i32 to index
          %get3A_854 = arith.constant 80 : index
          %get3A_855 = tpu.vector_load %arg15[%get3A_853, %get3A_854] {strides = array<i32>} : memref<80x128xf32, #tpu.memory_space<vmem>>, vector<16xf32>,
          %mul3A_856 = arith.mulf %get3A_855, %gather3A_813 : vector<16xf32>
          %swap3A_857 = arith.index_cast %add3A_817 : i32 to index
          %swap3A_858 = arith.constant 80 : index
          %swap3A_859 = tpu.vector_load %arg15[%swap3A_857, %swap3A_858] {strides = array<i32>} : memref<80x128xf32, #tpu.memory_space<vmem>>, vector<16xf32>,
          tpu.vector_store %arg15[%swap3A_857, %swap3A_858], %mul3A_856 {strides = array<i32>} : memref<80x128xf32, #tpu.memory_space<vmem>>, vector<16xf32>,
          %get3A_860 = arith.index_cast %add3A_817 : i32 to index
          %get3A_861 = arith.constant 96 : index
          %get3A_862 = tpu.vector_load %arg15[%get3A_860, %get3A_861] {strides = array<i32>} : memref<80x128xf32, #tpu.memory_space<vmem>>, vector<16xf32>,
          %mul3A_863 = arith.mulf %get3A_862, %gather3A_813 : vector<16xf32>
          %swap3A_864 = arith.index_cast %add3A_817 : i32 to index
          %swap3A_865 = arith.constant 96 : index
          %swap3A_866 = tpu.vector_load %arg15[%swap3A_864, %swap3A_865] {strides = array<i32>} : memref<80x128xf32, #tpu.memory_space<vmem>>, vector<16xf32>,
          tpu.vector_store %arg15[%swap3A_864, %swap3A_865], %mul3A_863 {strides = array<i32>} : memref<80x128xf32, #tpu.memory_space<vmem>>, vector<16xf32>,
          %get3A_867 = arith.index_cast %add3A_817 : i32 to index
          %get3A_868 = arith.constant 112 : index
          %get3A_869 = tpu.vector_load %arg15[%get3A_867, %get3A_868] {strides = array<i32>} : memref<80x128xf32, #tpu.memory_space<vmem>>, vector<16xf32>,
          %mul3A_870 = arith.mulf %get3A_869, %gather3A_813 : vector<16xf32>
          %swap3A_871 = arith.index_cast %add3A_817 : i32 to index
          %swap3A_872 = arith.constant 112 : index
          %swap3A_873 = tpu.vector_load %arg15[%swap3A_871, %swap3A_872] {strides = array<i32>} : memref<80x128xf32, #tpu.memory_space<vmem>>, vector<16xf32>,
          tpu.vector_store %arg15[%swap3A_871, %swap3A_872], %mul3A_870 {strides = array<i32>} : memref<80x128xf32, #tpu.memory_space<vmem>>, vector<16xf32>,
          %broadcast_in_dim3A_874 = arith.constant 6 : i32
          %broadcast_in_dim3A_875 = vector.broadcast %broadcast_in_dim3A_874 : i32 to vector<16xi32>
          %broadcast_in_dim3A_876 = vector.shape_cast %broadcast_in_dim3A_875 : vector<16xi32> to vector<16x1xi32>
          %gather3A_877 = vector.shape_cast %broadcast_in_dim3A_876 : vector<16x1xi32> to vector<16xi32>
          %gather3A_878 = tpu.dynamic_gather %get3A_484[%gather3A_877] in [0] : vector<16xf32>, vector<16xi32> -> vector<16xf32>
          %mul3A_879 = arith.constant 16 : i32
          %mul3A_880 = arith.muli %scan3A_480, %mul3A_879 : i32
          %add3A_881 = arith.constant 6 : i32
          %add3A_882 = arith.addi %mul3A_880, %add3A_881 : i32
          %get3A_883 = arith.index_cast %add3A_882 : i32 to index
          %get3A_884 = arith.constant 0 : index
          %get3A_885 = tpu.vector_load %arg15[%get3A_883, %get3A_884] {strides = array<i32>} : memref<80x128xf32, #tpu.memory_space<vmem>>, vector<16xf32>,
          %mul3A_886 = arith.mulf %get3A_885, %gather3A_878 : vector<16xf32>
          %swap3A_887 = arith.index_cast %add3A_882 : i32 to index
          %swap3A_888 = arith.constant 0 : index
          %swap3A_889 = tpu.vector_load %arg15[%swap3A_887, %swap3A_888] {strides = array<i32>} : memref<80x128xf32, #tpu.memory_space<vmem>>, vector<16xf32>,
          tpu.vector_store %arg15[%swap3A_887, %swap3A_888], %mul3A_886 {strides = array<i32>} : memref<80x128xf32, #tpu.memory_space<vmem>>, vector<16xf32>,
          %get3A_890 = arith.index_cast %add3A_882 : i32 to index
          %get3A_891 = arith.constant 16 : index
          %get3A_892 = tpu.vector_load %arg15[%get3A_890, %get3A_891] {strides = array<i32>} : memref<80x128xf32, #tpu.memory_space<vmem>>, vector<16xf32>,
          %mul3A_893 = arith.mulf %get3A_892, %gather3A_878 : vector<16xf32>
          %swap3A_894 = arith.index_cast %add3A_882 : i32 to index
          %swap3A_895 = arith.constant 16 : index
          %swap3A_896 = tpu.vector_load %arg15[%swap3A_894, %swap3A_895] {strides = array<i32>} : memref<80x128xf32, #tpu.memory_space<vmem>>, vector<16xf32>,
          tpu.vector_store %arg15[%swap3A_894, %swap3A_895], %mul3A_893 {strides = array<i32>} : memref<80x128xf32, #tpu.memory_space<vmem>>, vector<16xf32>,
          %get3A_897 = arith.index_cast %add3A_882 : i32 to index
          %get3A_898 = arith.constant 32 : index
          %get3A_899 = tpu.vector_load %arg15[%get3A_897, %get3A_898] {strides = array<i32>} : memref<80x128xf32, #tpu.memory_space<vmem>>, vector<16xf32>,
          %mul3A_900 = arith.mulf %get3A_899, %gather3A_878 : vector<16xf32>
          %swap3A_901 = arith.index_cast %add3A_882 : i32 to index
          %swap3A_902 = arith.constant 32 : index
          %swap3A_903 = tpu.vector_load %arg15[%swap3A_901, %swap3A_902] {strides = array<i32>} : memref<80x128xf32, #tpu.memory_space<vmem>>, vector<16xf32>,
          tpu.vector_store %arg15[%swap3A_901, %swap3A_902], %mul3A_900 {strides = array<i32>} : memref<80x128xf32, #tpu.memory_space<vmem>>, vector<16xf32>,
          %get3A_904 = arith.index_cast %add3A_882 : i32 to index
          %get3A_905 = arith.constant 48 : index
          %get3A_906 = tpu.vector_load %arg15[%get3A_904, %get3A_905] {strides = array<i32>} : memref<80x128xf32, #tpu.memory_space<vmem>>, vector<16xf32>,
          %mul3A_907 = arith.mulf %get3A_906, %gather3A_878 : vector<16xf32>
          %swap3A_908 = arith.index_cast %add3A_882 : i32 to index
          %swap3A_909 = arith.constant 48 : index
          %swap3A_910 = tpu.vector_load %arg15[%swap3A_908, %swap3A_909] {strides = array<i32>} : memref<80x128xf32, #tpu.memory_space<vmem>>, vector<16xf32>,
          tpu.vector_store %arg15[%swap3A_908, %swap3A_909], %mul3A_907 {strides = array<i32>} : memref<80x128xf32, #tpu.memory_space<vmem>>, vector<16xf32>,
          %get3A_911 = arith.index_cast %add3A_882 : i32 to index
          %get3A_912 = arith.constant 64 : index
          %get3A_913 = tpu.vector_load %arg15[%get3A_911, %get3A_912] {strides = array<i32>} : memref<80x128xf32, #tpu.memory_space<vmem>>, vector<16xf32>,
          %mul3A_914 = arith.mulf %get3A_913, %gather3A_878 : vector<16xf32>
          %swap3A_915 = arith.index_cast %add3A_882 : i32 to index
          %swap3A_916 = arith.constant 64 : index
          %swap3A_917 = tpu.vector_load %arg15[%swap3A_915, %swap3A_916] {strides = array<i32>} : memref<80x128xf32, #tpu.memory_space<vmem>>, vector<16xf32>,
          tpu.vector_store %arg15[%swap3A_915, %swap3A_916], %mul3A_914 {strides = array<i32>} : memref<80x128xf32, #tpu.memory_space<vmem>>, vector<16xf32>,
          %get3A_918 = arith.index_cast %add3A_882 : i32 to index
          %get3A_919 = arith.constant 80 : index
          %get3A_920 = tpu.vector_load %arg15[%get3A_918, %get3A_919] {strides = array<i32>} : memref<80x128xf32, #tpu.memory_space<vmem>>, vector<16xf32>,
          %mul3A_921 = arith.mulf %get3A_920, %gather3A_878 : vector<16xf32>
          %swap3A_922 = arith.index_cast %add3A_882 : i32 to index
          %swap3A_923 = arith.constant 80 : index
          %swap3A_924 = tpu.vector_load %arg15[%swap3A_922, %swap3A_923] {strides = array<i32>} : memref<80x128xf32, #tpu.memory_space<vmem>>, vector<16xf32>,
          tpu.vector_store %arg15[%swap3A_922, %swap3A_923], %mul3A_921 {strides = array<i32>} : memref<80x128xf32, #tpu.memory_space<vmem>>, vector<16xf32>,
          %get3A_925 = arith.index_cast %add3A_882 : i32 to index
          %get3A_926 = arith.constant 96 : index
          %get3A_927 = tpu.vector_load %arg15[%get3A_925, %get3A_926] {strides = array<i32>} : memref<80x128xf32, #tpu.memory_space<vmem>>, vector<16xf32>,
          %mul3A_928 = arith.mulf %get3A_927, %gather3A_878 : vector<16xf32>
          %swap3A_929 = arith.index_cast %add3A_882 : i32 to index
          %swap3A_930 = arith.constant 96 : index
          %swap3A_931 = tpu.vector_load %arg15[%swap3A_929, %swap3A_930] {strides = array<i32>} : memref<80x128xf32, #tpu.memory_space<vmem>>, vector<16xf32>,
          tpu.vector_store %arg15[%swap3A_929, %swap3A_930], %mul3A_928 {strides = array<i32>} : memref<80x128xf32, #tpu.memory_space<vmem>>, vector<16xf32>,
          %get3A_932 = arith.index_cast %add3A_882 : i32 to index
          %get3A_933 = arith.constant 112 : index
          %get3A_934 = tpu.vector_load %arg15[%get3A_932, %get3A_933] {strides = array<i32>} : memref<80x128xf32, #tpu.memory_space<vmem>>, vector<16xf32>,
          %mul3A_935 = arith.mulf %get3A_934, %gather3A_878 : vector<16xf32>
          %swap3A_936 = arith.index_cast %add3A_882 : i32 to index
          %swap3A_937 = arith.constant 112 : index
          %swap3A_938 = tpu.vector_load %arg15[%swap3A_936, %swap3A_937] {strides = array<i32>} : memref<80x128xf32, #tpu.memory_space<vmem>>, vector<16xf32>,
          tpu.vector_store %arg15[%swap3A_936, %swap3A_937], %mul3A_935 {strides = array<i32>} : memref<80x128xf32, #tpu.memory_space<vmem>>, vector<16xf32>,
          %broadcast_in_dim3A_939 = arith.constant 7 : i32
          %broadcast_in_dim3A_940 = vector.broadcast %broadcast_in_dim3A_939 : i32 to vector<16xi32>
          %broadcast_in_dim3A_941 = vector.shape_cast %broadcast_in_dim3A_940 : vector<16xi32> to vector<16x1xi32>
          %gather3A_942 = vector.shape_cast %broadcast_in_dim3A_941 : vector<16x1xi32> to vector<16xi32>
          %gather3A_943 = tpu.dynamic_gather %get3A_484[%gather3A_942] in [0] : vector<16xf32>, vector<16xi32> -> vector<16xf32>
          %mul3A_944 = arith.constant 16 : i32
          %mul3A_945 = arith.muli %scan3A_480, %mul3A_944 : i32
          %add3A_946 = arith.constant 7 : i32
          %add3A_947 = arith.addi %mul3A_945, %add3A_946 : i32
          %get3A_948 = arith.index_cast %add3A_947 : i32 to index
          %get3A_949 = arith.constant 0 : index
          %get3A_950 = tpu.vector_load %arg15[%get3A_948, %get3A_949] {strides = array<i32>} : memref<80x128xf32, #tpu.memory_space<vmem>>, vector<16xf32>,
          %mul3A_951 = arith.mulf %get3A_950, %gather3A_943 : vector<16xf32>
          %swap3A_952 = arith.index_cast %add3A_947 : i32 to index
          %swap3A_953 = arith.constant 0 : index
          %swap3A_954 = tpu.vector_load %arg15[%swap3A_952, %swap3A_953] {strides = array<i32>} : memref<80x128xf32, #tpu.memory_space<vmem>>, vector<16xf32>,
          tpu.vector_store %arg15[%swap3A_952, %swap3A_953], %mul3A_951 {strides = array<i32>} : memref<80x128xf32, #tpu.memory_space<vmem>>, vector<16xf32>,
          %get3A_955 = arith.index_cast %add3A_947 : i32 to index
          %get3A_956 = arith.constant 16 : index
          %get3A_957 = tpu.vector_load %arg15[%get3A_955, %get3A_956] {strides = array<i32>} : memref<80x128xf32, #tpu.memory_space<vmem>>, vector<16xf32>,
          %mul3A_958 = arith.mulf %get3A_957, %gather3A_943 : vector<16xf32>
          %swap3A_959 = arith.index_cast %add3A_947 : i32 to index
          %swap3A_960 = arith.constant 16 : index
          %swap3A_961 = tpu.vector_load %arg15[%swap3A_959, %swap3A_960] {strides = array<i32>} : memref<80x128xf32, #tpu.memory_space<vmem>>, vector<16xf32>,
          tpu.vector_store %arg15[%swap3A_959, %swap3A_960], %mul3A_958 {strides = array<i32>} : memref<80x128xf32, #tpu.memory_space<vmem>>, vector<16xf32>,
          %get3A_962 = arith.index_cast %add3A_947 : i32 to index
          %get3A_963 = arith.constant 32 : index
          %get3A_964 = tpu.vector_load %arg15[%get3A_962, %get3A_963] {strides = array<i32>} : memref<80x128xf32, #tpu.memory_space<vmem>>, vector<16xf32>,
          %mul3A_965 = arith.mulf %get3A_964, %gather3A_943 : vector<16xf32>
          %swap3A_966 = arith.index_cast %add3A_947 : i32 to index
          %swap3A_967 = arith.constant 32 : index
          %swap3A_968 = tpu.vector_load %arg15[%swap3A_966, %swap3A_967] {strides = array<i32>} : memref<80x128xf32, #tpu.memory_space<vmem>>, vector<16xf32>,
          tpu.vector_store %arg15[%swap3A_966, %swap3A_967], %mul3A_965 {strides = array<i32>} : memref<80x128xf32, #tpu.memory_space<vmem>>, vector<16xf32>,
          %get3A_969 = arith.index_cast %add3A_947 : i32 to index
          %get3A_970 = arith.constant 48 : index
          %get3A_971 = tpu.vector_load %arg15[%get3A_969, %get3A_970] {strides = array<i32>} : memref<80x128xf32, #tpu.memory_space<vmem>>, vector<16xf32>,
          %mul3A_972 = arith.mulf %get3A_971, %gather3A_943 : vector<16xf32>
          %swap3A_973 = arith.index_cast %add3A_947 : i32 to index
          %swap3A_974 = arith.constant 48 : index
          %swap3A_975 = tpu.vector_load %arg15[%swap3A_973, %swap3A_974] {strides = array<i32>} : memref<80x128xf32, #tpu.memory_space<vmem>>, vector<16xf32>,
          tpu.vector_store %arg15[%swap3A_973, %swap3A_974], %mul3A_972 {strides = array<i32>} : memref<80x128xf32, #tpu.memory_space<vmem>>, vector<16xf32>,
          %get3A_976 = arith.index_cast %add3A_947 : i32 to index
          %get3A_977 = arith.constant 64 : index
          %get3A_978 = tpu.vector_load %arg15[%get3A_976, %get3A_977] {strides = array<i32>} : memref<80x128xf32, #tpu.memory_space<vmem>>, vector<16xf32>,
          %mul3A_979 = arith.mulf %get3A_978, %gather3A_943 : vector<16xf32>
          %swap3A_980 = arith.index_cast %add3A_947 : i32 to index
          %swap3A_981 = arith.constant 64 : index
          %swap3A_982 = tpu.vector_load %arg15[%swap3A_980, %swap3A_981] {strides = array<i32>} : memref<80x128xf32, #tpu.memory_space<vmem>>, vector<16xf32>,
          tpu.vector_store %arg15[%swap3A_980, %swap3A_981], %mul3A_979 {strides = array<i32>} : memref<80x128xf32, #tpu.memory_space<vmem>>, vector<16xf32>,
          %get3A_983 = arith.index_cast %add3A_947 : i32 to index
          %get3A_984 = arith.constant 80 : index
          %get3A_985 = tpu.vector_load %arg15[%get3A_983, %get3A_984] {strides = array<i32>} : memref<80x128xf32, #tpu.memory_space<vmem>>, vector<16xf32>,
          %mul3A_986 = arith.mulf %get3A_985, %gather3A_943 : vector<16xf32>
          %swap3A_987 = arith.index_cast %add3A_947 : i32 to index
          %swap3A_988 = arith.constant 80 : index
          %swap3A_989 = tpu.vector_load %arg15[%swap3A_987, %swap3A_988] {strides = array<i32>} : memref<80x128xf32, #tpu.memory_space<vmem>>, vector<16xf32>,
          tpu.vector_store %arg15[%swap3A_987, %swap3A_988], %mul3A_986 {strides = array<i32>} : memref<80x128xf32, #tpu.memory_space<vmem>>, vector<16xf32>,
          %get3A_990 = arith.index_cast %add3A_947 : i32 to index
          %get3A_991 = arith.constant 96 : index
          %get3A_992 = tpu.vector_load %arg15[%get3A_990, %get3A_991] {strides = array<i32>} : memref<80x128xf32, #tpu.memory_space<vmem>>, vector<16xf32>,
          %mul3A_993 = arith.mulf %get3A_992, %gather3A_943 : vector<16xf32>
          %swap3A_994 = arith.index_cast %add3A_947 : i32 to index
          %swap3A_995 = arith.constant 96 : index
          %swap3A_996 = tpu.vector_load %arg15[%swap3A_994, %swap3A_995] {strides = array<i32>} : memref<80x128xf32, #tpu.memory_space<vmem>>, vector<16xf32>,
          tpu.vector_store %arg15[%swap3A_994, %swap3A_995], %mul3A_993 {strides = array<i32>} : memref<80x128xf32, #tpu.memory_space<vmem>>, vector<16xf32>,
          %get3A_997 = arith.index_cast %add3A_947 : i32 to index
          %get3A_998 = arith.constant 112 : index
          %get3A_999 = tpu.vector_load %arg15[%get3A_997, %get3A_998] {strides = array<i32>} : memref<80x128xf32, #tpu.memory_space<vmem>>, vector<16xf32>,
          %mul3A_1000 = arith.mulf %get3A_999, %gather3A_943 : vector<16xf32>
          %swap3A_1001 = arith.index_cast %add3A_947 : i32 to index
          %swap3A_1002 = arith.constant 112 : index
          %swap3A_1003 = tpu.vector_load %arg15[%swap3A_1001, %swap3A_1002] {strides = array<i32>} : memref<80x128xf32, #tpu.memory_space<vmem>>, vector<16xf32>,
          tpu.vector_store %arg15[%swap3A_1001, %swap3A_1002], %mul3A_1000 {strides = array<i32>} : memref<80x128xf32, #tpu.memory_space<vmem>>, vector<16xf32>,
          %broadcast_in_dim3A_1004 = arith.constant 8 : i32
          %broadcast_in_dim3A_1005 = vector.broadcast %broadcast_in_dim3A_1004 : i32 to vector<16xi32>
          %broadcast_in_dim3A_1006 = vector.shape_cast %broadcast_in_dim3A_1005 : vector<16xi32> to vector<16x1xi32>
          %gather3A_1007 = vector.shape_cast %broadcast_in_dim3A_1006 : vector<16x1xi32> to vector<16xi32>
          %gather3A_1008 = tpu.dynamic_gather %get3A_484[%gather3A_1007] in [0] : vector<16xf32>, vector<16xi32> -> vector<16xf32>
          %mul3A_1009 = arith.constant 16 : i32
          %mul3A_1010 = arith.muli %scan3A_480, %mul3A_1009 : i32
          %add3A_1011 = arith.constant 8 : i32
          %add3A_1012 = arith.addi %mul3A_1010, %add3A_1011 : i32
          %get3A_1013 = arith.index_cast %add3A_1012 : i32 to index
          %get3A_1014 = arith.constant 0 : index
          %get3A_1015 = tpu.vector_load %arg15[%get3A_1013, %get3A_1014] {strides = array<i32>} : memref<80x128xf32, #tpu.memory_space<vmem>>, vector<16xf32>,
          %mul3A_1016 = arith.mulf %get3A_1015, %gather3A_1008 : vector<16xf32>
          %swap3A_1017 = arith.index_cast %add3A_1012 : i32 to index
          %swap3A_1018 = arith.constant 0 : index
          %swap3A_1019 = tpu.vector_load %arg15[%swap3A_1017, %swap3A_1018] {strides = array<i32>} : memref<80x128xf32, #tpu.memory_space<vmem>>, vector<16xf32>,
          tpu.vector_store %arg15[%swap3A_1017, %swap3A_1018], %mul3A_1016 {strides = array<i32>} : memref<80x128xf32, #tpu.memory_space<vmem>>, vector<16xf32>,
          %get3A_1020 = arith.index_cast %add3A_1012 : i32 to index
          %get3A_1021 = arith.constant 16 : index
          %get3A_1022 = tpu.vector_load %arg15[%get3A_1020, %get3A_1021] {strides = array<i32>} : memref<80x128xf32, #tpu.memory_space<vmem>>, vector<16xf32>,
          %mul3A_1023 = arith.mulf %get3A_1022, %gather3A_1008 : vector<16xf32>
          %swap3A_1024 = arith.index_cast %add3A_1012 : i32 to index
          %swap3A_1025 = arith.constant 16 : index
          %swap3A_1026 = tpu.vector_load %arg15[%swap3A_1024, %swap3A_1025] {strides = array<i32>} : memref<80x128xf32, #tpu.memory_space<vmem>>, vector<16xf32>,
          tpu.vector_store %arg15[%swap3A_1024, %swap3A_1025], %mul3A_1023 {strides = array<i32>} : memref<80x128xf32, #tpu.memory_space<vmem>>, vector<16xf32>,
          %get3A_1027 = arith.index_cast %add3A_1012 : i32 to index
          %get3A_1028 = arith.constant 32 : index
          %get3A_1029 = tpu.vector_load %arg15[%get3A_1027, %get3A_1028] {strides = array<i32>} : memref<80x128xf32, #tpu.memory_space<vmem>>, vector<16xf32>,
          %mul3A_1030 = arith.mulf %get3A_1029, %gather3A_1008 : vector<16xf32>
          %swap3A_1031 = arith.index_cast %add3A_1012 : i32 to index
          %swap3A_1032 = arith.constant 32 : index
          %swap3A_1033 = tpu.vector_load %arg15[%swap3A_1031, %swap3A_1032] {strides = array<i32>} : memref<80x128xf32, #tpu.memory_space<vmem>>, vector<16xf32>,
          tpu.vector_store %arg15[%swap3A_1031, %swap3A_1032], %mul3A_1030 {strides = array<i32>} : memref<80x128xf32, #tpu.memory_space<vmem>>, vector<16xf32>,
          %get3A_1034 = arith.index_cast %add3A_1012 : i32 to index
          %get3A_1035 = arith.constant 48 : index
          %get3A_1036 = tpu.vector_load %arg15[%get3A_1034, %get3A_1035] {strides = array<i32>} : memref<80x128xf32, #tpu.memory_space<vmem>>, vector<16xf32>,
          %mul3A_1037 = arith.mulf %get3A_1036, %gather3A_1008 : vector<16xf32>
          %swap3A_1038 = arith.index_cast %add3A_1012 : i32 to index
          %swap3A_1039 = arith.constant 48 : index
          %swap3A_1040 = tpu.vector_load %arg15[%swap3A_1038, %swap3A_1039] {strides = array<i32>} : memref<80x128xf32, #tpu.memory_space<vmem>>, vector<16xf32>,
          tpu.vector_store %arg15[%swap3A_1038, %swap3A_1039], %mul3A_1037 {strides = array<i32>} : memref<80x128xf32, #tpu.memory_space<vmem>>, vector<16xf32>,
          %get3A_1041 = arith.index_cast %add3A_1012 : i32 to index
          %get3A_1042 = arith.constant 64 : index
          %get3A_1043 = tpu.vector_load %arg15[%get3A_1041, %get3A_1042] {strides = array<i32>} : memref<80x128xf32, #tpu.memory_space<vmem>>, vector<16xf32>,
          %mul3A_1044 = arith.mulf %get3A_1043, %gather3A_1008 : vector<16xf32>
          %swap3A_1045 = arith.index_cast %add3A_1012 : i32 to index
          %swap3A_1046 = arith.constant 64 : index
          %swap3A_1047 = tpu.vector_load %arg15[%swap3A_1045, %swap3A_1046] {strides = array<i32>} : memref<80x128xf32, #tpu.memory_space<vmem>>, vector<16xf32>,
          tpu.vector_store %arg15[%swap3A_1045, %swap3A_1046], %mul3A_1044 {strides = array<i32>} : memref<80x128xf32, #tpu.memory_space<vmem>>, vector<16xf32>,
          %get3A_1048 = arith.index_cast %add3A_1012 : i32 to index
          %get3A_1049 = arith.constant 80 : index
          %get3A_1050 = tpu.vector_load %arg15[%get3A_1048, %get3A_1049] {strides = array<i32>} : memref<80x128xf32, #tpu.memory_space<vmem>>, vector<16xf32>,
          %mul3A_1051 = arith.mulf %get3A_1050, %gather3A_1008 : vector<16xf32>
          %swap3A_1052 = arith.index_cast %add3A_1012 : i32 to index
          %swap3A_1053 = arith.constant 80 : index
          %swap3A_1054 = tpu.vector_load %arg15[%swap3A_1052, %swap3A_1053] {strides = array<i32>} : memref<80x128xf32, #tpu.memory_space<vmem>>, vector<16xf32>,
          tpu.vector_store %arg15[%swap3A_1052, %swap3A_1053], %mul3A_1051 {strides = array<i32>} : memref<80x128xf32, #tpu.memory_space<vmem>>, vector<16xf32>,
          %get3A_1055 = arith.index_cast %add3A_1012 : i32 to index
          %get3A_1056 = arith.constant 96 : index
          %get3A_1057 = tpu.vector_load %arg15[%get3A_1055, %get3A_1056] {strides = array<i32>} : memref<80x128xf32, #tpu.memory_space<vmem>>, vector<16xf32>,
          %mul3A_1058 = arith.mulf %get3A_1057, %gather3A_1008 : vector<16xf32>
          %swap3A_1059 = arith.index_cast %add3A_1012 : i32 to index
          %swap3A_1060 = arith.constant 96 : index
          %swap3A_1061 = tpu.vector_load %arg15[%swap3A_1059, %swap3A_1060] {strides = array<i32>} : memref<80x128xf32, #tpu.memory_space<vmem>>, vector<16xf32>,
          tpu.vector_store %arg15[%swap3A_1059, %swap3A_1060], %mul3A_1058 {strides = array<i32>} : memref<80x128xf32, #tpu.memory_space<vmem>>, vector<16xf32>,
          %get3A_1062 = arith.index_cast %add3A_1012 : i32 to index
          %get3A_1063 = arith.constant 112 : index
          %get3A_1064 = tpu.vector_load %arg15[%get3A_1062, %get3A_1063] {strides = array<i32>} : memref<80x128xf32, #tpu.memory_space<vmem>>, vector<16xf32>,
          %mul3A_1065 = arith.mulf %get3A_1064, %gather3A_1008 : vector<16xf32>
          %swap3A_1066 = arith.index_cast %add3A_1012 : i32 to index
          %swap3A_1067 = arith.constant 112 : index
          %swap3A_1068 = tpu.vector_load %arg15[%swap3A_1066, %swap3A_1067] {strides = array<i32>} : memref<80x128xf32, #tpu.memory_space<vmem>>, vector<16xf32>,
          tpu.vector_store %arg15[%swap3A_1066, %swap3A_1067], %mul3A_1065 {strides = array<i32>} : memref<80x128xf32, #tpu.memory_space<vmem>>, vector<16xf32>,
          %broadcast_in_dim3A_1069 = arith.constant 9 : i32
          %broadcast_in_dim3A_1070 = vector.broadcast %broadcast_in_dim3A_1069 : i32 to vector<16xi32>
          %broadcast_in_dim3A_1071 = vector.shape_cast %broadcast_in_dim3A_1070 : vector<16xi32> to vector<16x1xi32>
          %gather3A_1072 = vector.shape_cast %broadcast_in_dim3A_1071 : vector<16x1xi32> to vector<16xi32>
          %gather3A_1073 = tpu.dynamic_gather %get3A_484[%gather3A_1072] in [0] : vector<16xf32>, vector<16xi32> -> vector<16xf32>
          %mul3A_1074 = arith.constant 16 : i32
          %mul3A_1075 = arith.muli %scan3A_480, %mul3A_1074 : i32
          %add3A_1076 = arith.constant 9 : i32
          %add3A_1077 = arith.addi %mul3A_1075, %add3A_1076 : i32
          %get3A_1078 = arith.index_cast %add3A_1077 : i32 to index
          %get3A_1079 = arith.constant 0 : index
          %get3A_1080 = tpu.vector_load %arg15[%get3A_1078, %get3A_1079] {strides = array<i32>} : memref<80x128xf32, #tpu.memory_space<vmem>>, vector<16xf32>,
          %mul3A_1081 = arith.mulf %get3A_1080, %gather3A_1073 : vector<16xf32>
          %swap3A_1082 = arith.index_cast %add3A_1077 : i32 to index
          %swap3A_1083 = arith.constant 0 : index
          %swap3A_1084 = tpu.vector_load %arg15[%swap3A_1082, %swap3A_1083] {strides = array<i32>} : memref<80x128xf32, #tpu.memory_space<vmem>>, vector<16xf32>,
          tpu.vector_store %arg15[%swap3A_1082, %swap3A_1083], %mul3A_1081 {strides = array<i32>} : memref<80x128xf32, #tpu.memory_space<vmem>>, vector<16xf32>,
          %get3A_1085 = arith.index_cast %add3A_1077 : i32 to index
          %get3A_1086 = arith.constant 16 : index
          %get3A_1087 = tpu.vector_load %arg15[%get3A_1085, %get3A_1086] {strides = array<i32>} : memref<80x128xf32, #tpu.memory_space<vmem>>, vector<16xf32>,
          %mul3A_1088 = arith.mulf %get3A_1087, %gather3A_1073 : vector<16xf32>
          %swap3A_1089 = arith.index_cast %add3A_1077 : i32 to index
          %swap3A_1090 = arith.constant 16 : index
          %swap3A_1091 = tpu.vector_load %arg15[%swap3A_1089, %swap3A_1090] {strides = array<i32>} : memref<80x128xf32, #tpu.memory_space<vmem>>, vector<16xf32>,
          tpu.vector_store %arg15[%swap3A_1089, %swap3A_1090], %mul3A_1088 {strides = array<i32>} : memref<80x128xf32, #tpu.memory_space<vmem>>, vector<16xf32>,
          %get3A_1092 = arith.index_cast %add3A_1077 : i32 to index
          %get3A_1093 = arith.constant 32 : index
          %get3A_1094 = tpu.vector_load %arg15[%get3A_1092, %get3A_1093] {strides = array<i32>} : memref<80x128xf32, #tpu.memory_space<vmem>>, vector<16xf32>,
          %mul3A_1095 = arith.mulf %get3A_1094, %gather3A_1073 : vector<16xf32>
          %swap3A_1096 = arith.index_cast %add3A_1077 : i32 to index
          %swap3A_1097 = arith.constant 32 : index
          %swap3A_1098 = tpu.vector_load %arg15[%swap3A_1096, %swap3A_1097] {strides = array<i32>} : memref<80x128xf32, #tpu.memory_space<vmem>>, vector<16xf32>,
          tpu.vector_store %arg15[%swap3A_1096, %swap3A_1097], %mul3A_1095 {strides = array<i32>} : memref<80x128xf32, #tpu.memory_space<vmem>>, vector<16xf32>,
          %get3A_1099 = arith.index_cast %add3A_1077 : i32 to index
          %get3A_1100 = arith.constant 48 : index
          %get3A_1101 = tpu.vector_load %arg15[%get3A_1099, %get3A_1100] {strides = array<i32>} : memref<80x128xf32, #tpu.memory_space<vmem>>, vector<16xf32>,
          %mul3A_1102 = arith.mulf %get3A_1101, %gather3A_1073 : vector<16xf32>
          %swap3A_1103 = arith.index_cast %add3A_1077 : i32 to index
          %swap3A_1104 = arith.constant 48 : index
          %swap3A_1105 = tpu.vector_load %arg15[%swap3A_1103, %swap3A_1104] {strides = array<i32>} : memref<80x128xf32, #tpu.memory_space<vmem>>, vector<16xf32>,
          tpu.vector_store %arg15[%swap3A_1103, %swap3A_1104], %mul3A_1102 {strides = array<i32>} : memref<80x128xf32, #tpu.memory_space<vmem>>, vector<16xf32>,
          %get3A_1106 = arith.index_cast %add3A_1077 : i32 to index
          %get3A_1107 = arith.constant 64 : index
          %get3A_1108 = tpu.vector_load %arg15[%get3A_1106, %get3A_1107] {strides = array<i32>} : memref<80x128xf32, #tpu.memory_space<vmem>>, vector<16xf32>,
          %mul3A_1109 = arith.mulf %get3A_1108, %gather3A_1073 : vector<16xf32>
          %swap3A_1110 = arith.index_cast %add3A_1077 : i32 to index
          %swap3A_1111 = arith.constant 64 : index
          %swap3A_1112 = tpu.vector_load %arg15[%swap3A_1110, %swap3A_1111] {strides = array<i32>} : memref<80x128xf32, #tpu.memory_space<vmem>>, vector<16xf32>,
          tpu.vector_store %arg15[%swap3A_1110, %swap3A_1111], %mul3A_1109 {strides = array<i32>} : memref<80x128xf32, #tpu.memory_space<vmem>>, vector<16xf32>,
          %get3A_1113 = arith.index_cast %add3A_1077 : i32 to index
          %get3A_1114 = arith.constant 80 : index
          %get3A_1115 = tpu.vector_load %arg15[%get3A_1113, %get3A_1114] {strides = array<i32>} : memref<80x128xf32, #tpu.memory_space<vmem>>, vector<16xf32>,
          %mul3A_1116 = arith.mulf %get3A_1115, %gather3A_1073 : vector<16xf32>
          %swap3A_1117 = arith.index_cast %add3A_1077 : i32 to index
          %swap3A_1118 = arith.constant 80 : index
          %swap3A_1119 = tpu.vector_load %arg15[%swap3A_1117, %swap3A_1118] {strides = array<i32>} : memref<80x128xf32, #tpu.memory_space<vmem>>, vector<16xf32>,
          tpu.vector_store %arg15[%swap3A_1117, %swap3A_1118], %mul3A_1116 {strides = array<i32>} : memref<80x128xf32, #tpu.memory_space<vmem>>, vector<16xf32>,
          %get3A_1120 = arith.index_cast %add3A_1077 : i32 to index
          %get3A_1121 = arith.constant 96 : index
          %get3A_1122 = tpu.vector_load %arg15[%get3A_1120, %get3A_1121] {strides = array<i32>} : memref<80x128xf32, #tpu.memory_space<vmem>>, vector<16xf32>,
          %mul3A_1123 = arith.mulf %get3A_1122, %gather3A_1073 : vector<16xf32>
          %swap3A_1124 = arith.index_cast %add3A_1077 : i32 to index
          %swap3A_1125 = arith.constant 96 : index
          %swap3A_1126 = tpu.vector_load %arg15[%swap3A_1124, %swap3A_1125] {strides = array<i32>} : memref<80x128xf32, #tpu.memory_space<vmem>>, vector<16xf32>,
          tpu.vector_store %arg15[%swap3A_1124, %swap3A_1125], %mul3A_1123 {strides = array<i32>} : memref<80x128xf32, #tpu.memory_space<vmem>>, vector<16xf32>,
          %get3A_1127 = arith.index_cast %add3A_1077 : i32 to index
          %get3A_1128 = arith.constant 112 : index
          %get3A_1129 = tpu.vector_load %arg15[%get3A_1127, %get3A_1128] {strides = array<i32>} : memref<80x128xf32, #tpu.memory_space<vmem>>, vector<16xf32>,
          %mul3A_1130 = arith.mulf %get3A_1129, %gather3A_1073 : vector<16xf32>
          %swap3A_1131 = arith.index_cast %add3A_1077 : i32 to index
          %swap3A_1132 = arith.constant 112 : index
          %swap3A_1133 = tpu.vector_load %arg15[%swap3A_1131, %swap3A_1132] {strides = array<i32>} : memref<80x128xf32, #tpu.memory_space<vmem>>, vector<16xf32>,
          tpu.vector_store %arg15[%swap3A_1131, %swap3A_1132], %mul3A_1130 {strides = array<i32>} : memref<80x128xf32, #tpu.memory_space<vmem>>, vector<16xf32>,
          %broadcast_in_dim3A_1134 = arith.constant 10 : i32
          %broadcast_in_dim3A_1135 = vector.broadcast %broadcast_in_dim3A_1134 : i32 to vector<16xi32>
          %broadcast_in_dim3A_1136 = vector.shape_cast %broadcast_in_dim3A_1135 : vector<16xi32> to vector<16x1xi32>
          %gather3A_1137 = vector.shape_cast %broadcast_in_dim3A_1136 : vector<16x1xi32> to vector<16xi32>
          %gather3A_1138 = tpu.dynamic_gather %get3A_484[%gather3A_1137] in [0] : vector<16xf32>, vector<16xi32> -> vector<16xf32>
          %mul3A_1139 = arith.constant 16 : i32
          %mul3A_1140 = arith.muli %scan3A_480, %mul3A_1139 : i32
          %add3A_1141 = arith.constant 10 : i32
          %add3A_1142 = arith.addi %mul3A_1140, %add3A_1141 : i32
          %get3A_1143 = arith.index_cast %add3A_1142 : i32 to index
          %get3A_1144 = arith.constant 0 : index
          %get3A_1145 = tpu.vector_load %arg15[%get3A_1143, %get3A_1144] {strides = array<i32>} : memref<80x128xf32, #tpu.memory_space<vmem>>, vector<16xf32>,
          %mul3A_1146 = arith.mulf %get3A_1145, %gather3A_1138 : vector<16xf32>
          %swap3A_1147 = arith.index_cast %add3A_1142 : i32 to index
          %swap3A_1148 = arith.constant 0 : index
          %swap3A_1149 = tpu.vector_load %arg15[%swap3A_1147, %swap3A_1148] {strides = array<i32>} : memref<80x128xf32, #tpu.memory_space<vmem>>, vector<16xf32>,
          tpu.vector_store %arg15[%swap3A_1147, %swap3A_1148], %mul3A_1146 {strides = array<i32>} : memref<80x128xf32, #tpu.memory_space<vmem>>, vector<16xf32>,
          %get3A_1150 = arith.index_cast %add3A_1142 : i32 to index
          %get3A_1151 = arith.constant 16 : index
          %get3A_1152 = tpu.vector_load %arg15[%get3A_1150, %get3A_1151] {strides = array<i32>} : memref<80x128xf32, #tpu.memory_space<vmem>>, vector<16xf32>,
          %mul3A_1153 = arith.mulf %get3A_1152, %gather3A_1138 : vector<16xf32>
          %swap3A_1154 = arith.index_cast %add3A_1142 : i32 to index
          %swap3A_1155 = arith.constant 16 : index
          %swap3A_1156 = tpu.vector_load %arg15[%swap3A_1154, %swap3A_1155] {strides = array<i32>} : memref<80x128xf32, #tpu.memory_space<vmem>>, vector<16xf32>,
          tpu.vector_store %arg15[%swap3A_1154, %swap3A_1155], %mul3A_1153 {strides = array<i32>} : memref<80x128xf32, #tpu.memory_space<vmem>>, vector<16xf32>,
          %get3A_1157 = arith.index_cast %add3A_1142 : i32 to index
          %get3A_1158 = arith.constant 32 : index
          %get3A_1159 = tpu.vector_load %arg15[%get3A_1157, %get3A_1158] {strides = array<i32>} : memref<80x128xf32, #tpu.memory_space<vmem>>, vector<16xf32>,
          %mul3A_1160 = arith.mulf %get3A_1159, %gather3A_1138 : vector<16xf32>
          %swap3A_1161 = arith.index_cast %add3A_1142 : i32 to index
          %swap3A_1162 = arith.constant 32 : index
          %swap3A_1163 = tpu.vector_load %arg15[%swap3A_1161, %swap3A_1162] {strides = array<i32>} : memref<80x128xf32, #tpu.memory_space<vmem>>, vector<16xf32>,
          tpu.vector_store %arg15[%swap3A_1161, %swap3A_1162], %mul3A_1160 {strides = array<i32>} : memref<80x128xf32, #tpu.memory_space<vmem>>, vector<16xf32>,
          %get3A_1164 = arith.index_cast %add3A_1142 : i32 to index
          %get3A_1165 = arith.constant 48 : index
          %get3A_1166 = tpu.vector_load %arg15[%get3A_1164, %get3A_1165] {strides = array<i32>} : memref<80x128xf32, #tpu.memory_space<vmem>>, vector<16xf32>,
          %mul3A_1167 = arith.mulf %get3A_1166, %gather3A_1138 : vector<16xf32>
          %swap3A_1168 = arith.index_cast %add3A_1142 : i32 to index
          %swap3A_1169 = arith.constant 48 : index
          %swap3A_1170 = tpu.vector_load %arg15[%swap3A_1168, %swap3A_1169] {strides = array<i32>} : memref<80x128xf32, #tpu.memory_space<vmem>>, vector<16xf32>,
          tpu.vector_store %arg15[%swap3A_1168, %swap3A_1169], %mul3A_1167 {strides = array<i32>} : memref<80x128xf32, #tpu.memory_space<vmem>>, vector<16xf32>,
          %get3A_1171 = arith.index_cast %add3A_1142 : i32 to index
          %get3A_1172 = arith.constant 64 : index
          %get3A_1173 = tpu.vector_load %arg15[%get3A_1171, %get3A_1172] {strides = array<i32>} : memref<80x128xf32, #tpu.memory_space<vmem>>, vector<16xf32>,
          %mul3A_1174 = arith.mulf %get3A_1173, %gather3A_1138 : vector<16xf32>
          %swap3A_1175 = arith.index_cast %add3A_1142 : i32 to index
          %swap3A_1176 = arith.constant 64 : index
          %swap3A_1177 = tpu.vector_load %arg15[%swap3A_1175, %swap3A_1176] {strides = array<i32>} : memref<80x128xf32, #tpu.memory_space<vmem>>, vector<16xf32>,
          tpu.vector_store %arg15[%swap3A_1175, %swap3A_1176], %mul3A_1174 {strides = array<i32>} : memref<80x128xf32, #tpu.memory_space<vmem>>, vector<16xf32>,
          %get3A_1178 = arith.index_cast %add3A_1142 : i32 to index
          %get3A_1179 = arith.constant 80 : index
          %get3A_1180 = tpu.vector_load %arg15[%get3A_1178, %get3A_1179] {strides = array<i32>} : memref<80x128xf32, #tpu.memory_space<vmem>>, vector<16xf32>,
          %mul3A_1181 = arith.mulf %get3A_1180, %gather3A_1138 : vector<16xf32>
          %swap3A_1182 = arith.index_cast %add3A_1142 : i32 to index
          %swap3A_1183 = arith.constant 80 : index
          %swap3A_1184 = tpu.vector_load %arg15[%swap3A_1182, %swap3A_1183] {strides = array<i32>} : memref<80x128xf32, #tpu.memory_space<vmem>>, vector<16xf32>,
          tpu.vector_store %arg15[%swap3A_1182, %swap3A_1183], %mul3A_1181 {strides = array<i32>} : memref<80x128xf32, #tpu.memory_space<vmem>>, vector<16xf32>,
          %get3A_1185 = arith.index_cast %add3A_1142 : i32 to index
          %get3A_1186 = arith.constant 96 : index
          %get3A_1187 = tpu.vector_load %arg15[%get3A_1185, %get3A_1186] {strides = array<i32>} : memref<80x128xf32, #tpu.memory_space<vmem>>, vector<16xf32>,
          %mul3A_1188 = arith.mulf %get3A_1187, %gather3A_1138 : vector<16xf32>
          %swap3A_1189 = arith.index_cast %add3A_1142 : i32 to index
          %swap3A_1190 = arith.constant 96 : index
          %swap3A_1191 = tpu.vector_load %arg15[%swap3A_1189, %swap3A_1190] {strides = array<i32>} : memref<80x128xf32, #tpu.memory_space<vmem>>, vector<16xf32>,
          tpu.vector_store %arg15[%swap3A_1189, %swap3A_1190], %mul3A_1188 {strides = array<i32>} : memref<80x128xf32, #tpu.memory_space<vmem>>, vector<16xf32>,
          %get3A_1192 = arith.index_cast %add3A_1142 : i32 to index
          %get3A_1193 = arith.constant 112 : index
          %get3A_1194 = tpu.vector_load %arg15[%get3A_1192, %get3A_1193] {strides = array<i32>} : memref<80x128xf32, #tpu.memory_space<vmem>>, vector<16xf32>,
          %mul3A_1195 = arith.mulf %get3A_1194, %gather3A_1138 : vector<16xf32>
          %swap3A_1196 = arith.index_cast %add3A_1142 : i32 to index
          %swap3A_1197 = arith.constant 112 : index
          %swap3A_1198 = tpu.vector_load %arg15[%swap3A_1196, %swap3A_1197] {strides = array<i32>} : memref<80x128xf32, #tpu.memory_space<vmem>>, vector<16xf32>,
          tpu.vector_store %arg15[%swap3A_1196, %swap3A_1197], %mul3A_1195 {strides = array<i32>} : memref<80x128xf32, #tpu.memory_space<vmem>>, vector<16xf32>,
          %broadcast_in_dim3A_1199 = arith.constant 11 : i32
          %broadcast_in_dim3A_1200 = vector.broadcast %broadcast_in_dim3A_1199 : i32 to vector<16xi32>
          %broadcast_in_dim3A_1201 = vector.shape_cast %broadcast_in_dim3A_1200 : vector<16xi32> to vector<16x1xi32>
          %gather3A_1202 = vector.shape_cast %broadcast_in_dim3A_1201 : vector<16x1xi32> to vector<16xi32>
          %gather3A_1203 = tpu.dynamic_gather %get3A_484[%gather3A_1202] in [0] : vector<16xf32>, vector<16xi32> -> vector<16xf32>
          %mul3A_1204 = arith.constant 16 : i32
          %mul3A_1205 = arith.muli %scan3A_480, %mul3A_1204 : i32
          %add3A_1206 = arith.constant 11 : i32
          %add3A_1207 = arith.addi %mul3A_1205, %add3A_1206 : i32
          %get3A_1208 = arith.index_cast %add3A_1207 : i32 to index
          %get3A_1209 = arith.constant 0 : index
          %get3A_1210 = tpu.vector_load %arg15[%get3A_1208, %get3A_1209] {strides = array<i32>} : memref<80x128xf32, #tpu.memory_space<vmem>>, vector<16xf32>,
          %mul3A_1211 = arith.mulf %get3A_1210, %gather3A_1203 : vector<16xf32>
          %swap3A_1212 = arith.index_cast %add3A_1207 : i32 to index
          %swap3A_1213 = arith.constant 0 : index
          %swap3A_1214 = tpu.vector_load %arg15[%swap3A_1212, %swap3A_1213] {strides = array<i32>} : memref<80x128xf32, #tpu.memory_space<vmem>>, vector<16xf32>,
          tpu.vector_store %arg15[%swap3A_1212, %swap3A_1213], %mul3A_1211 {strides = array<i32>} : memref<80x128xf32, #tpu.memory_space<vmem>>, vector<16xf32>,
          %get3A_1215 = arith.index_cast %add3A_1207 : i32 to index
          %get3A_1216 = arith.constant 16 : index
          %get3A_1217 = tpu.vector_load %arg15[%get3A_1215, %get3A_1216] {strides = array<i32>} : memref<80x128xf32, #tpu.memory_space<vmem>>, vector<16xf32>,
          %mul3A_1218 = arith.mulf %get3A_1217, %gather3A_1203 : vector<16xf32>
          %swap3A_1219 = arith.index_cast %add3A_1207 : i32 to index
          %swap3A_1220 = arith.constant 16 : index
          %swap3A_1221 = tpu.vector_load %arg15[%swap3A_1219, %swap3A_1220] {strides = array<i32>} : memref<80x128xf32, #tpu.memory_space<vmem>>, vector<16xf32>,
          tpu.vector_store %arg15[%swap3A_1219, %swap3A_1220], %mul3A_1218 {strides = array<i32>} : memref<80x128xf32, #tpu.memory_space<vmem>>, vector<16xf32>,
          %get3A_1222 = arith.index_cast %add3A_1207 : i32 to index
          %get3A_1223 = arith.constant 32 : index
          %get3A_1224 = tpu.vector_load %arg15[%get3A_1222, %get3A_1223] {strides = array<i32>} : memref<80x128xf32, #tpu.memory_space<vmem>>, vector<16xf32>,
          %mul3A_1225 = arith.mulf %get3A_1224, %gather3A_1203 : vector<16xf32>
          %swap3A_1226 = arith.index_cast %add3A_1207 : i32 to index
          %swap3A_1227 = arith.constant 32 : index
          %swap3A_1228 = tpu.vector_load %arg15[%swap3A_1226, %swap3A_1227] {strides = array<i32>} : memref<80x128xf32, #tpu.memory_space<vmem>>, vector<16xf32>,
          tpu.vector_store %arg15[%swap3A_1226, %swap3A_1227], %mul3A_1225 {strides = array<i32>} : memref<80x128xf32, #tpu.memory_space<vmem>>, vector<16xf32>,
          %get3A_1229 = arith.index_cast %add3A_1207 : i32 to index
          %get3A_1230 = arith.constant 48 : index
          %get3A_1231 = tpu.vector_load %arg15[%get3A_1229, %get3A_1230] {strides = array<i32>} : memref<80x128xf32, #tpu.memory_space<vmem>>, vector<16xf32>,
          %mul3A_1232 = arith.mulf %get3A_1231, %gather3A_1203 : vector<16xf32>
          %swap3A_1233 = arith.index_cast %add3A_1207 : i32 to index
          %swap3A_1234 = arith.constant 48 : index
          %swap3A_1235 = tpu.vector_load %arg15[%swap3A_1233, %swap3A_1234] {strides = array<i32>} : memref<80x128xf32, #tpu.memory_space<vmem>>, vector<16xf32>,
          tpu.vector_store %arg15[%swap3A_1233, %swap3A_1234], %mul3A_1232 {strides = array<i32>} : memref<80x128xf32, #tpu.memory_space<vmem>>, vector<16xf32>,
          %get3A_1236 = arith.index_cast %add3A_1207 : i32 to index
          %get3A_1237 = arith.constant 64 : index
          %get3A_1238 = tpu.vector_load %arg15[%get3A_1236, %get3A_1237] {strides = array<i32>} : memref<80x128xf32, #tpu.memory_space<vmem>>, vector<16xf32>,
          %mul3A_1239 = arith.mulf %get3A_1238, %gather3A_1203 : vector<16xf32>
          %swap3A_1240 = arith.index_cast %add3A_1207 : i32 to index
          %swap3A_1241 = arith.constant 64 : index
          %swap3A_1242 = tpu.vector_load %arg15[%swap3A_1240, %swap3A_1241] {strides = array<i32>} : memref<80x128xf32, #tpu.memory_space<vmem>>, vector<16xf32>,
          tpu.vector_store %arg15[%swap3A_1240, %swap3A_1241], %mul3A_1239 {strides = array<i32>} : memref<80x128xf32, #tpu.memory_space<vmem>>, vector<16xf32>,
          %get3A_1243 = arith.index_cast %add3A_1207 : i32 to index
          %get3A_1244 = arith.constant 80 : index
          %get3A_1245 = tpu.vector_load %arg15[%get3A_1243, %get3A_1244] {strides = array<i32>} : memref<80x128xf32, #tpu.memory_space<vmem>>, vector<16xf32>,
          %mul3A_1246 = arith.mulf %get3A_1245, %gather3A_1203 : vector<16xf32>
          %swap3A_1247 = arith.index_cast %add3A_1207 : i32 to index
          %swap3A_1248 = arith.constant 80 : index
          %swap3A_1249 = tpu.vector_load %arg15[%swap3A_1247, %swap3A_1248] {strides = array<i32>} : memref<80x128xf32, #tpu.memory_space<vmem>>, vector<16xf32>,
          tpu.vector_store %arg15[%swap3A_1247, %swap3A_1248], %mul3A_1246 {strides = array<i32>} : memref<80x128xf32, #tpu.memory_space<vmem>>, vector<16xf32>,
          %get3A_1250 = arith.index_cast %add3A_1207 : i32 to index
          %get3A_1251 = arith.constant 96 : index
          %get3A_1252 = tpu.vector_load %arg15[%get3A_1250, %get3A_1251] {strides = array<i32>} : memref<80x128xf32, #tpu.memory_space<vmem>>, vector<16xf32>,
          %mul3A_1253 = arith.mulf %get3A_1252, %gather3A_1203 : vector<16xf32>
          %swap3A_1254 = arith.index_cast %add3A_1207 : i32 to index
          %swap3A_1255 = arith.constant 96 : index
          %swap3A_1256 = tpu.vector_load %arg15[%swap3A_1254, %swap3A_1255] {strides = array<i32>} : memref<80x128xf32, #tpu.memory_space<vmem>>, vector<16xf32>,
          tpu.vector_store %arg15[%swap3A_1254, %swap3A_1255], %mul3A_1253 {strides = array<i32>} : memref<80x128xf32, #tpu.memory_space<vmem>>, vector<16xf32>,
          %get3A_1257 = arith.index_cast %add3A_1207 : i32 to index
          %get3A_1258 = arith.constant 112 : index
          %get3A_1259 = tpu.vector_load %arg15[%get3A_1257, %get3A_1258] {strides = array<i32>} : memref<80x128xf32, #tpu.memory_space<vmem>>, vector<16xf32>,
          %mul3A_1260 = arith.mulf %get3A_1259, %gather3A_1203 : vector<16xf32>
          %swap3A_1261 = arith.index_cast %add3A_1207 : i32 to index
          %swap3A_1262 = arith.constant 112 : index
          %swap3A_1263 = tpu.vector_load %arg15[%swap3A_1261, %swap3A_1262] {strides = array<i32>} : memref<80x128xf32, #tpu.memory_space<vmem>>, vector<16xf32>,
          tpu.vector_store %arg15[%swap3A_1261, %swap3A_1262], %mul3A_1260 {strides = array<i32>} : memref<80x128xf32, #tpu.memory_space<vmem>>, vector<16xf32>,
          %broadcast_in_dim3A_1264 = arith.constant 12 : i32
          %broadcast_in_dim3A_1265 = vector.broadcast %broadcast_in_dim3A_1264 : i32 to vector<16xi32>
          %broadcast_in_dim3A_1266 = vector.shape_cast %broadcast_in_dim3A_1265 : vector<16xi32> to vector<16x1xi32>
          %gather3A_1267 = vector.shape_cast %broadcast_in_dim3A_1266 : vector<16x1xi32> to vector<16xi32>
          %gather3A_1268 = tpu.dynamic_gather %get3A_484[%gather3A_1267] in [0] : vector<16xf32>, vector<16xi32> -> vector<16xf32>
          %mul3A_1269 = arith.constant 16 : i32
          %mul3A_1270 = arith.muli %scan3A_480, %mul3A_1269 : i32
          %add3A_1271 = arith.constant 12 : i32
          %add3A_1272 = arith.addi %mul3A_1270, %add3A_1271 : i32
          %get3A_1273 = arith.index_cast %add3A_1272 : i32 to index
          %get3A_1274 = arith.constant 0 : index
          %get3A_1275 = tpu.vector_load %arg15[%get3A_1273, %get3A_1274] {strides = array<i32>} : memref<80x128xf32, #tpu.memory_space<vmem>>, vector<16xf32>,
          %mul3A_1276 = arith.mulf %get3A_1275, %gather3A_1268 : vector<16xf32>
          %swap3A_1277 = arith.index_cast %add3A_1272 : i32 to index
          %swap3A_1278 = arith.constant 0 : index
          %swap3A_1279 = tpu.vector_load %arg15[%swap3A_1277, %swap3A_1278] {strides = array<i32>} : memref<80x128xf32, #tpu.memory_space<vmem>>, vector<16xf32>,
          tpu.vector_store %arg15[%swap3A_1277, %swap3A_1278], %mul3A_1276 {strides = array<i32>} : memref<80x128xf32, #tpu.memory_space<vmem>>, vector<16xf32>,
          %get3A_1280 = arith.index_cast %add3A_1272 : i32 to index
          %get3A_1281 = arith.constant 16 : index
          %get3A_1282 = tpu.vector_load %arg15[%get3A_1280, %get3A_1281] {strides = array<i32>} : memref<80x128xf32, #tpu.memory_space<vmem>>, vector<16xf32>,
          %mul3A_1283 = arith.mulf %get3A_1282, %gather3A_1268 : vector<16xf32>
          %swap3A_1284 = arith.index_cast %add3A_1272 : i32 to index
          %swap3A_1285 = arith.constant 16 : index
          %swap3A_1286 = tpu.vector_load %arg15[%swap3A_1284, %swap3A_1285] {strides = array<i32>} : memref<80x128xf32, #tpu.memory_space<vmem>>, vector<16xf32>,
          tpu.vector_store %arg15[%swap3A_1284, %swap3A_1285], %mul3A_1283 {strides = array<i32>} : memref<80x128xf32, #tpu.memory_space<vmem>>, vector<16xf32>,
          %get3A_1287 = arith.index_cast %add3A_1272 : i32 to index
          %get3A_1288 = arith.constant 32 : index
          %get3A_1289 = tpu.vector_load %arg15[%get3A_1287, %get3A_1288] {strides = array<i32>} : memref<80x128xf32, #tpu.memory_space<vmem>>, vector<16xf32>,
          %mul3A_1290 = arith.mulf %get3A_1289, %gather3A_1268 : vector<16xf32>
          %swap3A_1291 = arith.index_cast %add3A_1272 : i32 to index
          %swap3A_1292 = arith.constant 32 : index
          %swap3A_1293 = tpu.vector_load %arg15[%swap3A_1291, %swap3A_1292] {strides = array<i32>} : memref<80x128xf32, #tpu.memory_space<vmem>>, vector<16xf32>,
          tpu.vector_store %arg15[%swap3A_1291, %swap3A_1292], %mul3A_1290 {strides = array<i32>} : memref<80x128xf32, #tpu.memory_space<vmem>>, vector<16xf32>,
          %get3A_1294 = arith.index_cast %add3A_1272 : i32 to index
          %get3A_1295 = arith.constant 48 : index
          %get3A_1296 = tpu.vector_load %arg15[%get3A_1294, %get3A_1295] {strides = array<i32>} : memref<80x128xf32, #tpu.memory_space<vmem>>, vector<16xf32>,
          %mul3A_1297 = arith.mulf %get3A_1296, %gather3A_1268 : vector<16xf32>
          %swap3A_1298 = arith.index_cast %add3A_1272 : i32 to index
          %swap3A_1299 = arith.constant 48 : index
          %swap3A_1300 = tpu.vector_load %arg15[%swap3A_1298, %swap3A_1299] {strides = array<i32>} : memref<80x128xf32, #tpu.memory_space<vmem>>, vector<16xf32>,
          tpu.vector_store %arg15[%swap3A_1298, %swap3A_1299], %mul3A_1297 {strides = array<i32>} : memref<80x128xf32, #tpu.memory_space<vmem>>, vector<16xf32>,
          %get3A_1301 = arith.index_cast %add3A_1272 : i32 to index
          %get3A_1302 = arith.constant 64 : index
          %get3A_1303 = tpu.vector_load %arg15[%get3A_1301, %get3A_1302] {strides = array<i32>} : memref<80x128xf32, #tpu.memory_space<vmem>>, vector<16xf32>,
          %mul3A_1304 = arith.mulf %get3A_1303, %gather3A_1268 : vector<16xf32>
          %swap3A_1305 = arith.index_cast %add3A_1272 : i32 to index
          %swap3A_1306 = arith.constant 64 : index
          %swap3A_1307 = tpu.vector_load %arg15[%swap3A_1305, %swap3A_1306] {strides = array<i32>} : memref<80x128xf32, #tpu.memory_space<vmem>>, vector<16xf32>,
          tpu.vector_store %arg15[%swap3A_1305, %swap3A_1306], %mul3A_1304 {strides = array<i32>} : memref<80x128xf32, #tpu.memory_space<vmem>>, vector<16xf32>,
          %get3A_1308 = arith.index_cast %add3A_1272 : i32 to index
          %get3A_1309 = arith.constant 80 : index
          %get3A_1310 = tpu.vector_load %arg15[%get3A_1308, %get3A_1309] {strides = array<i32>} : memref<80x128xf32, #tpu.memory_space<vmem>>, vector<16xf32>,
          %mul3A_1311 = arith.mulf %get3A_1310, %gather3A_1268 : vector<16xf32>
          %swap3A_1312 = arith.index_cast %add3A_1272 : i32 to index
          %swap3A_1313 = arith.constant 80 : index
          %swap3A_1314 = tpu.vector_load %arg15[%swap3A_1312, %swap3A_1313] {strides = array<i32>} : memref<80x128xf32, #tpu.memory_space<vmem>>, vector<16xf32>,
          tpu.vector_store %arg15[%swap3A_1312, %swap3A_1313], %mul3A_1311 {strides = array<i32>} : memref<80x128xf32, #tpu.memory_space<vmem>>, vector<16xf32>,
          %get3A_1315 = arith.index_cast %add3A_1272 : i32 to index
          %get3A_1316 = arith.constant 96 : index
          %get3A_1317 = tpu.vector_load %arg15[%get3A_1315, %get3A_1316] {strides = array<i32>} : memref<80x128xf32, #tpu.memory_space<vmem>>, vector<16xf32>,
          %mul3A_1318 = arith.mulf %get3A_1317, %gather3A_1268 : vector<16xf32>
          %swap3A_1319 = arith.index_cast %add3A_1272 : i32 to index
          %swap3A_1320 = arith.constant 96 : index
          %swap3A_1321 = tpu.vector_load %arg15[%swap3A_1319, %swap3A_1320] {strides = array<i32>} : memref<80x128xf32, #tpu.memory_space<vmem>>, vector<16xf32>,
          tpu.vector_store %arg15[%swap3A_1319, %swap3A_1320], %mul3A_1318 {strides = array<i32>} : memref<80x128xf32, #tpu.memory_space<vmem>>, vector<16xf32>,
          %get3A_1322 = arith.index_cast %add3A_1272 : i32 to index
          %get3A_1323 = arith.constant 112 : index
          %get3A_1324 = tpu.vector_load %arg15[%get3A_1322, %get3A_1323] {strides = array<i32>} : memref<80x128xf32, #tpu.memory_space<vmem>>, vector<16xf32>,
          %mul3A_1325 = arith.mulf %get3A_1324, %gather3A_1268 : vector<16xf32>
          %swap3A_1326 = arith.index_cast %add3A_1272 : i32 to index
          %swap3A_1327 = arith.constant 112 : index
          %swap3A_1328 = tpu.vector_load %arg15[%swap3A_1326, %swap3A_1327] {strides = array<i32>} : memref<80x128xf32, #tpu.memory_space<vmem>>, vector<16xf32>,
          tpu.vector_store %arg15[%swap3A_1326, %swap3A_1327], %mul3A_1325 {strides = array<i32>} : memref<80x128xf32, #tpu.memory_space<vmem>>, vector<16xf32>,
          %broadcast_in_dim3A_1329 = arith.constant 13 : i32
          %broadcast_in_dim3A_1330 = vector.broadcast %broadcast_in_dim3A_1329 : i32 to vector<16xi32>
          %broadcast_in_dim3A_1331 = vector.shape_cast %broadcast_in_dim3A_1330 : vector<16xi32> to vector<16x1xi32>
          %gather3A_1332 = vector.shape_cast %broadcast_in_dim3A_1331 : vector<16x1xi32> to vector<16xi32>
          %gather3A_1333 = tpu.dynamic_gather %get3A_484[%gather3A_1332] in [0] : vector<16xf32>, vector<16xi32> -> vector<16xf32>
          %mul3A_1334 = arith.constant 16 : i32
          %mul3A_1335 = arith.muli %scan3A_480, %mul3A_1334 : i32
          %add3A_1336 = arith.constant 13 : i32
          %add3A_1337 = arith.addi %mul3A_1335, %add3A_1336 : i32
          %get3A_1338 = arith.index_cast %add3A_1337 : i32 to index
          %get3A_1339 = arith.constant 0 : index
          %get3A_1340 = tpu.vector_load %arg15[%get3A_1338, %get3A_1339] {strides = array<i32>} : memref<80x128xf32, #tpu.memory_space<vmem>>, vector<16xf32>,
          %mul3A_1341 = arith.mulf %get3A_1340, %gather3A_1333 : vector<16xf32>
          %swap3A_1342 = arith.index_cast %add3A_1337 : i32 to index
          %swap3A_1343 = arith.constant 0 : index
          %swap3A_1344 = tpu.vector_load %arg15[%swap3A_1342, %swap3A_1343] {strides = array<i32>} : memref<80x128xf32, #tpu.memory_space<vmem>>, vector<16xf32>,
          tpu.vector_store %arg15[%swap3A_1342, %swap3A_1343], %mul3A_1341 {strides = array<i32>} : memref<80x128xf32, #tpu.memory_space<vmem>>, vector<16xf32>,
          %get3A_1345 = arith.index_cast %add3A_1337 : i32 to index
          %get3A_1346 = arith.constant 16 : index
          %get3A_1347 = tpu.vector_load %arg15[%get3A_1345, %get3A_1346] {strides = array<i32>} : memref<80x128xf32, #tpu.memory_space<vmem>>, vector<16xf32>,
          %mul3A_1348 = arith.mulf %get3A_1347, %gather3A_1333 : vector<16xf32>
          %swap3A_1349 = arith.index_cast %add3A_1337 : i32 to index
          %swap3A_1350 = arith.constant 16 : index
          %swap3A_1351 = tpu.vector_load %arg15[%swap3A_1349, %swap3A_1350] {strides = array<i32>} : memref<80x128xf32, #tpu.memory_space<vmem>>, vector<16xf32>,
          tpu.vector_store %arg15[%swap3A_1349, %swap3A_1350], %mul3A_1348 {strides = array<i32>} : memref<80x128xf32, #tpu.memory_space<vmem>>, vector<16xf32>,
          %get3A_1352 = arith.index_cast %add3A_1337 : i32 to index
          %get3A_1353 = arith.constant 32 : index
          %get3A_1354 = tpu.vector_load %arg15[%get3A_1352, %get3A_1353] {strides = array<i32>} : memref<80x128xf32, #tpu.memory_space<vmem>>, vector<16xf32>,
          %mul3A_1355 = arith.mulf %get3A_1354, %gather3A_1333 : vector<16xf32>
          %swap3A_1356 = arith.index_cast %add3A_1337 : i32 to index
          %swap3A_1357 = arith.constant 32 : index
          %swap3A_1358 = tpu.vector_load %arg15[%swap3A_1356, %swap3A_1357] {strides = array<i32>} : memref<80x128xf32, #tpu.memory_space<vmem>>, vector<16xf32>,
          tpu.vector_store %arg15[%swap3A_1356, %swap3A_1357], %mul3A_1355 {strides = array<i32>} : memref<80x128xf32, #tpu.memory_space<vmem>>, vector<16xf32>,
          %get3A_1359 = arith.index_cast %add3A_1337 : i32 to index
          %get3A_1360 = arith.constant 48 : index
          %get3A_1361 = tpu.vector_load %arg15[%get3A_1359, %get3A_1360] {strides = array<i32>} : memref<80x128xf32, #tpu.memory_space<vmem>>, vector<16xf32>,
          %mul3A_1362 = arith.mulf %get3A_1361, %gather3A_1333 : vector<16xf32>
          %swap3A_1363 = arith.index_cast %add3A_1337 : i32 to index
          %swap3A_1364 = arith.constant 48 : index
          %swap3A_1365 = tpu.vector_load %arg15[%swap3A_1363, %swap3A_1364] {strides = array<i32>} : memref<80x128xf32, #tpu.memory_space<vmem>>, vector<16xf32>,
          tpu.vector_store %arg15[%swap3A_1363, %swap3A_1364], %mul3A_1362 {strides = array<i32>} : memref<80x128xf32, #tpu.memory_space<vmem>>, vector<16xf32>,
          %get3A_1366 = arith.index_cast %add3A_1337 : i32 to index
          %get3A_1367 = arith.constant 64 : index
          %get3A_1368 = tpu.vector_load %arg15[%get3A_1366, %get3A_1367] {strides = array<i32>} : memref<80x128xf32, #tpu.memory_space<vmem>>, vector<16xf32>,
          %mul3A_1369 = arith.mulf %get3A_1368, %gather3A_1333 : vector<16xf32>
          %swap3A_1370 = arith.index_cast %add3A_1337 : i32 to index
          %swap3A_1371 = arith.constant 64 : index
          %swap3A_1372 = tpu.vector_load %arg15[%swap3A_1370, %swap3A_1371] {strides = array<i32>} : memref<80x128xf32, #tpu.memory_space<vmem>>, vector<16xf32>,
          tpu.vector_store %arg15[%swap3A_1370, %swap3A_1371], %mul3A_1369 {strides = array<i32>} : memref<80x128xf32, #tpu.memory_space<vmem>>, vector<16xf32>,
          %get3A_1373 = arith.index_cast %add3A_1337 : i32 to index
          %get3A_1374 = arith.constant 80 : index
          %get3A_1375 = tpu.vector_load %arg15[%get3A_1373, %get3A_1374] {strides = array<i32>} : memref<80x128xf32, #tpu.memory_space<vmem>>, vector<16xf32>,
          %mul3A_1376 = arith.mulf %get3A_1375, %gather3A_1333 : vector<16xf32>
          %swap3A_1377 = arith.index_cast %add3A_1337 : i32 to index
          %swap3A_1378 = arith.constant 80 : index
          %swap3A_1379 = tpu.vector_load %arg15[%swap3A_1377, %swap3A_1378] {strides = array<i32>} : memref<80x128xf32, #tpu.memory_space<vmem>>, vector<16xf32>,
          tpu.vector_store %arg15[%swap3A_1377, %swap3A_1378], %mul3A_1376 {strides = array<i32>} : memref<80x128xf32, #tpu.memory_space<vmem>>, vector<16xf32>,
          %get3A_1380 = arith.index_cast %add3A_1337 : i32 to index
          %get3A_1381 = arith.constant 96 : index
          %get3A_1382 = tpu.vector_load %arg15[%get3A_1380, %get3A_1381] {strides = array<i32>} : memref<80x128xf32, #tpu.memory_space<vmem>>, vector<16xf32>,
          %mul3A_1383 = arith.mulf %get3A_1382, %gather3A_1333 : vector<16xf32>
          %swap3A_1384 = arith.index_cast %add3A_1337 : i32 to index
          %swap3A_1385 = arith.constant 96 : index
          %swap3A_1386 = tpu.vector_load %arg15[%swap3A_1384, %swap3A_1385] {strides = array<i32>} : memref<80x128xf32, #tpu.memory_space<vmem>>, vector<16xf32>,
          tpu.vector_store %arg15[%swap3A_1384, %swap3A_1385], %mul3A_1383 {strides = array<i32>} : memref<80x128xf32, #tpu.memory_space<vmem>>, vector<16xf32>,
          %get3A_1387 = arith.index_cast %add3A_1337 : i32 to index
          %get3A_1388 = arith.constant 112 : index
          %get3A_1389 = tpu.vector_load %arg15[%get3A_1387, %get3A_1388] {strides = array<i32>} : memref<80x128xf32, #tpu.memory_space<vmem>>, vector<16xf32>,
          %mul3A_1390 = arith.mulf %get3A_1389, %gather3A_1333 : vector<16xf32>
          %swap3A_1391 = arith.index_cast %add3A_1337 : i32 to index
          %swap3A_1392 = arith.constant 112 : index
          %swap3A_1393 = tpu.vector_load %arg15[%swap3A_1391, %swap3A_1392] {strides = array<i32>} : memref<80x128xf32, #tpu.memory_space<vmem>>, vector<16xf32>,
          tpu.vector_store %arg15[%swap3A_1391, %swap3A_1392], %mul3A_1390 {strides = array<i32>} : memref<80x128xf32, #tpu.memory_space<vmem>>, vector<16xf32>,
          %broadcast_in_dim3A_1394 = arith.constant 14 : i32
          %broadcast_in_dim3A_1395 = vector.broadcast %broadcast_in_dim3A_1394 : i32 to vector<16xi32>
          %broadcast_in_dim3A_1396 = vector.shape_cast %broadcast_in_dim3A_1395 : vector<16xi32> to vector<16x1xi32>
          %gather3A_1397 = vector.shape_cast %broadcast_in_dim3A_1396 : vector<16x1xi32> to vector<16xi32>
          %gather3A_1398 = tpu.dynamic_gather %get3A_484[%gather3A_1397] in [0] : vector<16xf32>, vector<16xi32> -> vector<16xf32>
          %mul3A_1399 = arith.constant 16 : i32
          %mul3A_1400 = arith.muli %scan3A_480, %mul3A_1399 : i32
          %add3A_1401 = arith.constant 14 : i32
          %add3A_1402 = arith.addi %mul3A_1400, %add3A_1401 : i32
          %get3A_1403 = arith.index_cast %add3A_1402 : i32 to index
          %get3A_1404 = arith.constant 0 : index
          %get3A_1405 = tpu.vector_load %arg15[%get3A_1403, %get3A_1404] {strides = array<i32>} : memref<80x128xf32, #tpu.memory_space<vmem>>, vector<16xf32>,
          %mul3A_1406 = arith.mulf %get3A_1405, %gather3A_1398 : vector<16xf32>
          %swap3A_1407 = arith.index_cast %add3A_1402 : i32 to index
          %swap3A_1408 = arith.constant 0 : index
          %swap3A_1409 = tpu.vector_load %arg15[%swap3A_1407, %swap3A_1408] {strides = array<i32>} : memref<80x128xf32, #tpu.memory_space<vmem>>, vector<16xf32>,
          tpu.vector_store %arg15[%swap3A_1407, %swap3A_1408], %mul3A_1406 {strides = array<i32>} : memref<80x128xf32, #tpu.memory_space<vmem>>, vector<16xf32>,
          %get3A_1410 = arith.index_cast %add3A_1402 : i32 to index
          %get3A_1411 = arith.constant 16 : index
          %get3A_1412 = tpu.vector_load %arg15[%get3A_1410, %get3A_1411] {strides = array<i32>} : memref<80x128xf32, #tpu.memory_space<vmem>>, vector<16xf32>,
          %mul3A_1413 = arith.mulf %get3A_1412, %gather3A_1398 : vector<16xf32>
          %swap3A_1414 = arith.index_cast %add3A_1402 : i32 to index
          %swap3A_1415 = arith.constant 16 : index
          %swap3A_1416 = tpu.vector_load %arg15[%swap3A_1414, %swap3A_1415] {strides = array<i32>} : memref<80x128xf32, #tpu.memory_space<vmem>>, vector<16xf32>,
          tpu.vector_store %arg15[%swap3A_1414, %swap3A_1415], %mul3A_1413 {strides = array<i32>} : memref<80x128xf32, #tpu.memory_space<vmem>>, vector<16xf32>,
          %get3A_1417 = arith.index_cast %add3A_1402 : i32 to index
          %get3A_1418 = arith.constant 32 : index
          %get3A_1419 = tpu.vector_load %arg15[%get3A_1417, %get3A_1418] {strides = array<i32>} : memref<80x128xf32, #tpu.memory_space<vmem>>, vector<16xf32>,
          %mul3A_1420 = arith.mulf %get3A_1419, %gather3A_1398 : vector<16xf32>
          %swap3A_1421 = arith.index_cast %add3A_1402 : i32 to index
          %swap3A_1422 = arith.constant 32 : index
          %swap3A_1423 = tpu.vector_load %arg15[%swap3A_1421, %swap3A_1422] {strides = array<i32>} : memref<80x128xf32, #tpu.memory_space<vmem>>, vector<16xf32>,
          tpu.vector_store %arg15[%swap3A_1421, %swap3A_1422], %mul3A_1420 {strides = array<i32>} : memref<80x128xf32, #tpu.memory_space<vmem>>, vector<16xf32>,
          %get3A_1424 = arith.index_cast %add3A_1402 : i32 to index
          %get3A_1425 = arith.constant 48 : index
          %get3A_1426 = tpu.vector_load %arg15[%get3A_1424, %get3A_1425] {strides = array<i32>} : memref<80x128xf32, #tpu.memory_space<vmem>>, vector<16xf32>,
          %mul3A_1427 = arith.mulf %get3A_1426, %gather3A_1398 : vector<16xf32>
          %swap3A_1428 = arith.index_cast %add3A_1402 : i32 to index
          %swap3A_1429 = arith.constant 48 : index
          %swap3A_1430 = tpu.vector_load %arg15[%swap3A_1428, %swap3A_1429] {strides = array<i32>} : memref<80x128xf32, #tpu.memory_space<vmem>>, vector<16xf32>,
          tpu.vector_store %arg15[%swap3A_1428, %swap3A_1429], %mul3A_1427 {strides = array<i32>} : memref<80x128xf32, #tpu.memory_space<vmem>>, vector<16xf32>,
          %get3A_1431 = arith.index_cast %add3A_1402 : i32 to index
          %get3A_1432 = arith.constant 64 : index
          %get3A_1433 = tpu.vector_load %arg15[%get3A_1431, %get3A_1432] {strides = array<i32>} : memref<80x128xf32, #tpu.memory_space<vmem>>, vector<16xf32>,
          %mul3A_1434 = arith.mulf %get3A_1433, %gather3A_1398 : vector<16xf32>
          %swap3A_1435 = arith.index_cast %add3A_1402 : i32 to index
          %swap3A_1436 = arith.constant 64 : index
          %swap3A_1437 = tpu.vector_load %arg15[%swap3A_1435, %swap3A_1436] {strides = array<i32>} : memref<80x128xf32, #tpu.memory_space<vmem>>, vector<16xf32>,
          tpu.vector_store %arg15[%swap3A_1435, %swap3A_1436], %mul3A_1434 {strides = array<i32>} : memref<80x128xf32, #tpu.memory_space<vmem>>, vector<16xf32>,
          %get3A_1438 = arith.index_cast %add3A_1402 : i32 to index
          %get3A_1439 = arith.constant 80 : index
          %get3A_1440 = tpu.vector_load %arg15[%get3A_1438, %get3A_1439] {strides = array<i32>} : memref<80x128xf32, #tpu.memory_space<vmem>>, vector<16xf32>,
          %mul3A_1441 = arith.mulf %get3A_1440, %gather3A_1398 : vector<16xf32>
          %swap3A_1442 = arith.index_cast %add3A_1402 : i32 to index
          %swap3A_1443 = arith.constant 80 : index
          %swap3A_1444 = tpu.vector_load %arg15[%swap3A_1442, %swap3A_1443] {strides = array<i32>} : memref<80x128xf32, #tpu.memory_space<vmem>>, vector<16xf32>,
          tpu.vector_store %arg15[%swap3A_1442, %swap3A_1443], %mul3A_1441 {strides = array<i32>} : memref<80x128xf32, #tpu.memory_space<vmem>>, vector<16xf32>,
          %get3A_1445 = arith.index_cast %add3A_1402 : i32 to index
          %get3A_1446 = arith.constant 96 : index
          %get3A_1447 = tpu.vector_load %arg15[%get3A_1445, %get3A_1446] {strides = array<i32>} : memref<80x128xf32, #tpu.memory_space<vmem>>, vector<16xf32>,
          %mul3A_1448 = arith.mulf %get3A_1447, %gather3A_1398 : vector<16xf32>
          %swap3A_1449 = arith.index_cast %add3A_1402 : i32 to index
          %swap3A_1450 = arith.constant 96 : index
          %swap3A_1451 = tpu.vector_load %arg15[%swap3A_1449, %swap3A_1450] {strides = array<i32>} : memref<80x128xf32, #tpu.memory_space<vmem>>, vector<16xf32>,
          tpu.vector_store %arg15[%swap3A_1449, %swap3A_1450], %mul3A_1448 {strides = array<i32>} : memref<80x128xf32, #tpu.memory_space<vmem>>, vector<16xf32>,
          %get3A_1452 = arith.index_cast %add3A_1402 : i32 to index
          %get3A_1453 = arith.constant 112 : index
          %get3A_1454 = tpu.vector_load %arg15[%get3A_1452, %get3A_1453] {strides = array<i32>} : memref<80x128xf32, #tpu.memory_space<vmem>>, vector<16xf32>,
          %mul3A_1455 = arith.mulf %get3A_1454, %gather3A_1398 : vector<16xf32>
          %swap3A_1456 = arith.index_cast %add3A_1402 : i32 to index
          %swap3A_1457 = arith.constant 112 : index
          %swap3A_1458 = tpu.vector_load %arg15[%swap3A_1456, %swap3A_1457] {strides = array<i32>} : memref<80x128xf32, #tpu.memory_space<vmem>>, vector<16xf32>,
          tpu.vector_store %arg15[%swap3A_1456, %swap3A_1457], %mul3A_1455 {strides = array<i32>} : memref<80x128xf32, #tpu.memory_space<vmem>>, vector<16xf32>,
          %broadcast_in_dim3A_1459 = arith.constant 15 : i32
          %broadcast_in_dim3A_1460 = vector.broadcast %broadcast_in_dim3A_1459 : i32 to vector<16xi32>
          %broadcast_in_dim3A_1461 = vector.shape_cast %broadcast_in_dim3A_1460 : vector<16xi32> to vector<16x1xi32>
          %gather3A_1462 = vector.shape_cast %broadcast_in_dim3A_1461 : vector<16x1xi32> to vector<16xi32>
          %gather3A_1463 = tpu.dynamic_gather %get3A_484[%gather3A_1462] in [0] : vector<16xf32>, vector<16xi32> -> vector<16xf32>
          %mul3A_1464 = arith.constant 16 : i32
          %mul3A_1465 = arith.muli %scan3A_480, %mul3A_1464 : i32
          %add3A_1466 = arith.constant 15 : i32
          %add3A_1467 = arith.addi %mul3A_1465, %add3A_1466 : i32
          %get3A_1468 = arith.index_cast %add3A_1467 : i32 to index
          %get3A_1469 = arith.constant 0 : index
          %get3A_1470 = tpu.vector_load %arg15[%get3A_1468, %get3A_1469] {strides = array<i32>} : memref<80x128xf32, #tpu.memory_space<vmem>>, vector<16xf32>,
          %mul3A_1471 = arith.mulf %get3A_1470, %gather3A_1463 : vector<16xf32>
          %swap3A_1472 = arith.index_cast %add3A_1467 : i32 to index
          %swap3A_1473 = arith.constant 0 : index
          %swap3A_1474 = tpu.vector_load %arg15[%swap3A_1472, %swap3A_1473] {strides = array<i32>} : memref<80x128xf32, #tpu.memory_space<vmem>>, vector<16xf32>,
          tpu.vector_store %arg15[%swap3A_1472, %swap3A_1473], %mul3A_1471 {strides = array<i32>} : memref<80x128xf32, #tpu.memory_space<vmem>>, vector<16xf32>,
          %get3A_1475 = arith.index_cast %add3A_1467 : i32 to index
          %get3A_1476 = arith.constant 16 : index
          %get3A_1477 = tpu.vector_load %arg15[%get3A_1475, %get3A_1476] {strides = array<i32>} : memref<80x128xf32, #tpu.memory_space<vmem>>, vector<16xf32>,
          %mul3A_1478 = arith.mulf %get3A_1477, %gather3A_1463 : vector<16xf32>
          %swap3A_1479 = arith.index_cast %add3A_1467 : i32 to index
          %swap3A_1480 = arith.constant 16 : index
          %swap3A_1481 = tpu.vector_load %arg15[%swap3A_1479, %swap3A_1480] {strides = array<i32>} : memref<80x128xf32, #tpu.memory_space<vmem>>, vector<16xf32>,
          tpu.vector_store %arg15[%swap3A_1479, %swap3A_1480], %mul3A_1478 {strides = array<i32>} : memref<80x128xf32, #tpu.memory_space<vmem>>, vector<16xf32>,
          %get3A_1482 = arith.index_cast %add3A_1467 : i32 to index
          %get3A_1483 = arith.constant 32 : index
          %get3A_1484 = tpu.vector_load %arg15[%get3A_1482, %get3A_1483] {strides = array<i32>} : memref<80x128xf32, #tpu.memory_space<vmem>>, vector<16xf32>,
          %mul3A_1485 = arith.mulf %get3A_1484, %gather3A_1463 : vector<16xf32>
          %swap3A_1486 = arith.index_cast %add3A_1467 : i32 to index
          %swap3A_1487 = arith.constant 32 : index
          %swap3A_1488 = tpu.vector_load %arg15[%swap3A_1486, %swap3A_1487] {strides = array<i32>} : memref<80x128xf32, #tpu.memory_space<vmem>>, vector<16xf32>,
          tpu.vector_store %arg15[%swap3A_1486, %swap3A_1487], %mul3A_1485 {strides = array<i32>} : memref<80x128xf32, #tpu.memory_space<vmem>>, vector<16xf32>,
          %get3A_1489 = arith.index_cast %add3A_1467 : i32 to index
          %get3A_1490 = arith.constant 48 : index
          %get3A_1491 = tpu.vector_load %arg15[%get3A_1489, %get3A_1490] {strides = array<i32>} : memref<80x128xf32, #tpu.memory_space<vmem>>, vector<16xf32>,
          %mul3A_1492 = arith.mulf %get3A_1491, %gather3A_1463 : vector<16xf32>
          %swap3A_1493 = arith.index_cast %add3A_1467 : i32 to index
          %swap3A_1494 = arith.constant 48 : index
          %swap3A_1495 = tpu.vector_load %arg15[%swap3A_1493, %swap3A_1494] {strides = array<i32>} : memref<80x128xf32, #tpu.memory_space<vmem>>, vector<16xf32>,
          tpu.vector_store %arg15[%swap3A_1493, %swap3A_1494], %mul3A_1492 {strides = array<i32>} : memref<80x128xf32, #tpu.memory_space<vmem>>, vector<16xf32>,
          %get3A_1496 = arith.index_cast %add3A_1467 : i32 to index
          %get3A_1497 = arith.constant 64 : index
          %get3A_1498 = tpu.vector_load %arg15[%get3A_1496, %get3A_1497] {strides = array<i32>} : memref<80x128xf32, #tpu.memory_space<vmem>>, vector<16xf32>,
          %mul3A_1499 = arith.mulf %get3A_1498, %gather3A_1463 : vector<16xf32>
          %swap3A_1500 = arith.index_cast %add3A_1467 : i32 to index
          %swap3A_1501 = arith.constant 64 : index
          %swap3A_1502 = tpu.vector_load %arg15[%swap3A_1500, %swap3A_1501] {strides = array<i32>} : memref<80x128xf32, #tpu.memory_space<vmem>>, vector<16xf32>,
          tpu.vector_store %arg15[%swap3A_1500, %swap3A_1501], %mul3A_1499 {strides = array<i32>} : memref<80x128xf32, #tpu.memory_space<vmem>>, vector<16xf32>,
          %get3A_1503 = arith.index_cast %add3A_1467 : i32 to index
          %get3A_1504 = arith.constant 80 : index
          %get3A_1505 = tpu.vector_load %arg15[%get3A_1503, %get3A_1504] {strides = array<i32>} : memref<80x128xf32, #tpu.memory_space<vmem>>, vector<16xf32>,
          %mul3A_1506 = arith.mulf %get3A_1505, %gather3A_1463 : vector<16xf32>
          %swap3A_1507 = arith.index_cast %add3A_1467 : i32 to index
          %swap3A_1508 = arith.constant 80 : index
          %swap3A_1509 = tpu.vector_load %arg15[%swap3A_1507, %swap3A_1508] {strides = array<i32>} : memref<80x128xf32, #tpu.memory_space<vmem>>, vector<16xf32>,
          tpu.vector_store %arg15[%swap3A_1507, %swap3A_1508], %mul3A_1506 {strides = array<i32>} : memref<80x128xf32, #tpu.memory_space<vmem>>, vector<16xf32>,
          %get3A_1510 = arith.index_cast %add3A_1467 : i32 to index
          %get3A_1511 = arith.constant 96 : index
          %get3A_1512 = tpu.vector_load %arg15[%get3A_1510, %get3A_1511] {strides = array<i32>} : memref<80x128xf32, #tpu.memory_space<vmem>>, vector<16xf32>,
          %mul3A_1513 = arith.mulf %get3A_1512, %gather3A_1463 : vector<16xf32>
          %swap3A_1514 = arith.index_cast %add3A_1467 : i32 to index
          %swap3A_1515 = arith.constant 96 : index
          %swap3A_1516 = tpu.vector_load %arg15[%swap3A_1514, %swap3A_1515] {strides = array<i32>} : memref<80x128xf32, #tpu.memory_space<vmem>>, vector<16xf32>,
          tpu.vector_store %arg15[%swap3A_1514, %swap3A_1515], %mul3A_1513 {strides = array<i32>} : memref<80x128xf32, #tpu.memory_space<vmem>>, vector<16xf32>,
          %get3A_1517 = arith.index_cast %add3A_1467 : i32 to index
          %get3A_1518 = arith.constant 112 : index
          %get3A_1519 = tpu.vector_load %arg15[%get3A_1517, %get3A_1518] {strides = array<i32>} : memref<80x128xf32, #tpu.memory_space<vmem>>, vector<16xf32>,
          %mul3A_1520 = arith.mulf %get3A_1519, %gather3A_1463 : vector<16xf32>
          %swap3A_1521 = arith.index_cast %add3A_1467 : i32 to index
          %swap3A_1522 = arith.constant 112 : index
          %swap3A_1523 = tpu.vector_load %arg15[%swap3A_1521, %swap3A_1522] {strides = array<i32>} : memref<80x128xf32, #tpu.memory_space<vmem>>, vector<16xf32>,
          tpu.vector_store %arg15[%swap3A_1521, %swap3A_1522], %mul3A_1520 {strides = array<i32>} : memref<80x128xf32, #tpu.memory_space<vmem>>, vector<16xf32>,
        }
        %scan3A_479 = arith.constant 5 : i32
        "tpu.region"() ({
          %run_scoped3A = tpu.sem_alloc : memref<!tpu.dma_semaphore, #tpu.memory_space<semaphore_mem>>
          %dma_start3A = arith.constant 0 : i32
          %dma_start3A_480 = arith.constant 0 : i32
          %dma_start3A_481 = tpu.memref_slice %arg21[%dma_start3A, %dma_start3A_480] : memref<10240x128xf32, #tpu.memory_space<vmem_shared>> -> memref<10240x128xf32, #tpu.memory_space<vmem_shared>>
          tpu.enqueue_indirect_dma source(%arg15 : memref<80x128xf32, #tpu.memory_space<vmem>>) target(%dma_start3A_481 : memref<10240x128xf32, #tpu.memory_space<vmem_shared>>) offsets(%arg17 : memref<80xi32, #tpu.memory_space<vmem>>) semaphore(%run_scoped3A : memref<!tpu.dma_semaphore, #tpu.memory_space<semaphore_mem>>) {add = true}
          %dma_wait3A = arith.constant 0 : i32
          %dma_wait3A_482 = arith.constant 0 : i32
          %dma_wait3A_483 = tpu.memref_slice %arg21[%dma_wait3A, %dma_wait3A_482] : memref<10240x128xf32, #tpu.memory_space<vmem_shared>> -> memref<10240x128xf32, #tpu.memory_space<vmem_shared>>
          tpu.wait_indirect_dma semaphore(%run_scoped3A : memref<!tpu.dma_semaphore, #tpu.memory_space<semaphore_mem>>) src(%arg15 : memref<80x128xf32, #tpu.memory_space<vmem>>) dst(%dma_wait3A_483 : memref<10240x128xf32, #tpu.memory_space<vmem_shared>>)
          tpu.yield
        }) : () -> ()
      }
      %scan3A_227 = arith.constant 25 : i32
    }
    %scan3A_203 = arith.constant 10 : i32
    %barrier3A_204 = arith.constant 0 : index
    tpu.barrier barrier_id(%barrier3A_204)
    %mul3A_205 = arith.constant 640 : i32
    %mul3A_206 = arith.muli %arg1, %mul3A_205 : i32
    %mul3A_207 = arith.constant 10240 : i32
    %mul3A_208 = arith.muli %add3A_105, %mul3A_207 : i32
    %mul3A_209 = arith.constant 640 : i32
    %mul3A_210 = arith.muli %arg1, %mul3A_209 : i32
    %add3A_211 = arith.addi %mul3A_208, %mul3A_210 : i32
    "tpu.region"() ({
      %run_scoped3A = tpu.sem_alloc : memref<!tpu.dma_semaphore, #tpu.memory_space<semaphore_mem>>
      %dma_start3A = arith.constant 0 : i32
      %dma_start3A_213 = tpu.memref_slice %arg8[%add3A_211, %dma_start3A] : memref<40960x128xf32, #tpu.memory_space<hbm>> -> memref<640x128xf32, #tpu.memory_space<hbm>>
      %dma_start3A_214 = arith.constant 0 : i32
      %dma_start3A_215 = tpu.memref_slice %arg21[%mul3A_206, %dma_start3A_214] : memref<10240x128xf32, #tpu.memory_space<vmem_shared>> -> memref<640x128xf32, #tpu.memory_space<vmem_shared>>
      tpu.enqueue_dma source(%dma_start3A_215 : memref<640x128xf32, #tpu.memory_space<vmem_shared>>) target(%dma_start3A_213 : memref<640x128xf32, #tpu.memory_space<hbm>>) target_semaphore(%run_scoped3A : memref<!tpu.dma_semaphore, #tpu.memory_space<semaphore_mem>>)
      %dma_wait3A = arith.constant 0 : i32
      %dma_wait3A_216 = tpu.memref_slice %arg8[%add3A_211, %dma_wait3A] : memref<40960x128xf32, #tpu.memory_space<hbm>> -> memref<640x128xf32, #tpu.memory_space<hbm>>
      %dma_wait3A_217 = arith.constant 0 : i32
      %dma_wait3A_218 = tpu.memref_slice %arg21[%mul3A_206, %dma_wait3A_217] : memref<10240x128xf32, #tpu.memory_space<vmem_shared>> -> memref<640x128xf32, #tpu.memory_space<vmem_shared>>
      tpu.wait_dma2 semaphore(%run_scoped3A : memref<!tpu.dma_semaphore, #tpu.memory_space<semaphore_mem>>) src(%dma_wait3A_218 : memref<640x128xf32, #tpu.memory_space<vmem_shared>>) dst(%dma_wait3A_216 : memref<640x128xf32, #tpu.memory_space<hbm>>)
      tpu.yield
    }) : () -> ()
    %barrier3A_212 = arith.constant 0 : index
    tpu.barrier barrier_id(%barrier3A_212)
    return
  }
}

module attributes {stable_mosaic.version = 14 : i64} {
  func.func @_proj_body(%arg0: i32, %arg1: i32, %arg2: memref<1x400x128xf32, #tpu.memory_space<vmem>>, %arg3: memref<1x400x128xf32, #tpu.memory_space<vmem>>, %arg4: memref<1x128x128xf32, #tpu.memory_space<vmem>>, %arg5: memref<1x1x128xf32, #tpu.memory_space<vmem>>, %arg6: memref<1x1x128xf32, #tpu.memory_space<vmem>>, %arg7: memref<1x400x128xf32, #tpu.memory_space<vmem>>, %arg8: memref<1x400x1xf32, #tpu.memory_space<vmem>>, %arg9: memref<1x400x1xf32, #tpu.memory_space<vmem>>) attributes {dimension_semantics = [#tpu.dimension_semantics<arbitrary>, #tpu.dimension_semantics<arbitrary>], iteration_bounds = array<i64: 4, 25>, scalar_prefetch = 0 : i64, scratch_operands = 0 : i64, tpu.core_type = #tpu.core_type<tc>, window_params = [{transform_indices = @transform_0, window_bounds = array<i64: 1, 400, 128>}, {transform_indices = @transform_1, window_bounds = array<i64: 1, 400, 128>}, {transform_indices = @transform_2, window_bounds = array<i64: 1, 128, 128>}, {transform_indices = @transform_3, window_bounds = array<i64: 1, 1, 128>}, {transform_indices = @transform_4, window_bounds = array<i64: 1, 1, 128>}, {transform_indices = @transform_5, window_bounds = array<i64: 1, 400, 128>}, {transform_indices = @transform_6, window_bounds = array<i64: 1, 400, 1>}, {transform_indices = @transform_7, window_bounds = array<i64: 1, 400, 1>}]} {
    %get3A = arith.constant 0 : index
    %get3A_0 = arith.constant 0 : index
    %get3A_1 = arith.constant 0 : index
    %get3A_2 = vector.load %arg2[%get3A, %get3A_0, %get3A_1] : memref<1x400x128xf32, #tpu.memory_space<vmem>>, vector<1x400x128xf32>
    %get3A_3 = vector.shape_cast %get3A_2 : vector<1x400x128xf32> to vector<400x128xf32>
    %get3A_4 = arith.constant 0 : index
    %get3A_5 = arith.constant 0 : index
    %get3A_6 = arith.constant 0 : index
    %get3A_7 = vector.load %arg3[%get3A_4, %get3A_5, %get3A_6] : memref<1x400x128xf32, #tpu.memory_space<vmem>>, vector<1x400x128xf32>
    %get3A_8 = vector.shape_cast %get3A_7 : vector<1x400x128xf32> to vector<400x128xf32>
    %get3A_9 = arith.constant 0 : index
    %get3A_10 = arith.constant 0 : index
    %get3A_11 = arith.constant 0 : index
    %get3A_12 = vector.load %arg4[%get3A_9, %get3A_10, %get3A_11] : memref<1x128x128xf32, #tpu.memory_space<vmem>>, vector<1x128x128xf32>
    %get3A_13 = vector.shape_cast %get3A_12 : vector<1x128x128xf32> to vector<128x128xf32>
    %dot_general3A = arith.constant dense<0.000000e+00> : vector<400x128xf32>
    %dot_general3A_14 = tpu.matmul %get3A_3, %get3A_13, %dot_general3A {dimension_numbers = #tpu.dot_dimension_numbers<[1], [0], [0], [1], [0, 0, 1, 1], [], []>, precision = #tpu.contract_precision<fp32>, transpose_lhs_hint = false} : vector<400x128xf32>, vector<128x128xf32>, vector<400x128xf32> -> vector<400x128xf32>
    %dot_general3A_15 = arith.constant dense<0.000000e+00> : vector<400x128xf32>
    %dot_general3A_16 = tpu.matmul %get3A_8, %get3A_13, %dot_general3A_15 {dimension_numbers = #tpu.dot_dimension_numbers<[1], [0], [0], [1], [0, 0, 1, 1], [], []>, precision = #tpu.contract_precision<fp32>, transpose_lhs_hint = false} : vector<400x128xf32>, vector<128x128xf32>, vector<400x128xf32> -> vector<400x128xf32>
    %swap3A = arith.constant 0 : index
    %swap3A_17 = arith.constant 0 : index
    %swap3A_18 = arith.constant 0 : index
    %swap3A_19 = vector.load %arg7[%swap3A, %swap3A_17, %swap3A_18] : memref<1x400x128xf32, #tpu.memory_space<vmem>>, vector<1x400x128xf32>
    %swap3A_20 = vector.shape_cast %swap3A_19 : vector<1x400x128xf32> to vector<400x128xf32>
    %swap3A_21 = vector.shape_cast %dot_general3A_14 : vector<400x128xf32> to vector<1x400x128xf32>
    tpu.vector_store %arg7[%swap3A, %swap3A_17, %swap3A_18], %swap3A_21 {strides = array<i32>} : memref<1x400x128xf32, #tpu.memory_space<vmem>>, vector<1x400x128xf32>,
    %get3A_22 = arith.constant 0 : index
    %get3A_23 = arith.constant 0 : index
    %get3A_24 = arith.constant 0 : index
    %get3A_25 = vector.load %arg5[%get3A_22, %get3A_23, %get3A_24] : memref<1x1x128xf32, #tpu.memory_space<vmem>>, vector<1x1x128xf32>
    %get3A_26 = vector.shape_cast %get3A_25 : vector<1x1x128xf32> to vector<128xf32>
    %broadcast_in_dim3A = vector.shape_cast %get3A_26 : vector<128xf32> to vector<1x128xf32>
    %mul3A = vector.broadcast %broadcast_in_dim3A : vector<1x128xf32> to vector<400x128xf32>
    %mul3A_27 = arith.mulf %dot_general3A_14, %mul3A : vector<400x128xf32>
    %reduce_sum3A = arith.constant dense<0.000000e+00> : vector<400xf32>
    %reduce_sum3A_28 = vector.multi_reduction <add>, %mul3A_27, %reduce_sum3A [1] : vector<400x128xf32> to vector<400xf32>
    %broadcast_in_dim3A_29 = vector.shape_cast %reduce_sum3A_28 : vector<400xf32> to vector<400x1xf32>
    %swap3A_30 = arith.constant 0 : index
    %swap3A_31 = arith.constant 0 : index
    %swap3A_32 = arith.constant 0 : index
    %swap3A_33 = vector.load %arg8[%swap3A_30, %swap3A_31, %swap3A_32] : memref<1x400x1xf32, #tpu.memory_space<vmem>>, vector<1x400x1xf32>
    %swap3A_34 = vector.shape_cast %swap3A_33 : vector<1x400x1xf32> to vector<400x1xf32>
    %swap3A_35 = vector.shape_cast %broadcast_in_dim3A_29 : vector<400x1xf32> to vector<1x400x1xf32>
    tpu.vector_store %arg8[%swap3A_30, %swap3A_31, %swap3A_32], %swap3A_35 {strides = array<i32>} : memref<1x400x1xf32, #tpu.memory_space<vmem>>, vector<1x400x1xf32>,
    %get3A_36 = arith.constant 0 : index
    %get3A_37 = arith.constant 0 : index
    %get3A_38 = arith.constant 0 : index
    %get3A_39 = vector.load %arg6[%get3A_36, %get3A_37, %get3A_38] : memref<1x1x128xf32, #tpu.memory_space<vmem>>, vector<1x1x128xf32>
    %get3A_40 = vector.shape_cast %get3A_39 : vector<1x1x128xf32> to vector<128xf32>
    %broadcast_in_dim3A_41 = vector.shape_cast %get3A_40 : vector<128xf32> to vector<1x128xf32>
    %mul3A_42 = vector.broadcast %broadcast_in_dim3A_41 : vector<1x128xf32> to vector<400x128xf32>
    %mul3A_43 = arith.mulf %dot_general3A_16, %mul3A_42 : vector<400x128xf32>
    %reduce_sum3A_44 = arith.constant dense<0.000000e+00> : vector<400xf32>
    %reduce_sum3A_45 = vector.multi_reduction <add>, %mul3A_43, %reduce_sum3A_44 [1] : vector<400x128xf32> to vector<400xf32>
    %broadcast_in_dim3A_46 = vector.shape_cast %reduce_sum3A_45 : vector<400xf32> to vector<400x1xf32>
    %swap3A_47 = arith.constant 0 : index
    %swap3A_48 = arith.constant 0 : index
    %swap3A_49 = arith.constant 0 : index
    %swap3A_50 = vector.load %arg9[%swap3A_47, %swap3A_48, %swap3A_49] : memref<1x400x1xf32, #tpu.memory_space<vmem>>, vector<1x400x1xf32>
    %swap3A_51 = vector.shape_cast %swap3A_50 : vector<1x400x1xf32> to vector<400x1xf32>
    %swap3A_52 = vector.shape_cast %broadcast_in_dim3A_46 : vector<400x1xf32> to vector<1x400x1xf32>
    tpu.vector_store %arg9[%swap3A_47, %swap3A_48, %swap3A_49], %swap3A_52 {strides = array<i32>} : memref<1x400x1xf32, #tpu.memory_space<vmem>>, vector<1x400x1xf32>,
    return
  }
  func.func @transform_0(%arg0: i32, %arg1: i32) -> (i32, i32, i32) {
    %jit3A = arith.constant 2 : i32
    %div3A = arith.divsi %arg0, %jit3A : i32
    %sign3A = arith.constant 0 : i32
    %sign3A_0 = arith.cmpi sgt, %arg0, %sign3A : i32
    %sign3A_1 = arith.extui %sign3A_0 : i1 to i32
    %sign3A_2 = arith.constant 0 : i32
    %sign3A_3 = arith.cmpi slt, %arg0, %sign3A_2 : i32
    %sign3A_4 = arith.extui %sign3A_3 : i1 to i32
    %sign3A_5 = arith.subi %sign3A_1, %sign3A_4 : i32
    %sign3A_6 = arith.constant 0 : i32
    %sign3A_7 = arith.cmpi sgt, %jit3A, %sign3A_6 : i32
    %sign3A_8 = arith.extui %sign3A_7 : i1 to i32
    %sign3A_9 = arith.constant 0 : i32
    %sign3A_10 = arith.cmpi slt, %jit3A, %sign3A_9 : i32
    %sign3A_11 = arith.extui %sign3A_10 : i1 to i32
    %sign3A_12 = arith.subi %sign3A_8, %sign3A_11 : i32
    %ne3A = arith.cmpi ne, %sign3A_5, %sign3A_12 : i32
    %rem3A = arith.remsi %arg0, %jit3A : i32
    %ne3A_13 = arith.constant 0 : i32
    %ne3A_14 = arith.cmpi ne, %rem3A, %ne3A_13 : i32
    %and3A = arith.andi %ne3A, %ne3A_14 : i1
    %sub3A = arith.constant 1 : i32
    %sub3A_15 = arith.subi %div3A, %sub3A : i32
    %select_n3A = arith.select %and3A, %sub3A_15, %div3A : i32
    %c0_i32 = arith.constant 0 : i32
    %c0_i32_16 = arith.constant 0 : i32
    return %select_n3A, %arg1, %c0_i32 : i32, i32, i32
  }
  func.func @transform_1(%arg0: i32, %arg1: i32) -> (i32, i32, i32) {
    %jit3A = arith.constant 2 : i32
    %div3A = arith.divsi %arg0, %jit3A : i32
    %sign3A = arith.constant 0 : i32
    %sign3A_0 = arith.cmpi sgt, %arg0, %sign3A : i32
    %sign3A_1 = arith.extui %sign3A_0 : i1 to i32
    %sign3A_2 = arith.constant 0 : i32
    %sign3A_3 = arith.cmpi slt, %arg0, %sign3A_2 : i32
    %sign3A_4 = arith.extui %sign3A_3 : i1 to i32
    %sign3A_5 = arith.subi %sign3A_1, %sign3A_4 : i32
    %sign3A_6 = arith.constant 0 : i32
    %sign3A_7 = arith.cmpi sgt, %jit3A, %sign3A_6 : i32
    %sign3A_8 = arith.extui %sign3A_7 : i1 to i32
    %sign3A_9 = arith.constant 0 : i32
    %sign3A_10 = arith.cmpi slt, %jit3A, %sign3A_9 : i32
    %sign3A_11 = arith.extui %sign3A_10 : i1 to i32
    %sign3A_12 = arith.subi %sign3A_8, %sign3A_11 : i32
    %ne3A = arith.cmpi ne, %sign3A_5, %sign3A_12 : i32
    %rem3A = arith.remsi %arg0, %jit3A : i32
    %ne3A_13 = arith.constant 0 : i32
    %ne3A_14 = arith.cmpi ne, %rem3A, %ne3A_13 : i32
    %and3A = arith.andi %ne3A, %ne3A_14 : i1
    %sub3A = arith.constant 1 : i32
    %sub3A_15 = arith.subi %div3A, %sub3A : i32
    %select_n3A = arith.select %and3A, %sub3A_15, %div3A : i32
    %sub3A_16 = arith.constant 1 : i32
    %sub3A_17 = arith.subi %sub3A_16, %select_n3A : i32
    %c0_i32 = arith.constant 0 : i32
    %c0_i32_18 = arith.constant 0 : i32
    return %sub3A_17, %arg1, %c0_i32 : i32, i32, i32
  }
  func.func @transform_2(%arg0: i32, %arg1: i32) -> (i32, i32, i32) {
    %c0_i32 = arith.constant 0 : i32
    %c0_i32_0 = arith.constant 0 : i32
    %c0_i32_1 = arith.constant 0 : i32
    return %arg0, %c0_i32, %c0_i32_0 : i32, i32, i32
  }
  func.func @transform_3(%arg0: i32, %arg1: i32) -> (i32, i32, i32) {
    %c0_i32 = arith.constant 0 : i32
    %c0_i32_0 = arith.constant 0 : i32
    %c0_i32_1 = arith.constant 0 : i32
    return %arg0, %c0_i32, %c0_i32_0 : i32, i32, i32
  }
  func.func @transform_4(%arg0: i32, %arg1: i32) -> (i32, i32, i32) {
    %c0_i32 = arith.constant 0 : i32
    %c0_i32_0 = arith.constant 0 : i32
    %c0_i32_1 = arith.constant 0 : i32
    return %arg0, %c0_i32, %c0_i32_0 : i32, i32, i32
  }
  func.func @transform_5(%arg0: i32, %arg1: i32) -> (i32, i32, i32) {
    %c0_i32 = arith.constant 0 : i32
    %c0_i32_0 = arith.constant 0 : i32
    return %arg0, %arg1, %c0_i32 : i32, i32, i32
  }
  func.func @transform_6(%arg0: i32, %arg1: i32) -> (i32, i32, i32) {
    %c0_i32 = arith.constant 0 : i32
    %c0_i32_0 = arith.constant 0 : i32
    return %arg0, %arg1, %c0_i32 : i32, i32, i32
  }
  func.func @transform_7(%arg0: i32, %arg1: i32) -> (i32, i32, i32) {
    %c0_i32 = arith.constant 0 : i32
    %c0_i32_0 = arith.constant 0 : i32
    return %arg0, %arg1, %c0_i32 : i32, i32, i32
  }
}

module attributes {stable_mosaic.version = 14 : i64} {
  func.func @_fuse_body(%arg0: i32, %arg1: i32, %arg2: memref<1x400x128xf32, #tpu.memory_space<vmem>>, %arg3: memref<1x400x128xf32, #tpu.memory_space<vmem>>, %arg4: memref<1x1x128xf32, #tpu.memory_space<vmem>>, %arg5: memref<1x1x128xf32, #tpu.memory_space<vmem>>, %arg6: memref<1x400x128xf32, #tpu.memory_space<vmem>>, %arg7: memref<1x128x128xf32, #tpu.memory_space<vmem>>, %arg8: memref<1x1x128xf32, #tpu.memory_space<vmem>>, %arg9: memref<1x128x128xf32, #tpu.memory_space<vmem>>, %arg10: memref<1x1x128xf32, #tpu.memory_space<vmem>>, %arg11: memref<1x1x1xf32, #tpu.memory_space<vmem>>, %arg12: memref<1x1x128xf32, #tpu.memory_space<vmem>>, %arg13: memref<1x1x128xf32, #tpu.memory_space<vmem>>, %arg14: memref<1x400x128xf32, #tpu.memory_space<vmem>>) attributes {dimension_semantics = [#tpu.dimension_semantics<arbitrary>, #tpu.dimension_semantics<arbitrary>], iteration_bounds = array<i64: 2, 25>, scalar_prefetch = 0 : i64, scratch_operands = 0 : i64, tpu.core_type = #tpu.core_type<tc>, window_params = [{transform_indices = @transform_0, window_bounds = array<i64: 1, 400, 128>}, {transform_indices = @transform_1, window_bounds = array<i64: 1, 400, 128>}, {transform_indices = @transform_2, window_bounds = array<i64: 1, 1, 128>}, {transform_indices = @transform_3, window_bounds = array<i64: 1, 1, 128>}, {transform_indices = @transform_4, window_bounds = array<i64: 1, 400, 128>}, {transform_indices = @transform_5, window_bounds = array<i64: 1, 128, 128>}, {transform_indices = @transform_6, window_bounds = array<i64: 1, 1, 128>}, {transform_indices = @transform_7, window_bounds = array<i64: 1, 128, 128>}, {transform_indices = @transform_8, window_bounds = array<i64: 1, 1, 128>}, {transform_indices = @transform_9, window_bounds = array<i64: 1, 1, 1>}, {transform_indices = @transform_10, window_bounds = array<i64: 1, 1, 128>}, {transform_indices = @transform_11, window_bounds = array<i64: 1, 1, 128>}, {transform_indices = @transform_12, window_bounds = array<i64: 1, 400, 128>}]} {
    %get3A = arith.constant 0 : index
    %get3A_0 = arith.constant 0 : index
    %get3A_1 = arith.constant 0 : index
    %get3A_2 = vector.load %arg2[%get3A, %get3A_0, %get3A_1] : memref<1x400x128xf32, #tpu.memory_space<vmem>>, vector<1x400x128xf32>
    %get3A_3 = vector.shape_cast %get3A_2 : vector<1x400x128xf32> to vector<400x128xf32>
    %get3A_4 = arith.constant 0 : index
    %get3A_5 = arith.constant 0 : index
    %get3A_6 = arith.constant 0 : index
    %get3A_7 = vector.load %arg4[%get3A_4, %get3A_5, %get3A_6] : memref<1x1x128xf32, #tpu.memory_space<vmem>>, vector<1x1x128xf32>
    %get3A_8 = vector.shape_cast %get3A_7 : vector<1x1x128xf32> to vector<128xf32>
    %broadcast_in_dim3A = vector.shape_cast %get3A_8 : vector<128xf32> to vector<1x128xf32>
    %add3A = vector.broadcast %broadcast_in_dim3A : vector<1x128xf32> to vector<400x128xf32>
    %add3A_9 = arith.addf %get3A_3, %add3A : vector<400x128xf32>
    %get3A_10 = arith.constant 0 : index
    %get3A_11 = arith.constant 0 : index
    %get3A_12 = arith.constant 0 : index
    %get3A_13 = vector.load %arg3[%get3A_10, %get3A_11, %get3A_12] : memref<1x400x128xf32, #tpu.memory_space<vmem>>, vector<1x400x128xf32>
    %get3A_14 = vector.shape_cast %get3A_13 : vector<1x400x128xf32> to vector<400x128xf32>
    %get3A_15 = arith.constant 0 : index
    %get3A_16 = arith.constant 0 : index
    %get3A_17 = arith.constant 0 : index
    %get3A_18 = vector.load %arg5[%get3A_15, %get3A_16, %get3A_17] : memref<1x1x128xf32, #tpu.memory_space<vmem>>, vector<1x1x128xf32>
    %get3A_19 = vector.shape_cast %get3A_18 : vector<1x1x128xf32> to vector<128xf32>
    %broadcast_in_dim3A_20 = vector.shape_cast %get3A_19 : vector<128xf32> to vector<1x128xf32>
    %add3A_21 = vector.broadcast %broadcast_in_dim3A_20 : vector<1x128xf32> to vector<400x128xf32>
    %add3A_22 = arith.addf %get3A_14, %add3A_21 : vector<400x128xf32>
    %add3A_23 = arith.addf %add3A_9, %add3A_22 : vector<400x128xf32>
    %mul3A = arith.mulf %add3A_9, %add3A_22 : vector<400x128xf32>
    %get3A_24 = arith.constant 0 : index
    %get3A_25 = arith.constant 0 : index
    %get3A_26 = arith.constant 0 : index
    %get3A_27 = vector.load %arg7[%get3A_24, %get3A_25, %get3A_26] : memref<1x128x128xf32, #tpu.memory_space<vmem>>, vector<1x128x128xf32>
    %get3A_28 = vector.shape_cast %get3A_27 : vector<1x128x128xf32> to vector<128x128xf32>
    %dot_general3A = arith.constant dense<0.000000e+00> : vector<400x128xf32>
    %dot_general3A_29 = tpu.matmul %mul3A, %get3A_28, %dot_general3A {dimension_numbers = #tpu.dot_dimension_numbers<[1], [0], [0], [1], [0, 0, 1, 1], [], []>, precision = #tpu.contract_precision<fp32>, transpose_lhs_hint = false} : vector<400x128xf32>, vector<128x128xf32>, vector<400x128xf32> -> vector<400x128xf32>
    %get3A_30 = arith.constant 0 : index
    %get3A_31 = arith.constant 0 : index
    %get3A_32 = arith.constant 0 : index
    %get3A_33 = vector.load %arg8[%get3A_30, %get3A_31, %get3A_32] : memref<1x1x128xf32, #tpu.memory_space<vmem>>, vector<1x1x128xf32>
    %get3A_34 = vector.shape_cast %get3A_33 : vector<1x1x128xf32> to vector<128xf32>
    %broadcast_in_dim3A_35 = vector.shape_cast %get3A_34 : vector<128xf32> to vector<1x128xf32>
    %add3A_36 = vector.broadcast %broadcast_in_dim3A_35 : vector<1x128xf32> to vector<400x128xf32>
    %add3A_37 = arith.addf %dot_general3A_29, %add3A_36 : vector<400x128xf32>
    %get3A_38 = arith.constant 0 : index
    %get3A_39 = arith.constant 0 : index
    %get3A_40 = arith.constant 0 : index
    %get3A_41 = vector.load %arg9[%get3A_38, %get3A_39, %get3A_40] : memref<1x128x128xf32, #tpu.memory_space<vmem>>, vector<1x128x128xf32>
    %get3A_42 = vector.shape_cast %get3A_41 : vector<1x128x128xf32> to vector<128x128xf32>
    %dot_general3A_43 = arith.constant dense<0.000000e+00> : vector<400x128xf32>
    %dot_general3A_44 = tpu.matmul %add3A_23, %get3A_42, %dot_general3A_43 {dimension_numbers = #tpu.dot_dimension_numbers<[1], [0], [0], [1], [0, 0, 1, 1], [], []>, precision = #tpu.contract_precision<fp32>, transpose_lhs_hint = false} : vector<400x128xf32>, vector<128x128xf32>, vector<400x128xf32> -> vector<400x128xf32>
    %get3A_45 = arith.constant 0 : index
    %get3A_46 = arith.constant 0 : index
    %get3A_47 = arith.constant 0 : index
    %get3A_48 = vector.load %arg10[%get3A_45, %get3A_46, %get3A_47] : memref<1x1x128xf32, #tpu.memory_space<vmem>>, vector<1x1x128xf32>
    %get3A_49 = vector.shape_cast %get3A_48 : vector<1x1x128xf32> to vector<128xf32>
    %broadcast_in_dim3A_50 = vector.shape_cast %get3A_49 : vector<128xf32> to vector<1x128xf32>
    %add3A_51 = vector.broadcast %broadcast_in_dim3A_50 : vector<1x128xf32> to vector<400x128xf32>
    %add3A_52 = arith.addf %dot_general3A_44, %add3A_51 : vector<400x128xf32>
    %ge3A = arith.constant 0.000000e+00 : f32
    %ge3A_53 = vector.broadcast %ge3A : f32 to vector<400x128xf32>
    %ge3A_54 = arith.cmpf oge, %add3A_37, %ge3A_53 : vector<400x128xf32>
    %mul3A_55 = arith.constant 0.00999999977 : f32
    %mul3A_56 = vector.broadcast %mul3A_55 : f32 to vector<400x128xf32>
    %mul3A_57 = arith.mulf %mul3A_56, %add3A_37 : vector<400x128xf32>
    %select_n3A = arith.select %ge3A_54, %add3A_37, %mul3A_57 : vector<400x128xi1>, vector<400x128xf32>
    %ge3A_58 = arith.constant 0.000000e+00 : f32
    %ge3A_59 = vector.broadcast %ge3A_58 : f32 to vector<400x128xf32>
    %ge3A_60 = arith.cmpf oge, %add3A_52, %ge3A_59 : vector<400x128xf32>
    %mul3A_61 = arith.constant 0.00999999977 : f32
    %mul3A_62 = vector.broadcast %mul3A_61 : f32 to vector<400x128xf32>
    %mul3A_63 = arith.mulf %mul3A_62, %add3A_52 : vector<400x128xf32>
    %select_n3A_64 = arith.select %ge3A_60, %add3A_52, %mul3A_63 : vector<400x128xi1>, vector<400x128xf32>
    %add3A_65 = arith.addf %select_n3A, %select_n3A_64 : vector<400x128xf32>
    %get3A_66 = arith.constant 0 : index
    %get3A_67 = arith.constant 0 : index
    %get3A_68 = arith.constant 0 : index
    %get3A_69 = vector.load %arg11[%get3A_66, %get3A_67, %get3A_68] : memref<1x1x1xf32, #tpu.memory_space<vmem>>, vector<1x1x1xf32>
    %get3A_70 = vector.extract %get3A_69[0, 0, 0] : f32 from vector<1x1x1xf32>
    %neg3A = arith.constant 0.000000e+00 : f32
    %neg3A_71 = arith.subf %neg3A, %get3A_70 : f32
    %exp3A = math.exp %neg3A_71 : f32
    %add3A_72 = arith.constant 1.000000e+00 : f32
    %add3A_73 = arith.addf %add3A_72, %exp3A : f32
    %div3A = arith.constant 1.000000e+00 : f32
    %div3A_74 = arith.divf %div3A, %add3A_73 : f32
    %get3A_75 = arith.constant 0 : index
    %get3A_76 = arith.constant 0 : index
    %get3A_77 = arith.constant 0 : index
    %get3A_78 = vector.load %arg6[%get3A_75, %get3A_76, %get3A_77] : memref<1x400x128xf32, #tpu.memory_space<vmem>>, vector<1x400x128xf32>
    %get3A_79 = vector.shape_cast %get3A_78 : vector<1x400x128xf32> to vector<400x128xf32>
    %mul3A_80 = vector.broadcast %div3A_74 : f32 to vector<400x128xf32>
    %mul3A_81 = arith.mulf %get3A_79, %mul3A_80 : vector<400x128xf32>
    %add3A_82 = arith.addf %add3A_65, %mul3A_81 : vector<400x128xf32>
    %reduce_sum3A = arith.constant dense<0.000000e+00> : vector<400xf32>
    %reduce_sum3A_83 = vector.multi_reduction <add>, %add3A_82, %reduce_sum3A [1] : vector<400x128xf32> to vector<400xf32>
    %broadcast_in_dim3A_84 = vector.shape_cast %reduce_sum3A_83 : vector<400xf32> to vector<400x1xf32>
    %div3A_85 = arith.constant 1.280000e+02 : f32
    %div3A_86 = vector.broadcast %div3A_85 : f32 to vector<400x1xf32>
    %div3A_87 = arith.divf %broadcast_in_dim3A_84, %div3A_86 : vector<400x1xf32>
    %sub3A = vector.broadcast %div3A_87 : vector<400x1xf32> to vector<400x128xf32>
    %sub3A_88 = arith.subf %add3A_82, %sub3A : vector<400x128xf32>
    %integer_pow3A = arith.mulf %sub3A_88, %sub3A_88 : vector<400x128xf32>
    %reduce_sum3A_89 = arith.constant dense<0.000000e+00> : vector<400xf32>
    %reduce_sum3A_90 = vector.multi_reduction <add>, %integer_pow3A, %reduce_sum3A_89 [1] : vector<400x128xf32> to vector<400xf32>
    %broadcast_in_dim3A_91 = vector.shape_cast %reduce_sum3A_90 : vector<400xf32> to vector<400x1xf32>
    %div3A_92 = arith.constant 1.280000e+02 : f32
    %div3A_93 = vector.broadcast %div3A_92 : f32 to vector<400x1xf32>
    %div3A_94 = arith.divf %broadcast_in_dim3A_91, %div3A_93 : vector<400x1xf32>
    %sub3A_95 = vector.broadcast %div3A_87 : vector<400x1xf32> to vector<400x128xf32>
    %sub3A_96 = arith.subf %add3A_82, %sub3A_95 : vector<400x128xf32>
    %add3A_97 = arith.constant 9.99999974E-6 : f32
    %add3A_98 = vector.broadcast %add3A_97 : f32 to vector<400x1xf32>
    %add3A_99 = arith.addf %div3A_94, %add3A_98 : vector<400x1xf32>
    %rsqrt3A = math.rsqrt %add3A_99 : vector<400x1xf32>
    %mul3A_100 = vector.broadcast %rsqrt3A : vector<400x1xf32> to vector<400x128xf32>
    %mul3A_101 = arith.mulf %sub3A_96, %mul3A_100 : vector<400x128xf32>
    %get3A_102 = arith.constant 0 : index
    %get3A_103 = arith.constant 0 : index
    %get3A_104 = arith.constant 0 : index
    %get3A_105 = vector.load %arg12[%get3A_102, %get3A_103, %get3A_104] : memref<1x1x128xf32, #tpu.memory_space<vmem>>, vector<1x1x128xf32>
    %get3A_106 = vector.shape_cast %get3A_105 : vector<1x1x128xf32> to vector<128xf32>
    %broadcast_in_dim3A_107 = vector.shape_cast %get3A_106 : vector<128xf32> to vector<1x128xf32>
    %mul3A_108 = vector.broadcast %broadcast_in_dim3A_107 : vector<1x128xf32> to vector<400x128xf32>
    %mul3A_109 = arith.mulf %mul3A_101, %mul3A_108 : vector<400x128xf32>
    %get3A_110 = arith.constant 0 : index
    %get3A_111 = arith.constant 0 : index
    %get3A_112 = arith.constant 0 : index
    %get3A_113 = vector.load %arg13[%get3A_110, %get3A_111, %get3A_112] : memref<1x1x128xf32, #tpu.memory_space<vmem>>, vector<1x1x128xf32>
    %get3A_114 = vector.shape_cast %get3A_113 : vector<1x1x128xf32> to vector<128xf32>
    %broadcast_in_dim3A_115 = vector.shape_cast %get3A_114 : vector<128xf32> to vector<1x128xf32>
    %add3A_116 = vector.broadcast %broadcast_in_dim3A_115 : vector<1x128xf32> to vector<400x128xf32>
    %add3A_117 = arith.addf %mul3A_109, %add3A_116 : vector<400x128xf32>
    %swap3A = arith.constant 0 : index
    %swap3A_118 = arith.constant 0 : index
    %swap3A_119 = arith.constant 0 : index
    %swap3A_120 = vector.load %arg14[%swap3A, %swap3A_118, %swap3A_119] : memref<1x400x128xf32, #tpu.memory_space<vmem>>, vector<1x400x128xf32>
    %swap3A_121 = vector.shape_cast %swap3A_120 : vector<1x400x128xf32> to vector<400x128xf32>
    %swap3A_122 = vector.shape_cast %add3A_117 : vector<400x128xf32> to vector<1x400x128xf32>
    tpu.vector_store %arg14[%swap3A, %swap3A_118, %swap3A_119], %swap3A_122 {strides = array<i32>} : memref<1x400x128xf32, #tpu.memory_space<vmem>>, vector<1x400x128xf32>,
    return
  }
  func.func @transform_0(%arg0: i32, %arg1: i32) -> (i32, i32, i32) {
    %mul3A = arith.constant 2 : i32
    %mul3A_0 = arith.muli %mul3A, %arg0 : i32
    %sub3A = arith.constant 2 : i32
    %sub3A_1 = arith.subi %sub3A, %mul3A_0 : i32
    %c0_i32 = arith.constant 0 : i32
    %c0_i32_2 = arith.constant 0 : i32
    return %sub3A_1, %arg1, %c0_i32 : i32, i32, i32
  }
  func.func @transform_1(%arg0: i32, %arg1: i32) -> (i32, i32, i32) {
    %mul3A = arith.constant 2 : i32
    %mul3A_0 = arith.muli %mul3A, %arg0 : i32
    %sub3A = arith.constant 3 : i32
    %sub3A_1 = arith.subi %sub3A, %mul3A_0 : i32
    %c0_i32 = arith.constant 0 : i32
    %c0_i32_2 = arith.constant 0 : i32
    return %sub3A_1, %arg1, %c0_i32 : i32, i32, i32
  }
  func.func @transform_2(%arg0: i32, %arg1: i32) -> (i32, i32, i32) {
    %mul3A = arith.constant 2 : i32
    %mul3A_0 = arith.muli %mul3A, %arg0 : i32
    %sub3A = arith.constant 2 : i32
    %sub3A_1 = arith.subi %sub3A, %mul3A_0 : i32
    %c0_i32 = arith.constant 0 : i32
    %c0_i32_2 = arith.constant 0 : i32
    %c0_i32_3 = arith.constant 0 : i32
    return %sub3A_1, %c0_i32, %c0_i32_2 : i32, i32, i32
  }
  func.func @transform_3(%arg0: i32, %arg1: i32) -> (i32, i32, i32) {
    %mul3A = arith.constant 2 : i32
    %mul3A_0 = arith.muli %mul3A, %arg0 : i32
    %sub3A = arith.constant 3 : i32
    %sub3A_1 = arith.subi %sub3A, %mul3A_0 : i32
    %c0_i32 = arith.constant 0 : i32
    %c0_i32_2 = arith.constant 0 : i32
    %c0_i32_3 = arith.constant 0 : i32
    return %sub3A_1, %c0_i32, %c0_i32_2 : i32, i32, i32
  }
  func.func @transform_4(%arg0: i32, %arg1: i32) -> (i32, i32, i32) {
    %c0_i32 = arith.constant 0 : i32
    %c0_i32_0 = arith.constant 0 : i32
    return %arg0, %arg1, %c0_i32 : i32, i32, i32
  }
  func.func @transform_5(%arg0: i32, %arg1: i32) -> (i32, i32, i32) {
    %c0_i32 = arith.constant 0 : i32
    %c0_i32_0 = arith.constant 0 : i32
    %c0_i32_1 = arith.constant 0 : i32
    return %arg0, %c0_i32, %c0_i32_0 : i32, i32, i32
  }
  func.func @transform_6(%arg0: i32, %arg1: i32) -> (i32, i32, i32) {
    %c0_i32 = arith.constant 0 : i32
    %c0_i32_0 = arith.constant 0 : i32
    %c0_i32_1 = arith.constant 0 : i32
    return %arg0, %c0_i32, %c0_i32_0 : i32, i32, i32
  }
  func.func @transform_7(%arg0: i32, %arg1: i32) -> (i32, i32, i32) {
    %c0_i32 = arith.constant 0 : i32
    %c0_i32_0 = arith.constant 0 : i32
    %c0_i32_1 = arith.constant 0 : i32
    return %arg0, %c0_i32, %c0_i32_0 : i32, i32, i32
  }
  func.func @transform_8(%arg0: i32, %arg1: i32) -> (i32, i32, i32) {
    %c0_i32 = arith.constant 0 : i32
    %c0_i32_0 = arith.constant 0 : i32
    %c0_i32_1 = arith.constant 0 : i32
    return %arg0, %c0_i32, %c0_i32_0 : i32, i32, i32
  }
  func.func @transform_9(%arg0: i32, %arg1: i32) -> (i32, i32, i32) {
    %c0_i32 = arith.constant 0 : i32
    %c0_i32_0 = arith.constant 0 : i32
    %c0_i32_1 = arith.constant 0 : i32
    return %arg0, %c0_i32, %c0_i32_0 : i32, i32, i32
  }
  func.func @transform_10(%arg0: i32, %arg1: i32) -> (i32, i32, i32) {
    %c0_i32 = arith.constant 0 : i32
    %c0_i32_0 = arith.constant 0 : i32
    %c0_i32_1 = arith.constant 0 : i32
    return %arg0, %c0_i32, %c0_i32_0 : i32, i32, i32
  }
  func.func @transform_11(%arg0: i32, %arg1: i32) -> (i32, i32, i32) {
    %c0_i32 = arith.constant 0 : i32
    %c0_i32_0 = arith.constant 0 : i32
    %c0_i32_1 = arith.constant 0 : i32
    return %arg0, %c0_i32, %c0_i32_0 : i32, i32, i32
  }
  func.func @transform_12(%arg0: i32, %arg1: i32) -> (i32, i32, i32) {
    %c0_i32 = arith.constant 0 : i32
    %c0_i32_0 = arith.constant 0 : i32
    return %arg0, %arg1, %c0_i32 : i32, i32, i32
  }
}

</mosaic_0001>

<sc_bundles>
// kernel: kernel.5.cloned.1.call-start
scs
__scs_entry_jumppad:
0x0: {  	(pc) =	sbr.rel $0x88, $3  }
0x1: {  	(tag) =	ssettag $0x0;
	lr =	simm.s32 $0x1  }
0x2: {  	[smem:$0x3F79] =	sst lr;
	_ =	strace $0xD0000000  }
0x3: {  	_ = 	snop  }
0x4: {  	_ = 	snop  }
0x5: {  	_ = 	snop  }
0x6: {  	_ = 	snop  }
0x7: {  	_ = 	snop  }
__scs_overlays_trampoline_lowered:
0x8: {  	[smem:$0x3F88] =	sst s0  }
0x9: {  	[smem:$0x3F89] =	sst s1  }
0xa: {  	[smem:$0x3F8A] =	sst s2  }
0xb: {  	[smem:$0x3F8B] =	sst s3  }
0xc: {  	[smem:$0x3F8C] =	sst s4  }
0xd: {  	[smem:$0x3F8D] =	sst s5  }
0xe: {  	[smem:$0x3F8E] =	sst s6  }
0xf: {  	[smem:$0x3F8F] =	sst s7  }
0x10: {  	[smem:$0x3F90] =	sst s8  }
0x11: {  	[smem:$0x3F91] =	sst s9;
	s0 =	simm.s32 @!p0 $0x0  }
0x12: {  	s1 =	sld [smem:$0x3F77];
	s0 =	simm.s32 @p0 $0x1  }
0x13: {  	[smem:$0x3F92] =	sst s0;
	s0 =	simm.s32 @!p1 $0x0  }
0x14: {  	s2 =	sld [smem:$0x3F76];
	s0 =	simm.s32 @p1 $0x1  }
0x15: {  	[smem:$0x3F93] =	sst s0;
	s0 =	simm.s32 @!p2 $0x0  }
0x16: {  	s3 =	sld [smem:$0x3FDB];
	s0 =	simm.s32 @p2 $0x1  }
0x17: {  	s4 =	simm.s32 $0x1BF5;
	[smem:$0x3F95] =	sst s0  }
0x18: {  	s0 =	sld [smem:$0x3F78];
	_ =	swait.ge [sflag:s4], $0x0  }
0x19: {  	s7 =	sld [smem:$0x3F79]  }
0x1a: {  	s8 =	sadd.s32 $0xFFFFE003, lr  }
0x1b: {  	s9 =	sadd.s32 $0xFFFFFEF7, lr;
	s5 =	simm.s32 $0xFFFFFFFF;
	p2 =	slt.u32 s8, $0xFFFFF086  }
0x1c: {  	p1 =	slt.u32 s9, $0xF7A;
	s5 =	simm.s32 @!p2 $0x0  }
0x1d: {  	s5 =	simm.s32 @p1 $0x1;
	p0 =	seq.s32 s7, s2  }
0x1e: {  	s7 =	smul.u32 @!p0 $0xF7A, s2;
	p2 =	seq.s32 @!p0 s5, $0x0  }
0x1f: {  	s9 =	smul.u32 $0xF7A, s1;
	s8 =	simm.s32 @!p0 $0x1BF5;
	p2 =	por !p2, p0  }
0x20: {  	[sflag:s8] =	ssyncset.s32 @!p0 $0xFFFFF086;
	s6 =	sadd.s32 @!p0 s3, s7;
	s7 =	simm.s32 @!p0 $0x108  }
0x21: {  	s3 =	sadd.s32 s3, s9;
	s6 =	sadd.s32 @!p0 $0x88, s6;
	s7 =	simm.s32 @p2 $0x1082  }
0x22: {  	[simem:s7], [sflag:s8] =	dma.local @!p0 [hbm:s6], $0xF7A  }
0x23: {  	s9 =	sor.u32 $0xD0000000, s2;
	s6 =	simm.s32 $0x108;
	_ =	swait.ge @!p0 [sflag:s8], $0x0  }
0x24: {  	s3 =	sadd.s32 $0x88, s3;
	s6 =	simm.s32 @!p1 $0x1082;
	[sflag:s4] =	ssyncset.s32 $0xFFFFF086  }
0x25: {  	[simem:s6], [sflag:s4] =	dma.local [hbm:s3], $0xF7A  }
0x26: {  	[smem:$0x3F79] =	sst s1;
	(tag) =	ssettag s2;
	_ =	strace s9  }
0x27: {  	s1 =	sld [smem:$0x3F89]  }
0x28: {  	s2 =	sld [smem:$0x3F8A]  }
0x29: {  	s4 =	sld [smem:$0x3F8C]  }
0x2a: {  	p0 =	seq.s32 s5, $0x0;
	s5 =	sld [smem:$0x3F8D]  }
0x2b: {  	s6 =	sld [smem:$0x3F8E]  }
0x2c: {  	s7 =	sld [smem:$0x3F8F]  }
0x2d: {  	s3 =	simm.s32 $0x108;
	s8 =	sld [smem:$0x3F90]  }
0x2e: {  	s3 =	simm.s32 @!p0 $0x1082;
	s9 =	sld [smem:$0x3F91]  }
0x2f: {  	lr =	sadd.s32 s0, s3;
	s0 =	sld [smem:$0x3F88]  }
0x30: {  	s3 =	sld [smem:$0x3F8B]  }
0x31: {  	[smem:$0x3F94] =	sst s10  }
0x32: {  	s10 =	sld [smem:$0x3F92];
	_ =	sdelay $0x3  }
0x33: {  	p0 =	seq.s32 s10, $0x1;
	s10 =	sld [smem:$0x3F94];
	_ =	sdelay $0x3  }
0x34: {  	[smem:$0x3F94] =	sst s10  }
0x35: {  	s10 =	sld [smem:$0x3F93];
	_ =	sdelay $0x3  }
0x36: {  	p1 =	seq.s32 s10, $0x1;
	s10 =	sld [smem:$0x3F94];
	_ =	sdelay $0x3  }
0x37: {  	[smem:$0x3F94] =	sst s10  }
0x38: {  	s10 =	sld [smem:$0x3F95]  }
0x39: {  	_ = 	snop;
	(pc) =	sbr.ind lr, $3  }
0x3a: {  	_ = 	snop  }
0x3b: {  	_ = 	snop  }
0x3c: {  	p2 =	seq.s32 s10, $0x1;
	s10 =	sld [smem:$0x3F94]  }
0x3d: {  	_ =	shalt  }
0x3e: {  	_ =	shalt  }
0x3f: {  	_ =	shalt  }
0x40: {  	_ =	shalt  }
0x41: {  	_ =	shalt  }
0x42: {  	_ =	shalt  }
0x43: {  	_ =	shalt  }
0x44: {  	_ =	shalt  }
0x45: {  	_ =	shalt  }
0x46: {  	_ =	shalt  }
0x47: {  	_ =	shalt  }
0x48: {  	_ =	shalt  }
0x49: {  	_ =	shalt  }
0x4a: {  	_ =	shalt  }
0x4b: {  	_ =	shalt  }
0x4c: {  	_ =	shalt  }
0x4d: {  	_ =	shalt  }
0x4e: {  	_ =	shalt  }
0x4f: {  	_ =	shalt  }
0x50: {  	_ =	shalt  }
0x51: {  	_ =	shalt  }
0x52: {  	_ =	shalt  }
0x53: {  	_ =	shalt  }
0x54: {  	_ =	shalt  }
0x55: {  	_ =	shalt  }
0x56: {  	_ =	shalt  }
0x57: {  	_ =	shalt  }
0x58: {  	_ =	shalt  }
0x59: {  	_ =	shalt  }
0x5a: {  	_ =	shalt  }
0x5b: {  	_ =	shalt  }
0x5c: {  	_ =	shalt  }
0x5d: {  	_ =	shalt  }
0x5e: {  	_ =	shalt  }
0x5f: {  	_ =	shalt  }
0x60: {  	_ =	shalt  }
0x61: {  	_ =	shalt  }
0x62: {  	_ =	shalt  }
0x63: {  	_ =	shalt  }
0x64: {  	_ =	shalt  }
0x65: {  	_ =	shalt  }
0x66: {  	_ =	shalt  }
0x67: {  	_ =	shalt  }
0x68: {  	_ =	shalt  }
0x69: {  	_ =	shalt  }
0x6a: {  	_ =	shalt  }
0x6b: {  	_ =	shalt  }
0x6c: {  	_ =	shalt  }
0x6d: {  	_ =	shalt  }
0x6e: {  	_ =	shalt  }
0x6f: {  	_ =	shalt  }
0x70: {  	_ =	shalt  }
0x71: {  	_ =	shalt  }
0x72: {  	_ =	shalt  }
0x73: {  	_ =	shalt  }
0x74: {  	_ =	shalt  }
0x75: {  	_ =	shalt  }
0x76: {  	_ =	shalt  }
0x77: {  	_ =	shalt  }
0x78: {  	_ =	shalt  }
0x79: {  	_ =	shalt  }
0x7a: {  	_ =	shalt  }
0x7b: {  	_ =	shalt  }
0x7c: {  	_ =	shalt  }
0x7d: {  	_ =	shalt  }
0x7e: {  	_ =	shalt  }
0x7f: {  	_ =	shalt  }
0x80: {  	_ =	shalt  }
0x81: {  	_ =	shalt  }
0x82: {  	_ =	shalt  }
0x83: {  	_ =	shalt  }
0x84: {  	_ =	shalt  }
0x85: {  	_ =	shalt  }
0x86: {  	_ =	shalt  }
0x87: {  	_ =	shalt  }
.Lfunc_end0:
.L_simem_size_0:
called_computation_lowered:
.L_overlay_start_0:
0x88: {  	s2 =	sld [smem:$0x3FD9]  }
0x89: {  	s3 =	sld [smem:$0x3FFE];
	_ =	sdelay $0x1  }
0x8a: {  	s1 =	srdreg.scid  }
0x8b: {  	s0 =	sand.u32 $0x1, s1  }
0x8c: {  	s17 =	sshll.u32 s0, $0xA;
	s2 =	sadd.s32 s3, s2  }
0x8d: {  	s2 =	sadd.s32 s2, s17  }
0x8e: {  	[smem:$0x3FA0] =	sst s2  }
0x8f: {  	_ = 	snop  }
0x90: {  	s2 =	sld [smem:$0x3FD0];
	(tm) =	ssettm $0x1  }
0x91: {  	s18 =	sld [smem:$0x3FFB];
	_ =	sdelay $0x3  }
0x92: {  	_ =	strace s18  }
0x93: {  	s3 =	sld [smem:$0x3FFC];
	_ =	sdelay $0x3  }
0x94: {  	_ =	strace s3  }
0x95: {  	s3 =	sld [smem:$0x3FFD];
	_ =	sdelay $0x3  }
0x96: {  	_ =	strace s3  }
0x97: {  	_ =	strace $0x8FFFFFFF  }
0x98: {  	s19 =	sld [smem:$0x3FDB];
	_ =	sdelay $0x1  }
0x99: {  	s4 =	simm.s32 $_scs_section_size  }
0x9a: {  	s5 =	simm.s32 $_size__tile_overlayer_lowered;
	s6 =	simm.s32 $_tile_overlayer_lowered  }
0x9b: {  	s22 =	simm.s32 $0x1BFF;
	s21 =	sshll.u32 s6, $0x1;
	s3 =	sadd.s32 s4, s19  }
0x9c: {  	s7 =	simm.s32 $0x0;
	s20 =	sshll.u32 s5, $0x1;
	s5 =	sadd.s32 s21, s3  }
0x9d: {  	[timem:s7], [sflag:s22] =	dma.local [hbm:s5], s20  }
0x9e: {  	_ =	swait.ge [sflag:s22], s20  }
0x9f: {  	s4 =	ssub.s32 $0x0, s20;
	[sflag:s22] =	ssyncset.done $0x0  }
0xa0: {  	[sflag:s22] =	ssyncadd.s32 s4;
	_ =	sdelay $0x1  }
0xa1: {  	s23 =	simm.s32 $0x1B8B  }
0xa2: {  	_ =	swait.ge [sflag:s23], $0x1  }
0xa3: {  	[sflag:s23] =	ssyncset.done $0x0  }
0xa4: {  	s25 =	simm.s32 $0x1B8E;
	s24 =	sld [smem:$0x3FFE];
	[sflag:s23] =	ssyncadd.s32 $0xFFFFFFFF  }
0xa5: {  	s26 =	simm.s32 $execute0_lowered;
	[smem:$0x3FD2] =	sst s25  }
0xa6: {  	s5 =	sshll.u32 s26, $0x1;
	_ =	strace $0x80000046;
	[dreg:$0x1] =	wrdreg $0xFFFFFFFF  }
0xa7: {  	s28 =	simm.s32 $_size_execute0_lowered;
	s3 =	sadd.s32 s3, s5;
	[dreg:$0x0] =	wrdreg $0x0  }
0xa8: {  	s5 =	sshll.u32 s28, $0x1;
	[dreg:$0x2] =	wrdreg s3  }
0xa9: {  	[dreg:$0x3] =	wrdreg s5  }
0xaa: {  	[dreg:$0x4] =	wrdreg $0xC0  }
0xab: {  	_ =	task [dreg:s7], $0x5FFFF  }
0xac: {  	[dreg:$0x1] =	wrdreg $0xFFFFFFFF  }
0xad: {  	[dreg:$0x0] =	wrdreg $0x60  }
0xae: {  	[dreg:$0x2] =	wrdreg s24  }
0xaf: {  	[dreg:$0x3] =	wrdreg s2  }
0xb0: {  	[dreg:$0x4] =	wrdreg $0xBA000  }
0xb1: {  	[dreg:$0x5] =	wrdreg $0xBC800  }
0xb2: {  	[dreg:$0x6] =	wrdreg $0x9  }
0xb3: {  	_ =	task.clear_ibuf [dreg:s7], $0x7FFFF;
	_ =	strace $0x90000046  }
0xb4: {  	s29 =	simm.s32 $0x9;
	_ =	strace $0x80000048  }
0xb5: {  	_ =	swait.ge [sflag:s29], $0x1  }
0xb6: {  	[sflag:s29] =	ssyncadd.s32 $0xFFFFFFFF  }
0xb7: {  	_ =	strace $0x90000048  }
0xb8: {  	_ =	sfence  }
0xb9: {  	s30 =	sld [smem:$0x0];
	_ =	sdelay $0x2  }
0xba: {  	s31 =	sshll.u32 s1, $0xD;
	s1 =	sshrl.u32 s1, $0x2  }
0xbb: {  	s3 =	sand.u32 $0x4000, s31;
	s1 =	sadd.s32 s1, s30  }
0xbc: {  	s0 =	sor.u32 s3, s0;
	s1 =	sshll.u32 s1, $0x11  }
0xbd: {  	s0 =	sor.u32 s1, s0  }
0xbe: {  	s0 =	sadd.s32 $0x8F2B, s0  }
0xbf: {  	[sflag:s0] =	ssyncadd.remote.s32 $0x1  }
0xc0: {  	_ =	sfence.sel $0xFFFF  }
0xc1: {  	[dreg:$0x0] =	wrdreg $0xFFFFFFFF;
	(pc) =	sbr.abs _section_cstart, $3  }
0xc2: {  	[dreg:$0x1] =	wrdreg $0xFFFFFFFF  }
0xc3: {  	_ =	task.clear_ibuf [dreg:s7], $0x2FFFF;
	_ =	strace $0x9FFFFFFF  }
0xc4: {  	(tm) =	ssettm $0x7FFFFFFF  }
0xc5: {  	_ =	shalt  }
tec
execute0_lowered:
.L_overlay_start_1:
0x0: {  	(tag) =	ssettag $0x1  }
0x1: {  	s6 =	rddreg [dreg:$0x0]  }
0x2: {  	s0 =	srdreg.scid;
	s1 =	rddreg [dreg:$0x2]  }
0x3: {  	v0 =	vimm.s32 $0xEDCBA987;
	v1 =	vimm.s32 $0x65432100;
	s3 =	rddreg [dreg:$0x3];
	s4 =	simm.s32 $0x0;
	v4 =	vimm.s32 $0xDCBA9876;
	s20 =	stileid.u32  }
0x4: {  	v7 =	vimm.s32 $0x32100000;
	s28 =	simm.s32 $0x2800;
	s29 =	simm.s32 $0x9000;
	s30 =	simm.s32 $0x7800  }
0x5: {  	v8 =	vimm.s32 $0xBA987654;
	vm0 =	vcmask $0x3F04;
	v9 =	vimm.s32 $0x87654321;
	s8 =	sand.u32 $0x1, s0;
	s0 =	rddreg [dreg:$0x1];
	s13 =	smul.u32 $0x4E20, s20  }
0x6: {  	vm1 =	vcmask $0x3F08;
	v10 =	vimm.s32 $0x7060504;
	s31 =	simm.s32 $0x8000;
	[smem:$0x7FF] =	sst s4;
	s16 =	smul.u32 $0x50000, s20  }
0x7: {  	vm3 =	vcmask $0x3F30;
	vm2 =	vcmask $0x3F10;
	vm4 =	vcmask $0x3F3C;
	s10 =	sadd.s32 $0x5200, s6;
	s11 =	sadd.s32 $0x6600, s6;
	s19 =	smul.u32 $0x280, s20  }
0x8: {  	v13 =	vimm.s32 $0x0;
	v14 =	vimm.s32 $0x1;
	v15 =	vimm.s32 $0x2;
	s7 =	sadd.s32 $0x7A00, s6;
	p0 =	sne.s32 s20, $0x0;
	s2 =	smul.u32 $0x4E20, s8  }
0x9: {  	v16 =	vimm.s32 $0x3;
	v17 =	vimm.s32 $0x4;
	v18 =	vimm.s32 $0x5;
	s20 =	simm.s32 $0xB880;
	s23 =	sshllo.u32 s8, $0x1;
	s9 =	smul.u32 $0x9C400, s8  }
0xa: {  	v19 =	vimm.s32 $0x6;
	v2 =	vunpack.c.l.s4.s8 v0;
	v1 =	vunpack.c.l.s4.s8 v1;
	_ =	strace $0x80000047;
	s12 =	ssub.s32 $0x2, s8;
	s14 =	smul.u32 $0x5000, s8  }
0xb: {  	v20 =	vimm.s32 $0x7;
	v21 =	vimm.s32 $0x8;
	v4 =	vunpack.c.l.s4.s8 v4;
	s8 =	sadd.s32 $0x2EC00, s6;
	s5 =	smul.u32 $0x2710, s23;
	s15 =	sshrl.u32 s12, $0x1  }
0xc: {  	v2 =	vunpack.c.0.s8.s32 v2;
	v3 =	vunpack.c.0.s8.s32 v1;
	v1 =	vimm.s32 $0x54321000;
	s16 =	sshrl.u32 s16, $0x2;
	s15 =	ssub.s32 s12, s15;
	s26 =	sshrl.u32 s14, $0x3  }
0xd: {  	v22 =	vimm.s32 $0x9;
	v0 =	vmov s2;
	v6 =	vunpack.c.l.s4.s8 v1;
	s9 =	sadd.s32 s13, s9;
	s2 =	smul.u32 $0x2800, s23;
	s17 =	sadd.s32 s10, s26  }
0xe: {  	v4 =	vunpack.c.0.s8.s32 v4;
	v5 =	vand.u32 $0xF, v2;
	v1 =	vmov s5;
	s5 =	sadd.s32 $0x13DA00, s6;
	s12 =	sadd.s32 s11, s26;
	[dreg:$0x5] =	wrdreg s17  }
0xf: {  	s6 =	sadd.s32 $0x55E00, s6;
	v3 =	vcombine.low v3, v5;
	v5 =	vunpack.c.0.s8.s32 v6;
	v6 =	vimm.s32 $0xE40000;
	[dreg:$0x6] =	wrdreg s12;
	s12 =	sadd.s32 s16, s3  }
0x10: {  	v23 =	vimm.s32 $0xA;
	v24 =	vimm.s32 $0xB;
	s17 =	smul.u32 $0x4E200, s23;
	s23 =	sadd.s32 s19, s14;
	s26 =	sadd.s32 s19, s2;
	v6 =	vunpack.c.l.s2.s4 v6  }
0x11: {  	v7 =	vunpack.c.l.s4.s8 v7;
	v8 =	vunpack.c.l.s4.s8 v8;
	v4 =	vand.u32 $0xF, v4;
	s2 =	sshrl.u32 s2, $0x3;
	s25 =	sadd.s32 $0x2800, s12;
	s18 =	sadd.s32 $0x5000, s12  }
0x12: {  	v25 =	vimm.s32 $0xC;
	s21 =	sadd.s32 $0x7800, s12;
	s24 =	sadd.s32 $0xA000, s12;
	s22 =	sadd.s32 $0xC800, s12;
	v4 =	vcombine.low v5, v4;
	v5 =	vunpack.c.l.s4.s8 v6  }
0x13: {  	s10 =	sadd.s32 s10, s2;
	s2 =	sadd.s32 s11, s2;
	[dreg:$0x7] =	wrdreg s22;
	v6 =	vunpack.c.0.s8.s32 v7;
	v7 =	vunpack.c.0.s8.s32 v8;
	v8 =	vimm.s32 $0xFFEDCBA9  }
0x14: {  	v26 =	vimm.s32 $0xD;
	v9 =	vunpack.c.l.s4.s8 v9;
	s16 =	sshll.u32 s26, $0x4;
	s19 =	sadd.s32 $0xF000, s12;
	[dreg:$0x8] =	wrdreg s10;
	v8 =	vunpack.c.l.s4.s8 v8  }
0x15: {  	v27 =	vimm.s32 $0xE;
	v28 =	vimm.s32 $0xF;
	s26 =	smax.u32 s15, $0x1;
	s11 =	simm.s32 $0x8800;
	[dreg:$0x9] =	wrdreg s2;
	v5 =	vunpack.c.0.s8.s32 v5  }
0x16: {  	v10 =	vunpack.c.0.s8.s32 v10;
	v9 =	vunpack.c.0.s8.s32 v9;
	s17 =	sadd.s32 s13, s17;
	s13 =	sshll.u32 s23, $0x4;
	[dreg:$0xa] =	wrdreg s19;
	v8 =	vunpack.c.0.s8.s32 v8  }
0x17: {  	v2 =	vimm.f32 $0.0e+00;
	s2 =	sadd.s32 s6, s16;
	s23 =	sadd.s32 $0x11800, s12;
	[dreg:$0xe] =	wrdreg s26;
	v7 =	vand.u32 $0xF, v7;
	v11 =	vand.u32 $0x3, v5  }
0x18: {  	s26 =	simm.s32 $0x1;
	s19 =	simm.s32 $0xB800;
	[dreg:$0xc] =	wrdreg s2;
	v5 =	vcombine.low v6, v7;
	v7 =	vcombine.low v9, v8;
	v8 =	vlaneseq.u32  }
0x19: {  	s10 =	simm.s32 $0x0;
	s22 =	sadd.s32 s6, s13;
	[dreg:$0xd] =	wrdreg s23;
	v6 =	vsel vm3, v10, v11;
	vm3 =	vcmask $0x3F20;
	v9 =	vor.u32 $0x10, v8  }
0x1a: {  	s2 =	simm.s32 $0x5000;
	s6 =	simm.s32 $0x50;
	[dreg:$0xb] =	wrdreg s22;
	v10 =	vor.u32 $0x20, v8;
	v11 =	vor.u32 $0x30, v8;
	v12 =	vor.u32 $0x40, v8  }
.LBB2_1:
0x1b: {  	s13 =	rddreg [dreg:$0x5]  }
0x1c: {  	[tilespmem:s4], [sflag:$0x1] =	stream.linear.gather [hbm4b:s13+s4], $0x2800, $0x38;
	[tilespmem:$0x1FC80] =	vst v63  }
0x1d: {  	_ =	swait.ge [sflag:s26], $0x2800  }
0x1e: {  	[sflag:s26] =	ssyncset.done $0x0  }
0x1f: {  	s23 =	rddreg [dreg:$0x6];
	[sflag:s26] =	ssyncadd.s32 $0xFFFFD800  }
0x20: {  	[tilespmem:s28], [sflag:$0x1] =	stream.linear.gather [hbm4b:s23+s4], $0x2800, $0x38;
	[tilespmem:$0x1FC80] =	vst v63  }
0x21: {  	_ =	swait.ge [sflag:s26], $0x2800  }
0x22: {  	[sflag:s26] =	ssyncset.done $0x0  }
0x23: {  	s14 =	simm.s32 $0x200;
	s13 =	simm.s32 $0x0;
	[sflag:s26] =	ssyncadd.s32 $0xFFFFD800  }
.LBB2_2:
0x24: {  	p1 =	sne.s32 s14, $0x9E00;
	[tilespmem:s13+$0x5070] =	vst v2  }
0x25: {  	[tilespmem:s13+$0x5000] =	vst v2  }
0x26: {  	[tilespmem:s13+$0x5010] =	vst v2  }
.Ltmp0:
0x27: {  	[tilespmem:s13+$0x5020] =	vst v2;
	(pc) =	sbr.rel @p1 .LBB2_2-.Ltmp0, $4  }
0x28: {  	[tilespmem:s13+$0x5030] =	vst v2  }
0x29: {  	[tilespmem:s13+$0x5040] =	vst v2  }
0x2a: {  	[tilespmem:s13+$0x5050] =	vst v2  }
0x2b: {  	[tilespmem:s13+$0x5060] =	vst v2;
	s13 =	sshra.s32 s14, $0x2;
	s14 =	sadd.s32 $0x200, s14  }
0x2c: {  	[tilespmem:s13+$0x5070] =	vst v2  }
0x2d: {  	[tilespmem:s13+$0x5000] =	vst v2  }
0x2e: {  	[tilespmem:s13+$0x5010] =	vst v2  }
0x2f: {  	[tilespmem:s13+$0x5020] =	vst v2  }
0x30: {  	[tilespmem:s13+$0x5030] =	vst v2  }
0x31: {  	[tilespmem:s13+$0x5040] =	vst v2  }
0x32: {  	[tilespmem:s13+$0x5050] =	vst v2  }
0x33: {  	[tilespmem:s13+$0x5060] =	vst v2;
	s13 =	simm.s32 @!p0 $0x5000  }
0x34: {  	[spmem:s1] =	stream.linear.scatter @!p0 [tilespmem:s13], [sflag:$0x1], $0x2800, $0x38;
	[tilespmem:$0x1FC80] =	vst v63  }
0x35: {  	s13 =	simm.s32 @!p0 $0x1  }
0x36: {  	_ =	swait.ge @!p0 [sflag:s13], $0x2800  }
0x37: {  	[sflag:s13] =	ssyncset.done @!p0 $0x0  }
0x38: {  	s14 =	simm.s32 $0x200;
	[sflag:s13] =	ssyncadd.s32 @!p0 $0xFFFFD800;
	s13 =	simm.s32 $0x0  }
.LBB2_4:
0x39: {  	p1 =	sne.s32 s14, $0x9E00;
	[tilespmem:s13+$0x9070] =	vst v2  }
0x3a: {  	[tilespmem:s13+$0x9000] =	vst v2  }
0x3b: {  	[tilespmem:s13+$0x9010] =	vst v2  }
.Ltmp1:
0x3c: {  	[tilespmem:s13+$0x9020] =	vst v2;
	(pc) =	sbr.rel @p1 .LBB2_4-.Ltmp1, $4  }
0x3d: {  	[tilespmem:s13+$0x9030] =	vst v2  }
0x3e: {  	[tilespmem:s13+$0x9040] =	vst v2  }
0x3f: {  	[tilespmem:s13+$0x9050] =	vst v2  }
0x40: {  	[tilespmem:s13+$0x9060] =	vst v2;
	s13 =	sshra.s32 s14, $0x2;
	s14 =	sadd.s32 $0x200, s14  }
0x41: {  	[tilespmem:s13+$0x9070] =	vst v2  }
0x42: {  	[tilespmem:s13+$0x9000] =	vst v2  }
0x43: {  	[tilespmem:s13+$0x9010] =	vst v2  }
0x44: {  	[tilespmem:s13+$0x9020] =	vst v2  }
0x45: {  	[tilespmem:s13+$0x9030] =	vst v2  }
0x46: {  	[tilespmem:s13+$0x9040] =	vst v2  }
0x47: {  	[tilespmem:s13+$0x9050] =	vst v2  }
0x48: {  	[tilespmem:s13+$0x9060] =	vst v2  }
0x49: {  	[spmem:s12] =	stream.linear.scatter [tilespmem:s29], [sflag:$0x1], $0x2800, $0x38;
	[tilespmem:$0x1FC80] =	vst v63  }
0x4a: {  	_ =	swait.ge [sflag:s26], $0x2800  }
0x4b: {  	[sflag:s26] =	ssyncset.done $0x0  }
0x4c: {  	[sflag:s26] =	ssyncadd.s32 $0xFFFFD800  }
0x4d: {  	[spmem:s25] =	stream.linear.scatter [tilespmem:s29], [sflag:$0x1], $0x2800, $0x38;
	[tilespmem:$0x1FC80] =	vst v63  }
0x4e: {  	_ =	swait.ge [sflag:s26], $0x2800  }
0x4f: {  	[sflag:s26] =	ssyncset.done $0x0  }
0x50: {  	[sflag:s26] =	ssyncadd.s32 $0xFFFFD800  }
0x51: {  	[spmem:s18] =	stream.linear.scatter [tilespmem:s29], [sflag:$0x1], $0x2800, $0x38;
	[tilespmem:$0x1FC80] =	vst v63  }
0x52: {  	_ =	swait.ge [sflag:s26], $0x2800  }
0x53: {  	[sflag:s26] =	ssyncset.done $0x0  }
0x54: {  	[sflag:s26] =	ssyncadd.s32 $0xFFFFD800  }
0x55: {  	[spmem:s21] =	stream.linear.scatter [tilespmem:s29], [sflag:$0x1], $0x2800, $0x38;
	[tilespmem:$0x1FC80] =	vst v63  }
0x56: {  	_ =	swait.ge [sflag:s26], $0x2800  }
0x57: {  	[sflag:s26] =	ssyncset.done $0x0  }
0x58: {  	[sflag:s26] =	ssyncadd.s32 $0xFFFFD800  }
0x59: {  	[spmem:s24] =	stream.linear.scatter [tilespmem:s29], [sflag:$0x1], $0x2800, $0x38;
	[tilespmem:$0x1FC80] =	vst v63  }
0x5a: {  	_ =	swait.ge [sflag:s26], $0x2800  }
0x5b: {  	[sflag:s26] =	ssyncset.done $0x0  }
0x5c: {  	s16 =	rddreg [dreg:$0x7];
	[sflag:s26] =	ssyncadd.s32 $0xFFFFD800  }
0x5d: {  	[spmem:s16] =	stream.linear.scatter [tilespmem:s29], [sflag:$0x1], $0x2800, $0x38;
	[tilespmem:$0x1FC80] =	vst v63  }
0x5e: {  	_ =	swait.ge [sflag:s26], $0x2800  }
0x5f: {  	[sflag:s26] =	ssyncset.done $0x0  }
0x60: {  	s22 =	rddreg [dreg:$0xa];
	[sflag:s26] =	ssyncadd.s32 $0xFFFFD800  }
0x61: {  	[spmem:s22] =	stream.linear.scatter [tilespmem:s29], [sflag:$0x1], $0x2800, $0x38;
	[tilespmem:$0x1FC80] =	vst v63  }
0x62: {  	_ =	swait.ge [sflag:s26], $0x2800  }
0x63: {  	[sflag:s26] =	ssyncset.done $0x0  }
0x64: {  	s23 =	rddreg [dreg:$0xd];
	[sflag:s26] =	ssyncadd.s32 $0xFFFFD800  }
0x65: {  	[spmem:s23] =	stream.linear.scatter [tilespmem:s29], [sflag:$0x1], $0x2800, $0x38;
	[tilespmem:$0x1FC80] =	vst v63  }
0x66: {  	_ =	swait.ge [sflag:s26], $0x2800  }
0x67: {  	[sflag:s26] =	ssyncset.done $0x0  }
0x68: {  	[sflag:s26] =	ssyncadd.s32 $0xFFFFD800  }
0x69: {  	s13 =	simm.s32 $0x0;
	s14 =	simm.s32 $0x0;
	[bflag:$0x0] =	sbarrier.arrive $0xFFFF  }
.LBB2_6:
0x6a: {  	s15 =	smul.u32 $0x7D0, s14;
	_ =	sdelay $0x1  }
0x6b: {  	s15 =	sadd.s32 s9, s15  }
0x6c: {  	s15 =	sshrl.u32 s15, $0x3  }
0x6d: {  	s16 =	sadd.s32 s0, s15  }
0x6e: {  	[tilespmem:s30], [sflag:$0x1] =	stream.linear.gather [hbm4b:s16+s13], $0x7D0, $0x38;
	[tilespmem:$0x1FC80] =	vst v63  }
0x6f: {  	_ =	swait.ge [sflag:s26], $0x7D0  }
0x70: {  	[sflag:s26] =	ssyncset.done $0x0  }
0x71: {  	s15 =	sadd.s32 s7, s15;
	[sflag:s26] =	ssyncadd.s32 $0xFFFFF830  }
0x72: {  	[tilespmem:s31], [sflag:$0x1] =	stream.linear.gather [hbm4b:s15+s13], $0x7D0, $0x38;
	[tilespmem:$0x1FC80] =	vst v63  }
0x73: {  	_ =	swait.ge [sflag:s26], $0x7D0  }
0x74: {  	[sflag:s26] =	ssyncset.done $0x0  }
0x75: {  	s16 =	simm.s32 $0x0;
	[sflag:s26] =	ssyncadd.s32 $0xFFFFF830  }
0x76: {  	s15 =	simm.s32 $0x40;
	v29 =	vld [tilespmem:s16+$0x7800]  }
.LBB2_7:
0x77: {  	p1 =	sne.s32 s15, $0x1F00;
	v30 =	vld [tilespmem:s16+$0x8000];
	_ =	sdelay $0x6  }
0x78: {  	v29 =	vld.idx.msk [tilespmem:v29+s4+$0x0], $0xffff  }
0x79: {  	v31 =	vld.idx.msk [tilespmem:v30+s28+$0x0], $0xffff;
	_ =	sdelay $0x5  }
0x7a: {  	v29 =	vadd.f32 v31, v29;
	_ =	sdelay $0x1  }
0x7b: {  	v31 =	vmul.f32 $2.000000030e-01, v29  }
0x7c: {  	vm5 =	vge.f32 v29, $0.0e+00  }
0x7d: {  	v29 =	vsel vm5, v29, v31  }
0x7e: {  	v29 =	vmul.f32 $1.442695020e+00, v29;
	_ =	sdelay $0x1  }
0x7f: {  	(erf) = vpow2.f32 v29;
	_ =	sdelay $0x8  }
0x80: {  	v29 =	vxor.u32 $0x80000000, v30;
	v30 =	vpop (erf)  }
0x81: {  	(xrf1) =	vsort.ascd.msk.u32 $0xffff, v29, v30;
	_ =	sdelay $0xd  }
0x82: {  	v29, v30, _ =	vpop (xrf1)  }
0x83: {  	v29 =	vxor.u32 $0x80000000, v29  }
0x84: {  	v32 =	vperm.xlane v30, v3;
	v31 =	vperm.xlane v29, v3;
	_ =	sdelay $0x1  }
0x85: {  	vm5 =	veq.s32 v31, v29;
	v31 =	vadd.f32 v30, v32  }
0x86: {  	vm5 =	vmand vm5, vm0  }
0x87: {  	v30 =	vsel vm5, v31, v30  }
0x88: {  	v31 =	vperm.xlane v29, v4;
	v32 =	vperm.xlane v30, v4;
	_ =	sdelay $0x1  }
0x89: {  	vm5 =	veq.s32 v31, v29;
	v31 =	vadd.f32 v30, v32  }
0x8a: {  	vm5 =	vmand vm5, vm1  }
0x8b: {  	v30 =	vsel vm5, v31, v30  }
0x8c: {  	v31 =	vperm.xlane v29, v5;
	v32 =	vperm.xlane v30, v5;
	_ =	sdelay $0x1  }
0x8d: {  	vm5 =	veq.s32 v31, v29;
	v31 =	vadd.f32 v30, v32  }
0x8e: {  	vm5 =	vmand vm5, vm2;
	v32 =	vperm.xlane v29, v7  }
0x8f: {  	v30 =	vsel vm5, v31, v30;
	v31 =	vld.idx.msk [tilespmem:v29+s2+$0x0], $0xffff  }
0x90: {  	v33 =	vperm.xlane v29, v6;
	vm5 =	vne.s32 v32, v29;
	v34 =	vperm.xlane v30, v6  }
0x91: {  	vm5 =	vmor vm5, vm4  }
0x92: {  	vm6 =	veq.s32 v33, v29;
	v32 =	vadd.f32 v30, v34  }
0x93: {  	vm6 =	vmand vm6, vm3  }
.Ltmp2:
0x94: {  	v30 =	vsel vm6, v32, v30;
	(pc) =	sbr.rel @p1 .LBB2_7-.Ltmp2, $3  }
0x95: {  	v30 =	vadd.f32 v30, v31;
	_ =	sdelay $0x1  }
0x96: {  	s16 =	sshra.s32 s15, $0x2;
	[tilespmem:v29+s2+$0x0] =	vst.idx.msk vm5, v30  }
0x97: {  	s15 =	sadd.s32 $0x40, s15;
	v29 =	vld [tilespmem:s16+$0x7800]  }
0x98: {  	_ = 	snop  }
0x99: {  	v30 =	vld [tilespmem:s16+$0x8000];
	_ =	sdelay $0x6  }
0x9a: {  	v29 =	vld.idx.msk [tilespmem:v29+s4+$0x0], $0xffff  }
0x9b: {  	v31 =	vld.idx.msk [tilespmem:v30+s28+$0x0], $0xffff;
	_ =	sdelay $0x4  }
0x9c: {  	v29 =	vadd.f32 v31, v29;
	_ =	sdelay $0x1  }
0x9d: {  	v31 =	vmul.f32 $2.000000030e-01, v29  }
0x9e: {  	vm5 =	vge.f32 v29, $0.0e+00  }
0x9f: {  	v29 =	vsel vm5, v29, v31  }
0xa0: {  	v29 =	vmul.f32 $1.442695020e+00, v29;
	_ =	sdelay $0x1  }
0xa1: {  	(erf) = vpow2.f32 v29;
	_ =	sdelay $0x8  }
0xa2: {  	v29 =	vxor.u32 $0x80000000, v30;
	v30 =	vpop (erf)  }
0xa3: {  	(xrf1) =	vsort.ascd.msk.u32 $0xffff, v29, v30;
	_ =	sdelay $0xd  }
0xa4: {  	v29, v30, _ =	vpop (xrf1)  }
0xa5: {  	v29 =	vxor.u32 $0x80000000, v29  }
0xa6: {  	v32 =	vperm.xlane v30, v3;
	v31 =	vperm.xlane v29, v3;
	_ =	sdelay $0x1  }
0xa7: {  	vm5 =	veq.s32 v31, v29;
	v31 =	vadd.f32 v30, v32  }
0xa8: {  	vm5 =	vmand vm5, vm0  }
0xa9: {  	v30 =	vsel vm5, v31, v30  }
0xaa: {  	v31 =	vperm.xlane v29, v4;
	v60 =	vperm.xlane v30, v4;
	_ =	sdelay $0x1  }
0xab: {  	vm5 =	veq.s32 v31, v29;
	v31 =	vadd.f32 v30, v60  }
0xac: {  	vm5 =	vmand vm5, vm1  }
0xad: {  	v30 =	vsel vm5, v31, v30  }
0xae: {  	v31 =	vperm.xlane v29, v5;
	v61 =	vperm.xlane v30, v5;
	_ =	sdelay $0x1  }
0xaf: {  	vm5 =	veq.s32 v31, v29;
	v31 =	vadd.f32 v30, v61  }
0xb0: {  	v62 =	vperm.xlane v29, v7;
	vm5 =	vmand vm5, vm2  }
0xb1: {  	v30 =	vsel vm5, v31, v30  }
0xb2: {  	v33 =	vperm.xlane v29, v6;
	v31 =	vld.idx.msk [tilespmem:v29+s2+$0x0], $0xffff;
	vm5 =	vne.s32 v62, v29;
	v34 =	vperm.xlane v30, v6  }
0xb3: {  	s14 =	sadd.s32 $0x1, s14;
	vm5 =	vmor vm5, vm4  }
0xb4: {  	p1 =	sne.s32 s14, $0xA;
	vm6 =	veq.s32 v33, v29;
	v63 =	vadd.f32 v30, v34  }
.Ltmp3:
0xb5: {  	vm6 =	vmand vm6, vm3;
	(pc) =	sbr.rel @p1 .LBB2_6-.Ltmp3, $3  }
0xb6: {  	v30 =	vsel vm6, v63, v30  }
0xb7: {  	v30 =	vadd.f32 v30, v31;
	_ =	sdelay $0x1  }
0xb8: {  	[tilespmem:v29+s2+$0x0] =	vst.idx.msk vm5, v30  }
0xb9: {  	[tilespmem:$0xB980] =	vst v8  }
0xba: {  	[tilespmem:$0xB990] =	vst v9  }
0xbb: {  	[tilespmem:$0xB9A0] =	vst v10  }
0xbc: {  	[tilespmem:$0xB9B0] =	vst v11  }
0xbd: {  	[tilespmem:$0xB9C0] =	vst v12;
	s13 =	simm.s32 $0xB980  }
0xbe: {  	[spmem:s1] =	stream.indirect.scatter.add.f32 [tilespmem:s2], [sflag:$0x1], $0x80, s13, s6, $0xb8;
	[tilespmem:$0x1FC80] =	vst v63  }
0xbf: {  	_ =	swait.ge [sflag:s26], $0x2800  }
0xc0: {  	[sflag:s26] =	ssyncset.done $0x0  }
0xc1: {  	[sflag:s26] =	ssyncadd.s32 $0xFFFFD800  }
0xc2: {  	[bflag:$0x0] =	sbarrier.arrive $0xFFFF  }
0xc3: {  	[tilespmem:s2], [sflag:$0x1] =	stream.linear.gather [spmem:s1], $0x2800, $0x38;
	[tilespmem:$0x1FC80] =	vst v63  }
0xc4: {  	_ =	swait.ge [sflag:s26], $0x2800  }
0xc5: {  	[sflag:s26] =	ssyncset.done $0x0  }
0xc6: {  	s22 =	simm.s32 $0x0;
	s23 =	simm.s32 $0x0;
	[sflag:s26] =	ssyncadd.s32 $0xFFFFD800  }
.LBB2_10:
0xc7: {  	s13 =	smul.u32 $0x7D0, s23;
	_ =	sdelay $0x1  }
0xc8: {  	s13 =	sadd.s32 s9, s13  }
0xc9: {  	s13 =	sshrl.u32 s13, $0x3  }
0xca: {  	s14 =	sadd.s32 s0, s13  }
0xcb: {  	[tilespmem:s30], [sflag:$0x1] =	stream.linear.gather [hbm4b:s14+s22], $0x7D0, $0x38;
	[tilespmem:$0x1FC80] =	vst v63  }
0xcc: {  	_ =	swait.ge [sflag:s26], $0x7D0  }
0xcd: {  	[sflag:s26] =	ssyncset.done $0x0  }
0xce: {  	s16 =	sadd.s32 s7, s13;
	[sflag:s26] =	ssyncadd.s32 $0xFFFFF830  }
0xcf: {  	[tilespmem:s31], [sflag:$0x1] =	stream.linear.gather [hbm4b:s16+s22], $0x7D0, $0x38;
	[tilespmem:$0x1FC80] =	vst v63  }
0xd0: {  	_ =	swait.ge [sflag:s26], $0x7D0  }
0xd1: {  	[sflag:s26] =	ssyncset.done $0x0  }
0xd2: {  	s13 =	sadd.s32 s8, s13;
	[sflag:s26] =	ssyncadd.s32 $0xFFFFF830  }
0xd3: {  	[tilespmem:s11], [sflag:$0x1] =	stream.linear.gather [hbm4b:s13+s22], $0x7D0, $0x38;
	[tilespmem:$0x1FC80] =	vst v63  }
0xd4: {  	_ =	swait.ge [sflag:s26], $0x7D0  }
0xd5: {  	[sflag:s26] =	ssyncset.done $0x0  }
0xd6: {  	s13 =	simm.s32 $0x0;
	[sflag:s26] =	ssyncadd.s32 $0xFFFFF830  }
.LBB2_11:
0xd7: {  	s15 =	smul.u32 $0x50, s13;
	_ =	sdelay $0x1  }
0xd8: {  	v29 =	vld [tilespmem:s15+$0x7800];
	_ =	sdelay $0x4  }
0xd9: {  	v29 =	vadd.s32 v0, v29  }
0xda: {  	[tilespmem:$0xB800] =	vst v29  }
0xdb: {  	v29 =	vld [tilespmem:s15+$0x8000];
	_ =	sdelay $0x4  }
0xdc: {  	[tilespmem:$0xB880] =	vst v29  }
0xdd: {  	v29 =	vld [tilespmem:s15+$0x7810];
	_ =	sdelay $0x4  }
0xde: {  	v29 =	vadd.s32 v0, v29  }
0xdf: {  	[tilespmem:$0xB810] =	vst v29  }
0xe0: {  	v29 =	vld [tilespmem:s15+$0x8010];
	_ =	sdelay $0x4  }
0xe1: {  	[tilespmem:$0xB890] =	vst v29  }
0xe2: {  	v29 =	vld [tilespmem:s15+$0x7820];
	_ =	sdelay $0x4  }
0xe3: {  	v29 =	vadd.s32 v0, v29  }
0xe4: {  	[tilespmem:$0xB820] =	vst v29  }
0xe5: {  	v29 =	vld [tilespmem:s15+$0x8020];
	_ =	sdelay $0x4  }
0xe6: {  	[tilespmem:$0xB8A0] =	vst v29  }
0xe7: {  	v29 =	vld [tilespmem:s15+$0x7830];
	_ =	sdelay $0x4  }
0xe8: {  	v29 =	vadd.s32 v0, v29  }
0xe9: {  	[tilespmem:$0xB830] =	vst v29  }
0xea: {  	v29 =	vld [tilespmem:s15+$0x8030];
	_ =	sdelay $0x4  }
0xeb: {  	[tilespmem:$0xB8B0] =	vst v29  }
0xec: {  	v29 =	vld [tilespmem:s15+$0x7840];
	_ =	sdelay $0x4  }
0xed: {  	v29 =	vadd.s32 v0, v29  }
0xee: {  	[tilespmem:$0xB840] =	vst v29  }
0xef: {  	v29 =	vld [tilespmem:s15+$0x8040];
	_ =	sdelay $0x4  }
0xf0: {  	[tilespmem:$0xB8C0] =	vst v29  }
0xf1: {  	[tilespmem:s29], [sflag:$0x1] =	stream.indirect.gather [hbm4b:s5+s6], $0x80, s19, s6, $0xb8;
	[tilespmem:$0x1FC80] =	vst v63  }
0xf2: {  	_ =	swait.ge [sflag:s26], $0x2800  }
0xf3: {  	[sflag:s26] =	ssyncset.done $0x0  }
0xf4: {  	[sflag:s26] =	ssyncadd.s32 $0xFFFFD800  }
0xf5: {  	v29 =	vld [tilespmem:s15+$0x7800]  }
0xf6: {  	v30 =	vld [tilespmem:s15+$0x8000];
	_ =	sdelay $0x5  }
0xf7: {  	s14 =	simm.s32 $0x0  }
0xf8: {  	v29 =	vld.idx.msk [tilespmem:v29+s14+$0x0], $0xffff  }
0xf9: {  	v31 =	vld.idx.msk [tilespmem:v30+s28+$0x0], $0xffff;
	_ =	sdelay $0x4  }
0xfa: {  	v29 =	vadd.f32 v31, v29;
	_ =	sdelay $0x1  }
0xfb: {  	v30 =	vld.idx.msk [tilespmem:v30+s2+$0x0], $0xffff;
	v31 =	vmul.f32 $2.000000030e-01, v29  }
0xfc: {  	vm5 =	vge.f32 v29, $0.0e+00  }
0xfd: {  	v29 =	vsel vm5, v29, v31  }
0xfe: {  	v29 =	vmul.f32 $1.442695020e+00, v29;
	_ =	sdelay $0x1  }
0xff: {  	(erf) = vpow2.f32 v29;
	v29 =	vmax.f32 v30, $1.000000000e-30  }
0x100: {  	(erf) = vrcp.f32 v29;
	_ =	sdelay $0x6  }
0x101: {  	v29 =	vld [tilespmem:s15+$0x8800]  }
0x102: {  	v30 =	vpop (erf)  }
0x103: {  	v31 =	vpop (erf)  }
0x104: {  	v30 =	vmul.f32 v30, v31;
	_ =	sdelay $0x1  }
0x105: {  	v29 =	vmul.f32 v30, v29;
	_ =	sdelay $0x1  }
0x106: {  	[tilespmem:$0xB900] =	vst v29  }
0x107: {  	v29 =	vld [tilespmem:s15+$0x7810]  }
0x108: {  	v30 =	vld [tilespmem:s15+$0x8010];
	_ =	sdelay $0x6  }
0x109: {  	v29 =	vld.idx.msk [tilespmem:v29+s14+$0x0], $0xffff  }
0x10a: {  	v31 =	vld.idx.msk [tilespmem:v30+s28+$0x0], $0xffff;
	_ =	sdelay $0x4  }
0x10b: {  	v29 =	vadd.f32 v31, v29;
	_ =	sdelay $0x1  }
0x10c: {  	v30 =	vld.idx.msk [tilespmem:v30+s2+$0x0], $0xffff;
	v31 =	vmul.f32 $2.000000030e-01, v29  }
0x10d: {  	vm5 =	vge.f32 v29, $0.0e+00  }
0x10e: {  	v29 =	vsel vm5, v29, v31  }
0x10f: {  	v29 =	vmul.f32 $1.442695020e+00, v29;
	_ =	sdelay $0x1  }
0x110: {  	(erf) = vpow2.f32 v29;
	v29 =	vmax.f32 v30, $1.000000000e-30  }
0x111: {  	(erf) = vrcp.f32 v29;
	_ =	sdelay $0x6  }
0x112: {  	v29 =	vld [tilespmem:s15+$0x8810]  }
0x113: {  	v30 =	vpop (erf)  }
0x114: {  	v31 =	vpop (erf)  }
0x115: {  	v30 =	vmul.f32 v30, v31;
	_ =	sdelay $0x1  }
0x116: {  	v29 =	vmul.f32 v30, v29;
	_ =	sdelay $0x1  }
0x117: {  	[tilespmem:$0xB910] =	vst v29  }
0x118: {  	v29 =	vld [tilespmem:s15+$0x7820]  }
0x119: {  	v30 =	vld [tilespmem:s15+$0x8020];
	_ =	sdelay $0x6  }
0x11a: {  	v29 =	vld.idx.msk [tilespmem:v29+s14+$0x0], $0xffff  }
0x11b: {  	v31 =	vld.idx.msk [tilespmem:v30+s28+$0x0], $0xffff;
	_ =	sdelay $0x4  }
0x11c: {  	v29 =	vadd.f32 v31, v29;
	_ =	sdelay $0x1  }
0x11d: {  	v30 =	vld.idx.msk [tilespmem:v30+s2+$0x0], $0xffff;
	v31 =	vmul.f32 $2.000000030e-01, v29  }
0x11e: {  	vm5 =	vge.f32 v29, $0.0e+00  }
0x11f: {  	v29 =	vsel vm5, v29, v31  }
0x120: {  	v29 =	vmul.f32 $1.442695020e+00, v29;
	_ =	sdelay $0x1  }
0x121: {  	(erf) = vpow2.f32 v29;
	v29 =	vmax.f32 v30, $1.000000000e-30  }
0x122: {  	(erf) = vrcp.f32 v29;
	_ =	sdelay $0x6  }
0x123: {  	v29 =	vld [tilespmem:s15+$0x8820]  }
0x124: {  	v30 =	vpop (erf)  }
0x125: {  	v31 =	vpop (erf)  }
0x126: {  	v30 =	vmul.f32 v30, v31;
	_ =	sdelay $0x1  }
0x127: {  	v29 =	vmul.f32 v30, v29;
	_ =	sdelay $0x1  }
0x128: {  	[tilespmem:$0xB920] =	vst v29  }
0x129: {  	v29 =	vld [tilespmem:s15+$0x7830]  }
0x12a: {  	v30 =	vld [tilespmem:s15+$0x8030];
	_ =	sdelay $0x6  }
0x12b: {  	v29 =	vld.idx.msk [tilespmem:v29+s14+$0x0], $0xffff  }
0x12c: {  	v31 =	vld.idx.msk [tilespmem:v30+s28+$0x0], $0xffff;
	_ =	sdelay $0x4  }
0x12d: {  	v29 =	vadd.f32 v31, v29;
	_ =	sdelay $0x1  }
0x12e: {  	v30 =	vld.idx.msk [tilespmem:v30+s2+$0x0], $0xffff;
	v31 =	vmul.f32 $2.000000030e-01, v29  }
0x12f: {  	vm5 =	vge.f32 v29, $0.0e+00  }
0x130: {  	v29 =	vsel vm5, v29, v31  }
0x131: {  	v29 =	vmul.f32 $1.442695020e+00, v29;
	_ =	sdelay $0x1  }
0x132: {  	(erf) = vpow2.f32 v29;
	v29 =	vmax.f32 v30, $1.000000000e-30  }
0x133: {  	(erf) = vrcp.f32 v29;
	_ =	sdelay $0x6  }
0x134: {  	v29 =	vld [tilespmem:s15+$0x8830]  }
0x135: {  	v30 =	vpop (erf)  }
0x136: {  	v31 =	vpop (erf)  }
0x137: {  	v30 =	vmul.f32 v30, v31;
	_ =	sdelay $0x1  }
0x138: {  	v29 =	vmul.f32 v30, v29;
	_ =	sdelay $0x1  }
0x139: {  	[tilespmem:$0xB930] =	vst v29  }
0x13a: {  	v29 =	vld [tilespmem:s15+$0x7840]  }
0x13b: {  	v30 =	vld [tilespmem:s15+$0x8040];
	_ =	sdelay $0x6  }
0x13c: {  	v29 =	vld.idx.msk [tilespmem:v29+s14+$0x0], $0xffff  }
0x13d: {  	v31 =	vld.idx.msk [tilespmem:v30+s28+$0x0], $0xffff;
	_ =	sdelay $0x4  }
0x13e: {  	v29 =	vadd.f32 v31, v29;
	_ =	sdelay $0x1  }
0x13f: {  	v30 =	vld.idx.msk [tilespmem:v30+s2+$0x0], $0xffff;
	v31 =	vmul.f32 $2.000000030e-01, v29  }
0x140: {  	vm5 =	vge.f32 v29, $0.0e+00  }
0x141: {  	v29 =	vsel vm5, v29, v31  }
0x142: {  	v29 =	vmul.f32 $1.442695020e+00, v29;
	_ =	sdelay $0x1  }
0x143: {  	(erf) = vpow2.f32 v29;
	v29 =	vmax.f32 v30, $1.000000000e-30  }
0x144: {  	(erf) = vrcp.f32 v29;
	_ =	sdelay $0x6  }
0x145: {  	v29 =	vld [tilespmem:s15+$0x8840]  }
0x146: {  	v30 =	vpop (erf)  }
0x147: {  	v31 =	vpop (erf)  }
0x148: {  	v30 =	vmul.f32 v30, v31;
	_ =	sdelay $0x1  }
0x149: {  	v29 =	vmul.f32 v30, v29;
	_ =	sdelay $0x1  }
0x14a: {  	[tilespmem:$0xB940] =	vst v29  }
.LBB2_12:
0x14b: {  	s15 =	sshll.u32 s14, $0x4  }
0x14c: {  	s15 =	sand.u32 $0x3FFFFFF0, s15  }
0x14d: {  	s16 =	sshll.u32 s14, $0xB;
	v29 =	vld [tilespmem:s15+$0xB900]  }
0x14e: {  	s15 =	sand.u32 $0x3FFFF800, s16  }
0x14f: {  	v30 =	vld [tilespmem:s15+$0x9000]  }
0x150: {  	v31 =	vld [tilespmem:s15+$0x9010]  }
0x151: {  	v32 =	vld [tilespmem:s15+$0x9020]  }
0x152: {  	v34 =	vld [tilespmem:s15+$0x9030];
	v33 =	vperm.xlane v29, v13  }
0x153: {  	v35 =	vld [tilespmem:s15+$0x9040]  }
0x154: {  	v36 =	vld [tilespmem:s15+$0x9050];
	v30 =	vmul.f32 v30, v33  }
0x155: {  	v37 =	vld [tilespmem:s15+$0x9060];
	v31 =	vmul.f32 v31, v33  }
0x156: {  	v50 =	vld [tilespmem:s15+$0x9070];
	[tilespmem:s15+$0x9000] =	vst v30;
	v30 =	vmul.f32 v32, v33  }
0x157: {  	v51 =	vld [tilespmem:s15+$0x9080];
	[tilespmem:s15+$0x9010] =	vst v31;
	v31 =	vmul.f32 v34, v33  }
0x158: {  	v52 =	vld [tilespmem:s15+$0x9090];
	[tilespmem:s15+$0x9020] =	vst v30;
	v30 =	vmul.f32 v35, v33  }
0x159: {  	v53 =	vld [tilespmem:s15+$0x90A0];
	[tilespmem:s15+$0x9030] =	vst v31;
	v31 =	vmul.f32 v36, v33  }
0x15a: {  	v38 =	vld [tilespmem:s15+$0x90B0];
	v54 =	vperm.xlane v29, v14;
	[tilespmem:s15+$0x9040] =	vst v30;
	v30 =	vmul.f32 v37, v33  }
0x15b: {  	v55 =	vld [tilespmem:s15+$0x90C0];
	[tilespmem:s15+$0x9050] =	vst v31;
	v31 =	vmul.f32 v50, v33  }
0x15c: {  	v56 =	vld [tilespmem:s15+$0x90D0];
	[tilespmem:s15+$0x9060] =	vst v30;
	v30 =	vmul.f32 v51, v54  }
0x15d: {  	v57 =	vld [tilespmem:s15+$0x90E0];
	[tilespmem:s15+$0x9070] =	vst v31;
	v31 =	vmul.f32 v52, v54  }
0x15e: {  	v58 =	vld [tilespmem:s15+$0x90F0];
	[tilespmem:s15+$0x9080] =	vst v30;
	v30 =	vmul.f32 v53, v54  }
0x15f: {  	v59 =	vld [tilespmem:s15+$0x9100];
	[tilespmem:s15+$0x9090] =	vst v31;
	v31 =	vmul.f32 v38, v54  }
0x160: {  	v60 =	vld [tilespmem:s15+$0x9110];
	[tilespmem:s15+$0x90A0] =	vst v30;
	v30 =	vmul.f32 v55, v54  }
0x161: {  	v61 =	vld [tilespmem:s15+$0x9120];
	[tilespmem:s15+$0x90B0] =	vst v31;
	v31 =	vmul.f32 v56, v54  }
0x162: {  	v63 =	vld [tilespmem:s15+$0x9130];
	v62 =	vperm.xlane v29, v15;
	[tilespmem:s15+$0x90C0] =	vst v30;
	v30 =	vmul.f32 v57, v54  }
0x163: {  	v40 =	vld [tilespmem:s15+$0x9140];
	[tilespmem:s15+$0x90D0] =	vst v31;
	v31 =	vmul.f32 v58, v54  }
0x164: {  	v41 =	vld [tilespmem:s15+$0x9150];
	[tilespmem:s15+$0x90E0] =	vst v30;
	v30 =	vmul.f32 v59, v62  }
0x165: {  	v42 =	vld [tilespmem:s15+$0x9160];
	[tilespmem:s15+$0x90F0] =	vst v31;
	v31 =	vmul.f32 v60, v62  }
0x166: {  	v43 =	vld [tilespmem:s15+$0x9170];
	[tilespmem:s15+$0x9100] =	vst v30;
	v30 =	vmul.f32 v61, v62  }
0x167: {  	v44 =	vld [tilespmem:s15+$0x9180];
	[tilespmem:s15+$0x9110] =	vst v31;
	v31 =	vmul.f32 v63, v62  }
0x168: {  	v45 =	vld [tilespmem:s15+$0x9190];
	[tilespmem:s15+$0x9120] =	vst v30;
	v30 =	vmul.f32 v40, v62  }
0x169: {  	v46 =	vld [tilespmem:s15+$0x91A0];
	[tilespmem:s15+$0x9130] =	vst v31;
	v31 =	vmul.f32 v41, v62  }
0x16a: {  	v48 =	vld [tilespmem:s15+$0x91B0];
	v47 =	vperm.xlane v29, v16;
	[tilespmem:s15+$0x9140] =	vst v30;
	v30 =	vmul.f32 v42, v62  }
0x16b: {  	v49 =	vld [tilespmem:s15+$0x91C0];
	[tilespmem:s15+$0x9150] =	vst v31;
	v31 =	vmul.f32 v43, v62  }
0x16c: {  	v50 =	vld [tilespmem:s15+$0x91D0];
	[tilespmem:s15+$0x9160] =	vst v30;
	v30 =	vmul.f32 v44, v47  }
0x16d: {  	v51 =	vld [tilespmem:s15+$0x91E0];
	[tilespmem:s15+$0x9170] =	vst v31;
	v31 =	vmul.f32 v45, v47  }
0x16e: {  	v52 =	vld [tilespmem:s15+$0x91F0];
	[tilespmem:s15+$0x9180] =	vst v30;
	v30 =	vmul.f32 v46, v47  }
0x16f: {  	v53 =	vld [tilespmem:s15+$0x9200];
	[tilespmem:s15+$0x9190] =	vst v31;
	v31 =	vmul.f32 v48, v47  }
0x170: {  	v54 =	vld [tilespmem:s15+$0x9210];
	[tilespmem:s15+$0x91A0] =	vst v30;
	v30 =	vmul.f32 v49, v47  }
0x171: {  	v55 =	vld [tilespmem:s15+$0x9220];
	[tilespmem:s15+$0x91B0] =	vst v31;
	v31 =	vmul.f32 v50, v47  }
0x172: {  	v56 =	vperm.xlane v29, v17;
	v57 =	vld [tilespmem:s15+$0x9230];
	[tilespmem:s15+$0x91C0] =	vst v30;
	v30 =	vmul.f32 v51, v47  }
0x173: {  	v58 =	vld [tilespmem:s15+$0x9240];
	[tilespmem:s15+$0x91D0] =	vst v31;
	v31 =	vmul.f32 v52, v47  }
0x174: {  	v59 =	vld [tilespmem:s15+$0x9250];
	[tilespmem:s15+$0x91E0] =	vst v30;
	v30 =	vmul.f32 v53, v56  }
0x175: {  	v60 =	vld [tilespmem:s15+$0x9260];
	[tilespmem:s15+$0x91F0] =	vst v31;
	v31 =	vmul.f32 v54, v56  }
0x176: {  	v61 =	vld [tilespmem:s15+$0x9270];
	[tilespmem:s15+$0x9200] =	vst v30;
	v30 =	vmul.f32 v55, v56  }
0x177: {  	v62 =	vld [tilespmem:s15+$0x9280];
	[tilespmem:s15+$0x9210] =	vst v31;
	v31 =	vmul.f32 v57, v56  }
0x178: {  	v63 =	vld [tilespmem:s15+$0x9290];
	[tilespmem:s15+$0x9220] =	vst v30;
	v30 =	vmul.f32 v58, v56  }
0x179: {  	v40 =	vld [tilespmem:s15+$0x92A0];
	[tilespmem:s15+$0x9230] =	vst v31;
	v31 =	vmul.f32 v59, v56  }
0x17a: {  	v41 =	vperm.xlane v29, v18;
	v42 =	vld [tilespmem:s15+$0x92B0];
	[tilespmem:s15+$0x9240] =	vst v30;
	v30 =	vmul.f32 v60, v56  }
0x17b: {  	v43 =	vld [tilespmem:s15+$0x92C0];
	[tilespmem:s15+$0x9250] =	vst v31;
	v31 =	vmul.f32 v61, v56  }
0x17c: {  	v44 =	vld [tilespmem:s15+$0x92D0];
	[tilespmem:s15+$0x9260] =	vst v30;
	v30 =	vmul.f32 v62, v41  }
0x17d: {  	v45 =	vld [tilespmem:s15+$0x92E0];
	[tilespmem:s15+$0x9270] =	vst v31;
	v31 =	vmul.f32 v63, v41  }
0x17e: {  	v46 =	vld [tilespmem:s15+$0x92F0];
	[tilespmem:s15+$0x9280] =	vst v30;
	v30 =	vmul.f32 v40, v41  }
0x17f: {  	v47 =	vld [tilespmem:s15+$0x9300];
	[tilespmem:s15+$0x9290] =	vst v31;
	v31 =	vmul.f32 v42, v41  }
0x180: {  	v48 =	vld [tilespmem:s15+$0x9310];
	[tilespmem:s15+$0x92A0] =	vst v30;
	v30 =	vmul.f32 v43, v41  }
0x181: {  	v49 =	vld [tilespmem:s15+$0x9320];
	[tilespmem:s15+$0x92B0] =	vst v31;
	v31 =	vmul.f32 v44, v41  }
0x182: {  	v50 =	vperm.xlane v29, v19;
	v51 =	vld [tilespmem:s15+$0x9330];
	[tilespmem:s15+$0x92C0] =	vst v30;
	v30 =	vmul.f32 v45, v41  }
0x183: {  	v52 =	vld [tilespmem:s15+$0x9340];
	[tilespmem:s15+$0x92D0] =	vst v31;
	v31 =	vmul.f32 v46, v41  }
0x184: {  	v53 =	vld [tilespmem:s15+$0x9350];
	[tilespmem:s15+$0x92E0] =	vst v30;
	v30 =	vmul.f32 v47, v50  }
0x185: {  	v54 =	vld [tilespmem:s15+$0x9360];
	[tilespmem:s15+$0x92F0] =	vst v31;
	v31 =	vmul.f32 v48, v50  }
0x186: {  	v55 =	vld [tilespmem:s15+$0x9370];
	[tilespmem:s15+$0x9300] =	vst v30;
	v30 =	vmul.f32 v49, v50  }
0x187: {  	v56 =	vld [tilespmem:s15+$0x9380];
	[tilespmem:s15+$0x9310] =	vst v31;
	v31 =	vmul.f32 v51, v50  }
0x188: {  	v57 =	vld [tilespmem:s15+$0x9390];
	[tilespmem:s15+$0x9320] =	vst v30;
	v30 =	vmul.f32 v52, v50  }
0x189: {  	v58 =	vld [tilespmem:s15+$0x93A0];
	[tilespmem:s15+$0x9330] =	vst v31;
	v31 =	vmul.f32 v53, v50  }
0x18a: {  	v59 =	vperm.xlane v29, v20;
	v60 =	vld [tilespmem:s15+$0x93B0];
	[tilespmem:s15+$0x9340] =	vst v30;
	v30 =	vmul.f32 v54, v50  }
0x18b: {  	v61 =	vld [tilespmem:s15+$0x93C0];
	[tilespmem:s15+$0x9350] =	vst v31;
	v31 =	vmul.f32 v55, v50  }
0x18c: {  	v62 =	vld [tilespmem:s15+$0x93D0];
	[tilespmem:s15+$0x9360] =	vst v30;
	v30 =	vmul.f32 v56, v59  }
0x18d: {  	v63 =	vld [tilespmem:s15+$0x93E0];
	[tilespmem:s15+$0x9370] =	vst v31;
	v31 =	vmul.f32 v57, v59  }
0x18e: {  	v40 =	vld [tilespmem:s15+$0x93F0];
	[tilespmem:s15+$0x9380] =	vst v30;
	v30 =	vmul.f32 v58, v59  }
0x18f: {  	v41 =	vld [tilespmem:s15+$0x9400];
	[tilespmem:s15+$0x9390] =	vst v31;
	v31 =	vmul.f32 v60, v59  }
0x190: {  	v42 =	vld [tilespmem:s15+$0x9410];
	[tilespmem:s15+$0x93A0] =	vst v30;
	v30 =	vmul.f32 v61, v59  }
0x191: {  	v43 =	vld [tilespmem:s15+$0x9420];
	[tilespmem:s15+$0x93B0] =	vst v31;
	v31 =	vmul.f32 v62, v59  }
0x192: {  	v44 =	vperm.xlane v29, v21;
	v45 =	vld [tilespmem:s15+$0x9430];
	[tilespmem:s15+$0x93C0] =	vst v30;
	v30 =	vmul.f32 v63, v59  }
0x193: {  	v46 =	vld [tilespmem:s15+$0x9440];
	[tilespmem:s15+$0x93D0] =	vst v31;
	v31 =	vmul.f32 v40, v59  }
0x194: {  	v47 =	vld [tilespmem:s15+$0x9450];
	[tilespmem:s15+$0x93E0] =	vst v30;
	v30 =	vmul.f32 v41, v44  }
0x195: {  	v48 =	vld [tilespmem:s15+$0x9460];
	[tilespmem:s15+$0x93F0] =	vst v31;
	v31 =	vmul.f32 v42, v44  }
0x196: {  	v49 =	vld [tilespmem:s15+$0x9470];
	[tilespmem:s15+$0x9400] =	vst v30;
	v30 =	vmul.f32 v43, v44  }
0x197: {  	v50 =	vld [tilespmem:s15+$0x9480];
	[tilespmem:s15+$0x9410] =	vst v31;
	v31 =	vmul.f32 v45, v44  }
0x198: {  	v51 =	vld [tilespmem:s15+$0x9490];
	[tilespmem:s15+$0x9420] =	vst v30;
	v30 =	vmul.f32 v46, v44  }
0x199: {  	v52 =	vld [tilespmem:s15+$0x94A0];
	[tilespmem:s15+$0x9430] =	vst v31;
	v31 =	vmul.f32 v47, v44  }
0x19a: {  	v53 =	vperm.xlane v29, v22;
	v54 =	vld [tilespmem:s15+$0x94B0];
	[tilespmem:s15+$0x9440] =	vst v30;
	v30 =	vmul.f32 v48, v44  }
0x19b: {  	v55 =	vld [tilespmem:s15+$0x94C0];
	[tilespmem:s15+$0x9450] =	vst v31;
	v31 =	vmul.f32 v49, v44  }
0x19c: {  	v56 =	vld [tilespmem:s15+$0x94D0];
	[tilespmem:s15+$0x9460] =	vst v30;
	v30 =	vmul.f32 v50, v53  }
0x19d: {  	v57 =	vld [tilespmem:s15+$0x94E0];
	[tilespmem:s15+$0x9470] =	vst v31;
	v31 =	vmul.f32 v51, v53  }
0x19e: {  	v58 =	vld [tilespmem:s15+$0x94F0];
	[tilespmem:s15+$0x9480] =	vst v30;
	v30 =	vmul.f32 v52, v53  }
0x19f: {  	v59 =	vld [tilespmem:s15+$0x9500];
	[tilespmem:s15+$0x9490] =	vst v31;
	v31 =	vmul.f32 v54, v53  }
0x1a0: {  	v60 =	vld [tilespmem:s15+$0x9510];
	[tilespmem:s15+$0x94A0] =	vst v30;
	v30 =	vmul.f32 v55, v53  }
0x1a1: {  	v61 =	vld [tilespmem:s15+$0x9520];
	[tilespmem:s15+$0x94B0] =	vst v31;
	v31 =	vmul.f32 v56, v53  }
0x1a2: {  	v62 =	vperm.xlane v29, v23;
	v63 =	vld [tilespmem:s15+$0x9530];
	[tilespmem:s15+$0x94C0] =	vst v30;
	v30 =	vmul.f32 v57, v53  }
0x1a3: {  	v40 =	vld [tilespmem:s15+$0x9540];
	[tilespmem:s15+$0x94D0] =	vst v31;
	v31 =	vmul.f32 v58, v53  }
0x1a4: {  	v41 =	vld [tilespmem:s15+$0x9550];
	[tilespmem:s15+$0x94E0] =	vst v30;
	v30 =	vmul.f32 v59, v62  }
0x1a5: {  	v42 =	vld [tilespmem:s15+$0x9560];
	[tilespmem:s15+$0x94F0] =	vst v31;
	v31 =	vmul.f32 v60, v62  }
0x1a6: {  	v43 =	vld [tilespmem:s15+$0x9570];
	[tilespmem:s15+$0x9500] =	vst v30;
	v30 =	vmul.f32 v61, v62  }
0x1a7: {  	v44 =	vld [tilespmem:s15+$0x9580];
	[tilespmem:s15+$0x9510] =	vst v31;
	v31 =	vmul.f32 v63, v62  }
0x1a8: {  	v45 =	vld [tilespmem:s15+$0x9590];
	[tilespmem:s15+$0x9520] =	vst v30;
	v30 =	vmul.f32 v40, v62  }
0x1a9: {  	v46 =	vld [tilespmem:s15+$0x95A0];
	[tilespmem:s15+$0x9530] =	vst v31;
	v31 =	vmul.f32 v41, v62  }
0x1aa: {  	v47 =	vperm.xlane v29, v24;
	v48 =	vld [tilespmem:s15+$0x95B0];
	[tilespmem:s15+$0x9540] =	vst v30;
	v30 =	vmul.f32 v42, v62  }
0x1ab: {  	v49 =	vld [tilespmem:s15+$0x95C0];
	[tilespmem:s15+$0x9550] =	vst v31;
	v31 =	vmul.f32 v43, v62  }
0x1ac: {  	v50 =	vld [tilespmem:s15+$0x95D0];
	[tilespmem:s15+$0x9560] =	vst v30;
	v30 =	vmul.f32 v44, v47  }
0x1ad: {  	v51 =	vld [tilespmem:s15+$0x95E0];
	[tilespmem:s15+$0x9570] =	vst v31;
	v31 =	vmul.f32 v45, v47  }
0x1ae: {  	v52 =	vld [tilespmem:s15+$0x95F0];
	[tilespmem:s15+$0x9580] =	vst v30;
	v30 =	vmul.f32 v46, v47  }
0x1af: {  	v53 =	vld [tilespmem:s15+$0x9600];
	[tilespmem:s15+$0x9590] =	vst v31;
	v31 =	vmul.f32 v48, v47  }
0x1b0: {  	v54 =	vld [tilespmem:s15+$0x9610];
	[tilespmem:s15+$0x95A0] =	vst v30;
	v30 =	vmul.f32 v49, v47  }
0x1b1: {  	v55 =	vld [tilespmem:s15+$0x9620];
	[tilespmem:s15+$0x95B0] =	vst v31;
	v31 =	vmul.f32 v50, v47  }
0x1b2: {  	v56 =	vperm.xlane v29, v25;
	v57 =	vld [tilespmem:s15+$0x9630];
	[tilespmem:s15+$0x95C0] =	vst v30;
	v30 =	vmul.f32 v51, v47  }
0x1b3: {  	v58 =	vld [tilespmem:s15+$0x9640];
	[tilespmem:s15+$0x95D0] =	vst v31;
	v31 =	vmul.f32 v52, v47  }
0x1b4: {  	v59 =	vld [tilespmem:s15+$0x9650];
	[tilespmem:s15+$0x95E0] =	vst v30;
	v30 =	vmul.f32 v53, v56  }
0x1b5: {  	v60 =	vld [tilespmem:s15+$0x9660];
	[tilespmem:s15+$0x95F0] =	vst v31;
	v31 =	vmul.f32 v54, v56  }
0x1b6: {  	v61 =	vld [tilespmem:s15+$0x9670];
	[tilespmem:s15+$0x9600] =	vst v30;
	v30 =	vmul.f32 v55, v56  }
0x1b7: {  	v62 =	vld [tilespmem:s15+$0x9680];
	[tilespmem:s15+$0x9610] =	vst v31;
	v31 =	vmul.f32 v57, v56  }
0x1b8: {  	v63 =	vld [tilespmem:s15+$0x9690];
	[tilespmem:s15+$0x9620] =	vst v30;
	v30 =	vmul.f32 v58, v56  }
0x1b9: {  	v40 =	vld [tilespmem:s15+$0x96A0];
	[tilespmem:s15+$0x9630] =	vst v31;
	v31 =	vmul.f32 v59, v56  }
0x1ba: {  	v41 =	vperm.xlane v29, v26;
	v42 =	vld [tilespmem:s15+$0x96B0];
	[tilespmem:s15+$0x9640] =	vst v30;
	v30 =	vmul.f32 v60, v56  }
0x1bb: {  	v43 =	vld [tilespmem:s15+$0x96C0];
	[tilespmem:s15+$0x9650] =	vst v31;
	v31 =	vmul.f32 v61, v56  }
0x1bc: {  	v44 =	vld [tilespmem:s15+$0x96D0];
	[tilespmem:s15+$0x9660] =	vst v30;
	v30 =	vmul.f32 v62, v41  }
0x1bd: {  	v45 =	vld [tilespmem:s15+$0x96E0];
	[tilespmem:s15+$0x9670] =	vst v31;
	v31 =	vmul.f32 v63, v41  }
0x1be: {  	v46 =	vld [tilespmem:s15+$0x96F0];
	[tilespmem:s15+$0x9680] =	vst v30;
	v30 =	vmul.f32 v40, v41  }
0x1bf: {  	v47 =	vld [tilespmem:s15+$0x9700];
	[tilespmem:s15+$0x9690] =	vst v31;
	v31 =	vmul.f32 v42, v41  }
0x1c0: {  	v48 =	vld [tilespmem:s15+$0x9710];
	[tilespmem:s15+$0x96A0] =	vst v30;
	v30 =	vmul.f32 v43, v41  }
0x1c1: {  	v49 =	vld [tilespmem:s15+$0x9720];
	[tilespmem:s15+$0x96B0] =	vst v31;
	v31 =	vmul.f32 v44, v41  }
0x1c2: {  	v50 =	vperm.xlane v29, v27;
	v51 =	vld [tilespmem:s15+$0x9730];
	[tilespmem:s15+$0x96C0] =	vst v30;
	v30 =	vmul.f32 v45, v41  }
0x1c3: {  	v52 =	vld [tilespmem:s15+$0x9740];
	[tilespmem:s15+$0x96D0] =	vst v31;
	v31 =	vmul.f32 v46, v41  }
0x1c4: {  	v53 =	vld [tilespmem:s15+$0x9750];
	[tilespmem:s15+$0x96E0] =	vst v30;
	v30 =	vmul.f32 v47, v50  }
0x1c5: {  	v54 =	vld [tilespmem:s15+$0x9760];
	[tilespmem:s15+$0x96F0] =	vst v31;
	v31 =	vmul.f32 v48, v50  }
0x1c6: {  	v55 =	vld [tilespmem:s15+$0x9770];
	[tilespmem:s15+$0x9700] =	vst v30;
	v30 =	vmul.f32 v49, v50  }
0x1c7: {  	v56 =	vld [tilespmem:s15+$0x9780];
	[tilespmem:s15+$0x9710] =	vst v31;
	v31 =	vmul.f32 v51, v50  }
0x1c8: {  	v57 =	vld [tilespmem:s15+$0x9790];
	[tilespmem:s15+$0x9720] =	vst v30;
	v30 =	vmul.f32 v52, v50  }
0x1c9: {  	v58 =	vld [tilespmem:s15+$0x97A0];
	[tilespmem:s15+$0x9730] =	vst v31;
	v31 =	vmul.f32 v53, v50  }
0x1ca: {  	v29 =	vperm.xlane v29, v28;
	v59 =	vld [tilespmem:s15+$0x97B0];
	[tilespmem:s15+$0x9740] =	vst v30;
	v30 =	vmul.f32 v54, v50  }
0x1cb: {  	v60 =	vld [tilespmem:s15+$0x97C0];
	[tilespmem:s15+$0x9750] =	vst v31;
	v31 =	vmul.f32 v55, v50  }
0x1cc: {  	v61 =	vld [tilespmem:s15+$0x97D0];
	[tilespmem:s15+$0x9760] =	vst v30;
	v30 =	vmul.f32 v56, v29  }
0x1cd: {  	v62 =	vld [tilespmem:s15+$0x97E0];
	[tilespmem:s15+$0x9770] =	vst v31;
	v31 =	vmul.f32 v57, v29  }
0x1ce: {  	v63 =	vld [tilespmem:s15+$0x97F0];
	[tilespmem:s15+$0x9780] =	vst v30;
	v30 =	vmul.f32 v58, v29  }
0x1cf: {  	[tilespmem:s15+$0x9790] =	vst v31;
	v31 =	vmul.f32 v59, v29  }
0x1d0: {  	p1 =	sne.s32 s14, $0x4;
	[tilespmem:s15+$0x97A0] =	vst v30;
	v30 =	vmul.f32 v60, v29  }
.Ltmp4:
0x1d1: {  	[tilespmem:s15+$0x97B0] =	vst v31;
	v31 =	vmul.f32 v61, v29;
	(pc) =	sbr.rel @p1 .LBB2_12-.Ltmp4, $4  }
0x1d2: {  	[tilespmem:s15+$0x97C0] =	vst v30;
	v30 =	vmul.f32 v62, v29  }
0x1d3: {  	[tilespmem:s15+$0x97D0] =	vst v31;
	v29 =	vmul.f32 v63, v29  }
0x1d4: {  	[tilespmem:s15+$0x97E0] =	vst v30  }
0x1d5: {  	s14 =	sadd.s32 $0x1, s14;
	[tilespmem:s15+$0x97F0] =	vst v29  }
0x1d6: {  	s13 =	sadd.s32 $0x1, s13  }
0x1d7: {  	p1 =	sne.s32 s13, $0x19  }
.Ltmp5:
0x1d8: {  	_ = 	snop;
	(pc) =	sbr.rel @p1 .LBB2_11-.Ltmp5, $4  }
0x1d9: {  	[spmem:s3] =	stream.indirect.scatter.add.f32 [tilespmem:s29], [sflag:$0x1], $0x80, s20, s6, $0xb8;
	[tilespmem:$0x1FC80] =	vst v63  }
0x1da: {  	_ =	swait.ge [sflag:s26], $0x2800  }
0x1db: {  	[sflag:s26] =	ssyncset.done $0x0  }
0x1dc: {  	[sflag:s26] =	ssyncadd.s32 $0xFFFFD800  }
0x1dd: {  	s23 =	sadd.s32 $0x1, s23  }
0x1de: {  	p1 =	sne.s32 s23, $0xA  }
.Ltmp6:
0x1df: {  	_ = 	snop;
	(pc) =	sbr.rel @p1 .LBB2_10-.Ltmp6, $1  }
0x1e0: {  	_ =	sdelay $0x3  }
0x1e1: {  	s13 =	stileid.u32  }
0x1e2: {  	[bflag:$0x0] =	sbarrier.arrive $0xFFFF;
	s13 =	sshll.u32 s13, $0x6  }
0x1e3: {  	s22 =	rddreg [dreg:$0xb];
	s14 =	sor.u32 $0x1C01, s13  }
0x1e4: {  	s23 =	sshrl.u32 s12, $0x3;
	[dreg:$0xf] =	wrdreg s14  }
0x1e5: {  	[hbm:s22], [sflag:s14] =	dma.local [spmem:s23], $0x2800  }
0x1e6: {  	_ =	swait.ge [sflag:s26], $0x2800  }
0x1e7: {  	[sflag:s26] =	ssyncset.done $0x0  }
0x1e8: {  	[sflag:s26] =	ssyncadd.s32 $0xFFFFD800  }
0x1e9: {  	[bflag:$0x0] =	sbarrier.arrive $0xFFFF  }
0x1ea: {  	s15 =	simm.s32 $0x0;
	s16 =	rddreg [dreg:$0x8]  }
0x1eb: {  	[tilespmem:s15], [sflag:$0x1] =	stream.linear.gather [hbm4b:s16+s15], $0x2800, $0x38;
	[tilespmem:$0x1FC80] =	vst v63  }
0x1ec: {  	_ =	swait.ge [sflag:s26], $0x2800  }
0x1ed: {  	[sflag:s26] =	ssyncset.done $0x0  }
0x1ee: {  	s22 =	rddreg [dreg:$0x9];
	[sflag:s26] =	ssyncadd.s32 $0xFFFFD800  }
0x1ef: {  	[tilespmem:s28], [sflag:$0x1] =	stream.linear.gather [hbm4b:s22+s15], $0x2800, $0x38;
	[tilespmem:$0x1FC80] =	vst v63  }
0x1f0: {  	_ =	swait.ge [sflag:s26], $0x2800  }
0x1f1: {  	[sflag:s26] =	ssyncset.done $0x0  }
0x1f2: {  	s13 =	simm.s32 $0x0;
	s14 =	simm.s32 $0x200;
	[sflag:s26] =	ssyncadd.s32 $0xFFFFD800  }
.LBB2_16:
0x1f3: {  	p1 =	sne.s32 s14, $0x9E00;
	[tilespmem:s13+$0x5070] =	vst v2  }
0x1f4: {  	[tilespmem:s13+$0x5000] =	vst v2  }
0x1f5: {  	[tilespmem:s13+$0x5010] =	vst v2  }
.Ltmp7:
0x1f6: {  	[tilespmem:s13+$0x5020] =	vst v2;
	(pc) =	sbr.rel @p1 .LBB2_16-.Ltmp7, $4  }
0x1f7: {  	[tilespmem:s13+$0x5030] =	vst v2  }
0x1f8: {  	[tilespmem:s13+$0x5040] =	vst v2  }
0x1f9: {  	[tilespmem:s13+$0x5050] =	vst v2  }
0x1fa: {  	[tilespmem:s13+$0x5060] =	vst v2;
	s13 =	sshra.s32 s14, $0x2;
	s14 =	sadd.s32 $0x200, s14  }
0x1fb: {  	[tilespmem:s13+$0x5070] =	vst v2  }
0x1fc: {  	[tilespmem:s13+$0x5000] =	vst v2  }
0x1fd: {  	[tilespmem:s13+$0x5010] =	vst v2  }
0x1fe: {  	[tilespmem:s13+$0x5020] =	vst v2  }
0x1ff: {  	[tilespmem:s13+$0x5030] =	vst v2  }
0x200: {  	[tilespmem:s13+$0x5040] =	vst v2  }
0x201: {  	[tilespmem:s13+$0x5050] =	vst v2  }
0x202: {  	[tilespmem:s13+$0x5060] =	vst v2;
	s13 =	simm.s32 @!p0 $0x5000  }
0x203: {  	[spmem:s1] =	stream.linear.scatter @!p0 [tilespmem:s13], [sflag:$0x1], $0x2800, $0x38;
	[tilespmem:$0x1FC80] =	vst v63  }
0x204: {  	s13 =	simm.s32 @!p0 $0x1  }
0x205: {  	_ =	swait.ge @!p0 [sflag:s13], $0x2800  }
0x206: {  	[sflag:s13] =	ssyncset.done @!p0 $0x0  }
0x207: {  	s14 =	simm.s32 $0x200;
	[sflag:s13] =	ssyncadd.s32 @!p0 $0xFFFFD800;
	s13 =	simm.s32 $0x0  }
.LBB2_18:
0x208: {  	p1 =	sne.s32 s14, $0x9E00;
	[tilespmem:s13+$0x9070] =	vst v2  }
0x209: {  	[tilespmem:s13+$0x9000] =	vst v2  }
0x20a: {  	[tilespmem:s13+$0x9010] =	vst v2  }
.Ltmp8:
0x20b: {  	[tilespmem:s13+$0x9020] =	vst v2;
	(pc) =	sbr.rel @p1 .LBB2_18-.Ltmp8, $4  }
0x20c: {  	[tilespmem:s13+$0x9030] =	vst v2  }
0x20d: {  	[tilespmem:s13+$0x9040] =	vst v2  }
0x20e: {  	[tilespmem:s13+$0x9050] =	vst v2  }
0x20f: {  	[tilespmem:s13+$0x9060] =	vst v2;
	s13 =	sshra.s32 s14, $0x2;
	s14 =	sadd.s32 $0x200, s14  }
0x210: {  	[tilespmem:s13+$0x9070] =	vst v2  }
0x211: {  	[tilespmem:s13+$0x9000] =	vst v2  }
0x212: {  	[tilespmem:s13+$0x9010] =	vst v2  }
0x213: {  	[tilespmem:s13+$0x9020] =	vst v2  }
0x214: {  	[tilespmem:s13+$0x9030] =	vst v2  }
0x215: {  	[tilespmem:s13+$0x9040] =	vst v2  }
0x216: {  	[tilespmem:s13+$0x9050] =	vst v2  }
0x217: {  	[tilespmem:s13+$0x9060] =	vst v2  }
0x218: {  	[spmem:s12] =	stream.linear.scatter [tilespmem:s29], [sflag:$0x1], $0x2800, $0x38;
	[tilespmem:$0x1FC80] =	vst v63  }
0x219: {  	_ =	swait.ge [sflag:s26], $0x2800  }
0x21a: {  	[sflag:s26] =	ssyncset.done $0x0  }
0x21b: {  	[sflag:s26] =	ssyncadd.s32 $0xFFFFD800  }
0x21c: {  	[spmem:s25] =	stream.linear.scatter [tilespmem:s29], [sflag:$0x1], $0x2800, $0x38;
	[tilespmem:$0x1FC80] =	vst v63  }
0x21d: {  	_ =	swait.ge [sflag:s26], $0x2800  }
0x21e: {  	[sflag:s26] =	ssyncset.done $0x0  }
0x21f: {  	[sflag:s26] =	ssyncadd.s32 $0xFFFFD800  }
0x220: {  	[spmem:s18] =	stream.linear.scatter [tilespmem:s29], [sflag:$0x1], $0x2800, $0x38;
	[tilespmem:$0x1FC80] =	vst v63  }
0x221: {  	_ =	swait.ge [sflag:s26], $0x2800  }
0x222: {  	[sflag:s26] =	ssyncset.done $0x0  }
0x223: {  	[sflag:s26] =	ssyncadd.s32 $0xFFFFD800  }
0x224: {  	[spmem:s21] =	stream.linear.scatter [tilespmem:s29], [sflag:$0x1], $0x2800, $0x38;
	[tilespmem:$0x1FC80] =	vst v63  }
0x225: {  	_ =	swait.ge [sflag:s26], $0x2800  }
0x226: {  	[sflag:s26] =	ssyncset.done $0x0  }
0x227: {  	[sflag:s26] =	ssyncadd.s32 $0xFFFFD800  }
0x228: {  	[spmem:s24] =	stream.linear.scatter [tilespmem:s29], [sflag:$0x1], $0x2800, $0x38;
	[tilespmem:$0x1FC80] =	vst v63  }
0x229: {  	_ =	swait.ge [sflag:s26], $0x2800  }
0x22a: {  	[sflag:s26] =	ssyncset.done $0x0  }
0x22b: {  	s15 =	rddreg [dreg:$0x7];
	[sflag:s26] =	ssyncadd.s32 $0xFFFFD800  }
0x22c: {  	[spmem:s15] =	stream.linear.scatter [tilespmem:s29], [sflag:$0x1], $0x2800, $0x38;
	[tilespmem:$0x1FC80] =	vst v63  }
0x22d: {  	_ =	swait.ge [sflag:s26], $0x2800  }
0x22e: {  	[sflag:s26] =	ssyncset.done $0x0  }
0x22f: {  	s16 =	rddreg [dreg:$0xa];
	[sflag:s26] =	ssyncadd.s32 $0xFFFFD800  }
0x230: {  	[spmem:s16] =	stream.linear.scatter [tilespmem:s29], [sflag:$0x1], $0x2800, $0x38;
	[tilespmem:$0x1FC80] =	vst v63  }
0x231: {  	_ =	swait.ge [sflag:s26], $0x2800  }
0x232: {  	[sflag:s26] =	ssyncset.done $0x0  }
0x233: {  	s22 =	rddreg [dreg:$0xd];
	[sflag:s26] =	ssyncadd.s32 $0xFFFFD800  }
0x234: {  	[spmem:s22] =	stream.linear.scatter [tilespmem:s29], [sflag:$0x1], $0x2800, $0x38;
	[tilespmem:$0x1FC80] =	vst v63  }
0x235: {  	_ =	swait.ge [sflag:s26], $0x2800  }
0x236: {  	[sflag:s26] =	ssyncset.done $0x0  }
0x237: {  	[sflag:s26] =	ssyncadd.s32 $0xFFFFD800  }
0x238: {  	s13 =	simm.s32 $0x0;
	s14 =	simm.s32 $0x0;
	[bflag:$0x0] =	sbarrier.arrive $0xFFFF  }
.LBB2_20:
0x239: {  	s15 =	smul.u32 $0x7D0, s14;
	_ =	sdelay $0x1  }
0x23a: {  	s15 =	sadd.s32 s17, s15  }
0x23b: {  	s15 =	sshrl.u32 s15, $0x3  }
0x23c: {  	s16 =	sadd.s32 s0, s15  }
0x23d: {  	[tilespmem:s30], [sflag:$0x1] =	stream.linear.gather [hbm4b:s16+s13], $0x7D0, $0x38;
	[tilespmem:$0x1FC80] =	vst v63  }
0x23e: {  	_ =	swait.ge [sflag:s26], $0x7D0  }
0x23f: {  	[sflag:s26] =	ssyncset.done $0x0  }
0x240: {  	s15 =	sadd.s32 s7, s15;
	[sflag:s26] =	ssyncadd.s32 $0xFFFFF830  }
0x241: {  	[tilespmem:s31], [sflag:$0x1] =	stream.linear.gather [hbm4b:s15+s13], $0x7D0, $0x38;
	[tilespmem:$0x1FC80] =	vst v63  }
0x242: {  	_ =	swait.ge [sflag:s26], $0x7D0  }
0x243: {  	[sflag:s26] =	ssyncset.done $0x0  }
0x244: {  	s16 =	simm.s32 $0x0;
	[sflag:s26] =	ssyncadd.s32 $0xFFFFF830  }
0x245: {  	s15 =	simm.s32 $0x40;
	v29 =	vld [tilespmem:s16+$0x7800]  }
.LBB2_21:
0x246: {  	p1 =	sne.s32 s15, $0x1F00;
	v30 =	vld [tilespmem:s16+$0x8000];
	_ =	sdelay $0x6  }
0x247: {  	v29 =	vld.idx.msk [tilespmem:v29+s4+$0x0], $0xffff  }
0x248: {  	v31 =	vld.idx.msk [tilespmem:v30+s28+$0x0], $0xffff;
	_ =	sdelay $0x5  }
0x249: {  	v29 =	vadd.f32 v31, v29;
	_ =	sdelay $0x1  }
0x24a: {  	v31 =	vmul.f32 $2.000000030e-01, v29  }
0x24b: {  	vm5 =	vge.f32 v29, $0.0e+00  }
0x24c: {  	v29 =	vsel vm5, v29, v31  }
0x24d: {  	v29 =	vmul.f32 $1.442695020e+00, v29;
	_ =	sdelay $0x1  }
0x24e: {  	(erf) = vpow2.f32 v29;
	_ =	sdelay $0x8  }
0x24f: {  	v29 =	vxor.u32 $0x80000000, v30;
	v30 =	vpop (erf)  }
0x250: {  	(xrf1) =	vsort.ascd.msk.u32 $0xffff, v29, v30;
	_ =	sdelay $0xd  }
0x251: {  	v29, v30, _ =	vpop (xrf1)  }
0x252: {  	v29 =	vxor.u32 $0x80000000, v29  }
0x253: {  	v32 =	vperm.xlane v30, v3;
	v31 =	vperm.xlane v29, v3;
	_ =	sdelay $0x1  }
0x254: {  	vm5 =	veq.s32 v31, v29;
	v31 =	vadd.f32 v30, v32  }
0x255: {  	vm5 =	vmand vm5, vm0  }
0x256: {  	v30 =	vsel vm5, v31, v30  }
0x257: {  	v31 =	vperm.xlane v29, v4;
	v32 =	vperm.xlane v30, v4;
	_ =	sdelay $0x1  }
0x258: {  	vm5 =	veq.s32 v31, v29;
	v31 =	vadd.f32 v30, v32  }
0x259: {  	vm5 =	vmand vm5, vm1  }
0x25a: {  	v30 =	vsel vm5, v31, v30  }
0x25b: {  	v31 =	vperm.xlane v29, v5;
	v32 =	vperm.xlane v30, v5;
	_ =	sdelay $0x1  }
0x25c: {  	vm5 =	veq.s32 v31, v29;
	v31 =	vadd.f32 v30, v32  }
0x25d: {  	vm5 =	vmand vm5, vm2;
	v32 =	vperm.xlane v29, v7  }
0x25e: {  	v30 =	vsel vm5, v31, v30;
	v31 =	vld.idx.msk [tilespmem:v29+s2+$0x0], $0xffff  }
0x25f: {  	v33 =	vperm.xlane v29, v6;
	vm5 =	vne.s32 v32, v29;
	v34 =	vperm.xlane v30, v6  }
0x260: {  	vm5 =	vmor vm5, vm4  }
0x261: {  	vm6 =	veq.s32 v33, v29;
	v32 =	vadd.f32 v30, v34  }
0x262: {  	vm6 =	vmand vm6, vm3  }
.Ltmp9:
0x263: {  	v30 =	vsel vm6, v32, v30;
	(pc) =	sbr.rel @p1 .LBB2_21-.Ltmp9, $3  }
0x264: {  	v30 =	vadd.f32 v30, v31;
	_ =	sdelay $0x1  }
0x265: {  	s16 =	sshra.s32 s15, $0x2;
	[tilespmem:v29+s2+$0x0] =	vst.idx.msk vm5, v30  }
0x266: {  	s15 =	sadd.s32 $0x40, s15;
	v29 =	vld [tilespmem:s16+$0x7800]  }
0x267: {  	_ = 	snop  }
0x268: {  	v30 =	vld [tilespmem:s16+$0x8000];
	_ =	sdelay $0x6  }
0x269: {  	v29 =	vld.idx.msk [tilespmem:v29+s4+$0x0], $0xffff  }
0x26a: {  	v31 =	vld.idx.msk [tilespmem:v30+s28+$0x0], $0xffff;
	_ =	sdelay $0x4  }
0x26b: {  	v29 =	vadd.f32 v31, v29;
	_ =	sdelay $0x1  }
0x26c: {  	v31 =	vmul.f32 $2.000000030e-01, v29  }
0x26d: {  	vm5 =	vge.f32 v29, $0.0e+00  }
0x26e: {  	v29 =	vsel vm5, v29, v31  }
0x26f: {  	v29 =	vmul.f32 $1.442695020e+00, v29;
	_ =	sdelay $0x1  }
0x270: {  	(erf) = vpow2.f32 v29;
	_ =	sdelay $0x8  }
0x271: {  	v29 =	vxor.u32 $0x80000000, v30;
	v30 =	vpop (erf)  }
0x272: {  	(xrf1) =	vsort.ascd.msk.u32 $0xffff, v29, v30;
	_ =	sdelay $0xd  }
0x273: {  	v29, v30, _ =	vpop (xrf1)  }
0x274: {  	v29 =	vxor.u32 $0x80000000, v29  }
0x275: {  	v32 =	vperm.xlane v30, v3;
	v31 =	vperm.xlane v29, v3;
	_ =	sdelay $0x1  }
0x276: {  	vm5 =	veq.s32 v31, v29;
	v31 =	vadd.f32 v30, v32  }
0x277: {  	vm5 =	vmand vm5, vm0  }
0x278: {  	v30 =	vsel vm5, v31, v30  }
0x279: {  	v31 =	vperm.xlane v29, v4;
	v60 =	vperm.xlane v30, v4;
	_ =	sdelay $0x1  }
0x27a: {  	vm5 =	veq.s32 v31, v29;
	v31 =	vadd.f32 v30, v60  }
0x27b: {  	vm5 =	vmand vm5, vm1  }
0x27c: {  	v30 =	vsel vm5, v31, v30  }
0x27d: {  	v31 =	vperm.xlane v29, v5;
	v61 =	vperm.xlane v30, v5;
	_ =	sdelay $0x1  }
0x27e: {  	vm5 =	veq.s32 v31, v29;
	v31 =	vadd.f32 v30, v61  }
0x27f: {  	v62 =	vperm.xlane v29, v7;
	vm5 =	vmand vm5, vm2  }
0x280: {  	v30 =	vsel vm5, v31, v30  }
0x281: {  	v33 =	vperm.xlane v29, v6;
	v31 =	vld.idx.msk [tilespmem:v29+s2+$0x0], $0xffff;
	vm5 =	vne.s32 v62, v29;
	v34 =	vperm.xlane v30, v6  }
0x282: {  	s14 =	sadd.s32 $0x1, s14;
	vm5 =	vmor vm5, vm4  }
0x283: {  	p1 =	sne.s32 s14, $0xA;
	vm6 =	veq.s32 v33, v29;
	v63 =	vadd.f32 v30, v34  }
.Ltmp10:
0x284: {  	vm6 =	vmand vm6, vm3;
	(pc) =	sbr.rel @p1 .LBB2_20-.Ltmp10, $3  }
0x285: {  	v30 =	vsel vm6, v63, v30  }
0x286: {  	v30 =	vadd.f32 v30, v31;
	_ =	sdelay $0x1  }
0x287: {  	[tilespmem:v29+s2+$0x0] =	vst.idx.msk vm5, v30  }
0x288: {  	[tilespmem:$0xB980] =	vst v8  }
0x289: {  	[tilespmem:$0xB990] =	vst v9  }
0x28a: {  	[tilespmem:$0xB9A0] =	vst v10  }
0x28b: {  	[tilespmem:$0xB9B0] =	vst v11  }
0x28c: {  	[tilespmem:$0xB9C0] =	vst v12;
	s14 =	simm.s32 $0xB980  }
0x28d: {  	[spmem:s1] =	stream.indirect.scatter.add.f32 [tilespmem:s2], [sflag:$0x1], $0x80, s14, s6, $0xb8;
	[tilespmem:$0x1FC80] =	vst v63  }
0x28e: {  	_ =	swait.ge [sflag:s26], $0x2800  }
0x28f: {  	[sflag:s26] =	ssyncset.done $0x0  }
0x290: {  	[sflag:s26] =	ssyncadd.s32 $0xFFFFD800  }
0x291: {  	s22 =	smov.u32 s12;
	[bflag:$0x0] =	sbarrier.arrive $0xFFFF  }
0x292: {  	[tilespmem:s2], [sflag:$0x1] =	stream.linear.gather [spmem:s1], $0x2800, $0x38;
	[tilespmem:$0x1FC80] =	vst v63  }
0x293: {  	s12 =	smov.u32 s24;
	s24 =	smov.u32 s21;
	_ =	swait.ge [sflag:s26], $0x2800  }
0x294: {  	s21 =	smov.u32 s18;
	s18 =	smov.u32 s25;
	[sflag:s26] =	ssyncset.done $0x0  }
0x295: {  	s25 =	simm.s32 $0x0;
	s13 =	simm.s32 $0x0;
	[sflag:s26] =	ssyncadd.s32 $0xFFFFD800  }
.LBB2_24:
0x296: {  	s14 =	smul.u32 $0x7D0, s13;
	_ =	sdelay $0x1  }
0x297: {  	s14 =	sadd.s32 s17, s14  }
0x298: {  	s14 =	sshrl.u32 s14, $0x3  }
0x299: {  	s15 =	sadd.s32 s0, s14  }
0x29a: {  	[tilespmem:s30], [sflag:$0x1] =	stream.linear.gather [hbm4b:s15+s25], $0x7D0, $0x38;
	[tilespmem:$0x1FC80] =	vst v63  }
0x29b: {  	_ =	swait.ge [sflag:s26], $0x7D0  }
0x29c: {  	[sflag:s26] =	ssyncset.done $0x0  }
0x29d: {  	s16 =	sadd.s32 s7, s14;
	[sflag:s26] =	ssyncadd.s32 $0xFFFFF830  }
0x29e: {  	[tilespmem:s31], [sflag:$0x1] =	stream.linear.gather [hbm4b:s16+s25], $0x7D0, $0x38;
	[tilespmem:$0x1FC80] =	vst v63  }
0x29f: {  	_ =	swait.ge [sflag:s26], $0x7D0  }
0x2a0: {  	[sflag:s26] =	ssyncset.done $0x0  }
0x2a1: {  	s14 =	sadd.s32 s8, s14;
	[sflag:s26] =	ssyncadd.s32 $0xFFFFF830  }
0x2a2: {  	[tilespmem:s11], [sflag:$0x1] =	stream.linear.gather [hbm4b:s14+s25], $0x7D0, $0x38;
	[tilespmem:$0x1FC80] =	vst v63  }
0x2a3: {  	_ =	swait.ge [sflag:s26], $0x7D0  }
0x2a4: {  	[sflag:s26] =	ssyncset.done $0x0  }
0x2a5: {  	s14 =	simm.s32 $0x0;
	[sflag:s26] =	ssyncadd.s32 $0xFFFFF830  }
.LBB2_25:
0x2a6: {  	s16 =	smul.u32 $0x50, s14;
	_ =	sdelay $0x1  }
0x2a7: {  	v29 =	vld [tilespmem:s16+$0x7800];
	_ =	sdelay $0x4  }
0x2a8: {  	v29 =	vadd.s32 v1, v29  }
0x2a9: {  	[tilespmem:$0xB800] =	vst v29  }
0x2aa: {  	v29 =	vld [tilespmem:s16+$0x8000];
	_ =	sdelay $0x4  }
0x2ab: {  	[tilespmem:$0xB880] =	vst v29  }
0x2ac: {  	v29 =	vld [tilespmem:s16+$0x7810];
	_ =	sdelay $0x4  }
0x2ad: {  	v29 =	vadd.s32 v1, v29  }
0x2ae: {  	[tilespmem:$0xB810] =	vst v29  }
0x2af: {  	v29 =	vld [tilespmem:s16+$0x8010];
	_ =	sdelay $0x4  }
0x2b0: {  	[tilespmem:$0xB890] =	vst v29  }
0x2b1: {  	v29 =	vld [tilespmem:s16+$0x7820];
	_ =	sdelay $0x4  }
0x2b2: {  	v29 =	vadd.s32 v1, v29  }
0x2b3: {  	[tilespmem:$0xB820] =	vst v29  }
0x2b4: {  	v29 =	vld [tilespmem:s16+$0x8020];
	_ =	sdelay $0x4  }
0x2b5: {  	[tilespmem:$0xB8A0] =	vst v29  }
0x2b6: {  	v29 =	vld [tilespmem:s16+$0x7830];
	_ =	sdelay $0x4  }
0x2b7: {  	v29 =	vadd.s32 v1, v29  }
0x2b8: {  	[tilespmem:$0xB830] =	vst v29  }
0x2b9: {  	v29 =	vld [tilespmem:s16+$0x8030];
	_ =	sdelay $0x4  }
0x2ba: {  	[tilespmem:$0xB8B0] =	vst v29  }
0x2bb: {  	v29 =	vld [tilespmem:s16+$0x7840];
	_ =	sdelay $0x4  }
0x2bc: {  	v29 =	vadd.s32 v1, v29  }
0x2bd: {  	[tilespmem:$0xB840] =	vst v29  }
0x2be: {  	v29 =	vld [tilespmem:s16+$0x8040];
	_ =	sdelay $0x4  }
0x2bf: {  	[tilespmem:$0xB8C0] =	vst v29  }
0x2c0: {  	[tilespmem:s29], [sflag:$0x1] =	stream.indirect.gather [hbm4b:s5+s6], $0x80, s19, s6, $0xb8;
	[tilespmem:$0x1FC80] =	vst v63  }
0x2c1: {  	_ =	swait.ge [sflag:s26], $0x2800  }
0x2c2: {  	[sflag:s26] =	ssyncset.done $0x0  }
0x2c3: {  	[sflag:s26] =	ssyncadd.s32 $0xFFFFD800  }
0x2c4: {  	v29 =	vld [tilespmem:s16+$0x7800]  }
0x2c5: {  	v30 =	vld [tilespmem:s16+$0x8000];
	_ =	sdelay $0x5  }
0x2c6: {  	s15 =	simm.s32 $0x0  }
0x2c7: {  	v29 =	vld.idx.msk [tilespmem:v29+s15+$0x0], $0xffff  }
0x2c8: {  	v31 =	vld.idx.msk [tilespmem:v30+s28+$0x0], $0xffff;
	_ =	sdelay $0x4  }
0x2c9: {  	v29 =	vadd.f32 v31, v29;
	_ =	sdelay $0x1  }
0x2ca: {  	v30 =	vld.idx.msk [tilespmem:v30+s2+$0x0], $0xffff;
	v31 =	vmul.f32 $2.000000030e-01, v29  }
0x2cb: {  	vm5 =	vge.f32 v29, $0.0e+00  }
0x2cc: {  	v29 =	vsel vm5, v29, v31  }
0x2cd: {  	v29 =	vmul.f32 $1.442695020e+00, v29;
	_ =	sdelay $0x1  }
0x2ce: {  	(erf) = vpow2.f32 v29;
	v29 =	vmax.f32 v30, $1.000000000e-30  }
0x2cf: {  	(erf) = vrcp.f32 v29;
	_ =	sdelay $0x6  }
0x2d0: {  	v29 =	vld [tilespmem:s16+$0x8800]  }
0x2d1: {  	v30 =	vpop (erf)  }
0x2d2: {  	v31 =	vpop (erf)  }
0x2d3: {  	v30 =	vmul.f32 v30, v31;
	_ =	sdelay $0x1  }
0x2d4: {  	v29 =	vmul.f32 v30, v29;
	_ =	sdelay $0x1  }
0x2d5: {  	[tilespmem:$0xB900] =	vst v29  }
0x2d6: {  	v29 =	vld [tilespmem:s16+$0x7810]  }
0x2d7: {  	v30 =	vld [tilespmem:s16+$0x8010];
	_ =	sdelay $0x6  }
0x2d8: {  	v29 =	vld.idx.msk [tilespmem:v29+s15+$0x0], $0xffff  }
0x2d9: {  	v31 =	vld.idx.msk [tilespmem:v30+s28+$0x0], $0xffff;
	_ =	sdelay $0x4  }
0x2da: {  	v29 =	vadd.f32 v31, v29;
	_ =	sdelay $0x1  }
0x2db: {  	v30 =	vld.idx.msk [tilespmem:v30+s2+$0x0], $0xffff;
	v31 =	vmul.f32 $2.000000030e-01, v29  }
0x2dc: {  	vm5 =	vge.f32 v29, $0.0e+00  }
0x2dd: {  	v29 =	vsel vm5, v29, v31  }
0x2de: {  	v29 =	vmul.f32 $1.442695020e+00, v29;
	_ =	sdelay $0x1  }
0x2df: {  	(erf) = vpow2.f32 v29;
	v29 =	vmax.f32 v30, $1.000000000e-30  }
0x2e0: {  	(erf) = vrcp.f32 v29;
	_ =	sdelay $0x6  }
0x2e1: {  	v29 =	vld [tilespmem:s16+$0x8810]  }
0x2e2: {  	v30 =	vpop (erf)  }
0x2e3: {  	v31 =	vpop (erf)  }
0x2e4: {  	v30 =	vmul.f32 v30, v31;
	_ =	sdelay $0x1  }
0x2e5: {  	v29 =	vmul.f32 v30, v29;
	_ =	sdelay $0x1  }
0x2e6: {  	[tilespmem:$0xB910] =	vst v29  }
0x2e7: {  	v29 =	vld [tilespmem:s16+$0x7820]  }
0x2e8: {  	v30 =	vld [tilespmem:s16+$0x8020];
	_ =	sdelay $0x6  }
0x2e9: {  	v29 =	vld.idx.msk [tilespmem:v29+s15+$0x0], $0xffff  }
0x2ea: {  	v31 =	vld.idx.msk [tilespmem:v30+s28+$0x0], $0xffff;
	_ =	sdelay $0x4  }
0x2eb: {  	v29 =	vadd.f32 v31, v29;
	_ =	sdelay $0x1  }
0x2ec: {  	v30 =	vld.idx.msk [tilespmem:v30+s2+$0x0], $0xffff;
	v31 =	vmul.f32 $2.000000030e-01, v29  }
0x2ed: {  	vm5 =	vge.f32 v29, $0.0e+00  }
0x2ee: {  	v29 =	vsel vm5, v29, v31  }
0x2ef: {  	v29 =	vmul.f32 $1.442695020e+00, v29;
	_ =	sdelay $0x1  }
0x2f0: {  	(erf) = vpow2.f32 v29;
	v29 =	vmax.f32 v30, $1.000000000e-30  }
0x2f1: {  	(erf) = vrcp.f32 v29;
	_ =	sdelay $0x6  }
0x2f2: {  	v29 =	vld [tilespmem:s16+$0x8820]  }
0x2f3: {  	v30 =	vpop (erf)  }
0x2f4: {  	v31 =	vpop (erf)  }
0x2f5: {  	v30 =	vmul.f32 v30, v31;
	_ =	sdelay $0x1  }
0x2f6: {  	v29 =	vmul.f32 v30, v29;
	_ =	sdelay $0x1  }
0x2f7: {  	[tilespmem:$0xB920] =	vst v29  }
0x2f8: {  	v29 =	vld [tilespmem:s16+$0x7830]  }
0x2f9: {  	v30 =	vld [tilespmem:s16+$0x8030];
	_ =	sdelay $0x6  }
0x2fa: {  	v29 =	vld.idx.msk [tilespmem:v29+s15+$0x0], $0xffff  }
0x2fb: {  	v31 =	vld.idx.msk [tilespmem:v30+s28+$0x0], $0xffff;
	_ =	sdelay $0x4  }
0x2fc: {  	v29 =	vadd.f32 v31, v29;
	_ =	sdelay $0x1  }
0x2fd: {  	v30 =	vld.idx.msk [tilespmem:v30+s2+$0x0], $0xffff;
	v31 =	vmul.f32 $2.000000030e-01, v29  }
0x2fe: {  	vm5 =	vge.f32 v29, $0.0e+00  }
0x2ff: {  	v29 =	vsel vm5, v29, v31  }
0x300: {  	v29 =	vmul.f32 $1.442695020e+00, v29;
	_ =	sdelay $0x1  }
0x301: {  	(erf) = vpow2.f32 v29;
	v29 =	vmax.f32 v30, $1.000000000e-30  }
0x302: {  	(erf) = vrcp.f32 v29;
	_ =	sdelay $0x6  }
0x303: {  	v29 =	vld [tilespmem:s16+$0x8830]  }
0x304: {  	v30 =	vpop (erf)  }
0x305: {  	v31 =	vpop (erf)  }
0x306: {  	v30 =	vmul.f32 v30, v31;
	_ =	sdelay $0x1  }
0x307: {  	v29 =	vmul.f32 v30, v29;
	_ =	sdelay $0x1  }
0x308: {  	[tilespmem:$0xB930] =	vst v29  }
0x309: {  	v29 =	vld [tilespmem:s16+$0x7840]  }
0x30a: {  	v30 =	vld [tilespmem:s16+$0x8040];
	_ =	sdelay $0x6  }
0x30b: {  	v29 =	vld.idx.msk [tilespmem:v29+s15+$0x0], $0xffff  }
0x30c: {  	v31 =	vld.idx.msk [tilespmem:v30+s28+$0x0], $0xffff;
	_ =	sdelay $0x4  }
0x30d: {  	v29 =	vadd.f32 v31, v29;
	_ =	sdelay $0x1  }
0x30e: {  	v30 =	vld.idx.msk [tilespmem:v30+s2+$0x0], $0xffff;
	v31 =	vmul.f32 $2.000000030e-01, v29  }
0x30f: {  	vm5 =	vge.f32 v29, $0.0e+00  }
0x310: {  	v29 =	vsel vm5, v29, v31  }
0x311: {  	v29 =	vmul.f32 $1.442695020e+00, v29;
	_ =	sdelay $0x1  }
0x312: {  	(erf) = vpow2.f32 v29;
	v29 =	vmax.f32 v30, $1.000000000e-30  }
0x313: {  	(erf) = vrcp.f32 v29;
	_ =	sdelay $0x6  }
0x314: {  	v29 =	vld [tilespmem:s16+$0x8840]  }
0x315: {  	v30 =	vpop (erf)  }
0x316: {  	v31 =	vpop (erf)  }
0x317: {  	v30 =	vmul.f32 v30, v31;
	_ =	sdelay $0x1  }
0x318: {  	v29 =	vmul.f32 v30, v29;
	_ =	sdelay $0x1  }
0x319: {  	[tilespmem:$0xB940] =	vst v29  }
.LBB2_26:
0x31a: {  	s16 =	sshll.u32 s15, $0x4  }
0x31b: {  	s16 =	sand.u32 $0x3FFFFFF0, s16  }
0x31c: {  	v29 =	vld [tilespmem:s16+$0xB900];
	s16 =	sshll.u32 s15, $0xB  }
0x31d: {  	s16 =	sand.u32 $0x3FFFF800, s16  }
0x31e: {  	v30 =	vld [tilespmem:s16+$0x9000]  }
0x31f: {  	v31 =	vld [tilespmem:s16+$0x9010]  }
0x320: {  	v32 =	vld [tilespmem:s16+$0x9020]  }
0x321: {  	v34 =	vld [tilespmem:s16+$0x9030];
	v33 =	vperm.xlane v29, v13  }
0x322: {  	v35 =	vld [tilespmem:s16+$0x9040]  }
0x323: {  	v36 =	vld [tilespmem:s16+$0x9050];
	v30 =	vmul.f32 v30, v33  }
0x324: {  	v37 =	vld [tilespmem:s16+$0x9060];
	v31 =	vmul.f32 v31, v33  }
0x325: {  	v50 =	vld [tilespmem:s16+$0x9070];
	[tilespmem:s16+$0x9000] =	vst v30;
	v30 =	vmul.f32 v32, v33  }
0x326: {  	v51 =	vld [tilespmem:s16+$0x9080];
	[tilespmem:s16+$0x9010] =	vst v31;
	v31 =	vmul.f32 v34, v33  }
0x327: {  	v52 =	vld [tilespmem:s16+$0x9090];
	[tilespmem:s16+$0x9020] =	vst v30;
	v30 =	vmul.f32 v35, v33  }
0x328: {  	v53 =	vld [tilespmem:s16+$0x90A0];
	[tilespmem:s16+$0x9030] =	vst v31;
	v31 =	vmul.f32 v36, v33  }
0x329: {  	v38 =	vld [tilespmem:s16+$0x90B0];
	v54 =	vperm.xlane v29, v14;
	[tilespmem:s16+$0x9040] =	vst v30;
	v30 =	vmul.f32 v37, v33  }
0x32a: {  	v55 =	vld [tilespmem:s16+$0x90C0];
	[tilespmem:s16+$0x9050] =	vst v31;
	v31 =	vmul.f32 v50, v33  }
0x32b: {  	v56 =	vld [tilespmem:s16+$0x90D0];
	[tilespmem:s16+$0x9060] =	vst v30;
	v30 =	vmul.f32 v51, v54  }
0x32c: {  	v57 =	vld [tilespmem:s16+$0x90E0];
	[tilespmem:s16+$0x9070] =	vst v31;
	v31 =	vmul.f32 v52, v54  }
0x32d: {  	v58 =	vld [tilespmem:s16+$0x90F0];
	[tilespmem:s16+$0x9080] =	vst v30;
	v30 =	vmul.f32 v53, v54  }
0x32e: {  	v59 =	vld [tilespmem:s16+$0x9100];
	[tilespmem:s16+$0x9090] =	vst v31;
	v31 =	vmul.f32 v38, v54  }
0x32f: {  	v60 =	vld [tilespmem:s16+$0x9110];
	[tilespmem:s16+$0x90A0] =	vst v30;
	v30 =	vmul.f32 v55, v54  }
0x330: {  	v61 =	vld [tilespmem:s16+$0x9120];
	[tilespmem:s16+$0x90B0] =	vst v31;
	v31 =	vmul.f32 v56, v54  }
0x331: {  	v63 =	vld [tilespmem:s16+$0x9130];
	v62 =	vperm.xlane v29, v15;
	[tilespmem:s16+$0x90C0] =	vst v30;
	v30 =	vmul.f32 v57, v54  }
0x332: {  	v40 =	vld [tilespmem:s16+$0x9140];
	[tilespmem:s16+$0x90D0] =	vst v31;
	v31 =	vmul.f32 v58, v54  }
0x333: {  	v41 =	vld [tilespmem:s16+$0x9150];
	[tilespmem:s16+$0x90E0] =	vst v30;
	v30 =	vmul.f32 v59, v62  }
0x334: {  	v42 =	vld [tilespmem:s16+$0x9160];
	[tilespmem:s16+$0x90F0] =	vst v31;
	v31 =	vmul.f32 v60, v62  }
0x335: {  	v43 =	vld [tilespmem:s16+$0x9170];
	[tilespmem:s16+$0x9100] =	vst v30;
	v30 =	vmul.f32 v61, v62  }
0x336: {  	v44 =	vld [tilespmem:s16+$0x9180];
	[tilespmem:s16+$0x9110] =	vst v31;
	v31 =	vmul.f32 v63, v62  }
0x337: {  	v45 =	vld [tilespmem:s16+$0x9190];
	[tilespmem:s16+$0x9120] =	vst v30;
	v30 =	vmul.f32 v40, v62  }
0x338: {  	v46 =	vld [tilespmem:s16+$0x91A0];
	[tilespmem:s16+$0x9130] =	vst v31;
	v31 =	vmul.f32 v41, v62  }
0x339: {  	v48 =	vld [tilespmem:s16+$0x91B0];
	v47 =	vperm.xlane v29, v16;
	[tilespmem:s16+$0x9140] =	vst v30;
	v30 =	vmul.f32 v42, v62  }
0x33a: {  	v49 =	vld [tilespmem:s16+$0x91C0];
	[tilespmem:s16+$0x9150] =	vst v31;
	v31 =	vmul.f32 v43, v62  }
0x33b: {  	v50 =	vld [tilespmem:s16+$0x91D0];
	[tilespmem:s16+$0x9160] =	vst v30;
	v30 =	vmul.f32 v44, v47  }
0x33c: {  	v51 =	vld [tilespmem:s16+$0x91E0];
	[tilespmem:s16+$0x9170] =	vst v31;
	v31 =	vmul.f32 v45, v47  }
0x33d: {  	v52 =	vld [tilespmem:s16+$0x91F0];
	[tilespmem:s16+$0x9180] =	vst v30;
	v30 =	vmul.f32 v46, v47  }
0x33e: {  	v53 =	vld [tilespmem:s16+$0x9200];
	[tilespmem:s16+$0x9190] =	vst v31;
	v31 =	vmul.f32 v48, v47  }
0x33f: {  	v54 =	vld [tilespmem:s16+$0x9210];
	[tilespmem:s16+$0x91A0] =	vst v30;
	v30 =	vmul.f32 v49, v47  }
0x340: {  	v55 =	vld [tilespmem:s16+$0x9220];
	[tilespmem:s16+$0x91B0] =	vst v31;
	v31 =	vmul.f32 v50, v47  }
0x341: {  	v56 =	vperm.xlane v29, v17;
	v57 =	vld [tilespmem:s16+$0x9230];
	[tilespmem:s16+$0x91C0] =	vst v30;
	v30 =	vmul.f32 v51, v47  }
0x342: {  	v58 =	vld [tilespmem:s16+$0x9240];
	[tilespmem:s16+$0x91D0] =	vst v31;
	v31 =	vmul.f32 v52, v47  }
0x343: {  	v59 =	vld [tilespmem:s16+$0x9250];
	[tilespmem:s16+$0x91E0] =	vst v30;
	v30 =	vmul.f32 v53, v56  }
0x344: {  	v60 =	vld [tilespmem:s16+$0x9260];
	[tilespmem:s16+$0x91F0] =	vst v31;
	v31 =	vmul.f32 v54, v56  }
0x345: {  	v61 =	vld [tilespmem:s16+$0x9270];
	[tilespmem:s16+$0x9200] =	vst v30;
	v30 =	vmul.f32 v55, v56  }
0x346: {  	v62 =	vld [tilespmem:s16+$0x9280];
	[tilespmem:s16+$0x9210] =	vst v31;
	v31 =	vmul.f32 v57, v56  }
0x347: {  	v63 =	vld [tilespmem:s16+$0x9290];
	[tilespmem:s16+$0x9220] =	vst v30;
	v30 =	vmul.f32 v58, v56  }
0x348: {  	v40 =	vld [tilespmem:s16+$0x92A0];
	[tilespmem:s16+$0x9230] =	vst v31;
	v31 =	vmul.f32 v59, v56  }
0x349: {  	v41 =	vperm.xlane v29, v18;
	v42 =	vld [tilespmem:s16+$0x92B0];
	[tilespmem:s16+$0x9240] =	vst v30;
	v30 =	vmul.f32 v60, v56  }
0x34a: {  	v43 =	vld [tilespmem:s16+$0x92C0];
	[tilespmem:s16+$0x9250] =	vst v31;
	v31 =	vmul.f32 v61, v56  }
0x34b: {  	v44 =	vld [tilespmem:s16+$0x92D0];
	[tilespmem:s16+$0x9260] =	vst v30;
	v30 =	vmul.f32 v62, v41  }
0x34c: {  	v45 =	vld [tilespmem:s16+$0x92E0];
	[tilespmem:s16+$0x9270] =	vst v31;
	v31 =	vmul.f32 v63, v41  }
0x34d: {  	v46 =	vld [tilespmem:s16+$0x92F0];
	[tilespmem:s16+$0x9280] =	vst v30;
	v30 =	vmul.f32 v40, v41  }
0x34e: {  	v47 =	vld [tilespmem:s16+$0x9300];
	[tilespmem:s16+$0x9290] =	vst v31;
	v31 =	vmul.f32 v42, v41  }
0x34f: {  	v48 =	vld [tilespmem:s16+$0x9310];
	[tilespmem:s16+$0x92A0] =	vst v30;
	v30 =	vmul.f32 v43, v41  }
0x350: {  	v49 =	vld [tilespmem:s16+$0x9320];
	[tilespmem:s16+$0x92B0] =	vst v31;
	v31 =	vmul.f32 v44, v41  }
0x351: {  	v50 =	vperm.xlane v29, v19;
	v51 =	vld [tilespmem:s16+$0x9330];
	[tilespmem:s16+$0x92C0] =	vst v30;
	v30 =	vmul.f32 v45, v41  }
0x352: {  	v52 =	vld [tilespmem:s16+$0x9340];
	[tilespmem:s16+$0x92D0] =	vst v31;
	v31 =	vmul.f32 v46, v41  }
0x353: {  	v53 =	vld [tilespmem:s16+$0x9350];
	[tilespmem:s16+$0x92E0] =	vst v30;
	v30 =	vmul.f32 v47, v50  }
0x354: {  	v54 =	vld [tilespmem:s16+$0x9360];
	[tilespmem:s16+$0x92F0] =	vst v31;
	v31 =	vmul.f32 v48, v50  }
0x355: {  	v55 =	vld [tilespmem:s16+$0x9370];
	[tilespmem:s16+$0x9300] =	vst v30;
	v30 =	vmul.f32 v49, v50  }
0x356: {  	v56 =	vld [tilespmem:s16+$0x9380];
	[tilespmem:s16+$0x9310] =	vst v31;
	v31 =	vmul.f32 v51, v50  }
0x357: {  	v57 =	vld [tilespmem:s16+$0x9390];
	[tilespmem:s16+$0x9320] =	vst v30;
	v30 =	vmul.f32 v52, v50  }
0x358: {  	v58 =	vld [tilespmem:s16+$0x93A0];
	[tilespmem:s16+$0x9330] =	vst v31;
	v31 =	vmul.f32 v53, v50  }
0x359: {  	v59 =	vperm.xlane v29, v20;
	v60 =	vld [tilespmem:s16+$0x93B0];
	[tilespmem:s16+$0x9340] =	vst v30;
	v30 =	vmul.f32 v54, v50  }
0x35a: {  	v61 =	vld [tilespmem:s16+$0x93C0];
	[tilespmem:s16+$0x9350] =	vst v31;
	v31 =	vmul.f32 v55, v50  }
0x35b: {  	v62 =	vld [tilespmem:s16+$0x93D0];
	[tilespmem:s16+$0x9360] =	vst v30;
	v30 =	vmul.f32 v56, v59  }
0x35c: {  	v63 =	vld [tilespmem:s16+$0x93E0];
	[tilespmem:s16+$0x9370] =	vst v31;
	v31 =	vmul.f32 v57, v59  }
0x35d: {  	v40 =	vld [tilespmem:s16+$0x93F0];
	[tilespmem:s16+$0x9380] =	vst v30;
	v30 =	vmul.f32 v58, v59  }
0x35e: {  	v41 =	vld [tilespmem:s16+$0x9400];
	[tilespmem:s16+$0x9390] =	vst v31;
	v31 =	vmul.f32 v60, v59  }
0x35f: {  	v42 =	vld [tilespmem:s16+$0x9410];
	[tilespmem:s16+$0x93A0] =	vst v30;
	v30 =	vmul.f32 v61, v59  }
0x360: {  	v43 =	vld [tilespmem:s16+$0x9420];
	[tilespmem:s16+$0x93B0] =	vst v31;
	v31 =	vmul.f32 v62, v59  }
0x361: {  	v44 =	vperm.xlane v29, v21;
	v45 =	vld [tilespmem:s16+$0x9430];
	[tilespmem:s16+$0x93C0] =	vst v30;
	v30 =	vmul.f32 v63, v59  }
0x362: {  	v46 =	vld [tilespmem:s16+$0x9440];
	[tilespmem:s16+$0x93D0] =	vst v31;
	v31 =	vmul.f32 v40, v59  }
0x363: {  	v47 =	vld [tilespmem:s16+$0x9450];
	[tilespmem:s16+$0x93E0] =	vst v30;
	v30 =	vmul.f32 v41, v44  }
0x364: {  	v48 =	vld [tilespmem:s16+$0x9460];
	[tilespmem:s16+$0x93F0] =	vst v31;
	v31 =	vmul.f32 v42, v44  }
0x365: {  	v49 =	vld [tilespmem:s16+$0x9470];
	[tilespmem:s16+$0x9400] =	vst v30;
	v30 =	vmul.f32 v43, v44  }
0x366: {  	v50 =	vld [tilespmem:s16+$0x9480];
	[tilespmem:s16+$0x9410] =	vst v31;
	v31 =	vmul.f32 v45, v44  }
0x367: {  	v51 =	vld [tilespmem:s16+$0x9490];
	[tilespmem:s16+$0x9420] =	vst v30;
	v30 =	vmul.f32 v46, v44  }
0x368: {  	v52 =	vld [tilespmem:s16+$0x94A0];
	[tilespmem:s16+$0x9430] =	vst v31;
	v31 =	vmul.f32 v47, v44  }
0x369: {  	v53 =	vperm.xlane v29, v22;
	v54 =	vld [tilespmem:s16+$0x94B0];
	[tilespmem:s16+$0x9440] =	vst v30;
	v30 =	vmul.f32 v48, v44  }
0x36a: {  	v55 =	vld [tilespmem:s16+$0x94C0];
	[tilespmem:s16+$0x9450] =	vst v31;
	v31 =	vmul.f32 v49, v44  }
0x36b: {  	v56 =	vld [tilespmem:s16+$0x94D0];
	[tilespmem:s16+$0x9460] =	vst v30;
	v30 =	vmul.f32 v50, v53  }
0x36c: {  	v57 =	vld [tilespmem:s16+$0x94E0];
	[tilespmem:s16+$0x9470] =	vst v31;
	v31 =	vmul.f32 v51, v53  }
0x36d: {  	v58 =	vld [tilespmem:s16+$0x94F0];
	[tilespmem:s16+$0x9480] =	vst v30;
	v30 =	vmul.f32 v52, v53  }
0x36e: {  	v59 =	vld [tilespmem:s16+$0x9500];
	[tilespmem:s16+$0x9490] =	vst v31;
	v31 =	vmul.f32 v54, v53  }
0x36f: {  	v60 =	vld [tilespmem:s16+$0x9510];
	[tilespmem:s16+$0x94A0] =	vst v30;
	v30 =	vmul.f32 v55, v53  }
0x370: {  	v61 =	vld [tilespmem:s16+$0x9520];
	[tilespmem:s16+$0x94B0] =	vst v31;
	v31 =	vmul.f32 v56, v53  }
0x371: {  	v62 =	vperm.xlane v29, v23;
	v63 =	vld [tilespmem:s16+$0x9530];
	[tilespmem:s16+$0x94C0] =	vst v30;
	v30 =	vmul.f32 v57, v53  }
0x372: {  	v40 =	vld [tilespmem:s16+$0x9540];
	[tilespmem:s16+$0x94D0] =	vst v31;
	v31 =	vmul.f32 v58, v53  }
0x373: {  	v41 =	vld [tilespmem:s16+$0x9550];
	[tilespmem:s16+$0x94E0] =	vst v30;
	v30 =	vmul.f32 v59, v62  }
0x374: {  	v42 =	vld [tilespmem:s16+$0x9560];
	[tilespmem:s16+$0x94F0] =	vst v31;
	v31 =	vmul.f32 v60, v62  }
0x375: {  	v43 =	vld [tilespmem:s16+$0x9570];
	[tilespmem:s16+$0x9500] =	vst v30;
	v30 =	vmul.f32 v61, v62  }
0x376: {  	v44 =	vld [tilespmem:s16+$0x9580];
	[tilespmem:s16+$0x9510] =	vst v31;
	v31 =	vmul.f32 v63, v62  }
0x377: {  	v45 =	vld [tilespmem:s16+$0x9590];
	[tilespmem:s16+$0x9520] =	vst v30;
	v30 =	vmul.f32 v40, v62  }
0x378: {  	v46 =	vld [tilespmem:s16+$0x95A0];
	[tilespmem:s16+$0x9530] =	vst v31;
	v31 =	vmul.f32 v41, v62  }
0x379: {  	v47 =	vperm.xlane v29, v24;
	v48 =	vld [tilespmem:s16+$0x95B0];
	[tilespmem:s16+$0x9540] =	vst v30;
	v30 =	vmul.f32 v42, v62  }
0x37a: {  	v49 =	vld [tilespmem:s16+$0x95C0];
	[tilespmem:s16+$0x9550] =	vst v31;
	v31 =	vmul.f32 v43, v62  }
0x37b: {  	v50 =	vld [tilespmem:s16+$0x95D0];
	[tilespmem:s16+$0x9560] =	vst v30;
	v30 =	vmul.f32 v44, v47  }
0x37c: {  	v51 =	vld [tilespmem:s16+$0x95E0];
	[tilespmem:s16+$0x9570] =	vst v31;
	v31 =	vmul.f32 v45, v47  }
0x37d: {  	v52 =	vld [tilespmem:s16+$0x95F0];
	[tilespmem:s16+$0x9580] =	vst v30;
	v30 =	vmul.f32 v46, v47  }
0x37e: {  	v53 =	vld [tilespmem:s16+$0x9600];
	[tilespmem:s16+$0x9590] =	vst v31;
	v31 =	vmul.f32 v48, v47  }
0x37f: {  	v54 =	vld [tilespmem:s16+$0x9610];
	[tilespmem:s16+$0x95A0] =	vst v30;
	v30 =	vmul.f32 v49, v47  }
0x380: {  	v55 =	vld [tilespmem:s16+$0x9620];
	[tilespmem:s16+$0x95B0] =	vst v31;
	v31 =	vmul.f32 v50, v47  }
0x381: {  	v56 =	vperm.xlane v29, v25;
	v57 =	vld [tilespmem:s16+$0x9630];
	[tilespmem:s16+$0x95C0] =	vst v30;
	v30 =	vmul.f32 v51, v47  }
0x382: {  	v58 =	vld [tilespmem:s16+$0x9640];
	[tilespmem:s16+$0x95D0] =	vst v31;
	v31 =	vmul.f32 v52, v47  }
0x383: {  	v59 =	vld [tilespmem:s16+$0x9650];
	[tilespmem:s16+$0x95E0] =	vst v30;
	v30 =	vmul.f32 v53, v56  }
0x384: {  	v60 =	vld [tilespmem:s16+$0x9660];
	[tilespmem:s16+$0x95F0] =	vst v31;
	v31 =	vmul.f32 v54, v56  }
0x385: {  	v61 =	vld [tilespmem:s16+$0x9670];
	[tilespmem:s16+$0x9600] =	vst v30;
	v30 =	vmul.f32 v55, v56  }
0x386: {  	v62 =	vld [tilespmem:s16+$0x9680];
	[tilespmem:s16+$0x9610] =	vst v31;
	v31 =	vmul.f32 v57, v56  }
0x387: {  	v63 =	vld [tilespmem:s16+$0x9690];
	[tilespmem:s16+$0x9620] =	vst v30;
	v30 =	vmul.f32 v58, v56  }
0x388: {  	v40 =	vld [tilespmem:s16+$0x96A0];
	[tilespmem:s16+$0x9630] =	vst v31;
	v31 =	vmul.f32 v59, v56  }
0x389: {  	v41 =	vperm.xlane v29, v26;
	v42 =	vld [tilespmem:s16+$0x96B0];
	[tilespmem:s16+$0x9640] =	vst v30;
	v30 =	vmul.f32 v60, v56  }
0x38a: {  	v43 =	vld [tilespmem:s16+$0x96C0];
	[tilespmem:s16+$0x9650] =	vst v31;
	v31 =	vmul.f32 v61, v56  }
0x38b: {  	v44 =	vld [tilespmem:s16+$0x96D0];
	[tilespmem:s16+$0x9660] =	vst v30;
	v30 =	vmul.f32 v62, v41  }
0x38c: {  	v45 =	vld [tilespmem:s16+$0x96E0];
	[tilespmem:s16+$0x9670] =	vst v31;
	v31 =	vmul.f32 v63, v41  }
0x38d: {  	v46 =	vld [tilespmem:s16+$0x96F0];
	[tilespmem:s16+$0x9680] =	vst v30;
	v30 =	vmul.f32 v40, v41  }
0x38e: {  	v47 =	vld [tilespmem:s16+$0x9700];
	[tilespmem:s16+$0x9690] =	vst v31;
	v31 =	vmul.f32 v42, v41  }
0x38f: {  	v48 =	vld [tilespmem:s16+$0x9710];
	[tilespmem:s16+$0x96A0] =	vst v30;
	v30 =	vmul.f32 v43, v41  }
0x390: {  	v49 =	vld [tilespmem:s16+$0x9720];
	[tilespmem:s16+$0x96B0] =	vst v31;
	v31 =	vmul.f32 v44, v41  }
0x391: {  	v50 =	vperm.xlane v29, v27;
	v51 =	vld [tilespmem:s16+$0x9730];
	[tilespmem:s16+$0x96C0] =	vst v30;
	v30 =	vmul.f32 v45, v41  }
0x392: {  	v52 =	vld [tilespmem:s16+$0x9740];
	[tilespmem:s16+$0x96D0] =	vst v31;
	v31 =	vmul.f32 v46, v41  }
0x393: {  	v53 =	vld [tilespmem:s16+$0x9750];
	[tilespmem:s16+$0x96E0] =	vst v30;
	v30 =	vmul.f32 v47, v50  }
0x394: {  	v54 =	vld [tilespmem:s16+$0x9760];
	[tilespmem:s16+$0x96F0] =	vst v31;
	v31 =	vmul.f32 v48, v50  }
0x395: {  	v55 =	vld [tilespmem:s16+$0x9770];
	[tilespmem:s16+$0x9700] =	vst v30;
	v30 =	vmul.f32 v49, v50  }
0x396: {  	v56 =	vld [tilespmem:s16+$0x9780];
	[tilespmem:s16+$0x9710] =	vst v31;
	v31 =	vmul.f32 v51, v50  }
0x397: {  	v57 =	vld [tilespmem:s16+$0x9790];
	[tilespmem:s16+$0x9720] =	vst v30;
	v30 =	vmul.f32 v52, v50  }
0x398: {  	v58 =	vld [tilespmem:s16+$0x97A0];
	[tilespmem:s16+$0x9730] =	vst v31;
	v31 =	vmul.f32 v53, v50  }
0x399: {  	v29 =	vperm.xlane v29, v28;
	v59 =	vld [tilespmem:s16+$0x97B0];
	[tilespmem:s16+$0x9740] =	vst v30;
	v30 =	vmul.f32 v54, v50  }
0x39a: {  	v60 =	vld [tilespmem:s16+$0x97C0];
	[tilespmem:s16+$0x9750] =	vst v31;
	v31 =	vmul.f32 v55, v50  }
0x39b: {  	v61 =	vld [tilespmem:s16+$0x97D0];
	[tilespmem:s16+$0x9760] =	vst v30;
	v30 =	vmul.f32 v56, v29  }
0x39c: {  	v62 =	vld [tilespmem:s16+$0x97E0];
	[tilespmem:s16+$0x9770] =	vst v31;
	v31 =	vmul.f32 v57, v29  }
0x39d: {  	v63 =	vld [tilespmem:s16+$0x97F0];
	[tilespmem:s16+$0x9780] =	vst v30;
	v30 =	vmul.f32 v58, v29  }
0x39e: {  	[tilespmem:s16+$0x9790] =	vst v31;
	v31 =	vmul.f32 v59, v29  }
0x39f: {  	p1 =	sne.s32 s15, $0x4;
	[tilespmem:s16+$0x97A0] =	vst v30;
	v30 =	vmul.f32 v60, v29  }
.Ltmp11:
0x3a0: {  	[tilespmem:s16+$0x97B0] =	vst v31;
	v31 =	vmul.f32 v61, v29;
	(pc) =	sbr.rel @p1 .LBB2_26-.Ltmp11, $4  }
0x3a1: {  	[tilespmem:s16+$0x97C0] =	vst v30;
	v30 =	vmul.f32 v62, v29  }
0x3a2: {  	[tilespmem:s16+$0x97D0] =	vst v31;
	v29 =	vmul.f32 v63, v29  }
0x3a3: {  	[tilespmem:s16+$0x97E0] =	vst v30  }
0x3a4: {  	s15 =	sadd.s32 $0x1, s15;
	[tilespmem:s16+$0x97F0] =	vst v29  }
0x3a5: {  	s14 =	sadd.s32 $0x1, s14  }
0x3a6: {  	p1 =	sne.s32 s14, $0x19  }
.Ltmp12:
0x3a7: {  	_ = 	snop;
	(pc) =	sbr.rel @p1 .LBB2_25-.Ltmp12, $4  }
0x3a8: {  	[spmem:s3] =	stream.indirect.scatter.add.f32 [tilespmem:s29], [sflag:$0x1], $0x80, s20, s6, $0xb8;
	[tilespmem:$0x1FC80] =	vst v63  }
0x3a9: {  	_ =	swait.ge [sflag:s26], $0x2800  }
0x3aa: {  	[sflag:s26] =	ssyncset.done $0x0  }
0x3ab: {  	[sflag:s26] =	ssyncadd.s32 $0xFFFFD800  }
0x3ac: {  	s13 =	sadd.s32 $0x1, s13  }
0x3ad: {  	p1 =	sne.s32 s13, $0xA  }
.Ltmp13:
0x3ae: {  	_ = 	snop;
	(pc) =	sbr.rel @p1 .LBB2_24-.Ltmp13, $1  }
0x3af: {  	_ =	sdelay $0x3  }
0x3b0: {  	[bflag:$0x0] =	sbarrier.arrive $0xFFFF  }
0x3b1: {  	s13 =	rddreg [dreg:$0xc]  }
0x3b2: {  	s14 =	rddreg [dreg:$0xf]  }
0x3b3: {  	[hbm:s13], [sflag:s14] =	dma.local [spmem:s23], $0x2800  }
0x3b4: {  	_ =	swait.ge [sflag:s26], $0x2800  }
0x3b5: {  	s10 =	sadd.s32 $0x1, s10;
	s25 =	rddreg [dreg:$0xe]  }
0x3b6: {  	p1 =	sne.s32 s10, s25  }
.Ltmp14:
0x3b7: {  	_ = 	snop;
	(pc) =	sbr.rel @p1 .LBB2_1-.Ltmp14, $4  }
0x3b8: {  	[sflag:s26] =	ssyncset.done $0x0  }
0x3b9: {  	[sflag:s26] =	ssyncadd.s32 $0xFFFFD800  }
0x3ba: {  	s25 =	smov.u32 s18;
	s18 =	smov.u32 s21;
	[bflag:$0x0] =	sbarrier.arrive $0xFFFF  }
0x3bb: {  	s21 =	smov.u32 s24;
	s24 =	smov.u32 s12;
	s12 =	smov.u32 s22  }
0x3bc: {  	_ =	sfence.sel $0x180000  }
0x3bd: {  	[bflag:$0x0] =	sbarrier.arrive $0xFFFF  }
0x3be: {  	_ =	strace $0x90000047  }
0x3bf: {  	[bflag:$0x2] =	sbarrier.arrive $0xFFFF  }
0x3c0: {  	s0 =	rddreg [dreg:$0x4]  }
0x3c1: {  	s0 =	sadd.s32 @!p0 $0x100000, s0  }
0x3c2: {  	[sflag:s0] =	ssyncadd.tile.s32 @!p0 $0x1;
	_ =	shalt  }
.Lfunc_end2:
_tile_overlayer_lowered:
.L_overlay_start_2:
0x3c3: {  	(tag) =	ssettag $0x2  }
0x3c4: {  	s0 =	rddreg [dreg:$0x0];
	s2 =	stileid.u32  }
0x3c5: {  	s1 =	rddreg [dreg:$0x1];
	p0 =	sne.s32 s2, $0x0  }
0x3c6: {  	s3 =	rddreg [dreg:$0x2];
	[bflag:$0x3] =	sbarrier.arrive $0xFFFF;
	s2 =	simm.s32 @!p0 $0x1C01  }
0x3c7: {  	[timem:s3], [sflag:s2] =	dma.local @!p0 [hbm:s0], s1  }
0x3c8: {  	s0 =	simm.s32 @!p0 $0x1  }
0x3c9: {  	_ =	swait.ge @!p0 [sflag:s0], s1  }
0x3ca: {  	s1 =	ssub.s32 @!p0 $0x0, s1;
	[sflag:s0] =	ssyncset.done @!p0 $0x0  }
0x3cb: {  	[sflag:s0] =	ssyncadd.s32 @!p0 s1  }
0x3cc: {  	[bflag:$0x3] =	sbarrier.arrive $0xFFFF  }
0x3cd: {  	_ =	shalt  }

</sc_bundles>
